<compile_context>
chip_gen: v7x
topology: tpu7x:2x2x1
jax: 0.10.2.dev20260603
libtpu: 0.0.44.dev20260713+nightly
codegen_flags: <defaults>
</compile_context>

<pallas_src>
import functools

import jax
import jax.numpy as jnp
from jax import lax
from jax.experimental import pallas as pl
from jax.experimental.pallas import tpu as pltpu
from jax.experimental.pallas import tpu_sc as plsc

N = 10000
E = 320000
D_NODE = 128
D_EDGE = 16
D_MSG = 128
D_OUT = 128
D_EOUT = 16

NSC = 2
NTILE = 16
CH = 128
EB = 32

NP = 10112
EP = 323584
EPT = EP // NTILE
NCH1 = EPT // CH
EPW = EP // (NSC * NTILE)
NCH2 = EPW // CH
RPT = NP // NTILE

_mesh = plsc.VectorSubcoreMesh(core_axis_name="c", subcore_axis_name="s")



def _mm_bias(x, w, b, blk):
    m, k = x.shape
    d = w.shape[1]
    return pl.pallas_call(
        lambda x_ref, w_ref, b_ref, o_ref: o_ref.__setitem__(
            ..., jnp.dot(x_ref[...], w_ref[...],
                         preferred_element_type=jnp.float32) + b_ref[...]),
        grid=(m // blk,),
        in_specs=[
            pl.BlockSpec((blk, k), lambda i: (i, 0)),
            pl.BlockSpec((k, d), lambda i: (0, 0)),
            pl.BlockSpec((1, d), lambda i: (0, 0)),
        ],
        out_specs=pl.BlockSpec((blk, d), lambda i: (i, 0)),
        out_shape=jax.ShapeDtypeStruct((m, d), jnp.float32),
    )(x, w, b)


def _edge_proj(edge_emb_p, p2, w1, bw):
    blk = 4096

    def body(x_ref, p2_ref, w1_ref, bw_ref, epe_ref, ew_ref):
        x = x_ref[...]
        epe_ref[...] = jnp.dot(x, p2_ref[...], preferred_element_type=jnp.float32)
        ew_ref[...] = jnp.dot(x, w1_ref[...],
                              preferred_element_type=jnp.float32) + bw_ref[...]

    return pl.pallas_call(
        body,
        grid=(EP // blk,),
        in_specs=[
            pl.BlockSpec((blk, D_EDGE), lambda i: (i, 0)),
            pl.BlockSpec((D_EDGE, D_MSG), lambda i: (0, 0)),
            pl.BlockSpec((D_EDGE, D_EOUT), lambda i: (0, 0)),
            pl.BlockSpec((1, D_EOUT), lambda i: (0, 0)),
        ],
        out_specs=[
            pl.BlockSpec((blk, D_MSG), lambda i: (i, 0)),
            pl.BlockSpec((blk, D_EOUT), lambda i: (i, 0)),
        ],
        out_shape=[
            jax.ShapeDtypeStruct((EP, D_MSG), jnp.float32),
            jax.ShapeDtypeStruct((EP, D_EOUT), jnp.float32),
        ],
    )(edge_emb_p, p2, w1, bw)


def _node_block(emb_p, sums, cnt, q, bq, w_out, v):
    blk = 128

    def body(emb_ref, sums_ref, cnt_ref, q_ref, bq_ref, w_ref, no_ref, a_ref):
        cnt = jnp.maximum(jnp.sum(cnt_ref[...], axis=0), 1.0)[:, None]
        msg = sums_ref[...] / cnt
        x = jnp.concatenate([emb_ref[...], msg], axis=1)
        no = jnp.dot(x, q_ref[...], preferred_element_type=jnp.float32) + bq_ref[...]
        no_ref[...] = no
        a_ref[...] = jnp.dot(no, w_ref[...], preferred_element_type=jnp.float32)

    return pl.pallas_call(
        body,
        grid=(NP // blk,),
        in_specs=[
            pl.BlockSpec((blk, D_NODE), lambda i: (i, 0)),
            pl.BlockSpec((blk, D_MSG), lambda i, _v=v: (_v * (NP // blk) + i, 0)),
            pl.BlockSpec((NTILE, blk), lambda i, _v=v: (_v, i)),
            pl.BlockSpec((D_NODE + D_MSG, D_OUT), lambda i: (0, 0)),
            pl.BlockSpec((1, D_OUT), lambda i: (0, 0)),
            pl.BlockSpec((D_OUT, D_NODE), lambda i: (0, 0)),
        ],
        out_specs=[
            pl.BlockSpec((blk, D_OUT), lambda i: (i, 0)),
            pl.BlockSpec((blk, D_NODE), lambda i: (i, 0)),
        ],
        out_shape=[
            jax.ShapeDtypeStruct((NP, D_OUT), jnp.float32),
            jax.ShapeDtypeStruct((NP, D_NODE), jnp.float32),
        ],
    )(emb_p, sums, cnt, q, bq, w_out)



def _sc1_body(tbl_h, epe_h, idx_h, sums_h, cnt_h,
              idx_v, gidx_v, rows_v, epe_v, acc, cnt_v, sems):
    c = lax.axis_index("c")
    s = lax.axis_index("s")

    def _zero(r, carry):
        for cc in range(D_MSG // 16):
            rows_v[0, r, pl.ds(cc * 16, 16)] = jnp.zeros((16,), jnp.float32)
        return carry
    lax.fori_loop(0, CH, _zero, 0)

    def _zcnt(j, carry):
        cnt_v[pl.ds(j * 16, 16)] = jnp.zeros((16,), jnp.float32)
        return carry
    lax.fori_loop(0, NP // 16, _zcnt, 0)

    base_r = s * RPT
    for j in range(4):
        pltpu.sync_copy(rows_v.at[0], acc.at[pl.ds(base_r + j * CH, CH)])
    pltpu.sync_copy(rows_v.at[0].at[pl.ds(0, RPT - 4 * CH)],
                    acc.at[pl.ds(base_r + 4 * CH, RPT - 4 * CH)])
    plsc.subcore_barrier()

    def pair(gq, carry):
        pltpu.sync_copy(
            idx_h.at[pl.ds(c * EP + s * EPT + 2 * gq * CH, 2 * CH)], gidx_v)
        for b in range(2):
            kq = 2 * gq + b
            be = s * EPT + kq * CH
            bg = c * EP + be

            @pl.when(kq >= 2)
            def _():
                pltpu.make_async_copy(rows_v.at[b], acc.at[idx_v.at[2 + b]],
                                      sems.at[1 + b]).wait()

            pltpu.sync_copy(idx_h.at[pl.ds(2 * EP + bg, CH)],
                            idx_v.at[2 + b])
            gth = pltpu.async_copy(tbl_h.at[gidx_v.at[pl.ds(b * CH, CH)]],
                                   rows_v.at[b], sems.at[0])

            def _ld(i):
                pltpu.sync_copy(epe_h.at[pl.ds(be + i * EB, EB)], epe_v)

            def _compute(i, _b=b):
                def row(r, rc):
                    for cc in range(D_MSG // 16):
                        csl = pl.ds(cc * 16, 16)
                        rows_v[_b, i * EB + r, csl] = jnp.maximum(
                            rows_v[_b, i * EB + r, csl]
                            + epe_v[r, csl], 0.0)
                    return rc
                lax.fori_loop(0, EB, row, 0)

            _ld(0)
            gth.wait()
            _compute(0)
            _ld(1)
            _compute(1)
            _ld(2)
            _compute(2)
            _ld(3)
            _compute(3)

            pltpu.async_copy(rows_v.at[b], acc.at[idx_v.at[2 + b]],
                             sems.at[1 + b], add=True)
            for i in range(CH // 16):
                idx16 = idx_v[2 + b, pl.ds(i * 16, 16)]
                plsc.addupdate_scatter(cnt_v, [idx16],
                                       jnp.full((16,), 1.0, jnp.float32))
        return carry
    lax.fori_loop(0, NCH1 // 2, pair, 0)

    for b in range(2):
        pltpu.make_async_copy(rows_v.at[b], acc.at[idx_v.at[2 + b]],
                              sems.at[1 + b]).wait()

    plsc.subcore_barrier()
    for j in range(4):
        osl = pl.ds(base_r + j * CH, CH)
        pltpu.sync_copy(acc.at[osl], rows_v.at[0])
        pltpu.sync_copy(rows_v.at[0],
                        sums_h.at[pl.ds(c * NP + base_r + j * CH, CH)])
    vsl = pl.ds(0, RPT - 4 * CH)
    osl = pl.ds(base_r + 4 * CH, RPT - 4 * CH)
    hsl = pl.ds(c * NP + base_r + 4 * CH, RPT - 4 * CH)
    pltpu.sync_copy(acc.at[osl], rows_v.at[0].at[vsl])
    pltpu.sync_copy(rows_v.at[0].at[vsl], sums_h.at[hsl])
    pltpu.sync_copy(cnt_v, cnt_h.at[pl.ds((c * NTILE + s) * NP, NP)])


_sc1 = functools.partial(
    pl.kernel,
    out_type=[
        jax.ShapeDtypeStruct((2 * NP, D_MSG), jnp.float32),
        jax.ShapeDtypeStruct((2 * NTILE * NP,), jnp.float32),
    ],
    mesh=_mesh,
    compiler_params=pltpu.CompilerParams(needs_layout_passes=False),
    scratch_types=[
        pltpu.VMEM((4, CH), jnp.int32),
        pltpu.VMEM((2 * CH,), jnp.int32),
        pltpu.VMEM((2, CH, D_MSG), jnp.float32),
        pltpu.VMEM((EB, D_MSG), jnp.float32),
        pltpu.VMEM_SHARED((NP, D_MSG), jnp.float32),
        pltpu.VMEM((NP,), jnp.float32),
        pltpu.SemaphoreType.DMA((3,)),
    ],
)(_sc1_body)



def _sc2_body(a_h, bv_h, ewf_h, idx_h, eof_h,
              idx_v, arows_v, brows_v, eo_v, sems):
    c = lax.axis_index("c")
    s = lax.axis_index("s")
    base0 = (s * NSC + c) * EPW

    def chunk(kq, b):
        bq = base0 + kq * CH
        osl = pl.ds(bq * D_EOUT, CH * D_EOUT)

        @pl.when(jnp.logical_and(kq >= 2, bq - 2 * CH < E))
        def _():
            pltpu.make_async_copy(eo_v.at[b], eof_h.at[pl.ds(0, CH * D_EOUT)],
                                  sems.at[1 + b]).wait()

        g1 = pltpu.async_copy(a_h.at[idx_v.at[pl.ds(b * CH, CH)]],
                              arows_v.at[b], sems.at[0])
        g2 = pltpu.async_copy(bv_h.at[idx_v.at[pl.ds(2 * CH + b * CH, CH)]],
                              brows_v.at[b], sems.at[0])
        pltpu.sync_copy(ewf_h.at[pl.ds(bq * D_EOUT, CH * D_EOUT)], eo_v.at[b])
        g1.wait()
        g2.wait()

        def row(r, rc, _b=b):
            esl = pl.ds(r * D_EOUT, D_EOUT)
            csl = pl.ds(0, D_EOUT)
            eo_v[_b, esl] = (eo_v[_b, esl] + arows_v[_b, r, csl]
                             + brows_v[_b, r, csl])
            return rc
        lax.fori_loop(0, CH, row, 0)

        @pl.when(bq < E)
        def _():
            pltpu.async_copy(eo_v.at[b], eof_h.at[osl], sems.at[1 + b])

    def pair(gq, carry, nb=2):
        bp = base0 + 2 * gq * CH
        pltpu.sync_copy(idx_h.at[pl.ds(bp, nb * CH)],
                        idx_v.at[pl.ds(0, nb * CH)])
        pltpu.sync_copy(idx_h.at[pl.ds(EP + bp, nb * CH)],
                        idx_v.at[pl.ds(2 * CH, nb * CH)])
        for b in range(nb):
            chunk(2 * gq + b, b)
        return carry
    lax.fori_loop(0, NCH2 // 2, pair, 0)
    pair((NCH2 - 1) // 2, 0, nb=1)
    for b in range(2):
        @pl.when(base0 + (NCH2 - 1 - b) * CH < E)
        def _():
            pltpu.make_async_copy(
                eo_v.at[b], eof_h.at[pl.ds(0, CH * D_EOUT)],
                sems.at[1 + b]).wait()


_sc2 = functools.partial(
    pl.kernel,
    out_type=jax.ShapeDtypeStruct((E * D_EOUT,), jnp.float32),
    mesh=_mesh,
    compiler_params=pltpu.CompilerParams(needs_layout_passes=False),
    scratch_types=[
        pltpu.VMEM((4 * CH,), jnp.int32),
        pltpu.VMEM((2, CH, D_NODE), jnp.float32),
        pltpu.VMEM((2, CH, D_NODE), jnp.float32),
        pltpu.VMEM((2, CH * D_EOUT), jnp.float32),
        pltpu.SemaphoreType.DMA((3,)),
    ],
)(_sc2_body)



def kernel(node_emb, edge_emb, feature_emb, edge_index, P, Q, W, b_P, b_Q, b_W):
    src = edge_index[0]
    dst = edge_index[1]

    p1, p2 = P[:D_NODE], P[D_NODE:]
    w1, w2, w3 = W[:D_EDGE], W[D_EDGE:D_EDGE + D_OUT], W[D_EDGE + D_OUT:]

    pad0 = jnp.zeros((EP - E,), jnp.int32)
    padn = jnp.full((EP - E,), N, jnp.int32)
    src_g = jnp.concatenate([src, pad0])
    dst_g = jnp.concatenate([dst, pad0])
    src_s = jnp.concatenate([src, padn])
    dst_s = jnp.concatenate([dst, padn])
    edge_emb_p = jnp.pad(edge_emb, ((0, EP - E), (0, 0)))

    g = _mm_bias(feature_emb, p1, b_P.reshape(1, -1), 2000)
    gn = _mm_bias(node_emb, p1, b_P.reshape(1, -1), 2000)
    epe, ew = _edge_proj(edge_emb_p, p2, w1, b_W.reshape(1, -1))

    tbl = jnp.concatenate([g, gn], axis=0)
    idx1 = jnp.concatenate([dst_g, src_g + N, src_s, dst_s])
    sums, cnts = _sc1(tbl, epe, idx1)
    cnts2 = cnts.reshape(2 * NTILE, NP)

    node_emb_p = jnp.pad(node_emb, ((0, NP - N), (0, 0)))
    feature_emb_p = jnp.pad(feature_emb, ((0, NP - N), (0, 0)))
    w2p = jnp.pad(w2, ((0, 0), (0, D_NODE - D_EOUT)))
    w3p = jnp.pad(w3, ((0, 0), (0, D_NODE - D_EOUT)))
    node_out, a = _node_block(node_emb_p, sums, cnts2, Q, b_Q.reshape(1, -1),
                              w2p, 0)
    feat_out, bv = _node_block(feature_emb_p, sums, cnts2, Q,
                               b_Q.reshape(1, -1), w3p, 1)

    idx2 = jnp.concatenate([src_g, dst_g])
    eof = _sc2(a, bv, ew.reshape(-1), idx2)
    return node_out[:N], eof.reshape(E, D_EOUT), feat_out[:N]

# --- scband reference (transcript-rebuilt; emitter-appended) ---
"""Pipeline reference for scband-gcnblock-7129645711554 (READ-ONLY COPY).

The authoritative reference and input builder live on the scoring server;
editing this copy changes nothing except your own understanding.
"""

import jax, jax.numpy as jnp
import numpy as np

N = 10000
E = 320000
D_NODE = 128
D_EDGE = 16
D_MSG = 128
D_OUT = 128
D_EOUT = 16


def _xavier(key, shape):
    fan_in, fan_out = shape[0], shape[1]
    std = np.sqrt(2.0 / (fan_in + fan_out))
    return jax.random.normal(key, shape, dtype=jnp.float32) * std


def setup_inputs(seed: int = 0) -> dict:
    key = jax.random.key(seed)
    ks = jax.random.split(key, 8)
    node_emb = jax.random.normal(ks[0], (N, D_NODE), dtype=jnp.float32)
    edge_emb = jax.random.normal(ks[1], (E, D_EDGE), dtype=jnp.float32)
    feature_emb = jax.random.normal(ks[2], (N, D_NODE), dtype=jnp.float32)
    edge_index = jax.random.randint(ks[3], (2, E), 0, N, dtype=jnp.int32)
    P = _xavier(ks[4], (D_NODE + D_EDGE, D_MSG))
    Q = _xavier(ks[5], (D_NODE + D_MSG, D_OUT))
    W = _xavier(ks[6], (D_EDGE + D_OUT + D_OUT, D_EOUT))
    b_P = jnp.zeros((D_MSG,), dtype=jnp.float32)
    b_Q = jnp.zeros((D_OUT,), dtype=jnp.float32)
    b_W = jnp.zeros((D_EOUT,), dtype=jnp.float32)
    return {"node_emb": node_emb, "edge_emb": edge_emb, "feature_emb": feature_emb,
            "edge_index": edge_index, "P": P, "Q": Q, "W": W,
            "b_P": b_P, "b_Q": b_Q, "b_W": b_W}


def _scatter_mean(vals, idx, num_segments):
    sums = jax.ops.segment_sum(vals, idx, num_segments=num_segments)
    counts = jax.ops.segment_sum(jnp.ones((vals.shape[0],), dtype=vals.dtype), idx, num_segments=num_segments)
    counts = jnp.clip(counts, 1.0, None)
    return sums / counts[:, None]


def reference(node_emb, edge_emb, feature_emb, edge_index, P, Q, W, b_P, b_Q, b_W):
    src = edge_index[0]
    dst = edge_index[1]
    # message toward src using dst features + edge embeddings
    msg = jnp.concatenate([feature_emb[dst], edge_emb], axis=1)
    msg = jax.nn.relu(msg @ P + b_P)
    msg = _scatter_mean(msg, src, N)
    # message toward dst using src node embeddings + edge embeddings
    msg_f = jnp.concatenate([node_emb[src], edge_emb], axis=1)
    mgs_f = jax.nn.relu(msg_f @ P + b_P)
    mgs_f = _scatter_mean(mgs_f, dst, N)
    node_out = jnp.concatenate([node_emb, msg], axis=1)
    node_out = node_out @ Q + b_Q
    feat_out = jnp.concatenate([feature_emb, mgs_f], axis=1)
    feat_out = feat_out @ Q + b_Q
    edge_out = jnp.concatenate([edge_emb, node_out[src], feat_out[dst]], axis=1)
    edge_out = edge_out @ W + b_W
    return (node_out, edge_out, feat_out)

if __name__ == "__main__":
    import jax
    _d = setup_inputs()
    print(jax.jit(kernel)(*tuple(_d.values())))

</pallas_src>

<mosaic_0001>
#map = affine_map<(d0, d1) -> (0, 0)>
#map1 = affine_map<(d0, d1) -> (0)>
module attributes {stable_mosaic.version = 14 : i64} {
  func.func @_sc2_body(%arg0: i32, %arg1: i32, %arg2: memref<10112x128xf32, #tpu.memory_space<hbm>>, %arg3: memref<10112x128xf32, #tpu.memory_space<hbm>>, %arg4: memref<5177344xf32, #tpu.memory_space<hbm>>, %arg5: memref<647168xi32, #tpu.memory_space<hbm>>, %arg6: memref<5120000xf32, #tpu.memory_space<hbm>>, %arg7: memref<512xi32, #tpu.memory_space<vmem>>, %arg8: memref<2x128x128xf32, #tpu.memory_space<vmem>>, %arg9: memref<2x128x128xf32, #tpu.memory_space<vmem>>, %arg10: memref<2x2048xf32, #tpu.memory_space<vmem>>, %arg11: memref<3x!tpu.dma_semaphore, #tpu.memory_space<semaphore_mem>>) attributes {dimension_semantics = [#tpu.dimension_semantics<core_parallel>, #tpu.dimension_semantics<subcore_parallel>], iteration_bounds = array<i64: 2, 16>, scalar_prefetch = 0 : i64, scratch_operands = 5 : i64, tpu.core_type = #tpu.core_type<sc_vector_subcore>, window_params = [{transform_indices = #map}, {transform_indices = #map}, {transform_indices = #map1}, {transform_indices = #map1}, {transform_indices = #map1}]} {
    %mul3A = arith.constant 2 : i32
    %mul3A_0 = arith.muli %arg1, %mul3A : i32
    %add3A = arith.addi %mul3A_0, %arg0 : i32
    %mul3A_1 = arith.constant 10112 : i32
    %mul3A_2 = arith.muli %add3A, %mul3A_1 : i32
    %scan3A = arith.constant 0 : i32
    %scan3A_3 = arith.constant 0 : i32
    %scan3A_4 = arith.constant 39 : i32
    %scan3A_5 = arith.addi %scan3A_3, %scan3A_4 : i32
    %scan3A_6 = arith.constant 1 : i32
    scf.for %scan3A_97 = %scan3A_3 to %scan3A_5 step %scan3A_6  : i32 {
      %mul3A_98 = arith.constant 2 : i32
      %mul3A_99 = arith.muli %mul3A_98, %scan3A_97 : i32
      %mul3A_100 = arith.constant 128 : i32
      %mul3A_101 = arith.muli %mul3A_99, %mul3A_100 : i32
      %add3A_102 = arith.addi %mul3A_2, %mul3A_101 : i32
      "tpu.region"() ({
        %run_scoped3A_274 = tpu.sem_alloc : memref<!tpu.dma_semaphore, #tpu.memory_space<semaphore_mem>>
        %dma_start3A_275 = arith.constant 0 : i32
        %dma_start3A_276 = tpu.memref_slice %arg7[%dma_start3A_275] : memref<512xi32, #tpu.memory_space<vmem>> -> memref<256xi32, #tpu.memory_space<vmem>>
        %dma_start3A_277 = tpu.memref_slice %arg5[%add3A_102] : memref<647168xi32, #tpu.memory_space<hbm>> -> memref<256xi32, #tpu.memory_space<hbm>>
        %dma_start3A_278 = arith.constant 0 : i32
        %dma_start3A_279 = tpu.memref_slice %arg7[%dma_start3A_278] : memref<512xi32, #tpu.memory_space<vmem>> -> memref<256xi32, #tpu.memory_space<vmem>>
        %dma_start3A_280 = tpu.memref_slice %arg5[%add3A_102] : memref<647168xi32, #tpu.memory_space<hbm>> -> memref<256xi32, #tpu.memory_space<hbm>>
        tpu.enqueue_dma source(%dma_start3A_280 : memref<256xi32, #tpu.memory_space<hbm>>) target(%dma_start3A_279 : memref<256xi32, #tpu.memory_space<vmem>>) target_semaphore(%run_scoped3A_274 : memref<!tpu.dma_semaphore, #tpu.memory_space<semaphore_mem>>)
        %dma_wait3A_281 = arith.constant 0 : i32
        %dma_wait3A_282 = tpu.memref_slice %arg7[%dma_wait3A_281] : memref<512xi32, #tpu.memory_space<vmem>> -> memref<256xi32, #tpu.memory_space<vmem>>
        %dma_wait3A_283 = tpu.memref_slice %arg5[%add3A_102] : memref<647168xi32, #tpu.memory_space<hbm>> -> memref<256xi32, #tpu.memory_space<hbm>>
        %dma_wait3A_284 = arith.constant 0 : i32
        %dma_wait3A_285 = tpu.memref_slice %arg7[%dma_wait3A_284] : memref<512xi32, #tpu.memory_space<vmem>> -> memref<256xi32, #tpu.memory_space<vmem>>
        %dma_wait3A_286 = tpu.memref_slice %arg5[%add3A_102] : memref<647168xi32, #tpu.memory_space<hbm>> -> memref<256xi32, #tpu.memory_space<hbm>>
        tpu.wait_dma2 semaphore(%run_scoped3A_274 : memref<!tpu.dma_semaphore, #tpu.memory_space<semaphore_mem>>) src(%dma_wait3A_286 : memref<256xi32, #tpu.memory_space<hbm>>) dst(%dma_wait3A_285 : memref<256xi32, #tpu.memory_space<vmem>>)
        tpu.yield
      }) : () -> ()
      %add3A_103 = arith.constant 323584 : i32
      %add3A_104 = arith.addi %add3A_103, %add3A_102 : i32
      "tpu.region"() ({
        %run_scoped3A_274 = tpu.sem_alloc : memref<!tpu.dma_semaphore, #tpu.memory_space<semaphore_mem>>
        %dma_start3A_275 = arith.constant 256 : i32
        %dma_start3A_276 = tpu.memref_slice %arg7[%dma_start3A_275] : memref<512xi32, #tpu.memory_space<vmem>> -> memref<256xi32, #tpu.memory_space<vmem>>
        %dma_start3A_277 = tpu.memref_slice %arg5[%add3A_104] : memref<647168xi32, #tpu.memory_space<hbm>> -> memref<256xi32, #tpu.memory_space<hbm>>
        %dma_start3A_278 = arith.constant 256 : i32
        %dma_start3A_279 = tpu.memref_slice %arg7[%dma_start3A_278] : memref<512xi32, #tpu.memory_space<vmem>> -> memref<256xi32, #tpu.memory_space<vmem>>
        %dma_start3A_280 = tpu.memref_slice %arg5[%add3A_104] : memref<647168xi32, #tpu.memory_space<hbm>> -> memref<256xi32, #tpu.memory_space<hbm>>
        tpu.enqueue_dma source(%dma_start3A_280 : memref<256xi32, #tpu.memory_space<hbm>>) target(%dma_start3A_279 : memref<256xi32, #tpu.memory_space<vmem>>) target_semaphore(%run_scoped3A_274 : memref<!tpu.dma_semaphore, #tpu.memory_space<semaphore_mem>>)
        %dma_wait3A_281 = arith.constant 256 : i32
        %dma_wait3A_282 = tpu.memref_slice %arg7[%dma_wait3A_281] : memref<512xi32, #tpu.memory_space<vmem>> -> memref<256xi32, #tpu.memory_space<vmem>>
        %dma_wait3A_283 = tpu.memref_slice %arg5[%add3A_104] : memref<647168xi32, #tpu.memory_space<hbm>> -> memref<256xi32, #tpu.memory_space<hbm>>
        %dma_wait3A_284 = arith.constant 256 : i32
        %dma_wait3A_285 = tpu.memref_slice %arg7[%dma_wait3A_284] : memref<512xi32, #tpu.memory_space<vmem>> -> memref<256xi32, #tpu.memory_space<vmem>>
        %dma_wait3A_286 = tpu.memref_slice %arg5[%add3A_104] : memref<647168xi32, #tpu.memory_space<hbm>> -> memref<256xi32, #tpu.memory_space<hbm>>
        tpu.wait_dma2 semaphore(%run_scoped3A_274 : memref<!tpu.dma_semaphore, #tpu.memory_space<semaphore_mem>>) src(%dma_wait3A_286 : memref<256xi32, #tpu.memory_space<hbm>>) dst(%dma_wait3A_285 : memref<256xi32, #tpu.memory_space<vmem>>)
        tpu.yield
      }) : () -> ()
      %mul3A_105 = arith.constant 2 : i32
      %mul3A_106 = arith.muli %mul3A_105, %scan3A_97 : i32
      %add3A_107 = arith.constant 0 : i32
      %add3A_108 = arith.addi %mul3A_106, %add3A_107 : i32
      %mul3A_109 = arith.constant 128 : i32
      %mul3A_110 = arith.muli %add3A_108, %mul3A_109 : i32
      %add3A_111 = arith.addi %mul3A_2, %mul3A_110 : i32
      %mul3A_112 = arith.constant 16 : i32
      %mul3A_113 = arith.muli %add3A_111, %mul3A_112 : i32
      %ge3A = arith.constant 2 : i32
      %ge3A_114 = arith.cmpi sge, %add3A_108, %ge3A : i32
      %sub3A_115 = arith.constant 256 : i32
      %sub3A_116 = arith.subi %add3A_111, %sub3A_115 : i32
      %lt3A_117 = arith.constant 320000 : i32
      %lt3A_118 = arith.cmpi slt, %sub3A_116, %lt3A_117 : i32
      %and3A_119 = arith.andi %ge3A_114, %lt3A_118 : i1
      %convert_element_type3A_120 = arith.extui %and3A_119 : i1 to i32
      %cond3A_121 = arith.constant 0 : i32
      %cond3A_122 = arith.cmpi ne, %convert_element_type3A_120, %cond3A_121 : i32
      scf.if %cond3A_122 {
        %dma_wait3A_274 = arith.constant 0 : i32
        %dma_wait3A_275 = arith.constant 1 : i32
        %dma_wait3A_276 = arith.constant 0 : i32
        %dma_wait3A_277 = tpu.memref_slice %arg10[%dma_wait3A_274, %dma_wait3A_276] : memref<2x2048xf32, #tpu.memory_space<vmem>> -> memref<1x2048xf32, #tpu.memory_space<vmem>>
        %dma_wait3A_278 = tpu.memref_squeeze %dma_wait3A_277 : memref<1x2048xf32, #tpu.memory_space<vmem>> -> memref<2048xf32, #tpu.memory_space<vmem>>
        %dma_wait3A_279 = arith.constant 0 : i32
        %dma_wait3A_280 = tpu.memref_slice %arg6[%dma_wait3A_279] : memref<5120000xf32, #tpu.memory_space<hbm>> -> memref<2048xf32, #tpu.memory_space<hbm>>
        %dma_wait3A_281 = tpu.memref_slice %arg11[%dma_wait3A_275] : memref<3x!tpu.dma_semaphore, #tpu.memory_space<semaphore_mem>> -> memref<1x!tpu.dma_semaphore, #tpu.memory_space<semaphore_mem>>
        %dma_wait3A_282 = tpu.memref_squeeze %dma_wait3A_281 : memref<1x!tpu.dma_semaphore, #tpu.memory_space<semaphore_mem>> -> memref<!tpu.dma_semaphore, #tpu.memory_space<semaphore_mem>>
        %dma_wait3A_283 = arith.constant 0 : i32
        %dma_wait3A_284 = tpu.memref_slice %arg6[%dma_wait3A_283] : memref<5120000xf32, #tpu.memory_space<hbm>> -> memref<2048xf32, #tpu.memory_space<hbm>>
        %dma_wait3A_285 = arith.constant 0 : i32
        %dma_wait3A_286 = tpu.memref_slice %arg10[%dma_wait3A_274, %dma_wait3A_285] : memref<2x2048xf32, #tpu.memory_space<vmem>> -> memref<1x2048xf32, #tpu.memory_space<vmem>>
        %dma_wait3A_287 = tpu.memref_squeeze %dma_wait3A_286 : memref<1x2048xf32, #tpu.memory_space<vmem>> -> memref<2048xf32, #tpu.memory_space<vmem>>
        tpu.wait_dma2 semaphore(%dma_wait3A_282 : memref<!tpu.dma_semaphore, #tpu.memory_space<semaphore_mem>>) src(%dma_wait3A_287 : memref<2048xf32, #tpu.memory_space<vmem>>) dst(%dma_wait3A_284 : memref<2048xf32, #tpu.memory_space<hbm>>)
      } else {
      }
      %dma_start3A_123 = arith.constant 0 : i32
      %dma_start3A_124 = arith.constant 0 : i32
      %dma_start3A_125 = arith.constant 0 : i32
      %dma_start3A_126 = arith.constant 0 : i32
      %dma_start3A_127 = tpu.memref_slice %arg8[%dma_start3A_123, %dma_start3A_125, %dma_start3A_126] : memref<2x128x128xf32, #tpu.memory_space<vmem>> -> memref<1x128x128xf32, #tpu.memory_space<vmem>>
      %dma_start3A_128 = tpu.memref_squeeze %dma_start3A_127 : memref<1x128x128xf32, #tpu.memory_space<vmem>> -> memref<128x128xf32, #tpu.memory_space<vmem>>
      %dma_start3A_129 = arith.constant 0 : i32
      %dma_start3A_130 = tpu.memref_slice %arg7[%dma_start3A_129] : memref<512xi32, #tpu.memory_space<vmem>> -> memref<128xi32, #tpu.memory_space<vmem>>
      %dma_start3A_131 = arith.constant 0 : i32
      %dma_start3A_132 = arith.constant 0 : i32
      %dma_start3A_133 = tpu.memref_slice %arg2[%dma_start3A_131, %dma_start3A_132] : memref<10112x128xf32, #tpu.memory_space<hbm>> -> memref<10112x128xf32, #tpu.memory_space<hbm>>
      %dma_start3A_134 = tpu.memref_slice %arg11[%dma_start3A_124] : memref<3x!tpu.dma_semaphore, #tpu.memory_space<semaphore_mem>> -> memref<1x!tpu.dma_semaphore, #tpu.memory_space<semaphore_mem>>
      %dma_start3A_135 = tpu.memref_squeeze %dma_start3A_134 : memref<1x!tpu.dma_semaphore, #tpu.memory_space<semaphore_mem>> -> memref<!tpu.dma_semaphore, #tpu.memory_space<semaphore_mem>>
      tpu.enqueue_indirect_dma source(%dma_start3A_133 : memref<10112x128xf32, #tpu.memory_space<hbm>>) target(%dma_start3A_128 : memref<128x128xf32, #tpu.memory_space<vmem>>) offsets(%dma_start3A_130 : memref<128xi32, #tpu.memory_space<vmem>>) semaphore(%dma_start3A_135 : memref<!tpu.dma_semaphore, #tpu.memory_space<semaphore_mem>>)
      %dma_start3A_136 = arith.constant 0 : i32
      %dma_start3A_137 = arith.constant 0 : i32
      %dma_start3A_138 = arith.constant 0 : i32
      %dma_start3A_139 = arith.constant 0 : i32
      %dma_start3A_140 = tpu.memref_slice %arg9[%dma_start3A_136, %dma_start3A_138, %dma_start3A_139] : memref<2x128x128xf32, #tpu.memory_space<vmem>> -> memref<1x128x128xf32, #tpu.memory_space<vmem>>
      %dma_start3A_141 = tpu.memref_squeeze %dma_start3A_140 : memref<1x128x128xf32, #tpu.memory_space<vmem>> -> memref<128x128xf32, #tpu.memory_space<vmem>>
      %dma_start3A_142 = arith.constant 256 : i32
      %dma_start3A_143 = tpu.memref_slice %arg7[%dma_start3A_142] : memref<512xi32, #tpu.memory_space<vmem>> -> memref<128xi32, #tpu.memory_space<vmem>>
      %dma_start3A_144 = arith.constant 0 : i32
      %dma_start3A_145 = arith.constant 0 : i32
      %dma_start3A_146 = tpu.memref_slice %arg3[%dma_start3A_144, %dma_start3A_145] : memref<10112x128xf32, #tpu.memory_space<hbm>> -> memref<10112x128xf32, #tpu.memory_space<hbm>>
      %dma_start3A_147 = tpu.memref_slice %arg11[%dma_start3A_137] : memref<3x!tpu.dma_semaphore, #tpu.memory_space<semaphore_mem>> -> memref<1x!tpu.dma_semaphore, #tpu.memory_space<semaphore_mem>>
      %dma_start3A_148 = tpu.memref_squeeze %dma_start3A_147 : memref<1x!tpu.dma_semaphore, #tpu.memory_space<semaphore_mem>> -> memref<!tpu.dma_semaphore, #tpu.memory_space<semaphore_mem>>
      tpu.enqueue_indirect_dma source(%dma_start3A_146 : memref<10112x128xf32, #tpu.memory_space<hbm>>) target(%dma_start3A_141 : memref<128x128xf32, #tpu.memory_space<vmem>>) offsets(%dma_start3A_143 : memref<128xi32, #tpu.memory_space<vmem>>) semaphore(%dma_start3A_148 : memref<!tpu.dma_semaphore, #tpu.memory_space<semaphore_mem>>)
      %mul3A_149 = arith.constant 16 : i32
      %mul3A_150 = arith.muli %add3A_111, %mul3A_149 : i32
      %run_scoped3A_151 = arith.constant 0 : i32
      "tpu.region"() ({
        %run_scoped3A_274 = tpu.sem_alloc : memref<!tpu.dma_semaphore, #tpu.memory_space<semaphore_mem>>
        %dma_start3A_275 = arith.constant 0 : i32
        %dma_start3A_276 = tpu.memref_slice %arg10[%run_scoped3A_151, %dma_start3A_275] : memref<2x2048xf32, #tpu.memory_space<vmem>> -> memref<1x2048xf32, #tpu.memory_space<vmem>>
        %dma_start3A_277 = tpu.memref_squeeze %dma_start3A_276 : memref<1x2048xf32, #tpu.memory_space<vmem>> -> memref<2048xf32, #tpu.memory_space<vmem>>
        %dma_start3A_278 = tpu.memref_slice %arg4[%mul3A_150] : memref<5177344xf32, #tpu.memory_space<hbm>> -> memref<2048xf32, #tpu.memory_space<hbm>>
        %dma_start3A_279 = arith.constant 0 : i32
        %dma_start3A_280 = tpu.memref_slice %arg10[%run_scoped3A_151, %dma_start3A_279] : memref<2x2048xf32, #tpu.memory_space<vmem>> -> memref<1x2048xf32, #tpu.memory_space<vmem>>
        %dma_start3A_281 = tpu.memref_squeeze %dma_start3A_280 : memref<1x2048xf32, #tpu.memory_space<vmem>> -> memref<2048xf32, #tpu.memory_space<vmem>>
        %dma_start3A_282 = tpu.memref_slice %arg4[%mul3A_150] : memref<5177344xf32, #tpu.memory_space<hbm>> -> memref<2048xf32, #tpu.memory_space<hbm>>
        tpu.enqueue_dma source(%dma_start3A_282 : memref<2048xf32, #tpu.memory_space<hbm>>) target(%dma_start3A_281 : memref<2048xf32, #tpu.memory_space<vmem>>) target_semaphore(%run_scoped3A_274 : memref<!tpu.dma_semaphore, #tpu.memory_space<semaphore_mem>>)
        %dma_wait3A_283 = arith.constant 0 : i32
        %dma_wait3A_284 = tpu.memref_slice %arg10[%run_scoped3A_151, %dma_wait3A_283] : memref<2x2048xf32, #tpu.memory_space<vmem>> -> memref<1x2048xf32, #tpu.memory_space<vmem>>
        %dma_wait3A_285 = tpu.memref_squeeze %dma_wait3A_284 : memref<1x2048xf32, #tpu.memory_space<vmem>> -> memref<2048xf32, #tpu.memory_space<vmem>>
        %dma_wait3A_286 = tpu.memref_slice %arg4[%mul3A_150] : memref<5177344xf32, #tpu.memory_space<hbm>> -> memref<2048xf32, #tpu.memory_space<hbm>>
        %dma_wait3A_287 = arith.constant 0 : i32
        %dma_wait3A_288 = tpu.memref_slice %arg10[%run_scoped3A_151, %dma_wait3A_287] : memref<2x2048xf32, #tpu.memory_space<vmem>> -> memref<1x2048xf32, #tpu.memory_space<vmem>>
        %dma_wait3A_289 = tpu.memref_squeeze %dma_wait3A_288 : memref<1x2048xf32, #tpu.memory_space<vmem>> -> memref<2048xf32, #tpu.memory_space<vmem>>
        %dma_wait3A_290 = tpu.memref_slice %arg4[%mul3A_150] : memref<5177344xf32, #tpu.memory_space<hbm>> -> memref<2048xf32, #tpu.memory_space<hbm>>
        tpu.wait_dma2 semaphore(%run_scoped3A_274 : memref<!tpu.dma_semaphore, #tpu.memory_space<semaphore_mem>>) src(%dma_wait3A_290 : memref<2048xf32, #tpu.memory_space<hbm>>) dst(%dma_wait3A_289 : memref<2048xf32, #tpu.memory_space<vmem>>)
        tpu.yield
      }) : () -> ()
      %dma_wait3A_152 = arith.constant 0 : i32
      %dma_wait3A_153 = arith.constant 0 : i32
      %dma_wait3A_154 = arith.constant 0 : i32
      %dma_wait3A_155 = arith.constant 0 : i32
      %dma_wait3A_156 = tpu.memref_slice %arg8[%dma_wait3A_152, %dma_wait3A_154, %dma_wait3A_155] : memref<2x128x128xf32, #tpu.memory_space<vmem>> -> memref<1x128x128xf32, #tpu.memory_space<vmem>>
      %dma_wait3A_157 = tpu.memref_squeeze %dma_wait3A_156 : memref<1x128x128xf32, #tpu.memory_space<vmem>> -> memref<128x128xf32, #tpu.memory_space<vmem>>
      %dma_wait3A_158 = arith.constant 0 : i32
      %dma_wait3A_159 = tpu.memref_slice %arg7[%dma_wait3A_158] : memref<512xi32, #tpu.memory_space<vmem>> -> memref<128xi32, #tpu.memory_space<vmem>>
      %dma_wait3A_160 = arith.constant 0 : i32
      %dma_wait3A_161 = arith.constant 0 : i32
      %dma_wait3A_162 = tpu.memref_slice %arg2[%dma_wait3A_160, %dma_wait3A_161] : memref<10112x128xf32, #tpu.memory_space<hbm>> -> memref<10112x128xf32, #tpu.memory_space<hbm>>
      %dma_wait3A_163 = tpu.memref_slice %arg11[%dma_wait3A_153] : memref<3x!tpu.dma_semaphore, #tpu.memory_space<semaphore_mem>> -> memref<1x!tpu.dma_semaphore, #tpu.memory_space<semaphore_mem>>
      %dma_wait3A_164 = tpu.memref_squeeze %dma_wait3A_163 : memref<1x!tpu.dma_semaphore, #tpu.memory_space<semaphore_mem>> -> memref<!tpu.dma_semaphore, #tpu.memory_space<semaphore_mem>>
      tpu.wait_indirect_dma semaphore(%dma_wait3A_164 : memref<!tpu.dma_semaphore, #tpu.memory_space<semaphore_mem>>) src(%dma_wait3A_162 : memref<10112x128xf32, #tpu.memory_space<hbm>>) dst(%dma_wait3A_157 : memref<128x128xf32, #tpu.memory_space<vmem>>)
      %dma_wait3A_165 = arith.constant 0 : i32
      %dma_wait3A_166 = arith.constant 0 : i32
      %dma_wait3A_167 = arith.constant 0 : i32
      %dma_wait3A_168 = arith.constant 0 : i32
      %dma_wait3A_169 = tpu.memref_slice %arg9[%dma_wait3A_165, %dma_wait3A_167, %dma_wait3A_168] : memref<2x128x128xf32, #tpu.memory_space<vmem>> -> memref<1x128x128xf32, #tpu.memory_space<vmem>>
      %dma_wait3A_170 = tpu.memref_squeeze %dma_wait3A_169 : memref<1x128x128xf32, #tpu.memory_space<vmem>> -> memref<128x128xf32, #tpu.memory_space<vmem>>
      %dma_wait3A_171 = arith.constant 256 : i32
      %dma_wait3A_172 = tpu.memref_slice %arg7[%dma_wait3A_171] : memref<512xi32, #tpu.memory_space<vmem>> -> memref<128xi32, #tpu.memory_space<vmem>>
      %dma_wait3A_173 = arith.constant 0 : i32
      %dma_wait3A_174 = arith.constant 0 : i32
      %dma_wait3A_175 = tpu.memref_slice %arg3[%dma_wait3A_173, %dma_wait3A_174] : memref<10112x128xf32, #tpu.memory_space<hbm>> -> memref<10112x128xf32, #tpu.memory_space<hbm>>
      %dma_wait3A_176 = tpu.memref_slice %arg11[%dma_wait3A_166] : memref<3x!tpu.dma_semaphore, #tpu.memory_space<semaphore_mem>> -> memref<1x!tpu.dma_semaphore, #tpu.memory_space<semaphore_mem>>
      %dma_wait3A_177 = tpu.memref_squeeze %dma_wait3A_176 : memref<1x!tpu.dma_semaphore, #tpu.memory_space<semaphore_mem>> -> memref<!tpu.dma_semaphore, #tpu.memory_space<semaphore_mem>>
      tpu.wait_indirect_dma semaphore(%dma_wait3A_177 : memref<!tpu.dma_semaphore, #tpu.memory_space<semaphore_mem>>) src(%dma_wait3A_175 : memref<10112x128xf32, #tpu.memory_space<hbm>>) dst(%dma_wait3A_170 : memref<128x128xf32, #tpu.memory_space<vmem>>)
      %scan3A_178 = arith.constant 0 : i32
      %scan3A_179 = arith.constant 0 : i32
      %scan3A_180 = arith.constant 128 : i32
      %scan3A_181 = arith.addi %scan3A_179, %scan3A_180 : i32
      %scan3A_182 = arith.constant 1 : i32
      scf.for %scan3A_274 = %scan3A_179 to %scan3A_181 step %scan3A_182  : i32 {
        %mul3A_275 = arith.constant 16 : i32
        %mul3A_276 = arith.muli %scan3A_274, %mul3A_275 : i32
        %get3A = arith.constant 0 : i32
        %get3A_277 = arith.index_cast %get3A : i32 to index
        %get3A_278 = arith.index_cast %mul3A_276 : i32 to index
        %get3A_279 = tpu.vector_load %arg10[%get3A_277, %get3A_278] {strides = array<i32>} : memref<2x2048xf32, #tpu.memory_space<vmem>>, vector<16xf32>,
        %get3A_280 = arith.constant 0 : i32
        %get3A_281 = arith.index_cast %get3A_280 : i32 to index
        %get3A_282 = arith.index_cast %scan3A_274 : i32 to index
        %get3A_283 = arith.constant 0 : index
        %get3A_284 = tpu.vector_load %arg8[%get3A_281, %get3A_282, %get3A_283] {strides = array<i32>} : memref<2x128x128xf32, #tpu.memory_space<vmem>>, vector<16xf32>,
        %add3A_285 = arith.addf %get3A_279, %get3A_284 : vector<16xf32>
        %get3A_286 = arith.constant 0 : i32
        %get3A_287 = arith.index_cast %get3A_286 : i32 to index
        %get3A_288 = arith.index_cast %scan3A_274 : i32 to index
        %get3A_289 = arith.constant 0 : index
        %get3A_290 = tpu.vector_load %arg9[%get3A_287, %get3A_288, %get3A_289] {strides = array<i32>} : memref<2x128x128xf32, #tpu.memory_space<vmem>>, vector<16xf32>,
        %add3A_291 = arith.addf %add3A_285, %get3A_290 : vector<16xf32>
        %swap3A = arith.constant 0 : i32
        %swap3A_292 = arith.index_cast %swap3A : i32 to index
        %swap3A_293 = arith.index_cast %mul3A_276 : i32 to index
        %swap3A_294 = tpu.vector_load %arg10[%swap3A_292, %swap3A_293] {strides = array<i32>} : memref<2x2048xf32, #tpu.memory_space<vmem>>, vector<16xf32>,
        tpu.vector_store %arg10[%swap3A_292, %swap3A_293], %add3A_291 {strides = array<i32>} : memref<2x2048xf32, #tpu.memory_space<vmem>>, vector<16xf32>,
      }
      %scan3A_183 = arith.constant 128 : i32
      %lt3A_184 = arith.constant 320000 : i32
      %lt3A_185 = arith.cmpi slt, %add3A_111, %lt3A_184 : i32
      %convert_element_type3A_186 = arith.extui %lt3A_185 : i1 to i32
      %cond3A_187 = arith.constant 0 : i32
      %cond3A_188 = arith.cmpi ne, %convert_element_type3A_186, %cond3A_187 : i32
      scf.if %cond3A_188 {
        %dma_start3A_274 = arith.constant 0 : i32
        %dma_start3A_275 = arith.constant 1 : i32
        %dma_start3A_276 = arith.constant 0 : i32
        %dma_start3A_277 = tpu.memref_slice %arg10[%dma_start3A_274, %dma_start3A_276] : memref<2x2048xf32, #tpu.memory_space<vmem>> -> memref<1x2048xf32, #tpu.memory_space<vmem>>
        %dma_start3A_278 = tpu.memref_squeeze %dma_start3A_277 : memref<1x2048xf32, #tpu.memory_space<vmem>> -> memref<2048xf32, #tpu.memory_space<vmem>>
        %dma_start3A_279 = tpu.memref_slice %arg6[%mul3A_113] : memref<5120000xf32, #tpu.memory_space<hbm>> -> memref<2048xf32, #tpu.memory_space<hbm>>
        %dma_start3A_280 = tpu.memref_slice %arg11[%dma_start3A_275] : memref<3x!tpu.dma_semaphore, #tpu.memory_space<semaphore_mem>> -> memref<1x!tpu.dma_semaphore, #tpu.memory_space<semaphore_mem>>
        %dma_start3A_281 = tpu.memref_squeeze %dma_start3A_280 : memref<1x!tpu.dma_semaphore, #tpu.memory_space<semaphore_mem>> -> memref<!tpu.dma_semaphore, #tpu.memory_space<semaphore_mem>>
        %dma_start3A_282 = tpu.memref_slice %arg6[%mul3A_113] : memref<5120000xf32, #tpu.memory_space<hbm>> -> memref<2048xf32, #tpu.memory_space<hbm>>
        %dma_start3A_283 = arith.constant 0 : i32
        %dma_start3A_284 = tpu.memref_slice %arg10[%dma_start3A_274, %dma_start3A_283] : memref<2x2048xf32, #tpu.memory_space<vmem>> -> memref<1x2048xf32, #tpu.memory_space<vmem>>
        %dma_start3A_285 = tpu.memref_squeeze %dma_start3A_284 : memref<1x2048xf32, #tpu.memory_space<vmem>> -> memref<2048xf32, #tpu.memory_space<vmem>>
        tpu.enqueue_dma source(%dma_start3A_285 : memref<2048xf32, #tpu.memory_space<vmem>>) target(%dma_start3A_282 : memref<2048xf32, #tpu.memory_space<hbm>>) target_semaphore(%dma_start3A_281 : memref<!tpu.dma_semaphore, #tpu.memory_space<semaphore_mem>>)
      } else {
      }
      %mul3A_189 = arith.constant 2 : i32
      %mul3A_190 = arith.muli %mul3A_189, %scan3A_97 : i32
      %add3A_191 = arith.constant 1 : i32
      %add3A_192 = arith.addi %mul3A_190, %add3A_191 : i32
      %mul3A_193 = arith.constant 128 : i32
      %mul3A_194 = arith.muli %add3A_192, %mul3A_193 : i32
      %add3A_195 = arith.addi %mul3A_2, %mul3A_194 : i32
      %mul3A_196 = arith.constant 16 : i32
      %mul3A_197 = arith.muli %add3A_195, %mul3A_196 : i32
      %ge3A_198 = arith.constant 2 : i32
      %ge3A_199 = arith.cmpi sge, %add3A_192, %ge3A_198 : i32
      %sub3A_200 = arith.constant 256 : i32
      %sub3A_201 = arith.subi %add3A_195, %sub3A_200 : i32
      %lt3A_202 = arith.constant 320000 : i32
      %lt3A_203 = arith.cmpi slt, %sub3A_201, %lt3A_202 : i32
      %and3A_204 = arith.andi %ge3A_199, %lt3A_203 : i1
      %convert_element_type3A_205 = arith.extui %and3A_204 : i1 to i32
      %cond3A_206 = arith.constant 0 : i32
      %cond3A_207 = arith.cmpi ne, %convert_element_type3A_205, %cond3A_206 : i32
      scf.if %cond3A_207 {
        %dma_wait3A_274 = arith.constant 1 : i32
        %dma_wait3A_275 = arith.constant 2 : i32
        %dma_wait3A_276 = arith.constant 0 : i32
        %dma_wait3A_277 = tpu.memref_slice %arg10[%dma_wait3A_274, %dma_wait3A_276] : memref<2x2048xf32, #tpu.memory_space<vmem>> -> memref<1x2048xf32, #tpu.memory_space<vmem>>
        %dma_wait3A_278 = tpu.memref_squeeze %dma_wait3A_277 : memref<1x2048xf32, #tpu.memory_space<vmem>> -> memref<2048xf32, #tpu.memory_space<vmem>>
        %dma_wait3A_279 = arith.constant 0 : i32
        %dma_wait3A_280 = tpu.memref_slice %arg6[%dma_wait3A_279] : memref<5120000xf32, #tpu.memory_space<hbm>> -> memref<2048xf32, #tpu.memory_space<hbm>>
        %dma_wait3A_281 = tpu.memref_slice %arg11[%dma_wait3A_275] : memref<3x!tpu.dma_semaphore, #tpu.memory_space<semaphore_mem>> -> memref<1x!tpu.dma_semaphore, #tpu.memory_space<semaphore_mem>>
        %dma_wait3A_282 = tpu.memref_squeeze %dma_wait3A_281 : memref<1x!tpu.dma_semaphore, #tpu.memory_space<semaphore_mem>> -> memref<!tpu.dma_semaphore, #tpu.memory_space<semaphore_mem>>
        %dma_wait3A_283 = arith.constant 0 : i32
        %dma_wait3A_284 = tpu.memref_slice %arg6[%dma_wait3A_283] : memref<5120000xf32, #tpu.memory_space<hbm>> -> memref<2048xf32, #tpu.memory_space<hbm>>
        %dma_wait3A_285 = arith.constant 0 : i32
        %dma_wait3A_286 = tpu.memref_slice %arg10[%dma_wait3A_274, %dma_wait3A_285] : memref<2x2048xf32, #tpu.memory_space<vmem>> -> memref<1x2048xf32, #tpu.memory_space<vmem>>
        %dma_wait3A_287 = tpu.memref_squeeze %dma_wait3A_286 : memref<1x2048xf32, #tpu.memory_space<vmem>> -> memref<2048xf32, #tpu.memory_space<vmem>>
        tpu.wait_dma2 semaphore(%dma_wait3A_282 : memref<!tpu.dma_semaphore, #tpu.memory_space<semaphore_mem>>) src(%dma_wait3A_287 : memref<2048xf32, #tpu.memory_space<vmem>>) dst(%dma_wait3A_284 : memref<2048xf32, #tpu.memory_space<hbm>>)
      } else {
      }
      %dma_start3A_208 = arith.constant 1 : i32
      %dma_start3A_209 = arith.constant 0 : i32
      %dma_start3A_210 = arith.constant 0 : i32
      %dma_start3A_211 = arith.constant 0 : i32
      %dma_start3A_212 = tpu.memref_slice %arg8[%dma_start3A_208, %dma_start3A_210, %dma_start3A_211] : memref<2x128x128xf32, #tpu.memory_space<vmem>> -> memref<1x128x128xf32, #tpu.memory_space<vmem>>
      %dma_start3A_213 = tpu.memref_squeeze %dma_start3A_212 : memref<1x128x128xf32, #tpu.memory_space<vmem>> -> memref<128x128xf32, #tpu.memory_space<vmem>>
      %dma_start3A_214 = arith.constant 128 : i32
      %dma_start3A_215 = tpu.memref_slice %arg7[%dma_start3A_214] : memref<512xi32, #tpu.memory_space<vmem>> -> memref<128xi32, #tpu.memory_space<vmem>>
      %dma_start3A_216 = arith.constant 0 : i32
      %dma_start3A_217 = arith.constant 0 : i32
      %dma_start3A_218 = tpu.memref_slice %arg2[%dma_start3A_216, %dma_start3A_217] : memref<10112x128xf32, #tpu.memory_space<hbm>> -> memref<10112x128xf32, #tpu.memory_space<hbm>>
      %dma_start3A_219 = tpu.memref_slice %arg11[%dma_start3A_209] : memref<3x!tpu.dma_semaphore, #tpu.memory_space<semaphore_mem>> -> memref<1x!tpu.dma_semaphore, #tpu.memory_space<semaphore_mem>>
      %dma_start3A_220 = tpu.memref_squeeze %dma_start3A_219 : memref<1x!tpu.dma_semaphore, #tpu.memory_space<semaphore_mem>> -> memref<!tpu.dma_semaphore, #tpu.memory_space<semaphore_mem>>
      tpu.enqueue_indirect_dma source(%dma_start3A_218 : memref<10112x128xf32, #tpu.memory_space<hbm>>) target(%dma_start3A_213 : memref<128x128xf32, #tpu.memory_space<vmem>>) offsets(%dma_start3A_215 : memref<128xi32, #tpu.memory_space<vmem>>) semaphore(%dma_start3A_220 : memref<!tpu.dma_semaphore, #tpu.memory_space<semaphore_mem>>)
      %dma_start3A_221 = arith.constant 1 : i32
      %dma_start3A_222 = arith.constant 0 : i32
      %dma_start3A_223 = arith.constant 0 : i32
      %dma_start3A_224 = arith.constant 0 : i32
      %dma_start3A_225 = tpu.memref_slice %arg9[%dma_start3A_221, %dma_start3A_223, %dma_start3A_224] : memref<2x128x128xf32, #tpu.memory_space<vmem>> -> memref<1x128x128xf32, #tpu.memory_space<vmem>>
      %dma_start3A_226 = tpu.memref_squeeze %dma_start3A_225 : memref<1x128x128xf32, #tpu.memory_space<vmem>> -> memref<128x128xf32, #tpu.memory_space<vmem>>
      %dma_start3A_227 = arith.constant 384 : i32
      %dma_start3A_228 = tpu.memref_slice %arg7[%dma_start3A_227] : memref<512xi32, #tpu.memory_space<vmem>> -> memref<128xi32, #tpu.memory_space<vmem>>
      %dma_start3A_229 = arith.constant 0 : i32
      %dma_start3A_230 = arith.constant 0 : i32
      %dma_start3A_231 = tpu.memref_slice %arg3[%dma_start3A_229, %dma_start3A_230] : memref<10112x128xf32, #tpu.memory_space<hbm>> -> memref<10112x128xf32, #tpu.memory_space<hbm>>
      %dma_start3A_232 = tpu.memref_slice %arg11[%dma_start3A_222] : memref<3x!tpu.dma_semaphore, #tpu.memory_space<semaphore_mem>> -> memref<1x!tpu.dma_semaphore, #tpu.memory_space<semaphore_mem>>
      %dma_start3A_233 = tpu.memref_squeeze %dma_start3A_232 : memref<1x!tpu.dma_semaphore, #tpu.memory_space<semaphore_mem>> -> memref<!tpu.dma_semaphore, #tpu.memory_space<semaphore_mem>>
      tpu.enqueue_indirect_dma source(%dma_start3A_231 : memref<10112x128xf32, #tpu.memory_space<hbm>>) target(%dma_start3A_226 : memref<128x128xf32, #tpu.memory_space<vmem>>) offsets(%dma_start3A_228 : memref<128xi32, #tpu.memory_space<vmem>>) semaphore(%dma_start3A_233 : memref<!tpu.dma_semaphore, #tpu.memory_space<semaphore_mem>>)
      %mul3A_234 = arith.constant 16 : i32
      %mul3A_235 = arith.muli %add3A_195, %mul3A_234 : i32
      %run_scoped3A_236 = arith.constant 1 : i32
      "tpu.region"() ({
        %run_scoped3A_274 = tpu.sem_alloc : memref<!tpu.dma_semaphore, #tpu.memory_space<semaphore_mem>>
        %dma_start3A_275 = arith.constant 0 : i32
        %dma_start3A_276 = tpu.memref_slice %arg10[%run_scoped3A_236, %dma_start3A_275] : memref<2x2048xf32, #tpu.memory_space<vmem>> -> memref<1x2048xf32, #tpu.memory_space<vmem>>
        %dma_start3A_277 = tpu.memref_squeeze %dma_start3A_276 : memref<1x2048xf32, #tpu.memory_space<vmem>> -> memref<2048xf32, #tpu.memory_space<vmem>>
        %dma_start3A_278 = tpu.memref_slice %arg4[%mul3A_235] : memref<5177344xf32, #tpu.memory_space<hbm>> -> memref<2048xf32, #tpu.memory_space<hbm>>
        %dma_start3A_279 = arith.constant 0 : i32
        %dma_start3A_280 = tpu.memref_slice %arg10[%run_scoped3A_236, %dma_start3A_279] : memref<2x2048xf32, #tpu.memory_space<vmem>> -> memref<1x2048xf32, #tpu.memory_space<vmem>>
        %dma_start3A_281 = tpu.memref_squeeze %dma_start3A_280 : memref<1x2048xf32, #tpu.memory_space<vmem>> -> memref<2048xf32, #tpu.memory_space<vmem>>
        %dma_start3A_282 = tpu.memref_slice %arg4[%mul3A_235] : memref<5177344xf32, #tpu.memory_space<hbm>> -> memref<2048xf32, #tpu.memory_space<hbm>>
        tpu.enqueue_dma source(%dma_start3A_282 : memref<2048xf32, #tpu.memory_space<hbm>>) target(%dma_start3A_281 : memref<2048xf32, #tpu.memory_space<vmem>>) target_semaphore(%run_scoped3A_274 : memref<!tpu.dma_semaphore, #tpu.memory_space<semaphore_mem>>)
        %dma_wait3A_283 = arith.constant 0 : i32
        %dma_wait3A_284 = tpu.memref_slice %arg10[%run_scoped3A_236, %dma_wait3A_283] : memref<2x2048xf32, #tpu.memory_space<vmem>> -> memref<1x2048xf32, #tpu.memory_space<vmem>>
        %dma_wait3A_285 = tpu.memref_squeeze %dma_wait3A_284 : memref<1x2048xf32, #tpu.memory_space<vmem>> -> memref<2048xf32, #tpu.memory_space<vmem>>
        %dma_wait3A_286 = tpu.memref_slice %arg4[%mul3A_235] : memref<5177344xf32, #tpu.memory_space<hbm>> -> memref<2048xf32, #tpu.memory_space<hbm>>
        %dma_wait3A_287 = arith.constant 0 : i32
        %dma_wait3A_288 = tpu.memref_slice %arg10[%run_scoped3A_236, %dma_wait3A_287] : memref<2x2048xf32, #tpu.memory_space<vmem>> -> memref<1x2048xf32, #tpu.memory_space<vmem>>
        %dma_wait3A_289 = tpu.memref_squeeze %dma_wait3A_288 : memref<1x2048xf32, #tpu.memory_space<vmem>> -> memref<2048xf32, #tpu.memory_space<vmem>>
        %dma_wait3A_290 = tpu.memref_slice %arg4[%mul3A_235] : memref<5177344xf32, #tpu.memory_space<hbm>> -> memref<2048xf32, #tpu.memory_space<hbm>>
        tpu.wait_dma2 semaphore(%run_scoped3A_274 : memref<!tpu.dma_semaphore, #tpu.memory_space<semaphore_mem>>) src(%dma_wait3A_290 : memref<2048xf32, #tpu.memory_space<hbm>>) dst(%dma_wait3A_289 : memref<2048xf32, #tpu.memory_space<vmem>>)
        tpu.yield
      }) : () -> ()
      %dma_wait3A_237 = arith.constant 1 : i32
      %dma_wait3A_238 = arith.constant 0 : i32
      %dma_wait3A_239 = arith.constant 0 : i32
      %dma_wait3A_240 = arith.constant 0 : i32
      %dma_wait3A_241 = tpu.memref_slice %arg8[%dma_wait3A_237, %dma_wait3A_239, %dma_wait3A_240] : memref<2x128x128xf32, #tpu.memory_space<vmem>> -> memref<1x128x128xf32, #tpu.memory_space<vmem>>
      %dma_wait3A_242 = tpu.memref_squeeze %dma_wait3A_241 : memref<1x128x128xf32, #tpu.memory_space<vmem>> -> memref<128x128xf32, #tpu.memory_space<vmem>>
      %dma_wait3A_243 = arith.constant 128 : i32
      %dma_wait3A_244 = tpu.memref_slice %arg7[%dma_wait3A_243] : memref<512xi32, #tpu.memory_space<vmem>> -> memref<128xi32, #tpu.memory_space<vmem>>
      %dma_wait3A_245 = arith.constant 0 : i32
      %dma_wait3A_246 = arith.constant 0 : i32
      %dma_wait3A_247 = tpu.memref_slice %arg2[%dma_wait3A_245, %dma_wait3A_246] : memref<10112x128xf32, #tpu.memory_space<hbm>> -> memref<10112x128xf32, #tpu.memory_space<hbm>>
      %dma_wait3A_248 = tpu.memref_slice %arg11[%dma_wait3A_238] : memref<3x!tpu.dma_semaphore, #tpu.memory_space<semaphore_mem>> -> memref<1x!tpu.dma_semaphore, #tpu.memory_space<semaphore_mem>>
      %dma_wait3A_249 = tpu.memref_squeeze %dma_wait3A_248 : memref<1x!tpu.dma_semaphore, #tpu.memory_space<semaphore_mem>> -> memref<!tpu.dma_semaphore, #tpu.memory_space<semaphore_mem>>
      tpu.wait_indirect_dma semaphore(%dma_wait3A_249 : memref<!tpu.dma_semaphore, #tpu.memory_space<semaphore_mem>>) src(%dma_wait3A_247 : memref<10112x128xf32, #tpu.memory_space<hbm>>) dst(%dma_wait3A_242 : memref<128x128xf32, #tpu.memory_space<vmem>>)
      %dma_wait3A_250 = arith.constant 1 : i32
      %dma_wait3A_251 = arith.constant 0 : i32
      %dma_wait3A_252 = arith.constant 0 : i32
      %dma_wait3A_253 = arith.constant 0 : i32
      %dma_wait3A_254 = tpu.memref_slice %arg9[%dma_wait3A_250, %dma_wait3A_252, %dma_wait3A_253] : memref<2x128x128xf32, #tpu.memory_space<vmem>> -> memref<1x128x128xf32, #tpu.memory_space<vmem>>
      %dma_wait3A_255 = tpu.memref_squeeze %dma_wait3A_254 : memref<1x128x128xf32, #tpu.memory_space<vmem>> -> memref<128x128xf32, #tpu.memory_space<vmem>>
      %dma_wait3A_256 = arith.constant 384 : i32
      %dma_wait3A_257 = tpu.memref_slice %arg7[%dma_wait3A_256] : memref<512xi32, #tpu.memory_space<vmem>> -> memref<128xi32, #tpu.memory_space<vmem>>
      %dma_wait3A_258 = arith.constant 0 : i32
      %dma_wait3A_259 = arith.constant 0 : i32
      %dma_wait3A_260 = tpu.memref_slice %arg3[%dma_wait3A_258, %dma_wait3A_259] : memref<10112x128xf32, #tpu.memory_space<hbm>> -> memref<10112x128xf32, #tpu.memory_space<hbm>>
      %dma_wait3A_261 = tpu.memref_slice %arg11[%dma_wait3A_251] : memref<3x!tpu.dma_semaphore, #tpu.memory_space<semaphore_mem>> -> memref<1x!tpu.dma_semaphore, #tpu.memory_space<semaphore_mem>>
      %dma_wait3A_262 = tpu.memref_squeeze %dma_wait3A_261 : memref<1x!tpu.dma_semaphore, #tpu.memory_space<semaphore_mem>> -> memref<!tpu.dma_semaphore, #tpu.memory_space<semaphore_mem>>
      tpu.wait_indirect_dma semaphore(%dma_wait3A_262 : memref<!tpu.dma_semaphore, #tpu.memory_space<semaphore_mem>>) src(%dma_wait3A_260 : memref<10112x128xf32, #tpu.memory_space<hbm>>) dst(%dma_wait3A_255 : memref<128x128xf32, #tpu.memory_space<vmem>>)
      %scan3A_263 = arith.constant 0 : i32
      %scan3A_264 = arith.constant 0 : i32
      %scan3A_265 = arith.constant 128 : i32
      %scan3A_266 = arith.addi %scan3A_264, %scan3A_265 : i32
      %scan3A_267 = arith.constant 1 : i32
      scf.for %scan3A_274 = %scan3A_264 to %scan3A_266 step %scan3A_267  : i32 {
        %mul3A_275 = arith.constant 16 : i32
        %mul3A_276 = arith.muli %scan3A_274, %mul3A_275 : i32
        %get3A = arith.constant 1 : i32
        %get3A_277 = arith.index_cast %get3A : i32 to index
        %get3A_278 = arith.index_cast %mul3A_276 : i32 to index
        %get3A_279 = tpu.vector_load %arg10[%get3A_277, %get3A_278] {strides = array<i32>} : memref<2x2048xf32, #tpu.memory_space<vmem>>, vector<16xf32>,
        %get3A_280 = arith.constant 1 : i32
        %get3A_281 = arith.index_cast %get3A_280 : i32 to index
        %get3A_282 = arith.index_cast %scan3A_274 : i32 to index
        %get3A_283 = arith.constant 0 : index
        %get3A_284 = tpu.vector_load %arg8[%get3A_281, %get3A_282, %get3A_283] {strides = array<i32>} : memref<2x128x128xf32, #tpu.memory_space<vmem>>, vector<16xf32>,
        %add3A_285 = arith.addf %get3A_279, %get3A_284 : vector<16xf32>
        %get3A_286 = arith.constant 1 : i32
        %get3A_287 = arith.index_cast %get3A_286 : i32 to index
        %get3A_288 = arith.index_cast %scan3A_274 : i32 to index
        %get3A_289 = arith.constant 0 : index
        %get3A_290 = tpu.vector_load %arg9[%get3A_287, %get3A_288, %get3A_289] {strides = array<i32>} : memref<2x128x128xf32, #tpu.memory_space<vmem>>, vector<16xf32>,
        %add3A_291 = arith.addf %add3A_285, %get3A_290 : vector<16xf32>
        %swap3A = arith.constant 1 : i32
        %swap3A_292 = arith.index_cast %swap3A : i32 to index
        %swap3A_293 = arith.index_cast %mul3A_276 : i32 to index
        %swap3A_294 = tpu.vector_load %arg10[%swap3A_292, %swap3A_293] {strides = array<i32>} : memref<2x2048xf32, #tpu.memory_space<vmem>>, vector<16xf32>,
        tpu.vector_store %arg10[%swap3A_292, %swap3A_293], %add3A_291 {strides = array<i32>} : memref<2x2048xf32, #tpu.memory_space<vmem>>, vector<16xf32>,
      }
      %scan3A_268 = arith.constant 128 : i32
      %lt3A_269 = arith.constant 320000 : i32
      %lt3A_270 = arith.cmpi slt, %add3A_195, %lt3A_269 : i32
      %convert_element_type3A_271 = arith.extui %lt3A_270 : i1 to i32
      %cond3A_272 = arith.constant 0 : i32
      %cond3A_273 = arith.cmpi ne, %convert_element_type3A_271, %cond3A_272 : i32
      scf.if %cond3A_273 {
        %dma_start3A_274 = arith.constant 1 : i32
        %dma_start3A_275 = arith.constant 2 : i32
        %dma_start3A_276 = arith.constant 0 : i32
        %dma_start3A_277 = tpu.memref_slice %arg10[%dma_start3A_274, %dma_start3A_276] : memref<2x2048xf32, #tpu.memory_space<vmem>> -> memref<1x2048xf32, #tpu.memory_space<vmem>>
        %dma_start3A_278 = tpu.memref_squeeze %dma_start3A_277 : memref<1x2048xf32, #tpu.memory_space<vmem>> -> memref<2048xf32, #tpu.memory_space<vmem>>
        %dma_start3A_279 = tpu.memref_slice %arg6[%mul3A_197] : memref<5120000xf32, #tpu.memory_space<hbm>> -> memref<2048xf32, #tpu.memory_space<hbm>>
        %dma_start3A_280 = tpu.memref_slice %arg11[%dma_start3A_275] : memref<3x!tpu.dma_semaphore, #tpu.memory_space<semaphore_mem>> -> memref<1x!tpu.dma_semaphore, #tpu.memory_space<semaphore_mem>>
        %dma_start3A_281 = tpu.memref_squeeze %dma_start3A_280 : memref<1x!tpu.dma_semaphore, #tpu.memory_space<semaphore_mem>> -> memref<!tpu.dma_semaphore, #tpu.memory_space<semaphore_mem>>
        %dma_start3A_282 = tpu.memref_slice %arg6[%mul3A_197] : memref<5120000xf32, #tpu.memory_space<hbm>> -> memref<2048xf32, #tpu.memory_space<hbm>>
        %dma_start3A_283 = arith.constant 0 : i32
        %dma_start3A_284 = tpu.memref_slice %arg10[%dma_start3A_274, %dma_start3A_283] : memref<2x2048xf32, #tpu.memory_space<vmem>> -> memref<1x2048xf32, #tpu.memory_space<vmem>>
        %dma_start3A_285 = tpu.memref_squeeze %dma_start3A_284 : memref<1x2048xf32, #tpu.memory_space<vmem>> -> memref<2048xf32, #tpu.memory_space<vmem>>
        tpu.enqueue_dma source(%dma_start3A_285 : memref<2048xf32, #tpu.memory_space<vmem>>) target(%dma_start3A_282 : memref<2048xf32, #tpu.memory_space<hbm>>) target_semaphore(%dma_start3A_281 : memref<!tpu.dma_semaphore, #tpu.memory_space<semaphore_mem>>)
      } else {
      }
    }
    %scan3A_7 = arith.constant 39 : i32
    %add3A_8 = arith.constant 9984 : i32
    %add3A_9 = arith.addi %mul3A_2, %add3A_8 : i32
    "tpu.region"() ({
      %run_scoped3A_97 = tpu.sem_alloc : memref<!tpu.dma_semaphore, #tpu.memory_space<semaphore_mem>>
      %dma_start3A_98 = arith.constant 0 : i32
      %dma_start3A_99 = tpu.memref_slice %arg7[%dma_start3A_98] : memref<512xi32, #tpu.memory_space<vmem>> -> memref<128xi32, #tpu.memory_space<vmem>>
      %dma_start3A_100 = tpu.memref_slice %arg5[%add3A_9] : memref<647168xi32, #tpu.memory_space<hbm>> -> memref<128xi32, #tpu.memory_space<hbm>>
      %dma_start3A_101 = arith.constant 0 : i32
      %dma_start3A_102 = tpu.memref_slice %arg7[%dma_start3A_101] : memref<512xi32, #tpu.memory_space<vmem>> -> memref<128xi32, #tpu.memory_space<vmem>>
      %dma_start3A_103 = tpu.memref_slice %arg5[%add3A_9] : memref<647168xi32, #tpu.memory_space<hbm>> -> memref<128xi32, #tpu.memory_space<hbm>>
      tpu.enqueue_dma source(%dma_start3A_103 : memref<128xi32, #tpu.memory_space<hbm>>) target(%dma_start3A_102 : memref<128xi32, #tpu.memory_space<vmem>>) target_semaphore(%run_scoped3A_97 : memref<!tpu.dma_semaphore, #tpu.memory_space<semaphore_mem>>)
      %dma_wait3A_104 = arith.constant 0 : i32
      %dma_wait3A_105 = tpu.memref_slice %arg7[%dma_wait3A_104] : memref<512xi32, #tpu.memory_space<vmem>> -> memref<128xi32, #tpu.memory_space<vmem>>
      %dma_wait3A_106 = tpu.memref_slice %arg5[%add3A_9] : memref<647168xi32, #tpu.memory_space<hbm>> -> memref<128xi32, #tpu.memory_space<hbm>>
      %dma_wait3A_107 = arith.constant 0 : i32
      %dma_wait3A_108 = tpu.memref_slice %arg7[%dma_wait3A_107] : memref<512xi32, #tpu.memory_space<vmem>> -> memref<128xi32, #tpu.memory_space<vmem>>
      %dma_wait3A_109 = tpu.memref_slice %arg5[%add3A_9] : memref<647168xi32, #tpu.memory_space<hbm>> -> memref<128xi32, #tpu.memory_space<hbm>>
      tpu.wait_dma2 semaphore(%run_scoped3A_97 : memref<!tpu.dma_semaphore, #tpu.memory_space<semaphore_mem>>) src(%dma_wait3A_109 : memref<128xi32, #tpu.memory_space<hbm>>) dst(%dma_wait3A_108 : memref<128xi32, #tpu.memory_space<vmem>>)
      tpu.yield
    }) : () -> ()
    %add3A_10 = arith.constant 323584 : i32
    %add3A_11 = arith.addi %add3A_10, %add3A_9 : i32
    "tpu.region"() ({
      %run_scoped3A_97 = tpu.sem_alloc : memref<!tpu.dma_semaphore, #tpu.memory_space<semaphore_mem>>
      %dma_start3A_98 = arith.constant 256 : i32
      %dma_start3A_99 = tpu.memref_slice %arg7[%dma_start3A_98] : memref<512xi32, #tpu.memory_space<vmem>> -> memref<128xi32, #tpu.memory_space<vmem>>
      %dma_start3A_100 = tpu.memref_slice %arg5[%add3A_11] : memref<647168xi32, #tpu.memory_space<hbm>> -> memref<128xi32, #tpu.memory_space<hbm>>
      %dma_start3A_101 = arith.constant 256 : i32
      %dma_start3A_102 = tpu.memref_slice %arg7[%dma_start3A_101] : memref<512xi32, #tpu.memory_space<vmem>> -> memref<128xi32, #tpu.memory_space<vmem>>
      %dma_start3A_103 = tpu.memref_slice %arg5[%add3A_11] : memref<647168xi32, #tpu.memory_space<hbm>> -> memref<128xi32, #tpu.memory_space<hbm>>
      tpu.enqueue_dma source(%dma_start3A_103 : memref<128xi32, #tpu.memory_space<hbm>>) target(%dma_start3A_102 : memref<128xi32, #tpu.memory_space<vmem>>) target_semaphore(%run_scoped3A_97 : memref<!tpu.dma_semaphore, #tpu.memory_space<semaphore_mem>>)
      %dma_wait3A_104 = arith.constant 256 : i32
      %dma_wait3A_105 = tpu.memref_slice %arg7[%dma_wait3A_104] : memref<512xi32, #tpu.memory_space<vmem>> -> memref<128xi32, #tpu.memory_space<vmem>>
      %dma_wait3A_106 = tpu.memref_slice %arg5[%add3A_11] : memref<647168xi32, #tpu.memory_space<hbm>> -> memref<128xi32, #tpu.memory_space<hbm>>
      %dma_wait3A_107 = arith.constant 256 : i32
      %dma_wait3A_108 = tpu.memref_slice %arg7[%dma_wait3A_107] : memref<512xi32, #tpu.memory_space<vmem>> -> memref<128xi32, #tpu.memory_space<vmem>>
      %dma_wait3A_109 = tpu.memref_slice %arg5[%add3A_11] : memref<647168xi32, #tpu.memory_space<hbm>> -> memref<128xi32, #tpu.memory_space<hbm>>
      tpu.wait_dma2 semaphore(%run_scoped3A_97 : memref<!tpu.dma_semaphore, #tpu.memory_space<semaphore_mem>>) src(%dma_wait3A_109 : memref<128xi32, #tpu.memory_space<hbm>>) dst(%dma_wait3A_108 : memref<128xi32, #tpu.memory_space<vmem>>)
      tpu.yield
    }) : () -> ()
    %add3A_12 = arith.constant 9984 : i32
    %add3A_13 = arith.addi %mul3A_2, %add3A_12 : i32
    %mul3A_14 = arith.constant 16 : i32
    %mul3A_15 = arith.muli %add3A_13, %mul3A_14 : i32
    %sub3A = arith.constant 256 : i32
    %sub3A_16 = arith.subi %add3A_13, %sub3A : i32
    %lt3A = arith.constant 320000 : i32
    %lt3A_17 = arith.cmpi slt, %sub3A_16, %lt3A : i32
    %and3A = arith.constant true
    %and3A_18 = arith.andi %and3A, %lt3A_17 : i1
    %convert_element_type3A = arith.extui %and3A_18 : i1 to i32
    %cond3A = arith.constant 0 : i32
    %cond3A_19 = arith.cmpi ne, %convert_element_type3A, %cond3A : i32
    scf.if %cond3A_19 {
      %dma_wait3A_97 = arith.constant 0 : i32
      %dma_wait3A_98 = arith.constant 1 : i32
      %dma_wait3A_99 = arith.constant 0 : i32
      %dma_wait3A_100 = tpu.memref_slice %arg10[%dma_wait3A_97, %dma_wait3A_99] : memref<2x2048xf32, #tpu.memory_space<vmem>> -> memref<1x2048xf32, #tpu.memory_space<vmem>>
      %dma_wait3A_101 = tpu.memref_squeeze %dma_wait3A_100 : memref<1x2048xf32, #tpu.memory_space<vmem>> -> memref<2048xf32, #tpu.memory_space<vmem>>
      %dma_wait3A_102 = arith.constant 0 : i32
      %dma_wait3A_103 = tpu.memref_slice %arg6[%dma_wait3A_102] : memref<5120000xf32, #tpu.memory_space<hbm>> -> memref<2048xf32, #tpu.memory_space<hbm>>
      %dma_wait3A_104 = tpu.memref_slice %arg11[%dma_wait3A_98] : memref<3x!tpu.dma_semaphore, #tpu.memory_space<semaphore_mem>> -> memref<1x!tpu.dma_semaphore, #tpu.memory_space<semaphore_mem>>
      %dma_wait3A_105 = tpu.memref_squeeze %dma_wait3A_104 : memref<1x!tpu.dma_semaphore, #tpu.memory_space<semaphore_mem>> -> memref<!tpu.dma_semaphore, #tpu.memory_space<semaphore_mem>>
      %dma_wait3A_106 = arith.constant 0 : i32
      %dma_wait3A_107 = tpu.memref_slice %arg6[%dma_wait3A_106] : memref<5120000xf32, #tpu.memory_space<hbm>> -> memref<2048xf32, #tpu.memory_space<hbm>>
      %dma_wait3A_108 = arith.constant 0 : i32
      %dma_wait3A_109 = tpu.memref_slice %arg10[%dma_wait3A_97, %dma_wait3A_108] : memref<2x2048xf32, #tpu.memory_space<vmem>> -> memref<1x2048xf32, #tpu.memory_space<vmem>>
      %dma_wait3A_110 = tpu.memref_squeeze %dma_wait3A_109 : memref<1x2048xf32, #tpu.memory_space<vmem>> -> memref<2048xf32, #tpu.memory_space<vmem>>
      tpu.wait_dma2 semaphore(%dma_wait3A_105 : memref<!tpu.dma_semaphore, #tpu.memory_space<semaphore_mem>>) src(%dma_wait3A_110 : memref<2048xf32, #tpu.memory_space<vmem>>) dst(%dma_wait3A_107 : memref<2048xf32, #tpu.memory_space<hbm>>)
    } else {
    }
    %dma_start3A = arith.constant 0 : i32
    %dma_start3A_20 = arith.constant 0 : i32
    %dma_start3A_21 = arith.constant 0 : i32
    %dma_start3A_22 = arith.constant 0 : i32
    %dma_start3A_23 = tpu.memref_slice %arg8[%dma_start3A, %dma_start3A_21, %dma_start3A_22] : memref<2x128x128xf32, #tpu.memory_space<vmem>> -> memref<1x128x128xf32, #tpu.memory_space<vmem>>
    %dma_start3A_24 = tpu.memref_squeeze %dma_start3A_23 : memref<1x128x128xf32, #tpu.memory_space<vmem>> -> memref<128x128xf32, #tpu.memory_space<vmem>>
    %dma_start3A_25 = arith.constant 0 : i32
    %dma_start3A_26 = tpu.memref_slice %arg7[%dma_start3A_25] : memref<512xi32, #tpu.memory_space<vmem>> -> memref<128xi32, #tpu.memory_space<vmem>>
    %dma_start3A_27 = arith.constant 0 : i32
    %dma_start3A_28 = arith.constant 0 : i32
    %dma_start3A_29 = tpu.memref_slice %arg2[%dma_start3A_27, %dma_start3A_28] : memref<10112x128xf32, #tpu.memory_space<hbm>> -> memref<10112x128xf32, #tpu.memory_space<hbm>>
    %dma_start3A_30 = tpu.memref_slice %arg11[%dma_start3A_20] : memref<3x!tpu.dma_semaphore, #tpu.memory_space<semaphore_mem>> -> memref<1x!tpu.dma_semaphore, #tpu.memory_space<semaphore_mem>>
    %dma_start3A_31 = tpu.memref_squeeze %dma_start3A_30 : memref<1x!tpu.dma_semaphore, #tpu.memory_space<semaphore_mem>> -> memref<!tpu.dma_semaphore, #tpu.memory_space<semaphore_mem>>
    tpu.enqueue_indirect_dma source(%dma_start3A_29 : memref<10112x128xf32, #tpu.memory_space<hbm>>) target(%dma_start3A_24 : memref<128x128xf32, #tpu.memory_space<vmem>>) offsets(%dma_start3A_26 : memref<128xi32, #tpu.memory_space<vmem>>) semaphore(%dma_start3A_31 : memref<!tpu.dma_semaphore, #tpu.memory_space<semaphore_mem>>)
    %dma_start3A_32 = arith.constant 0 : i32
    %dma_start3A_33 = arith.constant 0 : i32
    %dma_start3A_34 = arith.constant 0 : i32
    %dma_start3A_35 = arith.constant 0 : i32
    %dma_start3A_36 = tpu.memref_slice %arg9[%dma_start3A_32, %dma_start3A_34, %dma_start3A_35] : memref<2x128x128xf32, #tpu.memory_space<vmem>> -> memref<1x128x128xf32, #tpu.memory_space<vmem>>
    %dma_start3A_37 = tpu.memref_squeeze %dma_start3A_36 : memref<1x128x128xf32, #tpu.memory_space<vmem>> -> memref<128x128xf32, #tpu.memory_space<vmem>>
    %dma_start3A_38 = arith.constant 256 : i32
    %dma_start3A_39 = tpu.memref_slice %arg7[%dma_start3A_38] : memref<512xi32, #tpu.memory_space<vmem>> -> memref<128xi32, #tpu.memory_space<vmem>>
    %dma_start3A_40 = arith.constant 0 : i32
    %dma_start3A_41 = arith.constant 0 : i32
    %dma_start3A_42 = tpu.memref_slice %arg3[%dma_start3A_40, %dma_start3A_41] : memref<10112x128xf32, #tpu.memory_space<hbm>> -> memref<10112x128xf32, #tpu.memory_space<hbm>>
    %dma_start3A_43 = tpu.memref_slice %arg11[%dma_start3A_33] : memref<3x!tpu.dma_semaphore, #tpu.memory_space<semaphore_mem>> -> memref<1x!tpu.dma_semaphore, #tpu.memory_space<semaphore_mem>>
    %dma_start3A_44 = tpu.memref_squeeze %dma_start3A_43 : memref<1x!tpu.dma_semaphore, #tpu.memory_space<semaphore_mem>> -> memref<!tpu.dma_semaphore, #tpu.memory_space<semaphore_mem>>
    tpu.enqueue_indirect_dma source(%dma_start3A_42 : memref<10112x128xf32, #tpu.memory_space<hbm>>) target(%dma_start3A_37 : memref<128x128xf32, #tpu.memory_space<vmem>>) offsets(%dma_start3A_39 : memref<128xi32, #tpu.memory_space<vmem>>) semaphore(%dma_start3A_44 : memref<!tpu.dma_semaphore, #tpu.memory_space<semaphore_mem>>)
    %mul3A_45 = arith.constant 16 : i32
    %mul3A_46 = arith.muli %add3A_13, %mul3A_45 : i32
    %run_scoped3A = arith.constant 0 : i32
    "tpu.region"() ({
      %run_scoped3A_97 = tpu.sem_alloc : memref<!tpu.dma_semaphore, #tpu.memory_space<semaphore_mem>>
      %dma_start3A_98 = arith.constant 0 : i32
      %dma_start3A_99 = tpu.memref_slice %arg10[%run_scoped3A, %dma_start3A_98] : memref<2x2048xf32, #tpu.memory_space<vmem>> -> memref<1x2048xf32, #tpu.memory_space<vmem>>
      %dma_start3A_100 = tpu.memref_squeeze %dma_start3A_99 : memref<1x2048xf32, #tpu.memory_space<vmem>> -> memref<2048xf32, #tpu.memory_space<vmem>>
      %dma_start3A_101 = tpu.memref_slice %arg4[%mul3A_46] : memref<5177344xf32, #tpu.memory_space<hbm>> -> memref<2048xf32, #tpu.memory_space<hbm>>
      %dma_start3A_102 = arith.constant 0 : i32
      %dma_start3A_103 = tpu.memref_slice %arg10[%run_scoped3A, %dma_start3A_102] : memref<2x2048xf32, #tpu.memory_space<vmem>> -> memref<1x2048xf32, #tpu.memory_space<vmem>>
      %dma_start3A_104 = tpu.memref_squeeze %dma_start3A_103 : memref<1x2048xf32, #tpu.memory_space<vmem>> -> memref<2048xf32, #tpu.memory_space<vmem>>
      %dma_start3A_105 = tpu.memref_slice %arg4[%mul3A_46] : memref<5177344xf32, #tpu.memory_space<hbm>> -> memref<2048xf32, #tpu.memory_space<hbm>>
      tpu.enqueue_dma source(%dma_start3A_105 : memref<2048xf32, #tpu.memory_space<hbm>>) target(%dma_start3A_104 : memref<2048xf32, #tpu.memory_space<vmem>>) target_semaphore(%run_scoped3A_97 : memref<!tpu.dma_semaphore, #tpu.memory_space<semaphore_mem>>)
      %dma_wait3A_106 = arith.constant 0 : i32
      %dma_wait3A_107 = tpu.memref_slice %arg10[%run_scoped3A, %dma_wait3A_106] : memref<2x2048xf32, #tpu.memory_space<vmem>> -> memref<1x2048xf32, #tpu.memory_space<vmem>>
      %dma_wait3A_108 = tpu.memref_squeeze %dma_wait3A_107 : memref<1x2048xf32, #tpu.memory_space<vmem>> -> memref<2048xf32, #tpu.memory_space<vmem>>
      %dma_wait3A_109 = tpu.memref_slice %arg4[%mul3A_46] : memref<5177344xf32, #tpu.memory_space<hbm>> -> memref<2048xf32, #tpu.memory_space<hbm>>
      %dma_wait3A_110 = arith.constant 0 : i32
      %dma_wait3A_111 = tpu.memref_slice %arg10[%run_scoped3A, %dma_wait3A_110] : memref<2x2048xf32, #tpu.memory_space<vmem>> -> memref<1x2048xf32, #tpu.memory_space<vmem>>
      %dma_wait3A_112 = tpu.memref_squeeze %dma_wait3A_111 : memref<1x2048xf32, #tpu.memory_space<vmem>> -> memref<2048xf32, #tpu.memory_space<vmem>>
      %dma_wait3A_113 = tpu.memref_slice %arg4[%mul3A_46] : memref<5177344xf32, #tpu.memory_space<hbm>> -> memref<2048xf32, #tpu.memory_space<hbm>>
      tpu.wait_dma2 semaphore(%run_scoped3A_97 : memref<!tpu.dma_semaphore, #tpu.memory_space<semaphore_mem>>) src(%dma_wait3A_113 : memref<2048xf32, #tpu.memory_space<hbm>>) dst(%dma_wait3A_112 : memref<2048xf32, #tpu.memory_space<vmem>>)
      tpu.yield
    }) : () -> ()
    %dma_wait3A = arith.constant 0 : i32
    %dma_wait3A_47 = arith.constant 0 : i32
    %dma_wait3A_48 = arith.constant 0 : i32
    %dma_wait3A_49 = arith.constant 0 : i32
    %dma_wait3A_50 = tpu.memref_slice %arg8[%dma_wait3A, %dma_wait3A_48, %dma_wait3A_49] : memref<2x128x128xf32, #tpu.memory_space<vmem>> -> memref<1x128x128xf32, #tpu.memory_space<vmem>>
    %dma_wait3A_51 = tpu.memref_squeeze %dma_wait3A_50 : memref<1x128x128xf32, #tpu.memory_space<vmem>> -> memref<128x128xf32, #tpu.memory_space<vmem>>
    %dma_wait3A_52 = arith.constant 0 : i32
    %dma_wait3A_53 = tpu.memref_slice %arg7[%dma_wait3A_52] : memref<512xi32, #tpu.memory_space<vmem>> -> memref<128xi32, #tpu.memory_space<vmem>>
    %dma_wait3A_54 = arith.constant 0 : i32
    %dma_wait3A_55 = arith.constant 0 : i32
    %dma_wait3A_56 = tpu.memref_slice %arg2[%dma_wait3A_54, %dma_wait3A_55] : memref<10112x128xf32, #tpu.memory_space<hbm>> -> memref<10112x128xf32, #tpu.memory_space<hbm>>
    %dma_wait3A_57 = tpu.memref_slice %arg11[%dma_wait3A_47] : memref<3x!tpu.dma_semaphore, #tpu.memory_space<semaphore_mem>> -> memref<1x!tpu.dma_semaphore, #tpu.memory_space<semaphore_mem>>
    %dma_wait3A_58 = tpu.memref_squeeze %dma_wait3A_57 : memref<1x!tpu.dma_semaphore, #tpu.memory_space<semaphore_mem>> -> memref<!tpu.dma_semaphore, #tpu.memory_space<semaphore_mem>>
    tpu.wait_indirect_dma semaphore(%dma_wait3A_58 : memref<!tpu.dma_semaphore, #tpu.memory_space<semaphore_mem>>) src(%dma_wait3A_56 : memref<10112x128xf32, #tpu.memory_space<hbm>>) dst(%dma_wait3A_51 : memref<128x128xf32, #tpu.memory_space<vmem>>)
    %dma_wait3A_59 = arith.constant 0 : i32
    %dma_wait3A_60 = arith.constant 0 : i32
    %dma_wait3A_61 = arith.constant 0 : i32
    %dma_wait3A_62 = arith.constant 0 : i32
    %dma_wait3A_63 = tpu.memref_slice %arg9[%dma_wait3A_59, %dma_wait3A_61, %dma_wait3A_62] : memref<2x128x128xf32, #tpu.memory_space<vmem>> -> memref<1x128x128xf32, #tpu.memory_space<vmem>>
    %dma_wait3A_64 = tpu.memref_squeeze %dma_wait3A_63 : memref<1x128x128xf32, #tpu.memory_space<vmem>> -> memref<128x128xf32, #tpu.memory_space<vmem>>
    %dma_wait3A_65 = arith.constant 256 : i32
    %dma_wait3A_66 = tpu.memref_slice %arg7[%dma_wait3A_65] : memref<512xi32, #tpu.memory_space<vmem>> -> memref<128xi32, #tpu.memory_space<vmem>>
    %dma_wait3A_67 = arith.constant 0 : i32
    %dma_wait3A_68 = arith.constant 0 : i32
    %dma_wait3A_69 = tpu.memref_slice %arg3[%dma_wait3A_67, %dma_wait3A_68] : memref<10112x128xf32, #tpu.memory_space<hbm>> -> memref<10112x128xf32, #tpu.memory_space<hbm>>
    %dma_wait3A_70 = tpu.memref_slice %arg11[%dma_wait3A_60] : memref<3x!tpu.dma_semaphore, #tpu.memory_space<semaphore_mem>> -> memref<1x!tpu.dma_semaphore, #tpu.memory_space<semaphore_mem>>
    %dma_wait3A_71 = tpu.memref_squeeze %dma_wait3A_70 : memref<1x!tpu.dma_semaphore, #tpu.memory_space<semaphore_mem>> -> memref<!tpu.dma_semaphore, #tpu.memory_space<semaphore_mem>>
    tpu.wait_indirect_dma semaphore(%dma_wait3A_71 : memref<!tpu.dma_semaphore, #tpu.memory_space<semaphore_mem>>) src(%dma_wait3A_69 : memref<10112x128xf32, #tpu.memory_space<hbm>>) dst(%dma_wait3A_64 : memref<128x128xf32, #tpu.memory_space<vmem>>)
    %scan3A_72 = arith.constant 0 : i32
    %scan3A_73 = arith.constant 0 : i32
    %scan3A_74 = arith.constant 128 : i32
    %scan3A_75 = arith.addi %scan3A_73, %scan3A_74 : i32
    %scan3A_76 = arith.constant 1 : i32
    scf.for %scan3A_97 = %scan3A_73 to %scan3A_75 step %scan3A_76  : i32 {
      %mul3A_98 = arith.constant 16 : i32
      %mul3A_99 = arith.muli %scan3A_97, %mul3A_98 : i32
      %get3A = arith.constant 0 : i32
      %get3A_100 = arith.index_cast %get3A : i32 to index
      %get3A_101 = arith.index_cast %mul3A_99 : i32 to index
      %get3A_102 = tpu.vector_load %arg10[%get3A_100, %get3A_101] {strides = array<i32>} : memref<2x2048xf32, #tpu.memory_space<vmem>>, vector<16xf32>,
      %get3A_103 = arith.constant 0 : i32
      %get3A_104 = arith.index_cast %get3A_103 : i32 to index
      %get3A_105 = arith.index_cast %scan3A_97 : i32 to index
      %get3A_106 = arith.constant 0 : index
      %get3A_107 = tpu.vector_load %arg8[%get3A_104, %get3A_105, %get3A_106] {strides = array<i32>} : memref<2x128x128xf32, #tpu.memory_space<vmem>>, vector<16xf32>,
      %add3A_108 = arith.addf %get3A_102, %get3A_107 : vector<16xf32>
      %get3A_109 = arith.constant 0 : i32
      %get3A_110 = arith.index_cast %get3A_109 : i32 to index
      %get3A_111 = arith.index_cast %scan3A_97 : i32 to index
      %get3A_112 = arith.constant 0 : index
      %get3A_113 = tpu.vector_load %arg9[%get3A_110, %get3A_111, %get3A_112] {strides = array<i32>} : memref<2x128x128xf32, #tpu.memory_space<vmem>>, vector<16xf32>,
      %add3A_114 = arith.addf %add3A_108, %get3A_113 : vector<16xf32>
      %swap3A = arith.constant 0 : i32
      %swap3A_115 = arith.index_cast %swap3A : i32 to index
      %swap3A_116 = arith.index_cast %mul3A_99 : i32 to index
      %swap3A_117 = tpu.vector_load %arg10[%swap3A_115, %swap3A_116] {strides = array<i32>} : memref<2x2048xf32, #tpu.memory_space<vmem>>, vector<16xf32>,
      tpu.vector_store %arg10[%swap3A_115, %swap3A_116], %add3A_114 {strides = array<i32>} : memref<2x2048xf32, #tpu.memory_space<vmem>>, vector<16xf32>,
    }
    %scan3A_77 = arith.constant 128 : i32
    %lt3A_78 = arith.constant 320000 : i32
    %lt3A_79 = arith.cmpi slt, %add3A_13, %lt3A_78 : i32
    %convert_element_type3A_80 = arith.extui %lt3A_79 : i1 to i32
    %cond3A_81 = arith.constant 0 : i32
    %cond3A_82 = arith.cmpi ne, %convert_element_type3A_80, %cond3A_81 : i32
    scf.if %cond3A_82 {
      %dma_start3A_97 = arith.constant 0 : i32
      %dma_start3A_98 = arith.constant 1 : i32
      %dma_start3A_99 = arith.constant 0 : i32
      %dma_start3A_100 = tpu.memref_slice %arg10[%dma_start3A_97, %dma_start3A_99] : memref<2x2048xf32, #tpu.memory_space<vmem>> -> memref<1x2048xf32, #tpu.memory_space<vmem>>
      %dma_start3A_101 = tpu.memref_squeeze %dma_start3A_100 : memref<1x2048xf32, #tpu.memory_space<vmem>> -> memref<2048xf32, #tpu.memory_space<vmem>>
      %dma_start3A_102 = tpu.memref_slice %arg6[%mul3A_15] : memref<5120000xf32, #tpu.memory_space<hbm>> -> memref<2048xf32, #tpu.memory_space<hbm>>
      %dma_start3A_103 = tpu.memref_slice %arg11[%dma_start3A_98] : memref<3x!tpu.dma_semaphore, #tpu.memory_space<semaphore_mem>> -> memref<1x!tpu.dma_semaphore, #tpu.memory_space<semaphore_mem>>
      %dma_start3A_104 = tpu.memref_squeeze %dma_start3A_103 : memref<1x!tpu.dma_semaphore, #tpu.memory_space<semaphore_mem>> -> memref<!tpu.dma_semaphore, #tpu.memory_space<semaphore_mem>>
      %dma_start3A_105 = tpu.memref_slice %arg6[%mul3A_15] : memref<5120000xf32, #tpu.memory_space<hbm>> -> memref<2048xf32, #tpu.memory_space<hbm>>
      %dma_start3A_106 = arith.constant 0 : i32
      %dma_start3A_107 = tpu.memref_slice %arg10[%dma_start3A_97, %dma_start3A_106] : memref<2x2048xf32, #tpu.memory_space<vmem>> -> memref<1x2048xf32, #tpu.memory_space<vmem>>
      %dma_start3A_108 = tpu.memref_squeeze %dma_start3A_107 : memref<1x2048xf32, #tpu.memory_space<vmem>> -> memref<2048xf32, #tpu.memory_space<vmem>>
      tpu.enqueue_dma source(%dma_start3A_108 : memref<2048xf32, #tpu.memory_space<vmem>>) target(%dma_start3A_105 : memref<2048xf32, #tpu.memory_space<hbm>>) target_semaphore(%dma_start3A_104 : memref<!tpu.dma_semaphore, #tpu.memory_space<semaphore_mem>>)
    } else {
    }
    %add3A_83 = arith.constant 9984 : i32
    %add3A_84 = arith.addi %mul3A_2, %add3A_83 : i32
    %lt3A_85 = arith.constant 320000 : i32
    %lt3A_86 = arith.cmpi slt, %add3A_84, %lt3A_85 : i32
    %convert_element_type3A_87 = arith.extui %lt3A_86 : i1 to i32
    %cond3A_88 = arith.constant 0 : i32
    %cond3A_89 = arith.cmpi ne, %convert_element_type3A_87, %cond3A_88 : i32
    scf.if %cond3A_89 {
      %dma_wait3A_97 = arith.constant 0 : i32
      %dma_wait3A_98 = arith.constant 1 : i32
      %dma_wait3A_99 = arith.constant 0 : i32
      %dma_wait3A_100 = tpu.memref_slice %arg10[%dma_wait3A_97, %dma_wait3A_99] : memref<2x2048xf32, #tpu.memory_space<vmem>> -> memref<1x2048xf32, #tpu.memory_space<vmem>>
      %dma_wait3A_101 = tpu.memref_squeeze %dma_wait3A_100 : memref<1x2048xf32, #tpu.memory_space<vmem>> -> memref<2048xf32, #tpu.memory_space<vmem>>
      %dma_wait3A_102 = arith.constant 0 : i32
      %dma_wait3A_103 = tpu.memref_slice %arg6[%dma_wait3A_102] : memref<5120000xf32, #tpu.memory_space<hbm>> -> memref<2048xf32, #tpu.memory_space<hbm>>
      %dma_wait3A_104 = tpu.memref_slice %arg11[%dma_wait3A_98] : memref<3x!tpu.dma_semaphore, #tpu.memory_space<semaphore_mem>> -> memref<1x!tpu.dma_semaphore, #tpu.memory_space<semaphore_mem>>
      %dma_wait3A_105 = tpu.memref_squeeze %dma_wait3A_104 : memref<1x!tpu.dma_semaphore, #tpu.memory_space<semaphore_mem>> -> memref<!tpu.dma_semaphore, #tpu.memory_space<semaphore_mem>>
      %dma_wait3A_106 = arith.constant 0 : i32
      %dma_wait3A_107 = tpu.memref_slice %arg6[%dma_wait3A_106] : memref<5120000xf32, #tpu.memory_space<hbm>> -> memref<2048xf32, #tpu.memory_space<hbm>>
      %dma_wait3A_108 = arith.constant 0 : i32
      %dma_wait3A_109 = tpu.memref_slice %arg10[%dma_wait3A_97, %dma_wait3A_108] : memref<2x2048xf32, #tpu.memory_space<vmem>> -> memref<1x2048xf32, #tpu.memory_space<vmem>>
      %dma_wait3A_110 = tpu.memref_squeeze %dma_wait3A_109 : memref<1x2048xf32, #tpu.memory_space<vmem>> -> memref<2048xf32, #tpu.memory_space<vmem>>
      tpu.wait_dma2 semaphore(%dma_wait3A_105 : memref<!tpu.dma_semaphore, #tpu.memory_space<semaphore_mem>>) src(%dma_wait3A_110 : memref<2048xf32, #tpu.memory_space<vmem>>) dst(%dma_wait3A_107 : memref<2048xf32, #tpu.memory_space<hbm>>)
    } else {
    }
    %add3A_90 = arith.constant 9856 : i32
    %add3A_91 = arith.addi %mul3A_2, %add3A_90 : i32
    %lt3A_92 = arith.constant 320000 : i32
    %lt3A_93 = arith.cmpi slt, %add3A_91, %lt3A_92 : i32
    %convert_element_type3A_94 = arith.extui %lt3A_93 : i1 to i32
    %cond3A_95 = arith.constant 0 : i32
    %cond3A_96 = arith.cmpi ne, %convert_element_type3A_94, %cond3A_95 : i32
    scf.if %cond3A_96 {
      %dma_wait3A_97 = arith.constant 1 : i32
      %dma_wait3A_98 = arith.constant 2 : i32
      %dma_wait3A_99 = arith.constant 0 : i32
      %dma_wait3A_100 = tpu.memref_slice %arg10[%dma_wait3A_97, %dma_wait3A_99] : memref<2x2048xf32, #tpu.memory_space<vmem>> -> memref<1x2048xf32, #tpu.memory_space<vmem>>
      %dma_wait3A_101 = tpu.memref_squeeze %dma_wait3A_100 : memref<1x2048xf32, #tpu.memory_space<vmem>> -> memref<2048xf32, #tpu.memory_space<vmem>>
      %dma_wait3A_102 = arith.constant 0 : i32
      %dma_wait3A_103 = tpu.memref_slice %arg6[%dma_wait3A_102] : memref<5120000xf32, #tpu.memory_space<hbm>> -> memref<2048xf32, #tpu.memory_space<hbm>>
      %dma_wait3A_104 = tpu.memref_slice %arg11[%dma_wait3A_98] : memref<3x!tpu.dma_semaphore, #tpu.memory_space<semaphore_mem>> -> memref<1x!tpu.dma_semaphore, #tpu.memory_space<semaphore_mem>>
      %dma_wait3A_105 = tpu.memref_squeeze %dma_wait3A_104 : memref<1x!tpu.dma_semaphore, #tpu.memory_space<semaphore_mem>> -> memref<!tpu.dma_semaphore, #tpu.memory_space<semaphore_mem>>
      %dma_wait3A_106 = arith.constant 0 : i32
      %dma_wait3A_107 = tpu.memref_slice %arg6[%dma_wait3A_106] : memref<5120000xf32, #tpu.memory_space<hbm>> -> memref<2048xf32, #tpu.memory_space<hbm>>
      %dma_wait3A_108 = arith.constant 0 : i32
      %dma_wait3A_109 = tpu.memref_slice %arg10[%dma_wait3A_97, %dma_wait3A_108] : memref<2x2048xf32, #tpu.memory_space<vmem>> -> memref<1x2048xf32, #tpu.memory_space<vmem>>
      %dma_wait3A_110 = tpu.memref_squeeze %dma_wait3A_109 : memref<1x2048xf32, #tpu.memory_space<vmem>> -> memref<2048xf32, #tpu.memory_space<vmem>>
      tpu.wait_dma2 semaphore(%dma_wait3A_105 : memref<!tpu.dma_semaphore, #tpu.memory_space<semaphore_mem>>) src(%dma_wait3A_110 : memref<2048xf32, #tpu.memory_space<vmem>>) dst(%dma_wait3A_107 : memref<2048xf32, #tpu.memory_space<hbm>>)
    } else {
    }
    return
  }
}

#map = affine_map<(d0, d1) -> (0, 0)>
#map1 = affine_map<(d0, d1) -> (0)>
module attributes {stable_mosaic.version = 14 : i64} {
  func.func @_sc1_body(%arg0: i32, %arg1: i32, %arg2: memref<20000x128xf32, #tpu.memory_space<hbm>>, %arg3: memref<323584x128xf32, #tpu.memory_space<hbm>>, %arg4: memref<1294336xi32, #tpu.memory_space<hbm>>, %arg5: memref<20224x128xf32, #tpu.memory_space<hbm>>, %arg6: memref<323584xf32, #tpu.memory_space<hbm>>, %arg7: memref<4x128xi32, #tpu.memory_space<vmem>>, %arg8: memref<256xi32, #tpu.memory_space<vmem>>, %arg9: memref<2x128x128xf32, #tpu.memory_space<vmem>>, %arg10: memref<32x128xf32, #tpu.memory_space<vmem>>, %arg11: memref<10112x128xf32, #tpu.memory_space<vmem_shared>>, %arg12: memref<10112xf32, #tpu.memory_space<vmem>>, %arg13: memref<3x!tpu.dma_semaphore, #tpu.memory_space<semaphore_mem>>) attributes {dimension_semantics = [#tpu.dimension_semantics<core_parallel>, #tpu.dimension_semantics<subcore_parallel>], iteration_bounds = array<i64: 2, 16>, scalar_prefetch = 0 : i64, scratch_operands = 7 : i64, tpu.core_type = #tpu.core_type<sc_vector_subcore>, window_params = [{transform_indices = #map}, {transform_indices = #map}, {transform_indices = #map1}, {transform_indices = #map}, {transform_indices = #map1}]} {
    %scan3A = arith.constant 0 : i32
    %scan3A_0 = arith.constant 0 : i32
    %scan3A_1 = arith.constant 128 : i32
    %scan3A_2 = arith.addi %scan3A_0, %scan3A_1 : i32
    %scan3A_3 = arith.constant 1 : i32
    scf.for %scan3A_111 = %scan3A_0 to %scan3A_2 step %scan3A_3  : i32 {
      %broadcast_in_dim3A = arith.constant 0.000000e+00 : f32
      %broadcast_in_dim3A_112 = vector.broadcast %broadcast_in_dim3A : f32 to vector<16xf32>
      %swap3A = arith.constant 0 : i32
      %swap3A_113 = arith.index_cast %swap3A : i32 to index
      %swap3A_114 = arith.index_cast %scan3A_111 : i32 to index
      %swap3A_115 = arith.constant 0 : index
      %swap3A_116 = tpu.vector_load %arg9[%swap3A_113, %swap3A_114, %swap3A_115] {strides = array<i32>} : memref<2x128x128xf32, #tpu.memory_space<vmem>>, vector<16xf32>,
      tpu.vector_store %arg9[%swap3A_113, %swap3A_114, %swap3A_115], %broadcast_in_dim3A_112 {strides = array<i32>} : memref<2x128x128xf32, #tpu.memory_space<vmem>>, vector<16xf32>,
      %broadcast_in_dim3A_117 = arith.constant 0.000000e+00 : f32
      %broadcast_in_dim3A_118 = vector.broadcast %broadcast_in_dim3A_117 : f32 to vector<16xf32>
      %swap3A_119 = arith.constant 0 : i32
      %swap3A_120 = arith.index_cast %swap3A_119 : i32 to index
      %swap3A_121 = arith.index_cast %scan3A_111 : i32 to index
      %swap3A_122 = arith.constant 16 : index
      %swap3A_123 = tpu.vector_load %arg9[%swap3A_120, %swap3A_121, %swap3A_122] {strides = array<i32>} : memref<2x128x128xf32, #tpu.memory_space<vmem>>, vector<16xf32>,
      tpu.vector_store %arg9[%swap3A_120, %swap3A_121, %swap3A_122], %broadcast_in_dim3A_118 {strides = array<i32>} : memref<2x128x128xf32, #tpu.memory_space<vmem>>, vector<16xf32>,
      %broadcast_in_dim3A_124 = arith.constant 0.000000e+00 : f32
      %broadcast_in_dim3A_125 = vector.broadcast %broadcast_in_dim3A_124 : f32 to vector<16xf32>
      %swap3A_126 = arith.constant 0 : i32
      %swap3A_127 = arith.index_cast %swap3A_126 : i32 to index
      %swap3A_128 = arith.index_cast %scan3A_111 : i32 to index
      %swap3A_129 = arith.constant 32 : index
      %swap3A_130 = tpu.vector_load %arg9[%swap3A_127, %swap3A_128, %swap3A_129] {strides = array<i32>} : memref<2x128x128xf32, #tpu.memory_space<vmem>>, vector<16xf32>,
      tpu.vector_store %arg9[%swap3A_127, %swap3A_128, %swap3A_129], %broadcast_in_dim3A_125 {strides = array<i32>} : memref<2x128x128xf32, #tpu.memory_space<vmem>>, vector<16xf32>,
      %broadcast_in_dim3A_131 = arith.constant 0.000000e+00 : f32
      %broadcast_in_dim3A_132 = vector.broadcast %broadcast_in_dim3A_131 : f32 to vector<16xf32>
      %swap3A_133 = arith.constant 0 : i32
      %swap3A_134 = arith.index_cast %swap3A_133 : i32 to index
      %swap3A_135 = arith.index_cast %scan3A_111 : i32 to index
      %swap3A_136 = arith.constant 48 : index
      %swap3A_137 = tpu.vector_load %arg9[%swap3A_134, %swap3A_135, %swap3A_136] {strides = array<i32>} : memref<2x128x128xf32, #tpu.memory_space<vmem>>, vector<16xf32>,
      tpu.vector_store %arg9[%swap3A_134, %swap3A_135, %swap3A_136], %broadcast_in_dim3A_132 {strides = array<i32>} : memref<2x128x128xf32, #tpu.memory_space<vmem>>, vector<16xf32>,
      %broadcast_in_dim3A_138 = arith.constant 0.000000e+00 : f32
      %broadcast_in_dim3A_139 = vector.broadcast %broadcast_in_dim3A_138 : f32 to vector<16xf32>
      %swap3A_140 = arith.constant 0 : i32
      %swap3A_141 = arith.index_cast %swap3A_140 : i32 to index
      %swap3A_142 = arith.index_cast %scan3A_111 : i32 to index
      %swap3A_143 = arith.constant 64 : index
      %swap3A_144 = tpu.vector_load %arg9[%swap3A_141, %swap3A_142, %swap3A_143] {strides = array<i32>} : memref<2x128x128xf32, #tpu.memory_space<vmem>>, vector<16xf32>,
      tpu.vector_store %arg9[%swap3A_141, %swap3A_142, %swap3A_143], %broadcast_in_dim3A_139 {strides = array<i32>} : memref<2x128x128xf32, #tpu.memory_space<vmem>>, vector<16xf32>,
      %broadcast_in_dim3A_145 = arith.constant 0.000000e+00 : f32
      %broadcast_in_dim3A_146 = vector.broadcast %broadcast_in_dim3A_145 : f32 to vector<16xf32>
      %swap3A_147 = arith.constant 0 : i32
      %swap3A_148 = arith.index_cast %swap3A_147 : i32 to index
      %swap3A_149 = arith.index_cast %scan3A_111 : i32 to index
      %swap3A_150 = arith.constant 80 : index
      %swap3A_151 = tpu.vector_load %arg9[%swap3A_148, %swap3A_149, %swap3A_150] {strides = array<i32>} : memref<2x128x128xf32, #tpu.memory_space<vmem>>, vector<16xf32>,
      tpu.vector_store %arg9[%swap3A_148, %swap3A_149, %swap3A_150], %broadcast_in_dim3A_146 {strides = array<i32>} : memref<2x128x128xf32, #tpu.memory_space<vmem>>, vector<16xf32>,
      %broadcast_in_dim3A_152 = arith.constant 0.000000e+00 : f32
      %broadcast_in_dim3A_153 = vector.broadcast %broadcast_in_dim3A_152 : f32 to vector<16xf32>
      %swap3A_154 = arith.constant 0 : i32
      %swap3A_155 = arith.index_cast %swap3A_154 : i32 to index
      %swap3A_156 = arith.index_cast %scan3A_111 : i32 to index
      %swap3A_157 = arith.constant 96 : index
      %swap3A_158 = tpu.vector_load %arg9[%swap3A_155, %swap3A_156, %swap3A_157] {strides = array<i32>} : memref<2x128x128xf32, #tpu.memory_space<vmem>>, vector<16xf32>,
      tpu.vector_store %arg9[%swap3A_155, %swap3A_156, %swap3A_157], %broadcast_in_dim3A_153 {strides = array<i32>} : memref<2x128x128xf32, #tpu.memory_space<vmem>>, vector<16xf32>,
      %broadcast_in_dim3A_159 = arith.constant 0.000000e+00 : f32
      %broadcast_in_dim3A_160 = vector.broadcast %broadcast_in_dim3A_159 : f32 to vector<16xf32>
      %swap3A_161 = arith.constant 0 : i32
      %swap3A_162 = arith.index_cast %swap3A_161 : i32 to index
      %swap3A_163 = arith.index_cast %scan3A_111 : i32 to index
      %swap3A_164 = arith.constant 112 : index
      %swap3A_165 = tpu.vector_load %arg9[%swap3A_162, %swap3A_163, %swap3A_164] {strides = array<i32>} : memref<2x128x128xf32, #tpu.memory_space<vmem>>, vector<16xf32>,
      tpu.vector_store %arg9[%swap3A_162, %swap3A_163, %swap3A_164], %broadcast_in_dim3A_160 {strides = array<i32>} : memref<2x128x128xf32, #tpu.memory_space<vmem>>, vector<16xf32>,
    }
    %scan3A_4 = arith.constant 128 : i32
    %scan3A_5 = arith.constant 0 : i32
    %scan3A_6 = arith.constant 0 : i32
    %scan3A_7 = arith.constant 632 : i32
    %scan3A_8 = arith.addi %scan3A_6, %scan3A_7 : i32
    %scan3A_9 = arith.constant 1 : i32
    scf.for %scan3A_111 = %scan3A_6 to %scan3A_8 step %scan3A_9  : i32 {
      %broadcast_in_dim3A = arith.constant 0.000000e+00 : f32
      %broadcast_in_dim3A_112 = vector.broadcast %broadcast_in_dim3A : f32 to vector<16xf32>
      %mul3A_113 = arith.constant 16 : i32
      %mul3A_114 = arith.muli %scan3A_111, %mul3A_113 : i32
      %swap3A = arith.index_cast %mul3A_114 : i32 to index
      %swap3A_115 = tpu.vector_load %arg12[%swap3A] {strides = array<i32>} : memref<10112xf32, #tpu.memory_space<vmem>>, vector<16xf32>,
      tpu.vector_store %arg12[%swap3A], %broadcast_in_dim3A_112 {strides = array<i32>} : memref<10112xf32, #tpu.memory_space<vmem>>, vector<16xf32>,
    }
    %scan3A_10 = arith.constant 632 : i32
    %mul3A = arith.constant 632 : i32
    %mul3A_11 = arith.muli %arg1, %mul3A : i32
    %add3A = arith.constant 0 : i32
    %add3A_12 = arith.addi %mul3A_11, %add3A : i32
    %run_scoped3A = arith.constant 0 : i32
    "tpu.region"() ({
      %run_scoped3A_111 = tpu.sem_alloc : memref<!tpu.dma_semaphore, #tpu.memory_space<semaphore_mem>>
      %dma_start3A = arith.constant 0 : i32
      %dma_start3A_112 = arith.constant 0 : i32
      %dma_start3A_113 = tpu.memref_slice %arg9[%run_scoped3A, %dma_start3A, %dma_start3A_112] : memref<2x128x128xf32, #tpu.memory_space<vmem>> -> memref<1x128x128xf32, #tpu.memory_space<vmem>>
      %dma_start3A_114 = tpu.memref_squeeze %dma_start3A_113 : memref<1x128x128xf32, #tpu.memory_space<vmem>> -> memref<128x128xf32, #tpu.memory_space<vmem>>
      %dma_start3A_115 = arith.constant 0 : i32
      %dma_start3A_116 = tpu.memref_slice %arg11[%add3A_12, %dma_start3A_115] : memref<10112x128xf32, #tpu.memory_space<vmem_shared>> -> memref<128x128xf32, #tpu.memory_space<vmem_shared>>
      %dma_start3A_117 = arith.constant 0 : i32
      %dma_start3A_118 = tpu.memref_slice %arg11[%add3A_12, %dma_start3A_117] : memref<10112x128xf32, #tpu.memory_space<vmem_shared>> -> memref<128x128xf32, #tpu.memory_space<vmem_shared>>
      %dma_start3A_119 = arith.constant 0 : i32
      %dma_start3A_120 = arith.constant 0 : i32
      %dma_start3A_121 = tpu.memref_slice %arg9[%run_scoped3A, %dma_start3A_119, %dma_start3A_120] : memref<2x128x128xf32, #tpu.memory_space<vmem>> -> memref<1x128x128xf32, #tpu.memory_space<vmem>>
      %dma_start3A_122 = tpu.memref_squeeze %dma_start3A_121 : memref<1x128x128xf32, #tpu.memory_space<vmem>> -> memref<128x128xf32, #tpu.memory_space<vmem>>
      tpu.enqueue_dma source(%dma_start3A_122 : memref<128x128xf32, #tpu.memory_space<vmem>>) target(%dma_start3A_118 : memref<128x128xf32, #tpu.memory_space<vmem_shared>>) target_semaphore(%run_scoped3A_111 : memref<!tpu.dma_semaphore, #tpu.memory_space<semaphore_mem>>)
      %dma_wait3A_123 = arith.constant 0 : i32
      %dma_wait3A_124 = arith.constant 0 : i32
      %dma_wait3A_125 = tpu.memref_slice %arg9[%run_scoped3A, %dma_wait3A_123, %dma_wait3A_124] : memref<2x128x128xf32, #tpu.memory_space<vmem>> -> memref<1x128x128xf32, #tpu.memory_space<vmem>>
      %dma_wait3A_126 = tpu.memref_squeeze %dma_wait3A_125 : memref<1x128x128xf32, #tpu.memory_space<vmem>> -> memref<128x128xf32, #tpu.memory_space<vmem>>
      %dma_wait3A_127 = arith.constant 0 : i32
      %dma_wait3A_128 = tpu.memref_slice %arg11[%add3A_12, %dma_wait3A_127] : memref<10112x128xf32, #tpu.memory_space<vmem_shared>> -> memref<128x128xf32, #tpu.memory_space<vmem_shared>>
      %dma_wait3A_129 = arith.constant 0 : i32
      %dma_wait3A_130 = tpu.memref_slice %arg11[%add3A_12, %dma_wait3A_129] : memref<10112x128xf32, #tpu.memory_space<vmem_shared>> -> memref<128x128xf32, #tpu.memory_space<vmem_shared>>
      %dma_wait3A_131 = arith.constant 0 : i32
      %dma_wait3A_132 = arith.constant 0 : i32
      %dma_wait3A_133 = tpu.memref_slice %arg9[%run_scoped3A, %dma_wait3A_131, %dma_wait3A_132] : memref<2x128x128xf32, #tpu.memory_space<vmem>> -> memref<1x128x128xf32, #tpu.memory_space<vmem>>
      %dma_wait3A_134 = tpu.memref_squeeze %dma_wait3A_133 : memref<1x128x128xf32, #tpu.memory_space<vmem>> -> memref<128x128xf32, #tpu.memory_space<vmem>>
      tpu.wait_dma2 semaphore(%run_scoped3A_111 : memref<!tpu.dma_semaphore, #tpu.memory_space<semaphore_mem>>) src(%dma_wait3A_134 : memref<128x128xf32, #tpu.memory_space<vmem>>) dst(%dma_wait3A_130 : memref<128x128xf32, #tpu.memory_space<vmem_shared>>)
      tpu.yield
    }) : () -> ()
    %add3A_13 = arith.constant 128 : i32
    %add3A_14 = arith.addi %mul3A_11, %add3A_13 : i32
    %run_scoped3A_15 = arith.constant 0 : i32
    "tpu.region"() ({
      %run_scoped3A_111 = tpu.sem_alloc : memref<!tpu.dma_semaphore, #tpu.memory_space<semaphore_mem>>
      %dma_start3A = arith.constant 0 : i32
      %dma_start3A_112 = arith.constant 0 : i32
      %dma_start3A_113 = tpu.memref_slice %arg9[%run_scoped3A_15, %dma_start3A, %dma_start3A_112] : memref<2x128x128xf32, #tpu.memory_space<vmem>> -> memref<1x128x128xf32, #tpu.memory_space<vmem>>
      %dma_start3A_114 = tpu.memref_squeeze %dma_start3A_113 : memref<1x128x128xf32, #tpu.memory_space<vmem>> -> memref<128x128xf32, #tpu.memory_space<vmem>>
      %dma_start3A_115 = arith.constant 0 : i32
      %dma_start3A_116 = tpu.memref_slice %arg11[%add3A_14, %dma_start3A_115] : memref<10112x128xf32, #tpu.memory_space<vmem_shared>> -> memref<128x128xf32, #tpu.memory_space<vmem_shared>>
      %dma_start3A_117 = arith.constant 0 : i32
      %dma_start3A_118 = tpu.memref_slice %arg11[%add3A_14, %dma_start3A_117] : memref<10112x128xf32, #tpu.memory_space<vmem_shared>> -> memref<128x128xf32, #tpu.memory_space<vmem_shared>>
      %dma_start3A_119 = arith.constant 0 : i32
      %dma_start3A_120 = arith.constant 0 : i32
      %dma_start3A_121 = tpu.memref_slice %arg9[%run_scoped3A_15, %dma_start3A_119, %dma_start3A_120] : memref<2x128x128xf32, #tpu.memory_space<vmem>> -> memref<1x128x128xf32, #tpu.memory_space<vmem>>
      %dma_start3A_122 = tpu.memref_squeeze %dma_start3A_121 : memref<1x128x128xf32, #tpu.memory_space<vmem>> -> memref<128x128xf32, #tpu.memory_space<vmem>>
      tpu.enqueue_dma source(%dma_start3A_122 : memref<128x128xf32, #tpu.memory_space<vmem>>) target(%dma_start3A_118 : memref<128x128xf32, #tpu.memory_space<vmem_shared>>) target_semaphore(%run_scoped3A_111 : memref<!tpu.dma_semaphore, #tpu.memory_space<semaphore_mem>>)
      %dma_wait3A_123 = arith.constant 0 : i32
      %dma_wait3A_124 = arith.constant 0 : i32
      %dma_wait3A_125 = tpu.memref_slice %arg9[%run_scoped3A_15, %dma_wait3A_123, %dma_wait3A_124] : memref<2x128x128xf32, #tpu.memory_space<vmem>> -> memref<1x128x128xf32, #tpu.memory_space<vmem>>
      %dma_wait3A_126 = tpu.memref_squeeze %dma_wait3A_125 : memref<1x128x128xf32, #tpu.memory_space<vmem>> -> memref<128x128xf32, #tpu.memory_space<vmem>>
      %dma_wait3A_127 = arith.constant 0 : i32
      %dma_wait3A_128 = tpu.memref_slice %arg11[%add3A_14, %dma_wait3A_127] : memref<10112x128xf32, #tpu.memory_space<vmem_shared>> -> memref<128x128xf32, #tpu.memory_space<vmem_shared>>
      %dma_wait3A_129 = arith.constant 0 : i32
      %dma_wait3A_130 = tpu.memref_slice %arg11[%add3A_14, %dma_wait3A_129] : memref<10112x128xf32, #tpu.memory_space<vmem_shared>> -> memref<128x128xf32, #tpu.memory_space<vmem_shared>>
      %dma_wait3A_131 = arith.constant 0 : i32
      %dma_wait3A_132 = arith.constant 0 : i32
      %dma_wait3A_133 = tpu.memref_slice %arg9[%run_scoped3A_15, %dma_wait3A_131, %dma_wait3A_132] : memref<2x128x128xf32, #tpu.memory_space<vmem>> -> memref<1x128x128xf32, #tpu.memory_space<vmem>>
      %dma_wait3A_134 = tpu.memref_squeeze %dma_wait3A_133 : memref<1x128x128xf32, #tpu.memory_space<vmem>> -> memref<128x128xf32, #tpu.memory_space<vmem>>
      tpu.wait_dma2 semaphore(%run_scoped3A_111 : memref<!tpu.dma_semaphore, #tpu.memory_space<semaphore_mem>>) src(%dma_wait3A_134 : memref<128x128xf32, #tpu.memory_space<vmem>>) dst(%dma_wait3A_130 : memref<128x128xf32, #tpu.memory_space<vmem_shared>>)
      tpu.yield
    }) : () -> ()
    %add3A_16 = arith.constant 256 : i32
    %add3A_17 = arith.addi %mul3A_11, %add3A_16 : i32
    %run_scoped3A_18 = arith.constant 0 : i32
    "tpu.region"() ({
      %run_scoped3A_111 = tpu.sem_alloc : memref<!tpu.dma_semaphore, #tpu.memory_space<semaphore_mem>>
      %dma_start3A = arith.constant 0 : i32
      %dma_start3A_112 = arith.constant 0 : i32
      %dma_start3A_113 = tpu.memref_slice %arg9[%run_scoped3A_18, %dma_start3A, %dma_start3A_112] : memref<2x128x128xf32, #tpu.memory_space<vmem>> -> memref<1x128x128xf32, #tpu.memory_space<vmem>>
      %dma_start3A_114 = tpu.memref_squeeze %dma_start3A_113 : memref<1x128x128xf32, #tpu.memory_space<vmem>> -> memref<128x128xf32, #tpu.memory_space<vmem>>
      %dma_start3A_115 = arith.constant 0 : i32
      %dma_start3A_116 = tpu.memref_slice %arg11[%add3A_17, %dma_start3A_115] : memref<10112x128xf32, #tpu.memory_space<vmem_shared>> -> memref<128x128xf32, #tpu.memory_space<vmem_shared>>
      %dma_start3A_117 = arith.constant 0 : i32
      %dma_start3A_118 = tpu.memref_slice %arg11[%add3A_17, %dma_start3A_117] : memref<10112x128xf32, #tpu.memory_space<vmem_shared>> -> memref<128x128xf32, #tpu.memory_space<vmem_shared>>
      %dma_start3A_119 = arith.constant 0 : i32
      %dma_start3A_120 = arith.constant 0 : i32
      %dma_start3A_121 = tpu.memref_slice %arg9[%run_scoped3A_18, %dma_start3A_119, %dma_start3A_120] : memref<2x128x128xf32, #tpu.memory_space<vmem>> -> memref<1x128x128xf32, #tpu.memory_space<vmem>>
      %dma_start3A_122 = tpu.memref_squeeze %dma_start3A_121 : memref<1x128x128xf32, #tpu.memory_space<vmem>> -> memref<128x128xf32, #tpu.memory_space<vmem>>
      tpu.enqueue_dma source(%dma_start3A_122 : memref<128x128xf32, #tpu.memory_space<vmem>>) target(%dma_start3A_118 : memref<128x128xf32, #tpu.memory_space<vmem_shared>>) target_semaphore(%run_scoped3A_111 : memref<!tpu.dma_semaphore, #tpu.memory_space<semaphore_mem>>)
      %dma_wait3A_123 = arith.constant 0 : i32
      %dma_wait3A_124 = arith.constant 0 : i32
      %dma_wait3A_125 = tpu.memref_slice %arg9[%run_scoped3A_18, %dma_wait3A_123, %dma_wait3A_124] : memref<2x128x128xf32, #tpu.memory_space<vmem>> -> memref<1x128x128xf32, #tpu.memory_space<vmem>>
      %dma_wait3A_126 = tpu.memref_squeeze %dma_wait3A_125 : memref<1x128x128xf32, #tpu.memory_space<vmem>> -> memref<128x128xf32, #tpu.memory_space<vmem>>
      %dma_wait3A_127 = arith.constant 0 : i32
      %dma_wait3A_128 = tpu.memref_slice %arg11[%add3A_17, %dma_wait3A_127] : memref<10112x128xf32, #tpu.memory_space<vmem_shared>> -> memref<128x128xf32, #tpu.memory_space<vmem_shared>>
      %dma_wait3A_129 = arith.constant 0 : i32
      %dma_wait3A_130 = tpu.memref_slice %arg11[%add3A_17, %dma_wait3A_129] : memref<10112x128xf32, #tpu.memory_space<vmem_shared>> -> memref<128x128xf32, #tpu.memory_space<vmem_shared>>
      %dma_wait3A_131 = arith.constant 0 : i32
      %dma_wait3A_132 = arith.constant 0 : i32
      %dma_wait3A_133 = tpu.memref_slice %arg9[%run_scoped3A_18, %dma_wait3A_131, %dma_wait3A_132] : memref<2x128x128xf32, #tpu.memory_space<vmem>> -> memref<1x128x128xf32, #tpu.memory_space<vmem>>
      %dma_wait3A_134 = tpu.memref_squeeze %dma_wait3A_133 : memref<1x128x128xf32, #tpu.memory_space<vmem>> -> memref<128x128xf32, #tpu.memory_space<vmem>>
      tpu.wait_dma2 semaphore(%run_scoped3A_111 : memref<!tpu.dma_semaphore, #tpu.memory_space<semaphore_mem>>) src(%dma_wait3A_134 : memref<128x128xf32, #tpu.memory_space<vmem>>) dst(%dma_wait3A_130 : memref<128x128xf32, #tpu.memory_space<vmem_shared>>)
      tpu.yield
    }) : () -> ()
    %add3A_19 = arith.constant 384 : i32
    %add3A_20 = arith.addi %mul3A_11, %add3A_19 : i32
    %run_scoped3A_21 = arith.constant 0 : i32
    "tpu.region"() ({
      %run_scoped3A_111 = tpu.sem_alloc : memref<!tpu.dma_semaphore, #tpu.memory_space<semaphore_mem>>
      %dma_start3A = arith.constant 0 : i32
      %dma_start3A_112 = arith.constant 0 : i32
      %dma_start3A_113 = tpu.memref_slice %arg9[%run_scoped3A_21, %dma_start3A, %dma_start3A_112] : memref<2x128x128xf32, #tpu.memory_space<vmem>> -> memref<1x128x128xf32, #tpu.memory_space<vmem>>
      %dma_start3A_114 = tpu.memref_squeeze %dma_start3A_113 : memref<1x128x128xf32, #tpu.memory_space<vmem>> -> memref<128x128xf32, #tpu.memory_space<vmem>>
      %dma_start3A_115 = arith.constant 0 : i32
      %dma_start3A_116 = tpu.memref_slice %arg11[%add3A_20, %dma_start3A_115] : memref<10112x128xf32, #tpu.memory_space<vmem_shared>> -> memref<128x128xf32, #tpu.memory_space<vmem_shared>>
      %dma_start3A_117 = arith.constant 0 : i32
      %dma_start3A_118 = tpu.memref_slice %arg11[%add3A_20, %dma_start3A_117] : memref<10112x128xf32, #tpu.memory_space<vmem_shared>> -> memref<128x128xf32, #tpu.memory_space<vmem_shared>>
      %dma_start3A_119 = arith.constant 0 : i32
      %dma_start3A_120 = arith.constant 0 : i32
      %dma_start3A_121 = tpu.memref_slice %arg9[%run_scoped3A_21, %dma_start3A_119, %dma_start3A_120] : memref<2x128x128xf32, #tpu.memory_space<vmem>> -> memref<1x128x128xf32, #tpu.memory_space<vmem>>
      %dma_start3A_122 = tpu.memref_squeeze %dma_start3A_121 : memref<1x128x128xf32, #tpu.memory_space<vmem>> -> memref<128x128xf32, #tpu.memory_space<vmem>>
      tpu.enqueue_dma source(%dma_start3A_122 : memref<128x128xf32, #tpu.memory_space<vmem>>) target(%dma_start3A_118 : memref<128x128xf32, #tpu.memory_space<vmem_shared>>) target_semaphore(%run_scoped3A_111 : memref<!tpu.dma_semaphore, #tpu.memory_space<semaphore_mem>>)
      %dma_wait3A_123 = arith.constant 0 : i32
      %dma_wait3A_124 = arith.constant 0 : i32
      %dma_wait3A_125 = tpu.memref_slice %arg9[%run_scoped3A_21, %dma_wait3A_123, %dma_wait3A_124] : memref<2x128x128xf32, #tpu.memory_space<vmem>> -> memref<1x128x128xf32, #tpu.memory_space<vmem>>
      %dma_wait3A_126 = tpu.memref_squeeze %dma_wait3A_125 : memref<1x128x128xf32, #tpu.memory_space<vmem>> -> memref<128x128xf32, #tpu.memory_space<vmem>>
      %dma_wait3A_127 = arith.constant 0 : i32
      %dma_wait3A_128 = tpu.memref_slice %arg11[%add3A_20, %dma_wait3A_127] : memref<10112x128xf32, #tpu.memory_space<vmem_shared>> -> memref<128x128xf32, #tpu.memory_space<vmem_shared>>
      %dma_wait3A_129 = arith.constant 0 : i32
      %dma_wait3A_130 = tpu.memref_slice %arg11[%add3A_20, %dma_wait3A_129] : memref<10112x128xf32, #tpu.memory_space<vmem_shared>> -> memref<128x128xf32, #tpu.memory_space<vmem_shared>>
      %dma_wait3A_131 = arith.constant 0 : i32
      %dma_wait3A_132 = arith.constant 0 : i32
      %dma_wait3A_133 = tpu.memref_slice %arg9[%run_scoped3A_21, %dma_wait3A_131, %dma_wait3A_132] : memref<2x128x128xf32, #tpu.memory_space<vmem>> -> memref<1x128x128xf32, #tpu.memory_space<vmem>>
      %dma_wait3A_134 = tpu.memref_squeeze %dma_wait3A_133 : memref<1x128x128xf32, #tpu.memory_space<vmem>> -> memref<128x128xf32, #tpu.memory_space<vmem>>
      tpu.wait_dma2 semaphore(%run_scoped3A_111 : memref<!tpu.dma_semaphore, #tpu.memory_space<semaphore_mem>>) src(%dma_wait3A_134 : memref<128x128xf32, #tpu.memory_space<vmem>>) dst(%dma_wait3A_130 : memref<128x128xf32, #tpu.memory_space<vmem_shared>>)
      tpu.yield
    }) : () -> ()
    %add3A_22 = arith.constant 512 : i32
    %add3A_23 = arith.addi %mul3A_11, %add3A_22 : i32
    %run_scoped3A_24 = arith.constant 0 : i32
    "tpu.region"() ({
      %run_scoped3A_111 = tpu.sem_alloc : memref<!tpu.dma_semaphore, #tpu.memory_space<semaphore_mem>>
      %dma_start3A = arith.constant 0 : i32
      %dma_start3A_112 = arith.constant 0 : i32
      %dma_start3A_113 = tpu.memref_slice %arg9[%run_scoped3A_24, %dma_start3A, %dma_start3A_112] : memref<2x128x128xf32, #tpu.memory_space<vmem>> -> memref<1x128x128xf32, #tpu.memory_space<vmem>>
      %dma_start3A_114 = tpu.memref_squeeze %dma_start3A_113 : memref<1x128x128xf32, #tpu.memory_space<vmem>> -> memref<128x128xf32, #tpu.memory_space<vmem>>
      %dma_start3A_115 = arith.constant 0 : i32
      %dma_start3A_116 = arith.constant 0 : i32
      %dma_start3A_117 = tpu.memref_slice %dma_start3A_114[%dma_start3A_115, %dma_start3A_116] : memref<128x128xf32, #tpu.memory_space<vmem>> -> memref<120x128xf32, #tpu.memory_space<vmem>>
      %dma_start3A_118 = arith.constant 0 : i32
      %dma_start3A_119 = tpu.memref_slice %arg11[%add3A_23, %dma_start3A_118] : memref<10112x128xf32, #tpu.memory_space<vmem_shared>> -> memref<120x128xf32, #tpu.memory_space<vmem_shared>>
      %dma_start3A_120 = arith.constant 0 : i32
      %dma_start3A_121 = tpu.memref_slice %arg11[%add3A_23, %dma_start3A_120] : memref<10112x128xf32, #tpu.memory_space<vmem_shared>> -> memref<120x128xf32, #tpu.memory_space<vmem_shared>>
      %dma_start3A_122 = arith.constant 0 : i32
      %dma_start3A_123 = arith.constant 0 : i32
      %dma_start3A_124 = tpu.memref_slice %arg9[%run_scoped3A_24, %dma_start3A_122, %dma_start3A_123] : memref<2x128x128xf32, #tpu.memory_space<vmem>> -> memref<1x128x128xf32, #tpu.memory_space<vmem>>
      %dma_start3A_125 = tpu.memref_squeeze %dma_start3A_124 : memref<1x128x128xf32, #tpu.memory_space<vmem>> -> memref<128x128xf32, #tpu.memory_space<vmem>>
      %dma_start3A_126 = arith.constant 0 : i32
      %dma_start3A_127 = arith.constant 0 : i32
      %dma_start3A_128 = tpu.memref_slice %dma_start3A_125[%dma_start3A_126, %dma_start3A_127] : memref<128x128xf32, #tpu.memory_space<vmem>> -> memref<120x128xf32, #tpu.memory_space<vmem>>
      tpu.enqueue_dma source(%dma_start3A_128 : memref<120x128xf32, #tpu.memory_space<vmem>>) target(%dma_start3A_121 : memref<120x128xf32, #tpu.memory_space<vmem_shared>>) target_semaphore(%run_scoped3A_111 : memref<!tpu.dma_semaphore, #tpu.memory_space<semaphore_mem>>)
      %dma_wait3A_129 = arith.constant 0 : i32
      %dma_wait3A_130 = arith.constant 0 : i32
      %dma_wait3A_131 = tpu.memref_slice %arg9[%run_scoped3A_24, %dma_wait3A_129, %dma_wait3A_130] : memref<2x128x128xf32, #tpu.memory_space<vmem>> -> memref<1x128x128xf32, #tpu.memory_space<vmem>>
      %dma_wait3A_132 = tpu.memref_squeeze %dma_wait3A_131 : memref<1x128x128xf32, #tpu.memory_space<vmem>> -> memref<128x128xf32, #tpu.memory_space<vmem>>
      %dma_wait3A_133 = arith.constant 0 : i32
      %dma_wait3A_134 = arith.constant 0 : i32
      %dma_wait3A_135 = tpu.memref_slice %dma_wait3A_132[%dma_wait3A_133, %dma_wait3A_134] : memref<128x128xf32, #tpu.memory_space<vmem>> -> memref<120x128xf32, #tpu.memory_space<vmem>>
      %dma_wait3A_136 = arith.constant 0 : i32
      %dma_wait3A_137 = tpu.memref_slice %arg11[%add3A_23, %dma_wait3A_136] : memref<10112x128xf32, #tpu.memory_space<vmem_shared>> -> memref<120x128xf32, #tpu.memory_space<vmem_shared>>
      %dma_wait3A_138 = arith.constant 0 : i32
      %dma_wait3A_139 = tpu.memref_slice %arg11[%add3A_23, %dma_wait3A_138] : memref<10112x128xf32, #tpu.memory_space<vmem_shared>> -> memref<120x128xf32, #tpu.memory_space<vmem_shared>>
      %dma_wait3A_140 = arith.constant 0 : i32
      %dma_wait3A_141 = arith.constant 0 : i32
      %dma_wait3A_142 = tpu.memref_slice %arg9[%run_scoped3A_24, %dma_wait3A_140, %dma_wait3A_141] : memref<2x128x128xf32, #tpu.memory_space<vmem>> -> memref<1x128x128xf32, #tpu.memory_space<vmem>>
      %dma_wait3A_143 = tpu.memref_squeeze %dma_wait3A_142 : memref<1x128x128xf32, #tpu.memory_space<vmem>> -> memref<128x128xf32, #tpu.memory_space<vmem>>
      %dma_wait3A_144 = arith.constant 0 : i32
      %dma_wait3A_145 = arith.constant 0 : i32
      %dma_wait3A_146 = tpu.memref_slice %dma_wait3A_143[%dma_wait3A_144, %dma_wait3A_145] : memref<128x128xf32, #tpu.memory_space<vmem>> -> memref<120x128xf32, #tpu.memory_space<vmem>>
      tpu.wait_dma2 semaphore(%run_scoped3A_111 : memref<!tpu.dma_semaphore, #tpu.memory_space<semaphore_mem>>) src(%dma_wait3A_146 : memref<120x128xf32, #tpu.memory_space<vmem>>) dst(%dma_wait3A_139 : memref<120x128xf32, #tpu.memory_space<vmem_shared>>)
      tpu.yield
    }) : () -> ()
    %barrier3A = arith.constant 0 : index
    tpu.barrier barrier_id(%barrier3A)
    %scan3A_25 = arith.constant 0 : i32
    %scan3A_26 = arith.constant 0 : i32
    %scan3A_27 = arith.constant 79 : i32
    %scan3A_28 = arith.addi %scan3A_26, %scan3A_27 : i32
    %scan3A_29 = arith.constant 1 : i32
    scf.for %scan3A_111 = %scan3A_26 to %scan3A_28 step %scan3A_29  : i32 {
      %mul3A_112 = arith.constant 323584 : i32
      %mul3A_113 = arith.muli %arg0, %mul3A_112 : i32
      %mul3A_114 = arith.constant 20224 : i32
      %mul3A_115 = arith.muli %arg1, %mul3A_114 : i32
      %add3A_116 = arith.addi %mul3A_113, %mul3A_115 : i32
      %mul3A_117 = arith.constant 2 : i32
      %mul3A_118 = arith.muli %mul3A_117, %scan3A_111 : i32
      %mul3A_119 = arith.constant 128 : i32
      %mul3A_120 = arith.muli %mul3A_118, %mul3A_119 : i32
      %add3A_121 = arith.addi %add3A_116, %mul3A_120 : i32
      "tpu.region"() ({
        %run_scoped3A_398 = tpu.sem_alloc : memref<!tpu.dma_semaphore, #tpu.memory_space<semaphore_mem>>
        %dma_start3A_399 = tpu.memref_slice %arg4[%add3A_121] : memref<1294336xi32, #tpu.memory_space<hbm>> -> memref<256xi32, #tpu.memory_space<hbm>>
        %dma_start3A_400 = tpu.memref_slice %arg4[%add3A_121] : memref<1294336xi32, #tpu.memory_space<hbm>> -> memref<256xi32, #tpu.memory_space<hbm>>
        tpu.enqueue_dma source(%dma_start3A_400 : memref<256xi32, #tpu.memory_space<hbm>>) target(%arg8 : memref<256xi32, #tpu.memory_space<vmem>>) target_semaphore(%run_scoped3A_398 : memref<!tpu.dma_semaphore, #tpu.memory_space<semaphore_mem>>)
        %dma_wait3A_401 = tpu.memref_slice %arg4[%add3A_121] : memref<1294336xi32, #tpu.memory_space<hbm>> -> memref<256xi32, #tpu.memory_space<hbm>>
        %dma_wait3A_402 = tpu.memref_slice %arg4[%add3A_121] : memref<1294336xi32, #tpu.memory_space<hbm>> -> memref<256xi32, #tpu.memory_space<hbm>>
        tpu.wait_dma2 semaphore(%run_scoped3A_398 : memref<!tpu.dma_semaphore, #tpu.memory_space<semaphore_mem>>) src(%dma_wait3A_402 : memref<256xi32, #tpu.memory_space<hbm>>) dst(%arg8 : memref<256xi32, #tpu.memory_space<vmem>>)
        tpu.yield
      }) : () -> ()
      %mul3A_122 = arith.constant 2 : i32
      %mul3A_123 = arith.muli %mul3A_122, %scan3A_111 : i32
      %add3A_124 = arith.constant 0 : i32
      %add3A_125 = arith.addi %mul3A_123, %add3A_124 : i32
      %mul3A_126 = arith.constant 20224 : i32
      %mul3A_127 = arith.muli %arg1, %mul3A_126 : i32
      %mul3A_128 = arith.constant 128 : i32
      %mul3A_129 = arith.muli %add3A_125, %mul3A_128 : i32
      %add3A_130 = arith.addi %mul3A_127, %mul3A_129 : i32
      %mul3A_131 = arith.constant 323584 : i32
      %mul3A_132 = arith.muli %arg0, %mul3A_131 : i32
      %add3A_133 = arith.addi %mul3A_132, %add3A_130 : i32
      %ge3A = arith.constant 2 : i32
      %ge3A_134 = arith.cmpi sge, %add3A_125, %ge3A : i32
      %convert_element_type3A = arith.extui %ge3A_134 : i1 to i32
      %cond3A = arith.constant 0 : i32
      %cond3A_135 = arith.cmpi ne, %convert_element_type3A, %cond3A : i32
      scf.if %cond3A_135 {
        %dma_wait3A_398 = arith.constant 0 : i32
        %dma_wait3A_399 = arith.constant 2 : i32
        %dma_wait3A_400 = arith.constant 1 : i32
        %dma_wait3A_401 = arith.constant 0 : i32
        %dma_wait3A_402 = arith.constant 0 : i32
        %dma_wait3A_403 = tpu.memref_slice %arg9[%dma_wait3A_398, %dma_wait3A_401, %dma_wait3A_402] : memref<2x128x128xf32, #tpu.memory_space<vmem>> -> memref<1x128x128xf32, #tpu.memory_space<vmem>>
        %dma_wait3A_404 = tpu.memref_squeeze %dma_wait3A_403 : memref<1x128x128xf32, #tpu.memory_space<vmem>> -> memref<128x128xf32, #tpu.memory_space<vmem>>
        %dma_wait3A_405 = arith.constant 0 : i32
        %dma_wait3A_406 = tpu.memref_slice %arg7[%dma_wait3A_399, %dma_wait3A_405] : memref<4x128xi32, #tpu.memory_space<vmem>> -> memref<1x128xi32, #tpu.memory_space<vmem>>
        %dma_wait3A_407 = tpu.memref_squeeze %dma_wait3A_406 : memref<1x128xi32, #tpu.memory_space<vmem>> -> memref<128xi32, #tpu.memory_space<vmem>>
        %dma_wait3A_408 = arith.constant 0 : i32
        %dma_wait3A_409 = arith.constant 0 : i32
        %dma_wait3A_410 = tpu.memref_slice %arg11[%dma_wait3A_408, %dma_wait3A_409] : memref<10112x128xf32, #tpu.memory_space<vmem_shared>> -> memref<10112x128xf32, #tpu.memory_space<vmem_shared>>
        %dma_wait3A_411 = tpu.memref_slice %arg13[%dma_wait3A_400] : memref<3x!tpu.dma_semaphore, #tpu.memory_space<semaphore_mem>> -> memref<1x!tpu.dma_semaphore, #tpu.memory_space<semaphore_mem>>
        %dma_wait3A_412 = tpu.memref_squeeze %dma_wait3A_411 : memref<1x!tpu.dma_semaphore, #tpu.memory_space<semaphore_mem>> -> memref<!tpu.dma_semaphore, #tpu.memory_space<semaphore_mem>>
        tpu.wait_indirect_dma semaphore(%dma_wait3A_412 : memref<!tpu.dma_semaphore, #tpu.memory_space<semaphore_mem>>) src(%dma_wait3A_404 : memref<128x128xf32, #tpu.memory_space<vmem>>) dst(%dma_wait3A_410 : memref<10112x128xf32, #tpu.memory_space<vmem_shared>>)
      } else {
      }
      %add3A_136 = arith.constant 647168 : i32
      %add3A_137 = arith.addi %add3A_136, %add3A_133 : i32
      %run_scoped3A_138 = arith.constant 2 : i32
      "tpu.region"() ({
        %run_scoped3A_398 = tpu.sem_alloc : memref<!tpu.dma_semaphore, #tpu.memory_space<semaphore_mem>>
        %dma_start3A_399 = arith.constant 0 : i32
        %dma_start3A_400 = tpu.memref_slice %arg7[%run_scoped3A_138, %dma_start3A_399] : memref<4x128xi32, #tpu.memory_space<vmem>> -> memref<1x128xi32, #tpu.memory_space<vmem>>
        %dma_start3A_401 = tpu.memref_squeeze %dma_start3A_400 : memref<1x128xi32, #tpu.memory_space<vmem>> -> memref<128xi32, #tpu.memory_space<vmem>>
        %dma_start3A_402 = tpu.memref_slice %arg4[%add3A_137] : memref<1294336xi32, #tpu.memory_space<hbm>> -> memref<128xi32, #tpu.memory_space<hbm>>
        %dma_start3A_403 = arith.constant 0 : i32
        %dma_start3A_404 = tpu.memref_slice %arg7[%run_scoped3A_138, %dma_start3A_403] : memref<4x128xi32, #tpu.memory_space<vmem>> -> memref<1x128xi32, #tpu.memory_space<vmem>>
        %dma_start3A_405 = tpu.memref_squeeze %dma_start3A_404 : memref<1x128xi32, #tpu.memory_space<vmem>> -> memref<128xi32, #tpu.memory_space<vmem>>
        %dma_start3A_406 = tpu.memref_slice %arg4[%add3A_137] : memref<1294336xi32, #tpu.memory_space<hbm>> -> memref<128xi32, #tpu.memory_space<hbm>>
        tpu.enqueue_dma source(%dma_start3A_406 : memref<128xi32, #tpu.memory_space<hbm>>) target(%dma_start3A_405 : memref<128xi32, #tpu.memory_space<vmem>>) target_semaphore(%run_scoped3A_398 : memref<!tpu.dma_semaphore, #tpu.memory_space<semaphore_mem>>)
        %dma_wait3A_407 = arith.constant 0 : i32
        %dma_wait3A_408 = tpu.memref_slice %arg7[%run_scoped3A_138, %dma_wait3A_407] : memref<4x128xi32, #tpu.memory_space<vmem>> -> memref<1x128xi32, #tpu.memory_space<vmem>>
        %dma_wait3A_409 = tpu.memref_squeeze %dma_wait3A_408 : memref<1x128xi32, #tpu.memory_space<vmem>> -> memref<128xi32, #tpu.memory_space<vmem>>
        %dma_wait3A_410 = tpu.memref_slice %arg4[%add3A_137] : memref<1294336xi32, #tpu.memory_space<hbm>> -> memref<128xi32, #tpu.memory_space<hbm>>
        %dma_wait3A_411 = arith.constant 0 : i32
        %dma_wait3A_412 = tpu.memref_slice %arg7[%run_scoped3A_138, %dma_wait3A_411] : memref<4x128xi32, #tpu.memory_space<vmem>> -> memref<1x128xi32, #tpu.memory_space<vmem>>
        %dma_wait3A_413 = tpu.memref_squeeze %dma_wait3A_412 : memref<1x128xi32, #tpu.memory_space<vmem>> -> memref<128xi32, #tpu.memory_space<vmem>>
        %dma_wait3A_414 = tpu.memref_slice %arg4[%add3A_137] : memref<1294336xi32, #tpu.memory_space<hbm>> -> memref<128xi32, #tpu.memory_space<hbm>>
        tpu.wait_dma2 semaphore(%run_scoped3A_398 : memref<!tpu.dma_semaphore, #tpu.memory_space<semaphore_mem>>) src(%dma_wait3A_414 : memref<128xi32, #tpu.memory_space<hbm>>) dst(%dma_wait3A_413 : memref<128xi32, #tpu.memory_space<vmem>>)
        tpu.yield
      }) : () -> ()
      %dma_start3A = arith.constant 0 : i32
      %dma_start3A_139 = arith.constant 0 : i32
      %dma_start3A_140 = arith.constant 0 : i32
      %dma_start3A_141 = arith.constant 0 : i32
      %dma_start3A_142 = tpu.memref_slice %arg9[%dma_start3A, %dma_start3A_140, %dma_start3A_141] : memref<2x128x128xf32, #tpu.memory_space<vmem>> -> memref<1x128x128xf32, #tpu.memory_space<vmem>>
      %dma_start3A_143 = tpu.memref_squeeze %dma_start3A_142 : memref<1x128x128xf32, #tpu.memory_space<vmem>> -> memref<128x128xf32, #tpu.memory_space<vmem>>
      %dma_start3A_144 = arith.constant 0 : i32
      %dma_start3A_145 = tpu.memref_slice %arg8[%dma_start3A_144] : memref<256xi32, #tpu.memory_space<vmem>> -> memref<128xi32, #tpu.memory_space<vmem>>
      %dma_start3A_146 = arith.constant 0 : i32
      %dma_start3A_147 = arith.constant 0 : i32
      %dma_start3A_148 = tpu.memref_slice %arg2[%dma_start3A_146, %dma_start3A_147] : memref<20000x128xf32, #tpu.memory_space<hbm>> -> memref<20000x128xf32, #tpu.memory_space<hbm>>
      %dma_start3A_149 = tpu.memref_slice %arg13[%dma_start3A_139] : memref<3x!tpu.dma_semaphore, #tpu.memory_space<semaphore_mem>> -> memref<1x!tpu.dma_semaphore, #tpu.memory_space<semaphore_mem>>
      %dma_start3A_150 = tpu.memref_squeeze %dma_start3A_149 : memref<1x!tpu.dma_semaphore, #tpu.memory_space<semaphore_mem>> -> memref<!tpu.dma_semaphore, #tpu.memory_space<semaphore_mem>>
      tpu.enqueue_indirect_dma source(%dma_start3A_148 : memref<20000x128xf32, #tpu.memory_space<hbm>>) target(%dma_start3A_143 : memref<128x128xf32, #tpu.memory_space<vmem>>) offsets(%dma_start3A_145 : memref<128xi32, #tpu.memory_space<vmem>>) semaphore(%dma_start3A_150 : memref<!tpu.dma_semaphore, #tpu.memory_space<semaphore_mem>>)
      %add3A_151 = arith.constant 0 : i32
      %add3A_152 = arith.addi %add3A_130, %add3A_151 : i32
      "tpu.region"() ({
        %run_scoped3A_398 = tpu.sem_alloc : memref<!tpu.dma_semaphore, #tpu.memory_space<semaphore_mem>>
        %dma_start3A_399 = arith.constant 0 : i32
        %dma_start3A_400 = tpu.memref_slice %arg3[%add3A_152, %dma_start3A_399] : memref<323584x128xf32, #tpu.memory_space<hbm>> -> memref<32x128xf32, #tpu.memory_space<hbm>>
        %dma_start3A_401 = arith.constant 0 : i32
        %dma_start3A_402 = tpu.memref_slice %arg3[%add3A_152, %dma_start3A_401] : memref<323584x128xf32, #tpu.memory_space<hbm>> -> memref<32x128xf32, #tpu.memory_space<hbm>>
        tpu.enqueue_dma source(%dma_start3A_402 : memref<32x128xf32, #tpu.memory_space<hbm>>) target(%arg10 : memref<32x128xf32, #tpu.memory_space<vmem>>) target_semaphore(%run_scoped3A_398 : memref<!tpu.dma_semaphore, #tpu.memory_space<semaphore_mem>>)
        %dma_wait3A_403 = arith.constant 0 : i32
        %dma_wait3A_404 = tpu.memref_slice %arg3[%add3A_152, %dma_wait3A_403] : memref<323584x128xf32, #tpu.memory_space<hbm>> -> memref<32x128xf32, #tpu.memory_space<hbm>>
        %dma_wait3A_405 = arith.constant 0 : i32
        %dma_wait3A_406 = tpu.memref_slice %arg3[%add3A_152, %dma_wait3A_405] : memref<323584x128xf32, #tpu.memory_space<hbm>> -> memref<32x128xf32, #tpu.memory_space<hbm>>
        tpu.wait_dma2 semaphore(%run_scoped3A_398 : memref<!tpu.dma_semaphore, #tpu.memory_space<semaphore_mem>>) src(%dma_wait3A_406 : memref<32x128xf32, #tpu.memory_space<hbm>>) dst(%arg10 : memref<32x128xf32, #tpu.memory_space<vmem>>)
        tpu.yield
      }) : () -> ()
      %dma_wait3A_153 = arith.constant 0 : i32
      %dma_wait3A_154 = arith.constant 0 : i32
      %dma_wait3A_155 = arith.constant 0 : i32
      %dma_wait3A_156 = arith.constant 0 : i32
      %dma_wait3A_157 = tpu.memref_slice %arg9[%dma_wait3A_153, %dma_wait3A_155, %dma_wait3A_156] : memref<2x128x128xf32, #tpu.memory_space<vmem>> -> memref<1x128x128xf32, #tpu.memory_space<vmem>>
      %dma_wait3A_158 = tpu.memref_squeeze %dma_wait3A_157 : memref<1x128x128xf32, #tpu.memory_space<vmem>> -> memref<128x128xf32, #tpu.memory_space<vmem>>
      %dma_wait3A_159 = arith.constant 0 : i32
      %dma_wait3A_160 = tpu.memref_slice %arg8[%dma_wait3A_159] : memref<256xi32, #tpu.memory_space<vmem>> -> memref<128xi32, #tpu.memory_space<vmem>>
      %dma_wait3A_161 = arith.constant 0 : i32
      %dma_wait3A_162 = arith.constant 0 : i32
      %dma_wait3A_163 = tpu.memref_slice %arg2[%dma_wait3A_161, %dma_wait3A_162] : memref<20000x128xf32, #tpu.memory_space<hbm>> -> memref<20000x128xf32, #tpu.memory_space<hbm>>
      %dma_wait3A_164 = tpu.memref_slice %arg13[%dma_wait3A_154] : memref<3x!tpu.dma_semaphore, #tpu.memory_space<semaphore_mem>> -> memref<1x!tpu.dma_semaphore, #tpu.memory_space<semaphore_mem>>
      %dma_wait3A_165 = tpu.memref_squeeze %dma_wait3A_164 : memref<1x!tpu.dma_semaphore, #tpu.memory_space<semaphore_mem>> -> memref<!tpu.dma_semaphore, #tpu.memory_space<semaphore_mem>>
      tpu.wait_indirect_dma semaphore(%dma_wait3A_165 : memref<!tpu.dma_semaphore, #tpu.memory_space<semaphore_mem>>) src(%dma_wait3A_163 : memref<20000x128xf32, #tpu.memory_space<hbm>>) dst(%dma_wait3A_158 : memref<128x128xf32, #tpu.memory_space<vmem>>)
      %scan3A_166 = arith.constant 0 : i32
      %scan3A_167 = arith.constant 0 : i32
      %scan3A_168 = arith.constant 32 : i32
      %scan3A_169 = arith.addi %scan3A_167, %scan3A_168 : i32
      %scan3A_170 = arith.constant 1 : i32
      scf.for %scan3A_398 = %scan3A_167 to %scan3A_169 step %scan3A_170  : i32 {
        %add3A_399 = arith.constant 0 : i32
        %add3A_400 = arith.addi %add3A_399, %scan3A_398 : i32
        %get3A_401 = arith.constant 0 : i32
        %get3A_402 = arith.index_cast %get3A_401 : i32 to index
        %get3A_403 = arith.index_cast %add3A_400 : i32 to index
        %get3A_404 = arith.constant 0 : index
        %get3A_405 = tpu.vector_load %arg9[%get3A_402, %get3A_403, %get3A_404] {strides = array<i32>} : memref<2x128x128xf32, #tpu.memory_space<vmem>>, vector<16xf32>,
        %get3A_406 = arith.index_cast %scan3A_398 : i32 to index
        %get3A_407 = arith.constant 0 : index
        %get3A_408 = tpu.vector_load %arg10[%get3A_406, %get3A_407] {strides = array<i32>} : memref<32x128xf32, #tpu.memory_space<vmem>>, vector<16xf32>,
        %add3A_409 = arith.addf %get3A_405, %get3A_408 : vector<16xf32>
        %max3A = arith.constant 0.000000e+00 : f32
        %max3A_410 = vector.broadcast %max3A : f32 to vector<16xf32>
        %max3A_411 = arith.maximumf %add3A_409, %max3A_410 : vector<16xf32>
        %add3A_412 = arith.constant 0 : i32
        %add3A_413 = arith.addi %add3A_412, %scan3A_398 : i32
        %swap3A = arith.constant 0 : i32
        %swap3A_414 = arith.index_cast %swap3A : i32 to index
        %swap3A_415 = arith.index_cast %add3A_413 : i32 to index
        %swap3A_416 = arith.constant 0 : index
        %swap3A_417 = tpu.vector_load %arg9[%swap3A_414, %swap3A_415, %swap3A_416] {strides = array<i32>} : memref<2x128x128xf32, #tpu.memory_space<vmem>>, vector<16xf32>,
        tpu.vector_store %arg9[%swap3A_414, %swap3A_415, %swap3A_416], %max3A_411 {strides = array<i32>} : memref<2x128x128xf32, #tpu.memory_space<vmem>>, vector<16xf32>,
        %add3A_418 = arith.constant 0 : i32
        %add3A_419 = arith.addi %add3A_418, %scan3A_398 : i32
        %get3A_420 = arith.constant 0 : i32
        %get3A_421 = arith.index_cast %get3A_420 : i32 to index
        %get3A_422 = arith.index_cast %add3A_419 : i32 to index
        %get3A_423 = arith.constant 16 : index
        %get3A_424 = tpu.vector_load %arg9[%get3A_421, %get3A_422, %get3A_423] {strides = array<i32>} : memref<2x128x128xf32, #tpu.memory_space<vmem>>, vector<16xf32>,
        %get3A_425 = arith.index_cast %scan3A_398 : i32 to index
        %get3A_426 = arith.constant 16 : index
        %get3A_427 = tpu.vector_load %arg10[%get3A_425, %get3A_426] {strides = array<i32>} : memref<32x128xf32, #tpu.memory_space<vmem>>, vector<16xf32>,
        %add3A_428 = arith.addf %get3A_424, %get3A_427 : vector<16xf32>
        %max3A_429 = arith.constant 0.000000e+00 : f32
        %max3A_430 = vector.broadcast %max3A_429 : f32 to vector<16xf32>
        %max3A_431 = arith.maximumf %add3A_428, %max3A_430 : vector<16xf32>
        %add3A_432 = arith.constant 0 : i32
        %add3A_433 = arith.addi %add3A_432, %scan3A_398 : i32
        %swap3A_434 = arith.constant 0 : i32
        %swap3A_435 = arith.index_cast %swap3A_434 : i32 to index
        %swap3A_436 = arith.index_cast %add3A_433 : i32 to index
        %swap3A_437 = arith.constant 16 : index
        %swap3A_438 = tpu.vector_load %arg9[%swap3A_435, %swap3A_436, %swap3A_437] {strides = array<i32>} : memref<2x128x128xf32, #tpu.memory_space<vmem>>, vector<16xf32>,
        tpu.vector_store %arg9[%swap3A_435, %swap3A_436, %swap3A_437], %max3A_431 {strides = array<i32>} : memref<2x128x128xf32, #tpu.memory_space<vmem>>, vector<16xf32>,
        %add3A_439 = arith.constant 0 : i32
        %add3A_440 = arith.addi %add3A_439, %scan3A_398 : i32
        %get3A_441 = arith.constant 0 : i32
        %get3A_442 = arith.index_cast %get3A_441 : i32 to index
        %get3A_443 = arith.index_cast %add3A_440 : i32 to index
        %get3A_444 = arith.constant 32 : index
        %get3A_445 = tpu.vector_load %arg9[%get3A_442, %get3A_443, %get3A_444] {strides = array<i32>} : memref<2x128x128xf32, #tpu.memory_space<vmem>>, vector<16xf32>,
        %get3A_446 = arith.index_cast %scan3A_398 : i32 to index
        %get3A_447 = arith.constant 32 : index
        %get3A_448 = tpu.vector_load %arg10[%get3A_446, %get3A_447] {strides = array<i32>} : memref<32x128xf32, #tpu.memory_space<vmem>>, vector<16xf32>,
        %add3A_449 = arith.addf %get3A_445, %get3A_448 : vector<16xf32>
        %max3A_450 = arith.constant 0.000000e+00 : f32
        %max3A_451 = vector.broadcast %max3A_450 : f32 to vector<16xf32>
        %max3A_452 = arith.maximumf %add3A_449, %max3A_451 : vector<16xf32>
        %add3A_453 = arith.constant 0 : i32
        %add3A_454 = arith.addi %add3A_453, %scan3A_398 : i32
        %swap3A_455 = arith.constant 0 : i32
        %swap3A_456 = arith.index_cast %swap3A_455 : i32 to index
        %swap3A_457 = arith.index_cast %add3A_454 : i32 to index
        %swap3A_458 = arith.constant 32 : index
        %swap3A_459 = tpu.vector_load %arg9[%swap3A_456, %swap3A_457, %swap3A_458] {strides = array<i32>} : memref<2x128x128xf32, #tpu.memory_space<vmem>>, vector<16xf32>,
        tpu.vector_store %arg9[%swap3A_456, %swap3A_457, %swap3A_458], %max3A_452 {strides = array<i32>} : memref<2x128x128xf32, #tpu.memory_space<vmem>>, vector<16xf32>,
        %add3A_460 = arith.constant 0 : i32
        %add3A_461 = arith.addi %add3A_460, %scan3A_398 : i32
        %get3A_462 = arith.constant 0 : i32
        %get3A_463 = arith.index_cast %get3A_462 : i32 to index
        %get3A_464 = arith.index_cast %add3A_461 : i32 to index
        %get3A_465 = arith.constant 48 : index
        %get3A_466 = tpu.vector_load %arg9[%get3A_463, %get3A_464, %get3A_465] {strides = array<i32>} : memref<2x128x128xf32, #tpu.memory_space<vmem>>, vector<16xf32>,
        %get3A_467 = arith.index_cast %scan3A_398 : i32 to index
        %get3A_468 = arith.constant 48 : index
        %get3A_469 = tpu.vector_load %arg10[%get3A_467, %get3A_468] {strides = array<i32>} : memref<32x128xf32, #tpu.memory_space<vmem>>, vector<16xf32>,
        %add3A_470 = arith.addf %get3A_466, %get3A_469 : vector<16xf32>
        %max3A_471 = arith.constant 0.000000e+00 : f32
        %max3A_472 = vector.broadcast %max3A_471 : f32 to vector<16xf32>
        %max3A_473 = arith.maximumf %add3A_470, %max3A_472 : vector<16xf32>
        %add3A_474 = arith.constant 0 : i32
        %add3A_475 = arith.addi %add3A_474, %scan3A_398 : i32
        %swap3A_476 = arith.constant 0 : i32
        %swap3A_477 = arith.index_cast %swap3A_476 : i32 to index
        %swap3A_478 = arith.index_cast %add3A_475 : i32 to index
        %swap3A_479 = arith.constant 48 : index
        %swap3A_480 = tpu.vector_load %arg9[%swap3A_477, %swap3A_478, %swap3A_479] {strides = array<i32>} : memref<2x128x128xf32, #tpu.memory_space<vmem>>, vector<16xf32>,
        tpu.vector_store %arg9[%swap3A_477, %swap3A_478, %swap3A_479], %max3A_473 {strides = array<i32>} : memref<2x128x128xf32, #tpu.memory_space<vmem>>, vector<16xf32>,
        %add3A_481 = arith.constant 0 : i32
        %add3A_482 = arith.addi %add3A_481, %scan3A_398 : i32
        %get3A_483 = arith.constant 0 : i32
        %get3A_484 = arith.index_cast %get3A_483 : i32 to index
        %get3A_485 = arith.index_cast %add3A_482 : i32 to index
        %get3A_486 = arith.constant 64 : index
        %get3A_487 = tpu.vector_load %arg9[%get3A_484, %get3A_485, %get3A_486] {strides = array<i32>} : memref<2x128x128xf32, #tpu.memory_space<vmem>>, vector<16xf32>,
        %get3A_488 = arith.index_cast %scan3A_398 : i32 to index
        %get3A_489 = arith.constant 64 : index
        %get3A_490 = tpu.vector_load %arg10[%get3A_488, %get3A_489] {strides = array<i32>} : memref<32x128xf32, #tpu.memory_space<vmem>>, vector<16xf32>,
        %add3A_491 = arith.addf %get3A_487, %get3A_490 : vector<16xf32>
        %max3A_492 = arith.constant 0.000000e+00 : f32
        %max3A_493 = vector.broadcast %max3A_492 : f32 to vector<16xf32>
        %max3A_494 = arith.maximumf %add3A_491, %max3A_493 : vector<16xf32>
        %add3A_495 = arith.constant 0 : i32
        %add3A_496 = arith.addi %add3A_495, %scan3A_398 : i32
        %swap3A_497 = arith.constant 0 : i32
        %swap3A_498 = arith.index_cast %swap3A_497 : i32 to index
        %swap3A_499 = arith.index_cast %add3A_496 : i32 to index
        %swap3A_500 = arith.constant 64 : index
        %swap3A_501 = tpu.vector_load %arg9[%swap3A_498, %swap3A_499, %swap3A_500] {strides = array<i32>} : memref<2x128x128xf32, #tpu.memory_space<vmem>>, vector<16xf32>,
        tpu.vector_store %arg9[%swap3A_498, %swap3A_499, %swap3A_500], %max3A_494 {strides = array<i32>} : memref<2x128x128xf32, #tpu.memory_space<vmem>>, vector<16xf32>,
        %add3A_502 = arith.constant 0 : i32
        %add3A_503 = arith.addi %add3A_502, %scan3A_398 : i32
        %get3A_504 = arith.constant 0 : i32
        %get3A_505 = arith.index_cast %get3A_504 : i32 to index
        %get3A_506 = arith.index_cast %add3A_503 : i32 to index
        %get3A_507 = arith.constant 80 : index
        %get3A_508 = tpu.vector_load %arg9[%get3A_505, %get3A_506, %get3A_507] {strides = array<i32>} : memref<2x128x128xf32, #tpu.memory_space<vmem>>, vector<16xf32>,
        %get3A_509 = arith.index_cast %scan3A_398 : i32 to index
        %get3A_510 = arith.constant 80 : index
        %get3A_511 = tpu.vector_load %arg10[%get3A_509, %get3A_510] {strides = array<i32>} : memref<32x128xf32, #tpu.memory_space<vmem>>, vector<16xf32>,
        %add3A_512 = arith.addf %get3A_508, %get3A_511 : vector<16xf32>
        %max3A_513 = arith.constant 0.000000e+00 : f32
        %max3A_514 = vector.broadcast %max3A_513 : f32 to vector<16xf32>
        %max3A_515 = arith.maximumf %add3A_512, %max3A_514 : vector<16xf32>
        %add3A_516 = arith.constant 0 : i32
        %add3A_517 = arith.addi %add3A_516, %scan3A_398 : i32
        %swap3A_518 = arith.constant 0 : i32
        %swap3A_519 = arith.index_cast %swap3A_518 : i32 to index
        %swap3A_520 = arith.index_cast %add3A_517 : i32 to index
        %swap3A_521 = arith.constant 80 : index
        %swap3A_522 = tpu.vector_load %arg9[%swap3A_519, %swap3A_520, %swap3A_521] {strides = array<i32>} : memref<2x128x128xf32, #tpu.memory_space<vmem>>, vector<16xf32>,
        tpu.vector_store %arg9[%swap3A_519, %swap3A_520, %swap3A_521], %max3A_515 {strides = array<i32>} : memref<2x128x128xf32, #tpu.memory_space<vmem>>, vector<16xf32>,
        %add3A_523 = arith.constant 0 : i32
        %add3A_524 = arith.addi %add3A_523, %scan3A_398 : i32
        %get3A_525 = arith.constant 0 : i32
        %get3A_526 = arith.index_cast %get3A_525 : i32 to index
        %get3A_527 = arith.index_cast %add3A_524 : i32 to index
        %get3A_528 = arith.constant 96 : index
        %get3A_529 = tpu.vector_load %arg9[%get3A_526, %get3A_527, %get3A_528] {strides = array<i32>} : memref<2x128x128xf32, #tpu.memory_space<vmem>>, vector<16xf32>,
        %get3A_530 = arith.index_cast %scan3A_398 : i32 to index
        %get3A_531 = arith.constant 96 : index
        %get3A_532 = tpu.vector_load %arg10[%get3A_530, %get3A_531] {strides = array<i32>} : memref<32x128xf32, #tpu.memory_space<vmem>>, vector<16xf32>,
        %add3A_533 = arith.addf %get3A_529, %get3A_532 : vector<16xf32>
        %max3A_534 = arith.constant 0.000000e+00 : f32
        %max3A_535 = vector.broadcast %max3A_534 : f32 to vector<16xf32>
        %max3A_536 = arith.maximumf %add3A_533, %max3A_535 : vector<16xf32>
        %add3A_537 = arith.constant 0 : i32
        %add3A_538 = arith.addi %add3A_537, %scan3A_398 : i32
        %swap3A_539 = arith.constant 0 : i32
        %swap3A_540 = arith.index_cast %swap3A_539 : i32 to index
        %swap3A_541 = arith.index_cast %add3A_538 : i32 to index
        %swap3A_542 = arith.constant 96 : index
        %swap3A_543 = tpu.vector_load %arg9[%swap3A_540, %swap3A_541, %swap3A_542] {strides = array<i32>} : memref<2x128x128xf32, #tpu.memory_space<vmem>>, vector<16xf32>,
        tpu.vector_store %arg9[%swap3A_540, %swap3A_541, %swap3A_542], %max3A_536 {strides = array<i32>} : memref<2x128x128xf32, #tpu.memory_space<vmem>>, vector<16xf32>,
        %add3A_544 = arith.constant 0 : i32
        %add3A_545 = arith.addi %add3A_544, %scan3A_398 : i32
        %get3A_546 = arith.constant 0 : i32
        %get3A_547 = arith.index_cast %get3A_546 : i32 to index
        %get3A_548 = arith.index_cast %add3A_545 : i32 to index
        %get3A_549 = arith.constant 112 : index
        %get3A_550 = tpu.vector_load %arg9[%get3A_547, %get3A_548, %get3A_549] {strides = array<i32>} : memref<2x128x128xf32, #tpu.memory_space<vmem>>, vector<16xf32>,
        %get3A_551 = arith.index_cast %scan3A_398 : i32 to index
        %get3A_552 = arith.constant 112 : index
        %get3A_553 = tpu.vector_load %arg10[%get3A_551, %get3A_552] {strides = array<i32>} : memref<32x128xf32, #tpu.memory_space<vmem>>, vector<16xf32>,
        %add3A_554 = arith.addf %get3A_550, %get3A_553 : vector<16xf32>
        %max3A_555 = arith.constant 0.000000e+00 : f32
        %max3A_556 = vector.broadcast %max3A_555 : f32 to vector<16xf32>
        %max3A_557 = arith.maximumf %add3A_554, %max3A_556 : vector<16xf32>
        %add3A_558 = arith.constant 0 : i32
        %add3A_559 = arith.addi %add3A_558, %scan3A_398 : i32
        %swap3A_560 = arith.constant 0 : i32
        %swap3A_561 = arith.index_cast %swap3A_560 : i32 to index
        %swap3A_562 = arith.index_cast %add3A_559 : i32 to index
        %swap3A_563 = arith.constant 112 : index
        %swap3A_564 = tpu.vector_load %arg9[%swap3A_561, %swap3A_562, %swap3A_563] {strides = array<i32>} : memref<2x128x128xf32, #tpu.memory_space<vmem>>, vector<16xf32>,
        tpu.vector_store %arg9[%swap3A_561, %swap3A_562, %swap3A_563], %max3A_557 {strides = array<i32>} : memref<2x128x128xf32, #tpu.memory_space<vmem>>, vector<16xf32>,
      }
      %scan3A_171 = arith.constant 32 : i32
      %add3A_172 = arith.constant 32 : i32
      %add3A_173 = arith.addi %add3A_130, %add3A_172 : i32
      "tpu.region"() ({
        %run_scoped3A_398 = tpu.sem_alloc : memref<!tpu.dma_semaphore, #tpu.memory_space<semaphore_mem>>
        %dma_start3A_399 = arith.constant 0 : i32
        %dma_start3A_400 = tpu.memref_slice %arg3[%add3A_173, %dma_start3A_399] : memref<323584x128xf32, #tpu.memory_space<hbm>> -> memref<32x128xf32, #tpu.memory_space<hbm>>
        %dma_start3A_401 = arith.constant 0 : i32
        %dma_start3A_402 = tpu.memref_slice %arg3[%add3A_173, %dma_start3A_401] : memref<323584x128xf32, #tpu.memory_space<hbm>> -> memref<32x128xf32, #tpu.memory_space<hbm>>
        tpu.enqueue_dma source(%dma_start3A_402 : memref<32x128xf32, #tpu.memory_space<hbm>>) target(%arg10 : memref<32x128xf32, #tpu.memory_space<vmem>>) target_semaphore(%run_scoped3A_398 : memref<!tpu.dma_semaphore, #tpu.memory_space<semaphore_mem>>)
        %dma_wait3A_403 = arith.constant 0 : i32
        %dma_wait3A_404 = tpu.memref_slice %arg3[%add3A_173, %dma_wait3A_403] : memref<323584x128xf32, #tpu.memory_space<hbm>> -> memref<32x128xf32, #tpu.memory_space<hbm>>
        %dma_wait3A_405 = arith.constant 0 : i32
        %dma_wait3A_406 = tpu.memref_slice %arg3[%add3A_173, %dma_wait3A_405] : memref<323584x128xf32, #tpu.memory_space<hbm>> -> memref<32x128xf32, #tpu.memory_space<hbm>>
        tpu.wait_dma2 semaphore(%run_scoped3A_398 : memref<!tpu.dma_semaphore, #tpu.memory_space<semaphore_mem>>) src(%dma_wait3A_406 : memref<32x128xf32, #tpu.memory_space<hbm>>) dst(%arg10 : memref<32x128xf32, #tpu.memory_space<vmem>>)
        tpu.yield
      }) : () -> ()
      %scan3A_174 = arith.constant 0 : i32
      %scan3A_175 = arith.constant 0 : i32
      %scan3A_176 = arith.constant 32 : i32
      %scan3A_177 = arith.addi %scan3A_175, %scan3A_176 : i32
      %scan3A_178 = arith.constant 1 : i32
      scf.for %scan3A_398 = %scan3A_175 to %scan3A_177 step %scan3A_178  : i32 {
        %add3A_399 = arith.constant 32 : i32
        %add3A_400 = arith.addi %add3A_399, %scan3A_398 : i32
        %get3A_401 = arith.constant 0 : i32
        %get3A_402 = arith.index_cast %get3A_401 : i32 to index
        %get3A_403 = arith.index_cast %add3A_400 : i32 to index
        %get3A_404 = arith.constant 0 : index
        %get3A_405 = tpu.vector_load %arg9[%get3A_402, %get3A_403, %get3A_404] {strides = array<i32>} : memref<2x128x128xf32, #tpu.memory_space<vmem>>, vector<16xf32>,
        %get3A_406 = arith.index_cast %scan3A_398 : i32 to index
        %get3A_407 = arith.constant 0 : index
        %get3A_408 = tpu.vector_load %arg10[%get3A_406, %get3A_407] {strides = array<i32>} : memref<32x128xf32, #tpu.memory_space<vmem>>, vector<16xf32>,
        %add3A_409 = arith.addf %get3A_405, %get3A_408 : vector<16xf32>
        %max3A = arith.constant 0.000000e+00 : f32
        %max3A_410 = vector.broadcast %max3A : f32 to vector<16xf32>
        %max3A_411 = arith.maximumf %add3A_409, %max3A_410 : vector<16xf32>
        %add3A_412 = arith.constant 32 : i32
        %add3A_413 = arith.addi %add3A_412, %scan3A_398 : i32
        %swap3A = arith.constant 0 : i32
        %swap3A_414 = arith.index_cast %swap3A : i32 to index
        %swap3A_415 = arith.index_cast %add3A_413 : i32 to index
        %swap3A_416 = arith.constant 0 : index
        %swap3A_417 = tpu.vector_load %arg9[%swap3A_414, %swap3A_415, %swap3A_416] {strides = array<i32>} : memref<2x128x128xf32, #tpu.memory_space<vmem>>, vector<16xf32>,
        tpu.vector_store %arg9[%swap3A_414, %swap3A_415, %swap3A_416], %max3A_411 {strides = array<i32>} : memref<2x128x128xf32, #tpu.memory_space<vmem>>, vector<16xf32>,
        %add3A_418 = arith.constant 32 : i32
        %add3A_419 = arith.addi %add3A_418, %scan3A_398 : i32
        %get3A_420 = arith.constant 0 : i32
        %get3A_421 = arith.index_cast %get3A_420 : i32 to index
        %get3A_422 = arith.index_cast %add3A_419 : i32 to index
        %get3A_423 = arith.constant 16 : index
        %get3A_424 = tpu.vector_load %arg9[%get3A_421, %get3A_422, %get3A_423] {strides = array<i32>} : memref<2x128x128xf32, #tpu.memory_space<vmem>>, vector<16xf32>,
        %get3A_425 = arith.index_cast %scan3A_398 : i32 to index
        %get3A_426 = arith.constant 16 : index
        %get3A_427 = tpu.vector_load %arg10[%get3A_425, %get3A_426] {strides = array<i32>} : memref<32x128xf32, #tpu.memory_space<vmem>>, vector<16xf32>,
        %add3A_428 = arith.addf %get3A_424, %get3A_427 : vector<16xf32>
        %max3A_429 = arith.constant 0.000000e+00 : f32
        %max3A_430 = vector.broadcast %max3A_429 : f32 to vector<16xf32>
        %max3A_431 = arith.maximumf %add3A_428, %max3A_430 : vector<16xf32>
        %add3A_432 = arith.constant 32 : i32
        %add3A_433 = arith.addi %add3A_432, %scan3A_398 : i32
        %swap3A_434 = arith.constant 0 : i32
        %swap3A_435 = arith.index_cast %swap3A_434 : i32 to index
        %swap3A_436 = arith.index_cast %add3A_433 : i32 to index
        %swap3A_437 = arith.constant 16 : index
        %swap3A_438 = tpu.vector_load %arg9[%swap3A_435, %swap3A_436, %swap3A_437] {strides = array<i32>} : memref<2x128x128xf32, #tpu.memory_space<vmem>>, vector<16xf32>,
        tpu.vector_store %arg9[%swap3A_435, %swap3A_436, %swap3A_437], %max3A_431 {strides = array<i32>} : memref<2x128x128xf32, #tpu.memory_space<vmem>>, vector<16xf32>,
        %add3A_439 = arith.constant 32 : i32
        %add3A_440 = arith.addi %add3A_439, %scan3A_398 : i32
        %get3A_441 = arith.constant 0 : i32
        %get3A_442 = arith.index_cast %get3A_441 : i32 to index
        %get3A_443 = arith.index_cast %add3A_440 : i32 to index
        %get3A_444 = arith.constant 32 : index
        %get3A_445 = tpu.vector_load %arg9[%get3A_442, %get3A_443, %get3A_444] {strides = array<i32>} : memref<2x128x128xf32, #tpu.memory_space<vmem>>, vector<16xf32>,
        %get3A_446 = arith.index_cast %scan3A_398 : i32 to index
        %get3A_447 = arith.constant 32 : index
        %get3A_448 = tpu.vector_load %arg10[%get3A_446, %get3A_447] {strides = array<i32>} : memref<32x128xf32, #tpu.memory_space<vmem>>, vector<16xf32>,
        %add3A_449 = arith.addf %get3A_445, %get3A_448 : vector<16xf32>
        %max3A_450 = arith.constant 0.000000e+00 : f32
        %max3A_451 = vector.broadcast %max3A_450 : f32 to vector<16xf32>
        %max3A_452 = arith.maximumf %add3A_449, %max3A_451 : vector<16xf32>
        %add3A_453 = arith.constant 32 : i32
        %add3A_454 = arith.addi %add3A_453, %scan3A_398 : i32
        %swap3A_455 = arith.constant 0 : i32
        %swap3A_456 = arith.index_cast %swap3A_455 : i32 to index
        %swap3A_457 = arith.index_cast %add3A_454 : i32 to index
        %swap3A_458 = arith.constant 32 : index
        %swap3A_459 = tpu.vector_load %arg9[%swap3A_456, %swap3A_457, %swap3A_458] {strides = array<i32>} : memref<2x128x128xf32, #tpu.memory_space<vmem>>, vector<16xf32>,
        tpu.vector_store %arg9[%swap3A_456, %swap3A_457, %swap3A_458], %max3A_452 {strides = array<i32>} : memref<2x128x128xf32, #tpu.memory_space<vmem>>, vector<16xf32>,
        %add3A_460 = arith.constant 32 : i32
        %add3A_461 = arith.addi %add3A_460, %scan3A_398 : i32
        %get3A_462 = arith.constant 0 : i32
        %get3A_463 = arith.index_cast %get3A_462 : i32 to index
        %get3A_464 = arith.index_cast %add3A_461 : i32 to index
        %get3A_465 = arith.constant 48 : index
        %get3A_466 = tpu.vector_load %arg9[%get3A_463, %get3A_464, %get3A_465] {strides = array<i32>} : memref<2x128x128xf32, #tpu.memory_space<vmem>>, vector<16xf32>,
        %get3A_467 = arith.index_cast %scan3A_398 : i32 to index
        %get3A_468 = arith.constant 48 : index
        %get3A_469 = tpu.vector_load %arg10[%get3A_467, %get3A_468] {strides = array<i32>} : memref<32x128xf32, #tpu.memory_space<vmem>>, vector<16xf32>,
        %add3A_470 = arith.addf %get3A_466, %get3A_469 : vector<16xf32>
        %max3A_471 = arith.constant 0.000000e+00 : f32
        %max3A_472 = vector.broadcast %max3A_471 : f32 to vector<16xf32>
        %max3A_473 = arith.maximumf %add3A_470, %max3A_472 : vector<16xf32>
        %add3A_474 = arith.constant 32 : i32
        %add3A_475 = arith.addi %add3A_474, %scan3A_398 : i32
        %swap3A_476 = arith.constant 0 : i32
        %swap3A_477 = arith.index_cast %swap3A_476 : i32 to index
        %swap3A_478 = arith.index_cast %add3A_475 : i32 to index
        %swap3A_479 = arith.constant 48 : index
        %swap3A_480 = tpu.vector_load %arg9[%swap3A_477, %swap3A_478, %swap3A_479] {strides = array<i32>} : memref<2x128x128xf32, #tpu.memory_space<vmem>>, vector<16xf32>,
        tpu.vector_store %arg9[%swap3A_477, %swap3A_478, %swap3A_479], %max3A_473 {strides = array<i32>} : memref<2x128x128xf32, #tpu.memory_space<vmem>>, vector<16xf32>,
        %add3A_481 = arith.constant 32 : i32
        %add3A_482 = arith.addi %add3A_481, %scan3A_398 : i32
        %get3A_483 = arith.constant 0 : i32
        %get3A_484 = arith.index_cast %get3A_483 : i32 to index
        %get3A_485 = arith.index_cast %add3A_482 : i32 to index
        %get3A_486 = arith.constant 64 : index
        %get3A_487 = tpu.vector_load %arg9[%get3A_484, %get3A_485, %get3A_486] {strides = array<i32>} : memref<2x128x128xf32, #tpu.memory_space<vmem>>, vector<16xf32>,
        %get3A_488 = arith.index_cast %scan3A_398 : i32 to index
        %get3A_489 = arith.constant 64 : index
        %get3A_490 = tpu.vector_load %arg10[%get3A_488, %get3A_489] {strides = array<i32>} : memref<32x128xf32, #tpu.memory_space<vmem>>, vector<16xf32>,
        %add3A_491 = arith.addf %get3A_487, %get3A_490 : vector<16xf32>
        %max3A_492 = arith.constant 0.000000e+00 : f32
        %max3A_493 = vector.broadcast %max3A_492 : f32 to vector<16xf32>
        %max3A_494 = arith.maximumf %add3A_491, %max3A_493 : vector<16xf32>
        %add3A_495 = arith.constant 32 : i32
        %add3A_496 = arith.addi %add3A_495, %scan3A_398 : i32
        %swap3A_497 = arith.constant 0 : i32
        %swap3A_498 = arith.index_cast %swap3A_497 : i32 to index
        %swap3A_499 = arith.index_cast %add3A_496 : i32 to index
        %swap3A_500 = arith.constant 64 : index
        %swap3A_501 = tpu.vector_load %arg9[%swap3A_498, %swap3A_499, %swap3A_500] {strides = array<i32>} : memref<2x128x128xf32, #tpu.memory_space<vmem>>, vector<16xf32>,
        tpu.vector_store %arg9[%swap3A_498, %swap3A_499, %swap3A_500], %max3A_494 {strides = array<i32>} : memref<2x128x128xf32, #tpu.memory_space<vmem>>, vector<16xf32>,
        %add3A_502 = arith.constant 32 : i32
        %add3A_503 = arith.addi %add3A_502, %scan3A_398 : i32
        %get3A_504 = arith.constant 0 : i32
        %get3A_505 = arith.index_cast %get3A_504 : i32 to index
        %get3A_506 = arith.index_cast %add3A_503 : i32 to index
        %get3A_507 = arith.constant 80 : index
        %get3A_508 = tpu.vector_load %arg9[%get3A_505, %get3A_506, %get3A_507] {strides = array<i32>} : memref<2x128x128xf32, #tpu.memory_space<vmem>>, vector<16xf32>,
        %get3A_509 = arith.index_cast %scan3A_398 : i32 to index
        %get3A_510 = arith.constant 80 : index
        %get3A_511 = tpu.vector_load %arg10[%get3A_509, %get3A_510] {strides = array<i32>} : memref<32x128xf32, #tpu.memory_space<vmem>>, vector<16xf32>,
        %add3A_512 = arith.addf %get3A_508, %get3A_511 : vector<16xf32>
        %max3A_513 = arith.constant 0.000000e+00 : f32
        %max3A_514 = vector.broadcast %max3A_513 : f32 to vector<16xf32>
        %max3A_515 = arith.maximumf %add3A_512, %max3A_514 : vector<16xf32>
        %add3A_516 = arith.constant 32 : i32
        %add3A_517 = arith.addi %add3A_516, %scan3A_398 : i32
        %swap3A_518 = arith.constant 0 : i32
        %swap3A_519 = arith.index_cast %swap3A_518 : i32 to index
        %swap3A_520 = arith.index_cast %add3A_517 : i32 to index
        %swap3A_521 = arith.constant 80 : index
        %swap3A_522 = tpu.vector_load %arg9[%swap3A_519, %swap3A_520, %swap3A_521] {strides = array<i32>} : memref<2x128x128xf32, #tpu.memory_space<vmem>>, vector<16xf32>,
        tpu.vector_store %arg9[%swap3A_519, %swap3A_520, %swap3A_521], %max3A_515 {strides = array<i32>} : memref<2x128x128xf32, #tpu.memory_space<vmem>>, vector<16xf32>,
        %add3A_523 = arith.constant 32 : i32
        %add3A_524 = arith.addi %add3A_523, %scan3A_398 : i32
        %get3A_525 = arith.constant 0 : i32
        %get3A_526 = arith.index_cast %get3A_525 : i32 to index
        %get3A_527 = arith.index_cast %add3A_524 : i32 to index
        %get3A_528 = arith.constant 96 : index
        %get3A_529 = tpu.vector_load %arg9[%get3A_526, %get3A_527, %get3A_528] {strides = array<i32>} : memref<2x128x128xf32, #tpu.memory_space<vmem>>, vector<16xf32>,
        %get3A_530 = arith.index_cast %scan3A_398 : i32 to index
        %get3A_531 = arith.constant 96 : index
        %get3A_532 = tpu.vector_load %arg10[%get3A_530, %get3A_531] {strides = array<i32>} : memref<32x128xf32, #tpu.memory_space<vmem>>, vector<16xf32>,
        %add3A_533 = arith.addf %get3A_529, %get3A_532 : vector<16xf32>
        %max3A_534 = arith.constant 0.000000e+00 : f32
        %max3A_535 = vector.broadcast %max3A_534 : f32 to vector<16xf32>
        %max3A_536 = arith.maximumf %add3A_533, %max3A_535 : vector<16xf32>
        %add3A_537 = arith.constant 32 : i32
        %add3A_538 = arith.addi %add3A_537, %scan3A_398 : i32
        %swap3A_539 = arith.constant 0 : i32
        %swap3A_540 = arith.index_cast %swap3A_539 : i32 to index
        %swap3A_541 = arith.index_cast %add3A_538 : i32 to index
        %swap3A_542 = arith.constant 96 : index
        %swap3A_543 = tpu.vector_load %arg9[%swap3A_540, %swap3A_541, %swap3A_542] {strides = array<i32>} : memref<2x128x128xf32, #tpu.memory_space<vmem>>, vector<16xf32>,
        tpu.vector_store %arg9[%swap3A_540, %swap3A_541, %swap3A_542], %max3A_536 {strides = array<i32>} : memref<2x128x128xf32, #tpu.memory_space<vmem>>, vector<16xf32>,
        %add3A_544 = arith.constant 32 : i32
        %add3A_545 = arith.addi %add3A_544, %scan3A_398 : i32
        %get3A_546 = arith.constant 0 : i32
        %get3A_547 = arith.index_cast %get3A_546 : i32 to index
        %get3A_548 = arith.index_cast %add3A_545 : i32 to index
        %get3A_549 = arith.constant 112 : index
        %get3A_550 = tpu.vector_load %arg9[%get3A_547, %get3A_548, %get3A_549] {strides = array<i32>} : memref<2x128x128xf32, #tpu.memory_space<vmem>>, vector<16xf32>,
        %get3A_551 = arith.index_cast %scan3A_398 : i32 to index
        %get3A_552 = arith.constant 112 : index
        %get3A_553 = tpu.vector_load %arg10[%get3A_551, %get3A_552] {strides = array<i32>} : memref<32x128xf32, #tpu.memory_space<vmem>>, vector<16xf32>,
        %add3A_554 = arith.addf %get3A_550, %get3A_553 : vector<16xf32>
        %max3A_555 = arith.constant 0.000000e+00 : f32
        %max3A_556 = vector.broadcast %max3A_555 : f32 to vector<16xf32>
        %max3A_557 = arith.maximumf %add3A_554, %max3A_556 : vector<16xf32>
        %add3A_558 = arith.constant 32 : i32
        %add3A_559 = arith.addi %add3A_558, %scan3A_398 : i32
        %swap3A_560 = arith.constant 0 : i32
        %swap3A_561 = arith.index_cast %swap3A_560 : i32 to index
        %swap3A_562 = arith.index_cast %add3A_559 : i32 to index
        %swap3A_563 = arith.constant 112 : index
        %swap3A_564 = tpu.vector_load %arg9[%swap3A_561, %swap3A_562, %swap3A_563] {strides = array<i32>} : memref<2x128x128xf32, #tpu.memory_space<vmem>>, vector<16xf32>,
        tpu.vector_store %arg9[%swap3A_561, %swap3A_562, %swap3A_563], %max3A_557 {strides = array<i32>} : memref<2x128x128xf32, #tpu.memory_space<vmem>>, vector<16xf32>,
      }
      %scan3A_179 = arith.constant 32 : i32
      %add3A_180 = arith.constant 64 : i32
      %add3A_181 = arith.addi %add3A_130, %add3A_180 : i32
      "tpu.region"() ({
        %run_scoped3A_398 = tpu.sem_alloc : memref<!tpu.dma_semaphore, #tpu.memory_space<semaphore_mem>>
        %dma_start3A_399 = arith.constant 0 : i32
        %dma_start3A_400 = tpu.memref_slice %arg3[%add3A_181, %dma_start3A_399] : memref<323584x128xf32, #tpu.memory_space<hbm>> -> memref<32x128xf32, #tpu.memory_space<hbm>>
        %dma_start3A_401 = arith.constant 0 : i32
        %dma_start3A_402 = tpu.memref_slice %arg3[%add3A_181, %dma_start3A_401] : memref<323584x128xf32, #tpu.memory_space<hbm>> -> memref<32x128xf32, #tpu.memory_space<hbm>>
        tpu.enqueue_dma source(%dma_start3A_402 : memref<32x128xf32, #tpu.memory_space<hbm>>) target(%arg10 : memref<32x128xf32, #tpu.memory_space<vmem>>) target_semaphore(%run_scoped3A_398 : memref<!tpu.dma_semaphore, #tpu.memory_space<semaphore_mem>>)
        %dma_wait3A_403 = arith.constant 0 : i32
        %dma_wait3A_404 = tpu.memref_slice %arg3[%add3A_181, %dma_wait3A_403] : memref<323584x128xf32, #tpu.memory_space<hbm>> -> memref<32x128xf32, #tpu.memory_space<hbm>>
        %dma_wait3A_405 = arith.constant 0 : i32
        %dma_wait3A_406 = tpu.memref_slice %arg3[%add3A_181, %dma_wait3A_405] : memref<323584x128xf32, #tpu.memory_space<hbm>> -> memref<32x128xf32, #tpu.memory_space<hbm>>
        tpu.wait_dma2 semaphore(%run_scoped3A_398 : memref<!tpu.dma_semaphore, #tpu.memory_space<semaphore_mem>>) src(%dma_wait3A_406 : memref<32x128xf32, #tpu.memory_space<hbm>>) dst(%arg10 : memref<32x128xf32, #tpu.memory_space<vmem>>)
        tpu.yield
      }) : () -> ()
      %scan3A_182 = arith.constant 0 : i32
      %scan3A_183 = arith.constant 0 : i32
      %scan3A_184 = arith.constant 32 : i32
      %scan3A_185 = arith.addi %scan3A_183, %scan3A_184 : i32
      %scan3A_186 = arith.constant 1 : i32
      scf.for %scan3A_398 = %scan3A_183 to %scan3A_185 step %scan3A_186  : i32 {
        %add3A_399 = arith.constant 64 : i32
        %add3A_400 = arith.addi %add3A_399, %scan3A_398 : i32
        %get3A_401 = arith.constant 0 : i32
        %get3A_402 = arith.index_cast %get3A_401 : i32 to index
        %get3A_403 = arith.index_cast %add3A_400 : i32 to index
        %get3A_404 = arith.constant 0 : index
        %get3A_405 = tpu.vector_load %arg9[%get3A_402, %get3A_403, %get3A_404] {strides = array<i32>} : memref<2x128x128xf32, #tpu.memory_space<vmem>>, vector<16xf32>,
        %get3A_406 = arith.index_cast %scan3A_398 : i32 to index
        %get3A_407 = arith.constant 0 : index
        %get3A_408 = tpu.vector_load %arg10[%get3A_406, %get3A_407] {strides = array<i32>} : memref<32x128xf32, #tpu.memory_space<vmem>>, vector<16xf32>,
        %add3A_409 = arith.addf %get3A_405, %get3A_408 : vector<16xf32>
        %max3A = arith.constant 0.000000e+00 : f32
        %max3A_410 = vector.broadcast %max3A : f32 to vector<16xf32>
        %max3A_411 = arith.maximumf %add3A_409, %max3A_410 : vector<16xf32>
        %add3A_412 = arith.constant 64 : i32
        %add3A_413 = arith.addi %add3A_412, %scan3A_398 : i32
        %swap3A = arith.constant 0 : i32
        %swap3A_414 = arith.index_cast %swap3A : i32 to index
        %swap3A_415 = arith.index_cast %add3A_413 : i32 to index
        %swap3A_416 = arith.constant 0 : index
        %swap3A_417 = tpu.vector_load %arg9[%swap3A_414, %swap3A_415, %swap3A_416] {strides = array<i32>} : memref<2x128x128xf32, #tpu.memory_space<vmem>>, vector<16xf32>,
        tpu.vector_store %arg9[%swap3A_414, %swap3A_415, %swap3A_416], %max3A_411 {strides = array<i32>} : memref<2x128x128xf32, #tpu.memory_space<vmem>>, vector<16xf32>,
        %add3A_418 = arith.constant 64 : i32
        %add3A_419 = arith.addi %add3A_418, %scan3A_398 : i32
        %get3A_420 = arith.constant 0 : i32
        %get3A_421 = arith.index_cast %get3A_420 : i32 to index
        %get3A_422 = arith.index_cast %add3A_419 : i32 to index
        %get3A_423 = arith.constant 16 : index
        %get3A_424 = tpu.vector_load %arg9[%get3A_421, %get3A_422, %get3A_423] {strides = array<i32>} : memref<2x128x128xf32, #tpu.memory_space<vmem>>, vector<16xf32>,
        %get3A_425 = arith.index_cast %scan3A_398 : i32 to index
        %get3A_426 = arith.constant 16 : index
        %get3A_427 = tpu.vector_load %arg10[%get3A_425, %get3A_426] {strides = array<i32>} : memref<32x128xf32, #tpu.memory_space<vmem>>, vector<16xf32>,
        %add3A_428 = arith.addf %get3A_424, %get3A_427 : vector<16xf32>
        %max3A_429 = arith.constant 0.000000e+00 : f32
        %max3A_430 = vector.broadcast %max3A_429 : f32 to vector<16xf32>
        %max3A_431 = arith.maximumf %add3A_428, %max3A_430 : vector<16xf32>
        %add3A_432 = arith.constant 64 : i32
        %add3A_433 = arith.addi %add3A_432, %scan3A_398 : i32
        %swap3A_434 = arith.constant 0 : i32
        %swap3A_435 = arith.index_cast %swap3A_434 : i32 to index
        %swap3A_436 = arith.index_cast %add3A_433 : i32 to index
        %swap3A_437 = arith.constant 16 : index
        %swap3A_438 = tpu.vector_load %arg9[%swap3A_435, %swap3A_436, %swap3A_437] {strides = array<i32>} : memref<2x128x128xf32, #tpu.memory_space<vmem>>, vector<16xf32>,
        tpu.vector_store %arg9[%swap3A_435, %swap3A_436, %swap3A_437], %max3A_431 {strides = array<i32>} : memref<2x128x128xf32, #tpu.memory_space<vmem>>, vector<16xf32>,
        %add3A_439 = arith.constant 64 : i32
        %add3A_440 = arith.addi %add3A_439, %scan3A_398 : i32
        %get3A_441 = arith.constant 0 : i32
        %get3A_442 = arith.index_cast %get3A_441 : i32 to index
        %get3A_443 = arith.index_cast %add3A_440 : i32 to index
        %get3A_444 = arith.constant 32 : index
        %get3A_445 = tpu.vector_load %arg9[%get3A_442, %get3A_443, %get3A_444] {strides = array<i32>} : memref<2x128x128xf32, #tpu.memory_space<vmem>>, vector<16xf32>,
        %get3A_446 = arith.index_cast %scan3A_398 : i32 to index
        %get3A_447 = arith.constant 32 : index
        %get3A_448 = tpu.vector_load %arg10[%get3A_446, %get3A_447] {strides = array<i32>} : memref<32x128xf32, #tpu.memory_space<vmem>>, vector<16xf32>,
        %add3A_449 = arith.addf %get3A_445, %get3A_448 : vector<16xf32>
        %max3A_450 = arith.constant 0.000000e+00 : f32
        %max3A_451 = vector.broadcast %max3A_450 : f32 to vector<16xf32>
        %max3A_452 = arith.maximumf %add3A_449, %max3A_451 : vector<16xf32>
        %add3A_453 = arith.constant 64 : i32
        %add3A_454 = arith.addi %add3A_453, %scan3A_398 : i32
        %swap3A_455 = arith.constant 0 : i32
        %swap3A_456 = arith.index_cast %swap3A_455 : i32 to index
        %swap3A_457 = arith.index_cast %add3A_454 : i32 to index
        %swap3A_458 = arith.constant 32 : index
        %swap3A_459 = tpu.vector_load %arg9[%swap3A_456, %swap3A_457, %swap3A_458] {strides = array<i32>} : memref<2x128x128xf32, #tpu.memory_space<vmem>>, vector<16xf32>,
        tpu.vector_store %arg9[%swap3A_456, %swap3A_457, %swap3A_458], %max3A_452 {strides = array<i32>} : memref<2x128x128xf32, #tpu.memory_space<vmem>>, vector<16xf32>,
        %add3A_460 = arith.constant 64 : i32
        %add3A_461 = arith.addi %add3A_460, %scan3A_398 : i32
        %get3A_462 = arith.constant 0 : i32
        %get3A_463 = arith.index_cast %get3A_462 : i32 to index
        %get3A_464 = arith.index_cast %add3A_461 : i32 to index
        %get3A_465 = arith.constant 48 : index
        %get3A_466 = tpu.vector_load %arg9[%get3A_463, %get3A_464, %get3A_465] {strides = array<i32>} : memref<2x128x128xf32, #tpu.memory_space<vmem>>, vector<16xf32>,
        %get3A_467 = arith.index_cast %scan3A_398 : i32 to index
        %get3A_468 = arith.constant 48 : index
        %get3A_469 = tpu.vector_load %arg10[%get3A_467, %get3A_468] {strides = array<i32>} : memref<32x128xf32, #tpu.memory_space<vmem>>, vector<16xf32>,
        %add3A_470 = arith.addf %get3A_466, %get3A_469 : vector<16xf32>
        %max3A_471 = arith.constant 0.000000e+00 : f32
        %max3A_472 = vector.broadcast %max3A_471 : f32 to vector<16xf32>
        %max3A_473 = arith.maximumf %add3A_470, %max3A_472 : vector<16xf32>
        %add3A_474 = arith.constant 64 : i32
        %add3A_475 = arith.addi %add3A_474, %scan3A_398 : i32
        %swap3A_476 = arith.constant 0 : i32
        %swap3A_477 = arith.index_cast %swap3A_476 : i32 to index
        %swap3A_478 = arith.index_cast %add3A_475 : i32 to index
        %swap3A_479 = arith.constant 48 : index
        %swap3A_480 = tpu.vector_load %arg9[%swap3A_477, %swap3A_478, %swap3A_479] {strides = array<i32>} : memref<2x128x128xf32, #tpu.memory_space<vmem>>, vector<16xf32>,
        tpu.vector_store %arg9[%swap3A_477, %swap3A_478, %swap3A_479], %max3A_473 {strides = array<i32>} : memref<2x128x128xf32, #tpu.memory_space<vmem>>, vector<16xf32>,
        %add3A_481 = arith.constant 64 : i32
        %add3A_482 = arith.addi %add3A_481, %scan3A_398 : i32
        %get3A_483 = arith.constant 0 : i32
        %get3A_484 = arith.index_cast %get3A_483 : i32 to index
        %get3A_485 = arith.index_cast %add3A_482 : i32 to index
        %get3A_486 = arith.constant 64 : index
        %get3A_487 = tpu.vector_load %arg9[%get3A_484, %get3A_485, %get3A_486] {strides = array<i32>} : memref<2x128x128xf32, #tpu.memory_space<vmem>>, vector<16xf32>,
        %get3A_488 = arith.index_cast %scan3A_398 : i32 to index
        %get3A_489 = arith.constant 64 : index
        %get3A_490 = tpu.vector_load %arg10[%get3A_488, %get3A_489] {strides = array<i32>} : memref<32x128xf32, #tpu.memory_space<vmem>>, vector<16xf32>,
        %add3A_491 = arith.addf %get3A_487, %get3A_490 : vector<16xf32>
        %max3A_492 = arith.constant 0.000000e+00 : f32
        %max3A_493 = vector.broadcast %max3A_492 : f32 to vector<16xf32>
        %max3A_494 = arith.maximumf %add3A_491, %max3A_493 : vector<16xf32>
        %add3A_495 = arith.constant 64 : i32
        %add3A_496 = arith.addi %add3A_495, %scan3A_398 : i32
        %swap3A_497 = arith.constant 0 : i32
        %swap3A_498 = arith.index_cast %swap3A_497 : i32 to index
        %swap3A_499 = arith.index_cast %add3A_496 : i32 to index
        %swap3A_500 = arith.constant 64 : index
        %swap3A_501 = tpu.vector_load %arg9[%swap3A_498, %swap3A_499, %swap3A_500] {strides = array<i32>} : memref<2x128x128xf32, #tpu.memory_space<vmem>>, vector<16xf32>,
        tpu.vector_store %arg9[%swap3A_498, %swap3A_499, %swap3A_500], %max3A_494 {strides = array<i32>} : memref<2x128x128xf32, #tpu.memory_space<vmem>>, vector<16xf32>,
        %add3A_502 = arith.constant 64 : i32
        %add3A_503 = arith.addi %add3A_502, %scan3A_398 : i32
        %get3A_504 = arith.constant 0 : i32
        %get3A_505 = arith.index_cast %get3A_504 : i32 to index
        %get3A_506 = arith.index_cast %add3A_503 : i32 to index
        %get3A_507 = arith.constant 80 : index
        %get3A_508 = tpu.vector_load %arg9[%get3A_505, %get3A_506, %get3A_507] {strides = array<i32>} : memref<2x128x128xf32, #tpu.memory_space<vmem>>, vector<16xf32>,
        %get3A_509 = arith.index_cast %scan3A_398 : i32 to index
        %get3A_510 = arith.constant 80 : index
        %get3A_511 = tpu.vector_load %arg10[%get3A_509, %get3A_510] {strides = array<i32>} : memref<32x128xf32, #tpu.memory_space<vmem>>, vector<16xf32>,
        %add3A_512 = arith.addf %get3A_508, %get3A_511 : vector<16xf32>
        %max3A_513 = arith.constant 0.000000e+00 : f32
        %max3A_514 = vector.broadcast %max3A_513 : f32 to vector<16xf32>
        %max3A_515 = arith.maximumf %add3A_512, %max3A_514 : vector<16xf32>
        %add3A_516 = arith.constant 64 : i32
        %add3A_517 = arith.addi %add3A_516, %scan3A_398 : i32
        %swap3A_518 = arith.constant 0 : i32
        %swap3A_519 = arith.index_cast %swap3A_518 : i32 to index
        %swap3A_520 = arith.index_cast %add3A_517 : i32 to index
        %swap3A_521 = arith.constant 80 : index
        %swap3A_522 = tpu.vector_load %arg9[%swap3A_519, %swap3A_520, %swap3A_521] {strides = array<i32>} : memref<2x128x128xf32, #tpu.memory_space<vmem>>, vector<16xf32>,
        tpu.vector_store %arg9[%swap3A_519, %swap3A_520, %swap3A_521], %max3A_515 {strides = array<i32>} : memref<2x128x128xf32, #tpu.memory_space<vmem>>, vector<16xf32>,
        %add3A_523 = arith.constant 64 : i32
        %add3A_524 = arith.addi %add3A_523, %scan3A_398 : i32
        %get3A_525 = arith.constant 0 : i32
        %get3A_526 = arith.index_cast %get3A_525 : i32 to index
        %get3A_527 = arith.index_cast %add3A_524 : i32 to index
        %get3A_528 = arith.constant 96 : index
        %get3A_529 = tpu.vector_load %arg9[%get3A_526, %get3A_527, %get3A_528] {strides = array<i32>} : memref<2x128x128xf32, #tpu.memory_space<vmem>>, vector<16xf32>,
        %get3A_530 = arith.index_cast %scan3A_398 : i32 to index
        %get3A_531 = arith.constant 96 : index
        %get3A_532 = tpu.vector_load %arg10[%get3A_530, %get3A_531] {strides = array<i32>} : memref<32x128xf32, #tpu.memory_space<vmem>>, vector<16xf32>,
        %add3A_533 = arith.addf %get3A_529, %get3A_532 : vector<16xf32>
        %max3A_534 = arith.constant 0.000000e+00 : f32
        %max3A_535 = vector.broadcast %max3A_534 : f32 to vector<16xf32>
        %max3A_536 = arith.maximumf %add3A_533, %max3A_535 : vector<16xf32>
        %add3A_537 = arith.constant 64 : i32
        %add3A_538 = arith.addi %add3A_537, %scan3A_398 : i32
        %swap3A_539 = arith.constant 0 : i32
        %swap3A_540 = arith.index_cast %swap3A_539 : i32 to index
        %swap3A_541 = arith.index_cast %add3A_538 : i32 to index
        %swap3A_542 = arith.constant 96 : index
        %swap3A_543 = tpu.vector_load %arg9[%swap3A_540, %swap3A_541, %swap3A_542] {strides = array<i32>} : memref<2x128x128xf32, #tpu.memory_space<vmem>>, vector<16xf32>,
        tpu.vector_store %arg9[%swap3A_540, %swap3A_541, %swap3A_542], %max3A_536 {strides = array<i32>} : memref<2x128x128xf32, #tpu.memory_space<vmem>>, vector<16xf32>,
        %add3A_544 = arith.constant 64 : i32
        %add3A_545 = arith.addi %add3A_544, %scan3A_398 : i32
        %get3A_546 = arith.constant 0 : i32
        %get3A_547 = arith.index_cast %get3A_546 : i32 to index
        %get3A_548 = arith.index_cast %add3A_545 : i32 to index
        %get3A_549 = arith.constant 112 : index
        %get3A_550 = tpu.vector_load %arg9[%get3A_547, %get3A_548, %get3A_549] {strides = array<i32>} : memref<2x128x128xf32, #tpu.memory_space<vmem>>, vector<16xf32>,
        %get3A_551 = arith.index_cast %scan3A_398 : i32 to index
        %get3A_552 = arith.constant 112 : index
        %get3A_553 = tpu.vector_load %arg10[%get3A_551, %get3A_552] {strides = array<i32>} : memref<32x128xf32, #tpu.memory_space<vmem>>, vector<16xf32>,
        %add3A_554 = arith.addf %get3A_550, %get3A_553 : vector<16xf32>
        %max3A_555 = arith.constant 0.000000e+00 : f32
        %max3A_556 = vector.broadcast %max3A_555 : f32 to vector<16xf32>
        %max3A_557 = arith.maximumf %add3A_554, %max3A_556 : vector<16xf32>
        %add3A_558 = arith.constant 64 : i32
        %add3A_559 = arith.addi %add3A_558, %scan3A_398 : i32
        %swap3A_560 = arith.constant 0 : i32
        %swap3A_561 = arith.index_cast %swap3A_560 : i32 to index
        %swap3A_562 = arith.index_cast %add3A_559 : i32 to index
        %swap3A_563 = arith.constant 112 : index
        %swap3A_564 = tpu.vector_load %arg9[%swap3A_561, %swap3A_562, %swap3A_563] {strides = array<i32>} : memref<2x128x128xf32, #tpu.memory_space<vmem>>, vector<16xf32>,
        tpu.vector_store %arg9[%swap3A_561, %swap3A_562, %swap3A_563], %max3A_557 {strides = array<i32>} : memref<2x128x128xf32, #tpu.memory_space<vmem>>, vector<16xf32>,
      }
      %scan3A_187 = arith.constant 32 : i32
      %add3A_188 = arith.constant 96 : i32
      %add3A_189 = arith.addi %add3A_130, %add3A_188 : i32
      "tpu.region"() ({
        %run_scoped3A_398 = tpu.sem_alloc : memref<!tpu.dma_semaphore, #tpu.memory_space<semaphore_mem>>
        %dma_start3A_399 = arith.constant 0 : i32
        %dma_start3A_400 = tpu.memref_slice %arg3[%add3A_189, %dma_start3A_399] : memref<323584x128xf32, #tpu.memory_space<hbm>> -> memref<32x128xf32, #tpu.memory_space<hbm>>
        %dma_start3A_401 = arith.constant 0 : i32
        %dma_start3A_402 = tpu.memref_slice %arg3[%add3A_189, %dma_start3A_401] : memref<323584x128xf32, #tpu.memory_space<hbm>> -> memref<32x128xf32, #tpu.memory_space<hbm>>
        tpu.enqueue_dma source(%dma_start3A_402 : memref<32x128xf32, #tpu.memory_space<hbm>>) target(%arg10 : memref<32x128xf32, #tpu.memory_space<vmem>>) target_semaphore(%run_scoped3A_398 : memref<!tpu.dma_semaphore, #tpu.memory_space<semaphore_mem>>)
        %dma_wait3A_403 = arith.constant 0 : i32
        %dma_wait3A_404 = tpu.memref_slice %arg3[%add3A_189, %dma_wait3A_403] : memref<323584x128xf32, #tpu.memory_space<hbm>> -> memref<32x128xf32, #tpu.memory_space<hbm>>
        %dma_wait3A_405 = arith.constant 0 : i32
        %dma_wait3A_406 = tpu.memref_slice %arg3[%add3A_189, %dma_wait3A_405] : memref<323584x128xf32, #tpu.memory_space<hbm>> -> memref<32x128xf32, #tpu.memory_space<hbm>>
        tpu.wait_dma2 semaphore(%run_scoped3A_398 : memref<!tpu.dma_semaphore, #tpu.memory_space<semaphore_mem>>) src(%dma_wait3A_406 : memref<32x128xf32, #tpu.memory_space<hbm>>) dst(%arg10 : memref<32x128xf32, #tpu.memory_space<vmem>>)
        tpu.yield
      }) : () -> ()
      %scan3A_190 = arith.constant 0 : i32
      %scan3A_191 = arith.constant 0 : i32
      %scan3A_192 = arith.constant 32 : i32
      %scan3A_193 = arith.addi %scan3A_191, %scan3A_192 : i32
      %scan3A_194 = arith.constant 1 : i32
      scf.for %scan3A_398 = %scan3A_191 to %scan3A_193 step %scan3A_194  : i32 {
        %add3A_399 = arith.constant 96 : i32
        %add3A_400 = arith.addi %add3A_399, %scan3A_398 : i32
        %get3A_401 = arith.constant 0 : i32
        %get3A_402 = arith.index_cast %get3A_401 : i32 to index
        %get3A_403 = arith.index_cast %add3A_400 : i32 to index
        %get3A_404 = arith.constant 0 : index
        %get3A_405 = tpu.vector_load %arg9[%get3A_402, %get3A_403, %get3A_404] {strides = array<i32>} : memref<2x128x128xf32, #tpu.memory_space<vmem>>, vector<16xf32>,
        %get3A_406 = arith.index_cast %scan3A_398 : i32 to index
        %get3A_407 = arith.constant 0 : index
        %get3A_408 = tpu.vector_load %arg10[%get3A_406, %get3A_407] {strides = array<i32>} : memref<32x128xf32, #tpu.memory_space<vmem>>, vector<16xf32>,
        %add3A_409 = arith.addf %get3A_405, %get3A_408 : vector<16xf32>
        %max3A = arith.constant 0.000000e+00 : f32
        %max3A_410 = vector.broadcast %max3A : f32 to vector<16xf32>
        %max3A_411 = arith.maximumf %add3A_409, %max3A_410 : vector<16xf32>
        %add3A_412 = arith.constant 96 : i32
        %add3A_413 = arith.addi %add3A_412, %scan3A_398 : i32
        %swap3A = arith.constant 0 : i32
        %swap3A_414 = arith.index_cast %swap3A : i32 to index
        %swap3A_415 = arith.index_cast %add3A_413 : i32 to index
        %swap3A_416 = arith.constant 0 : index
        %swap3A_417 = tpu.vector_load %arg9[%swap3A_414, %swap3A_415, %swap3A_416] {strides = array<i32>} : memref<2x128x128xf32, #tpu.memory_space<vmem>>, vector<16xf32>,
        tpu.vector_store %arg9[%swap3A_414, %swap3A_415, %swap3A_416], %max3A_411 {strides = array<i32>} : memref<2x128x128xf32, #tpu.memory_space<vmem>>, vector<16xf32>,
        %add3A_418 = arith.constant 96 : i32
        %add3A_419 = arith.addi %add3A_418, %scan3A_398 : i32
        %get3A_420 = arith.constant 0 : i32
        %get3A_421 = arith.index_cast %get3A_420 : i32 to index
        %get3A_422 = arith.index_cast %add3A_419 : i32 to index
        %get3A_423 = arith.constant 16 : index
        %get3A_424 = tpu.vector_load %arg9[%get3A_421, %get3A_422, %get3A_423] {strides = array<i32>} : memref<2x128x128xf32, #tpu.memory_space<vmem>>, vector<16xf32>,
        %get3A_425 = arith.index_cast %scan3A_398 : i32 to index
        %get3A_426 = arith.constant 16 : index
        %get3A_427 = tpu.vector_load %arg10[%get3A_425, %get3A_426] {strides = array<i32>} : memref<32x128xf32, #tpu.memory_space<vmem>>, vector<16xf32>,
        %add3A_428 = arith.addf %get3A_424, %get3A_427 : vector<16xf32>
        %max3A_429 = arith.constant 0.000000e+00 : f32
        %max3A_430 = vector.broadcast %max3A_429 : f32 to vector<16xf32>
        %max3A_431 = arith.maximumf %add3A_428, %max3A_430 : vector<16xf32>
        %add3A_432 = arith.constant 96 : i32
        %add3A_433 = arith.addi %add3A_432, %scan3A_398 : i32
        %swap3A_434 = arith.constant 0 : i32
        %swap3A_435 = arith.index_cast %swap3A_434 : i32 to index
        %swap3A_436 = arith.index_cast %add3A_433 : i32 to index
        %swap3A_437 = arith.constant 16 : index
        %swap3A_438 = tpu.vector_load %arg9[%swap3A_435, %swap3A_436, %swap3A_437] {strides = array<i32>} : memref<2x128x128xf32, #tpu.memory_space<vmem>>, vector<16xf32>,
        tpu.vector_store %arg9[%swap3A_435, %swap3A_436, %swap3A_437], %max3A_431 {strides = array<i32>} : memref<2x128x128xf32, #tpu.memory_space<vmem>>, vector<16xf32>,
        %add3A_439 = arith.constant 96 : i32
        %add3A_440 = arith.addi %add3A_439, %scan3A_398 : i32
        %get3A_441 = arith.constant 0 : i32
        %get3A_442 = arith.index_cast %get3A_441 : i32 to index
        %get3A_443 = arith.index_cast %add3A_440 : i32 to index
        %get3A_444 = arith.constant 32 : index
        %get3A_445 = tpu.vector_load %arg9[%get3A_442, %get3A_443, %get3A_444] {strides = array<i32>} : memref<2x128x128xf32, #tpu.memory_space<vmem>>, vector<16xf32>,
        %get3A_446 = arith.index_cast %scan3A_398 : i32 to index
        %get3A_447 = arith.constant 32 : index
        %get3A_448 = tpu.vector_load %arg10[%get3A_446, %get3A_447] {strides = array<i32>} : memref<32x128xf32, #tpu.memory_space<vmem>>, vector<16xf32>,
        %add3A_449 = arith.addf %get3A_445, %get3A_448 : vector<16xf32>
        %max3A_450 = arith.constant 0.000000e+00 : f32
        %max3A_451 = vector.broadcast %max3A_450 : f32 to vector<16xf32>
        %max3A_452 = arith.maximumf %add3A_449, %max3A_451 : vector<16xf32>
        %add3A_453 = arith.constant 96 : i32
        %add3A_454 = arith.addi %add3A_453, %scan3A_398 : i32
        %swap3A_455 = arith.constant 0 : i32
        %swap3A_456 = arith.index_cast %swap3A_455 : i32 to index
        %swap3A_457 = arith.index_cast %add3A_454 : i32 to index
        %swap3A_458 = arith.constant 32 : index
        %swap3A_459 = tpu.vector_load %arg9[%swap3A_456, %swap3A_457, %swap3A_458] {strides = array<i32>} : memref<2x128x128xf32, #tpu.memory_space<vmem>>, vector<16xf32>,
        tpu.vector_store %arg9[%swap3A_456, %swap3A_457, %swap3A_458], %max3A_452 {strides = array<i32>} : memref<2x128x128xf32, #tpu.memory_space<vmem>>, vector<16xf32>,
        %add3A_460 = arith.constant 96 : i32
        %add3A_461 = arith.addi %add3A_460, %scan3A_398 : i32
        %get3A_462 = arith.constant 0 : i32
        %get3A_463 = arith.index_cast %get3A_462 : i32 to index
        %get3A_464 = arith.index_cast %add3A_461 : i32 to index
        %get3A_465 = arith.constant 48 : index
        %get3A_466 = tpu.vector_load %arg9[%get3A_463, %get3A_464, %get3A_465] {strides = array<i32>} : memref<2x128x128xf32, #tpu.memory_space<vmem>>, vector<16xf32>,
        %get3A_467 = arith.index_cast %scan3A_398 : i32 to index
        %get3A_468 = arith.constant 48 : index
        %get3A_469 = tpu.vector_load %arg10[%get3A_467, %get3A_468] {strides = array<i32>} : memref<32x128xf32, #tpu.memory_space<vmem>>, vector<16xf32>,
        %add3A_470 = arith.addf %get3A_466, %get3A_469 : vector<16xf32>
        %max3A_471 = arith.constant 0.000000e+00 : f32
        %max3A_472 = vector.broadcast %max3A_471 : f32 to vector<16xf32>
        %max3A_473 = arith.maximumf %add3A_470, %max3A_472 : vector<16xf32>
        %add3A_474 = arith.constant 96 : i32
        %add3A_475 = arith.addi %add3A_474, %scan3A_398 : i32
        %swap3A_476 = arith.constant 0 : i32
        %swap3A_477 = arith.index_cast %swap3A_476 : i32 to index
        %swap3A_478 = arith.index_cast %add3A_475 : i32 to index
        %swap3A_479 = arith.constant 48 : index
        %swap3A_480 = tpu.vector_load %arg9[%swap3A_477, %swap3A_478, %swap3A_479] {strides = array<i32>} : memref<2x128x128xf32, #tpu.memory_space<vmem>>, vector<16xf32>,
        tpu.vector_store %arg9[%swap3A_477, %swap3A_478, %swap3A_479], %max3A_473 {strides = array<i32>} : memref<2x128x128xf32, #tpu.memory_space<vmem>>, vector<16xf32>,
        %add3A_481 = arith.constant 96 : i32
        %add3A_482 = arith.addi %add3A_481, %scan3A_398 : i32
        %get3A_483 = arith.constant 0 : i32
        %get3A_484 = arith.index_cast %get3A_483 : i32 to index
        %get3A_485 = arith.index_cast %add3A_482 : i32 to index
        %get3A_486 = arith.constant 64 : index
        %get3A_487 = tpu.vector_load %arg9[%get3A_484, %get3A_485, %get3A_486] {strides = array<i32>} : memref<2x128x128xf32, #tpu.memory_space<vmem>>, vector<16xf32>,
        %get3A_488 = arith.index_cast %scan3A_398 : i32 to index
        %get3A_489 = arith.constant 64 : index
        %get3A_490 = tpu.vector_load %arg10[%get3A_488, %get3A_489] {strides = array<i32>} : memref<32x128xf32, #tpu.memory_space<vmem>>, vector<16xf32>,
        %add3A_491 = arith.addf %get3A_487, %get3A_490 : vector<16xf32>
        %max3A_492 = arith.constant 0.000000e+00 : f32
        %max3A_493 = vector.broadcast %max3A_492 : f32 to vector<16xf32>
        %max3A_494 = arith.maximumf %add3A_491, %max3A_493 : vector<16xf32>
        %add3A_495 = arith.constant 96 : i32
        %add3A_496 = arith.addi %add3A_495, %scan3A_398 : i32
        %swap3A_497 = arith.constant 0 : i32
        %swap3A_498 = arith.index_cast %swap3A_497 : i32 to index
        %swap3A_499 = arith.index_cast %add3A_496 : i32 to index
        %swap3A_500 = arith.constant 64 : index
        %swap3A_501 = tpu.vector_load %arg9[%swap3A_498, %swap3A_499, %swap3A_500] {strides = array<i32>} : memref<2x128x128xf32, #tpu.memory_space<vmem>>, vector<16xf32>,
        tpu.vector_store %arg9[%swap3A_498, %swap3A_499, %swap3A_500], %max3A_494 {strides = array<i32>} : memref<2x128x128xf32, #tpu.memory_space<vmem>>, vector<16xf32>,
        %add3A_502 = arith.constant 96 : i32
        %add3A_503 = arith.addi %add3A_502, %scan3A_398 : i32
        %get3A_504 = arith.constant 0 : i32
        %get3A_505 = arith.index_cast %get3A_504 : i32 to index
        %get3A_506 = arith.index_cast %add3A_503 : i32 to index
        %get3A_507 = arith.constant 80 : index
        %get3A_508 = tpu.vector_load %arg9[%get3A_505, %get3A_506, %get3A_507] {strides = array<i32>} : memref<2x128x128xf32, #tpu.memory_space<vmem>>, vector<16xf32>,
        %get3A_509 = arith.index_cast %scan3A_398 : i32 to index
        %get3A_510 = arith.constant 80 : index
        %get3A_511 = tpu.vector_load %arg10[%get3A_509, %get3A_510] {strides = array<i32>} : memref<32x128xf32, #tpu.memory_space<vmem>>, vector<16xf32>,
        %add3A_512 = arith.addf %get3A_508, %get3A_511 : vector<16xf32>
        %max3A_513 = arith.constant 0.000000e+00 : f32
        %max3A_514 = vector.broadcast %max3A_513 : f32 to vector<16xf32>
        %max3A_515 = arith.maximumf %add3A_512, %max3A_514 : vector<16xf32>
        %add3A_516 = arith.constant 96 : i32
        %add3A_517 = arith.addi %add3A_516, %scan3A_398 : i32
        %swap3A_518 = arith.constant 0 : i32
        %swap3A_519 = arith.index_cast %swap3A_518 : i32 to index
        %swap3A_520 = arith.index_cast %add3A_517 : i32 to index
        %swap3A_521 = arith.constant 80 : index
        %swap3A_522 = tpu.vector_load %arg9[%swap3A_519, %swap3A_520, %swap3A_521] {strides = array<i32>} : memref<2x128x128xf32, #tpu.memory_space<vmem>>, vector<16xf32>,
        tpu.vector_store %arg9[%swap3A_519, %swap3A_520, %swap3A_521], %max3A_515 {strides = array<i32>} : memref<2x128x128xf32, #tpu.memory_space<vmem>>, vector<16xf32>,
        %add3A_523 = arith.constant 96 : i32
        %add3A_524 = arith.addi %add3A_523, %scan3A_398 : i32
        %get3A_525 = arith.constant 0 : i32
        %get3A_526 = arith.index_cast %get3A_525 : i32 to index
        %get3A_527 = arith.index_cast %add3A_524 : i32 to index
        %get3A_528 = arith.constant 96 : index
        %get3A_529 = tpu.vector_load %arg9[%get3A_526, %get3A_527, %get3A_528] {strides = array<i32>} : memref<2x128x128xf32, #tpu.memory_space<vmem>>, vector<16xf32>,
        %get3A_530 = arith.index_cast %scan3A_398 : i32 to index
        %get3A_531 = arith.constant 96 : index
        %get3A_532 = tpu.vector_load %arg10[%get3A_530, %get3A_531] {strides = array<i32>} : memref<32x128xf32, #tpu.memory_space<vmem>>, vector<16xf32>,
        %add3A_533 = arith.addf %get3A_529, %get3A_532 : vector<16xf32>
        %max3A_534 = arith.constant 0.000000e+00 : f32
        %max3A_535 = vector.broadcast %max3A_534 : f32 to vector<16xf32>
        %max3A_536 = arith.maximumf %add3A_533, %max3A_535 : vector<16xf32>
        %add3A_537 = arith.constant 96 : i32
        %add3A_538 = arith.addi %add3A_537, %scan3A_398 : i32
        %swap3A_539 = arith.constant 0 : i32
        %swap3A_540 = arith.index_cast %swap3A_539 : i32 to index
        %swap3A_541 = arith.index_cast %add3A_538 : i32 to index
        %swap3A_542 = arith.constant 96 : index
        %swap3A_543 = tpu.vector_load %arg9[%swap3A_540, %swap3A_541, %swap3A_542] {strides = array<i32>} : memref<2x128x128xf32, #tpu.memory_space<vmem>>, vector<16xf32>,
        tpu.vector_store %arg9[%swap3A_540, %swap3A_541, %swap3A_542], %max3A_536 {strides = array<i32>} : memref<2x128x128xf32, #tpu.memory_space<vmem>>, vector<16xf32>,
        %add3A_544 = arith.constant 96 : i32
        %add3A_545 = arith.addi %add3A_544, %scan3A_398 : i32
        %get3A_546 = arith.constant 0 : i32
        %get3A_547 = arith.index_cast %get3A_546 : i32 to index
        %get3A_548 = arith.index_cast %add3A_545 : i32 to index
        %get3A_549 = arith.constant 112 : index
        %get3A_550 = tpu.vector_load %arg9[%get3A_547, %get3A_548, %get3A_549] {strides = array<i32>} : memref<2x128x128xf32, #tpu.memory_space<vmem>>, vector<16xf32>,
        %get3A_551 = arith.index_cast %scan3A_398 : i32 to index
        %get3A_552 = arith.constant 112 : index
        %get3A_553 = tpu.vector_load %arg10[%get3A_551, %get3A_552] {strides = array<i32>} : memref<32x128xf32, #tpu.memory_space<vmem>>, vector<16xf32>,
        %add3A_554 = arith.addf %get3A_550, %get3A_553 : vector<16xf32>
        %max3A_555 = arith.constant 0.000000e+00 : f32
        %max3A_556 = vector.broadcast %max3A_555 : f32 to vector<16xf32>
        %max3A_557 = arith.maximumf %add3A_554, %max3A_556 : vector<16xf32>
        %add3A_558 = arith.constant 96 : i32
        %add3A_559 = arith.addi %add3A_558, %scan3A_398 : i32
        %swap3A_560 = arith.constant 0 : i32
        %swap3A_561 = arith.index_cast %swap3A_560 : i32 to index
        %swap3A_562 = arith.index_cast %add3A_559 : i32 to index
        %swap3A_563 = arith.constant 112 : index
        %swap3A_564 = tpu.vector_load %arg9[%swap3A_561, %swap3A_562, %swap3A_563] {strides = array<i32>} : memref<2x128x128xf32, #tpu.memory_space<vmem>>, vector<16xf32>,
        tpu.vector_store %arg9[%swap3A_561, %swap3A_562, %swap3A_563], %max3A_557 {strides = array<i32>} : memref<2x128x128xf32, #tpu.memory_space<vmem>>, vector<16xf32>,
      }
      %scan3A_195 = arith.constant 32 : i32
      %dma_start3A_196 = arith.constant 0 : i32
      %dma_start3A_197 = arith.constant 2 : i32
      %dma_start3A_198 = arith.constant 1 : i32
      %dma_start3A_199 = arith.constant 0 : i32
      %dma_start3A_200 = arith.constant 0 : i32
      %dma_start3A_201 = tpu.memref_slice %arg9[%dma_start3A_196, %dma_start3A_199, %dma_start3A_200] : memref<2x128x128xf32, #tpu.memory_space<vmem>> -> memref<1x128x128xf32, #tpu.memory_space<vmem>>
      %dma_start3A_202 = tpu.memref_squeeze %dma_start3A_201 : memref<1x128x128xf32, #tpu.memory_space<vmem>> -> memref<128x128xf32, #tpu.memory_space<vmem>>
      %dma_start3A_203 = arith.constant 0 : i32
      %dma_start3A_204 = tpu.memref_slice %arg7[%dma_start3A_197, %dma_start3A_203] : memref<4x128xi32, #tpu.memory_space<vmem>> -> memref<1x128xi32, #tpu.memory_space<vmem>>
      %dma_start3A_205 = tpu.memref_squeeze %dma_start3A_204 : memref<1x128xi32, #tpu.memory_space<vmem>> -> memref<128xi32, #tpu.memory_space<vmem>>
      %dma_start3A_206 = arith.constant 0 : i32
      %dma_start3A_207 = arith.constant 0 : i32
      %dma_start3A_208 = tpu.memref_slice %arg11[%dma_start3A_206, %dma_start3A_207] : memref<10112x128xf32, #tpu.memory_space<vmem_shared>> -> memref<10112x128xf32, #tpu.memory_space<vmem_shared>>
      %dma_start3A_209 = tpu.memref_slice %arg13[%dma_start3A_198] : memref<3x!tpu.dma_semaphore, #tpu.memory_space<semaphore_mem>> -> memref<1x!tpu.dma_semaphore, #tpu.memory_space<semaphore_mem>>
      %dma_start3A_210 = tpu.memref_squeeze %dma_start3A_209 : memref<1x!tpu.dma_semaphore, #tpu.memory_space<semaphore_mem>> -> memref<!tpu.dma_semaphore, #tpu.memory_space<semaphore_mem>>
      tpu.enqueue_indirect_dma source(%dma_start3A_202 : memref<128x128xf32, #tpu.memory_space<vmem>>) target(%dma_start3A_208 : memref<10112x128xf32, #tpu.memory_space<vmem_shared>>) offsets(%dma_start3A_205 : memref<128xi32, #tpu.memory_space<vmem>>) semaphore(%dma_start3A_210 : memref<!tpu.dma_semaphore, #tpu.memory_space<semaphore_mem>>) {add = true}
      %get3A = arith.constant 2 : i32
      %get3A_211 = arith.index_cast %get3A : i32 to index
      %get3A_212 = arith.constant 0 : index
      %get3A_213 = tpu.vector_load %arg7[%get3A_211, %get3A_212] {strides = array<i32>} : memref<4x128xi32, #tpu.memory_space<vmem>>, vector<16xi32>,
      %broadcast_in_dim3A = arith.constant 1.000000e+00 : f32
      %broadcast_in_dim3A_214 = vector.broadcast %broadcast_in_dim3A : f32 to vector<16xf32>
      tpu.vector_store_idx %arg12[%get3A_213], %broadcast_in_dim3A_214 {add = true} : memref<10112xf32, #tpu.memory_space<vmem>>[vector<16xi32>], vector<16xf32>,
      %get3A_215 = arith.constant 2 : i32
      %get3A_216 = arith.index_cast %get3A_215 : i32 to index
      %get3A_217 = arith.constant 16 : index
      %get3A_218 = tpu.vector_load %arg7[%get3A_216, %get3A_217] {strides = array<i32>} : memref<4x128xi32, #tpu.memory_space<vmem>>, vector<16xi32>,
      %broadcast_in_dim3A_219 = arith.constant 1.000000e+00 : f32
      %broadcast_in_dim3A_220 = vector.broadcast %broadcast_in_dim3A_219 : f32 to vector<16xf32>
      tpu.vector_store_idx %arg12[%get3A_218], %broadcast_in_dim3A_220 {add = true} : memref<10112xf32, #tpu.memory_space<vmem>>[vector<16xi32>], vector<16xf32>,
      %get3A_221 = arith.constant 2 : i32
      %get3A_222 = arith.index_cast %get3A_221 : i32 to index
      %get3A_223 = arith.constant 32 : index
      %get3A_224 = tpu.vector_load %arg7[%get3A_222, %get3A_223] {strides = array<i32>} : memref<4x128xi32, #tpu.memory_space<vmem>>, vector<16xi32>,
      %broadcast_in_dim3A_225 = arith.constant 1.000000e+00 : f32
      %broadcast_in_dim3A_226 = vector.broadcast %broadcast_in_dim3A_225 : f32 to vector<16xf32>
      tpu.vector_store_idx %arg12[%get3A_224], %broadcast_in_dim3A_226 {add = true} : memref<10112xf32, #tpu.memory_space<vmem>>[vector<16xi32>], vector<16xf32>,
      %get3A_227 = arith.constant 2 : i32
      %get3A_228 = arith.index_cast %get3A_227 : i32 to index
      %get3A_229 = arith.constant 48 : index
      %get3A_230 = tpu.vector_load %arg7[%get3A_228, %get3A_229] {strides = array<i32>} : memref<4x128xi32, #tpu.memory_space<vmem>>, vector<16xi32>,
      %broadcast_in_dim3A_231 = arith.constant 1.000000e+00 : f32
      %broadcast_in_dim3A_232 = vector.broadcast %broadcast_in_dim3A_231 : f32 to vector<16xf32>
      tpu.vector_store_idx %arg12[%get3A_230], %broadcast_in_dim3A_232 {add = true} : memref<10112xf32, #tpu.memory_space<vmem>>[vector<16xi32>], vector<16xf32>,
      %get3A_233 = arith.constant 2 : i32
      %get3A_234 = arith.index_cast %get3A_233 : i32 to index
      %get3A_235 = arith.constant 64 : index
      %get3A_236 = tpu.vector_load %arg7[%get3A_234, %get3A_235] {strides = array<i32>} : memref<4x128xi32, #tpu.memory_space<vmem>>, vector<16xi32>,
      %broadcast_in_dim3A_237 = arith.constant 1.000000e+00 : f32
      %broadcast_in_dim3A_238 = vector.broadcast %broadcast_in_dim3A_237 : f32 to vector<16xf32>
      tpu.vector_store_idx %arg12[%get3A_236], %broadcast_in_dim3A_238 {add = true} : memref<10112xf32, #tpu.memory_space<vmem>>[vector<16xi32>], vector<16xf32>,
      %get3A_239 = arith.constant 2 : i32
      %get3A_240 = arith.index_cast %get3A_239 : i32 to index
      %get3A_241 = arith.constant 80 : index
      %get3A_242 = tpu.vector_load %arg7[%get3A_240, %get3A_241] {strides = array<i32>} : memref<4x128xi32, #tpu.memory_space<vmem>>, vector<16xi32>,
      %broadcast_in_dim3A_243 = arith.constant 1.000000e+00 : f32
      %broadcast_in_dim3A_244 = vector.broadcast %broadcast_in_dim3A_243 : f32 to vector<16xf32>
      tpu.vector_store_idx %arg12[%get3A_242], %broadcast_in_dim3A_244 {add = true} : memref<10112xf32, #tpu.memory_space<vmem>>[vector<16xi32>], vector<16xf32>,
      %get3A_245 = arith.constant 2 : i32
      %get3A_246 = arith.index_cast %get3A_245 : i32 to index
      %get3A_247 = arith.constant 96 : index
      %get3A_248 = tpu.vector_load %arg7[%get3A_246, %get3A_247] {strides = array<i32>} : memref<4x128xi32, #tpu.memory_space<vmem>>, vector<16xi32>,
      %broadcast_in_dim3A_249 = arith.constant 1.000000e+00 : f32
      %broadcast_in_dim3A_250 = vector.broadcast %broadcast_in_dim3A_249 : f32 to vector<16xf32>
      tpu.vector_store_idx %arg12[%get3A_248], %broadcast_in_dim3A_250 {add = true} : memref<10112xf32, #tpu.memory_space<vmem>>[vector<16xi32>], vector<16xf32>,
      %get3A_251 = arith.constant 2 : i32
      %get3A_252 = arith.index_cast %get3A_251 : i32 to index
      %get3A_253 = arith.constant 112 : index
      %get3A_254 = tpu.vector_load %arg7[%get3A_252, %get3A_253] {strides = array<i32>} : memref<4x128xi32, #tpu.memory_space<vmem>>, vector<16xi32>,
      %broadcast_in_dim3A_255 = arith.constant 1.000000e+00 : f32
      %broadcast_in_dim3A_256 = vector.broadcast %broadcast_in_dim3A_255 : f32 to vector<16xf32>
      tpu.vector_store_idx %arg12[%get3A_254], %broadcast_in_dim3A_256 {add = true} : memref<10112xf32, #tpu.memory_space<vmem>>[vector<16xi32>], vector<16xf32>,
      %mul3A_257 = arith.constant 2 : i32
      %mul3A_258 = arith.muli %mul3A_257, %scan3A_111 : i32
      %add3A_259 = arith.constant 1 : i32
      %add3A_260 = arith.addi %mul3A_258, %add3A_259 : i32
      %mul3A_261 = arith.constant 20224 : i32
      %mul3A_262 = arith.muli %arg1, %mul3A_261 : i32
      %mul3A_263 = arith.constant 128 : i32
      %mul3A_264 = arith.muli %add3A_260, %mul3A_263 : i32
      %add3A_265 = arith.addi %mul3A_262, %mul3A_264 : i32
      %mul3A_266 = arith.constant 323584 : i32
      %mul3A_267 = arith.muli %arg0, %mul3A_266 : i32
      %add3A_268 = arith.addi %mul3A_267, %add3A_265 : i32
      %ge3A_269 = arith.constant 2 : i32
      %ge3A_270 = arith.cmpi sge, %add3A_260, %ge3A_269 : i32
      %convert_element_type3A_271 = arith.extui %ge3A_270 : i1 to i32
      %cond3A_272 = arith.constant 0 : i32
      %cond3A_273 = arith.cmpi ne, %convert_element_type3A_271, %cond3A_272 : i32
      scf.if %cond3A_273 {
        %dma_wait3A_398 = arith.constant 1 : i32
        %dma_wait3A_399 = arith.constant 3 : i32
        %dma_wait3A_400 = arith.constant 2 : i32
        %dma_wait3A_401 = arith.constant 0 : i32
        %dma_wait3A_402 = arith.constant 0 : i32
        %dma_wait3A_403 = tpu.memref_slice %arg9[%dma_wait3A_398, %dma_wait3A_401, %dma_wait3A_402] : memref<2x128x128xf32, #tpu.memory_space<vmem>> -> memref<1x128x128xf32, #tpu.memory_space<vmem>>
        %dma_wait3A_404 = tpu.memref_squeeze %dma_wait3A_403 : memref<1x128x128xf32, #tpu.memory_space<vmem>> -> memref<128x128xf32, #tpu.memory_space<vmem>>
        %dma_wait3A_405 = arith.constant 0 : i32
        %dma_wait3A_406 = tpu.memref_slice %arg7[%dma_wait3A_399, %dma_wait3A_405] : memref<4x128xi32, #tpu.memory_space<vmem>> -> memref<1x128xi32, #tpu.memory_space<vmem>>
        %dma_wait3A_407 = tpu.memref_squeeze %dma_wait3A_406 : memref<1x128xi32, #tpu.memory_space<vmem>> -> memref<128xi32, #tpu.memory_space<vmem>>
        %dma_wait3A_408 = arith.constant 0 : i32
        %dma_wait3A_409 = arith.constant 0 : i32
        %dma_wait3A_410 = tpu.memref_slice %arg11[%dma_wait3A_408, %dma_wait3A_409] : memref<10112x128xf32, #tpu.memory_space<vmem_shared>> -> memref<10112x128xf32, #tpu.memory_space<vmem_shared>>
        %dma_wait3A_411 = tpu.memref_slice %arg13[%dma_wait3A_400] : memref<3x!tpu.dma_semaphore, #tpu.memory_space<semaphore_mem>> -> memref<1x!tpu.dma_semaphore, #tpu.memory_space<semaphore_mem>>
        %dma_wait3A_412 = tpu.memref_squeeze %dma_wait3A_411 : memref<1x!tpu.dma_semaphore, #tpu.memory_space<semaphore_mem>> -> memref<!tpu.dma_semaphore, #tpu.memory_space<semaphore_mem>>
        tpu.wait_indirect_dma semaphore(%dma_wait3A_412 : memref<!tpu.dma_semaphore, #tpu.memory_space<semaphore_mem>>) src(%dma_wait3A_404 : memref<128x128xf32, #tpu.memory_space<vmem>>) dst(%dma_wait3A_410 : memref<10112x128xf32, #tpu.memory_space<vmem_shared>>)
      } else {
      }
      %add3A_274 = arith.constant 647168 : i32
      %add3A_275 = arith.addi %add3A_274, %add3A_268 : i32
      %run_scoped3A_276 = arith.constant 3 : i32
      "tpu.region"() ({
        %run_scoped3A_398 = tpu.sem_alloc : memref<!tpu.dma_semaphore, #tpu.memory_space<semaphore_mem>>
        %dma_start3A_399 = arith.constant 0 : i32
        %dma_start3A_400 = tpu.memref_slice %arg7[%run_scoped3A_276, %dma_start3A_399] : memref<4x128xi32, #tpu.memory_space<vmem>> -> memref<1x128xi32, #tpu.memory_space<vmem>>
        %dma_start3A_401 = tpu.memref_squeeze %dma_start3A_400 : memref<1x128xi32, #tpu.memory_space<vmem>> -> memref<128xi32, #tpu.memory_space<vmem>>
        %dma_start3A_402 = tpu.memref_slice %arg4[%add3A_275] : memref<1294336xi32, #tpu.memory_space<hbm>> -> memref<128xi32, #tpu.memory_space<hbm>>
        %dma_start3A_403 = arith.constant 0 : i32
        %dma_start3A_404 = tpu.memref_slice %arg7[%run_scoped3A_276, %dma_start3A_403] : memref<4x128xi32, #tpu.memory_space<vmem>> -> memref<1x128xi32, #tpu.memory_space<vmem>>
        %dma_start3A_405 = tpu.memref_squeeze %dma_start3A_404 : memref<1x128xi32, #tpu.memory_space<vmem>> -> memref<128xi32, #tpu.memory_space<vmem>>
        %dma_start3A_406 = tpu.memref_slice %arg4[%add3A_275] : memref<1294336xi32, #tpu.memory_space<hbm>> -> memref<128xi32, #tpu.memory_space<hbm>>
        tpu.enqueue_dma source(%dma_start3A_406 : memref<128xi32, #tpu.memory_space<hbm>>) target(%dma_start3A_405 : memref<128xi32, #tpu.memory_space<vmem>>) target_semaphore(%run_scoped3A_398 : memref<!tpu.dma_semaphore, #tpu.memory_space<semaphore_mem>>)
        %dma_wait3A_407 = arith.constant 0 : i32
        %dma_wait3A_408 = tpu.memref_slice %arg7[%run_scoped3A_276, %dma_wait3A_407] : memref<4x128xi32, #tpu.memory_space<vmem>> -> memref<1x128xi32, #tpu.memory_space<vmem>>
        %dma_wait3A_409 = tpu.memref_squeeze %dma_wait3A_408 : memref<1x128xi32, #tpu.memory_space<vmem>> -> memref<128xi32, #tpu.memory_space<vmem>>
        %dma_wait3A_410 = tpu.memref_slice %arg4[%add3A_275] : memref<1294336xi32, #tpu.memory_space<hbm>> -> memref<128xi32, #tpu.memory_space<hbm>>
        %dma_wait3A_411 = arith.constant 0 : i32
        %dma_wait3A_412 = tpu.memref_slice %arg7[%run_scoped3A_276, %dma_wait3A_411] : memref<4x128xi32, #tpu.memory_space<vmem>> -> memref<1x128xi32, #tpu.memory_space<vmem>>
        %dma_wait3A_413 = tpu.memref_squeeze %dma_wait3A_412 : memref<1x128xi32, #tpu.memory_space<vmem>> -> memref<128xi32, #tpu.memory_space<vmem>>
        %dma_wait3A_414 = tpu.memref_slice %arg4[%add3A_275] : memref<1294336xi32, #tpu.memory_space<hbm>> -> memref<128xi32, #tpu.memory_space<hbm>>
        tpu.wait_dma2 semaphore(%run_scoped3A_398 : memref<!tpu.dma_semaphore, #tpu.memory_space<semaphore_mem>>) src(%dma_wait3A_414 : memref<128xi32, #tpu.memory_space<hbm>>) dst(%dma_wait3A_413 : memref<128xi32, #tpu.memory_space<vmem>>)
        tpu.yield
      }) : () -> ()
      %dma_start3A_277 = arith.constant 1 : i32
      %dma_start3A_278 = arith.constant 0 : i32
      %dma_start3A_279 = arith.constant 0 : i32
      %dma_start3A_280 = arith.constant 0 : i32
      %dma_start3A_281 = tpu.memref_slice %arg9[%dma_start3A_277, %dma_start3A_279, %dma_start3A_280] : memref<2x128x128xf32, #tpu.memory_space<vmem>> -> memref<1x128x128xf32, #tpu.memory_space<vmem>>
      %dma_start3A_282 = tpu.memref_squeeze %dma_start3A_281 : memref<1x128x128xf32, #tpu.memory_space<vmem>> -> memref<128x128xf32, #tpu.memory_space<vmem>>
      %dma_start3A_283 = arith.constant 128 : i32
      %dma_start3A_284 = tpu.memref_slice %arg8[%dma_start3A_283] : memref<256xi32, #tpu.memory_space<vmem>> -> memref<128xi32, #tpu.memory_space<vmem>>
      %dma_start3A_285 = arith.constant 0 : i32
      %dma_start3A_286 = arith.constant 0 : i32
      %dma_start3A_287 = tpu.memref_slice %arg2[%dma_start3A_285, %dma_start3A_286] : memref<20000x128xf32, #tpu.memory_space<hbm>> -> memref<20000x128xf32, #tpu.memory_space<hbm>>
      %dma_start3A_288 = tpu.memref_slice %arg13[%dma_start3A_278] : memref<3x!tpu.dma_semaphore, #tpu.memory_space<semaphore_mem>> -> memref<1x!tpu.dma_semaphore, #tpu.memory_space<semaphore_mem>>
      %dma_start3A_289 = tpu.memref_squeeze %dma_start3A_288 : memref<1x!tpu.dma_semaphore, #tpu.memory_space<semaphore_mem>> -> memref<!tpu.dma_semaphore, #tpu.memory_space<semaphore_mem>>
      tpu.enqueue_indirect_dma source(%dma_start3A_287 : memref<20000x128xf32, #tpu.memory_space<hbm>>) target(%dma_start3A_282 : memref<128x128xf32, #tpu.memory_space<vmem>>) offsets(%dma_start3A_284 : memref<128xi32, #tpu.memory_space<vmem>>) semaphore(%dma_start3A_289 : memref<!tpu.dma_semaphore, #tpu.memory_space<semaphore_mem>>)
      %add3A_290 = arith.constant 0 : i32
      %add3A_291 = arith.addi %add3A_265, %add3A_290 : i32
      "tpu.region"() ({
        %run_scoped3A_398 = tpu.sem_alloc : memref<!tpu.dma_semaphore, #tpu.memory_space<semaphore_mem>>
        %dma_start3A_399 = arith.constant 0 : i32
        %dma_start3A_400 = tpu.memref_slice %arg3[%add3A_291, %dma_start3A_399] : memref<323584x128xf32, #tpu.memory_space<hbm>> -> memref<32x128xf32, #tpu.memory_space<hbm>>
        %dma_start3A_401 = arith.constant 0 : i32
        %dma_start3A_402 = tpu.memref_slice %arg3[%add3A_291, %dma_start3A_401] : memref<323584x128xf32, #tpu.memory_space<hbm>> -> memref<32x128xf32, #tpu.memory_space<hbm>>
        tpu.enqueue_dma source(%dma_start3A_402 : memref<32x128xf32, #tpu.memory_space<hbm>>) target(%arg10 : memref<32x128xf32, #tpu.memory_space<vmem>>) target_semaphore(%run_scoped3A_398 : memref<!tpu.dma_semaphore, #tpu.memory_space<semaphore_mem>>)
        %dma_wait3A_403 = arith.constant 0 : i32
        %dma_wait3A_404 = tpu.memref_slice %arg3[%add3A_291, %dma_wait3A_403] : memref<323584x128xf32, #tpu.memory_space<hbm>> -> memref<32x128xf32, #tpu.memory_space<hbm>>
        %dma_wait3A_405 = arith.constant 0 : i32
        %dma_wait3A_406 = tpu.memref_slice %arg3[%add3A_291, %dma_wait3A_405] : memref<323584x128xf32, #tpu.memory_space<hbm>> -> memref<32x128xf32, #tpu.memory_space<hbm>>
        tpu.wait_dma2 semaphore(%run_scoped3A_398 : memref<!tpu.dma_semaphore, #tpu.memory_space<semaphore_mem>>) src(%dma_wait3A_406 : memref<32x128xf32, #tpu.memory_space<hbm>>) dst(%arg10 : memref<32x128xf32, #tpu.memory_space<vmem>>)
        tpu.yield
      }) : () -> ()
      %dma_wait3A_292 = arith.constant 1 : i32
      %dma_wait3A_293 = arith.constant 0 : i32
      %dma_wait3A_294 = arith.constant 0 : i32
      %dma_wait3A_295 = arith.constant 0 : i32
      %dma_wait3A_296 = tpu.memref_slice %arg9[%dma_wait3A_292, %dma_wait3A_294, %dma_wait3A_295] : memref<2x128x128xf32, #tpu.memory_space<vmem>> -> memref<1x128x128xf32, #tpu.memory_space<vmem>>
      %dma_wait3A_297 = tpu.memref_squeeze %dma_wait3A_296 : memref<1x128x128xf32, #tpu.memory_space<vmem>> -> memref<128x128xf32, #tpu.memory_space<vmem>>
      %dma_wait3A_298 = arith.constant 128 : i32
      %dma_wait3A_299 = tpu.memref_slice %arg8[%dma_wait3A_298] : memref<256xi32, #tpu.memory_space<vmem>> -> memref<128xi32, #tpu.memory_space<vmem>>
      %dma_wait3A_300 = arith.constant 0 : i32
      %dma_wait3A_301 = arith.constant 0 : i32
      %dma_wait3A_302 = tpu.memref_slice %arg2[%dma_wait3A_300, %dma_wait3A_301] : memref<20000x128xf32, #tpu.memory_space<hbm>> -> memref<20000x128xf32, #tpu.memory_space<hbm>>
      %dma_wait3A_303 = tpu.memref_slice %arg13[%dma_wait3A_293] : memref<3x!tpu.dma_semaphore, #tpu.memory_space<semaphore_mem>> -> memref<1x!tpu.dma_semaphore, #tpu.memory_space<semaphore_mem>>
      %dma_wait3A_304 = tpu.memref_squeeze %dma_wait3A_303 : memref<1x!tpu.dma_semaphore, #tpu.memory_space<semaphore_mem>> -> memref<!tpu.dma_semaphore, #tpu.memory_space<semaphore_mem>>
      tpu.wait_indirect_dma semaphore(%dma_wait3A_304 : memref<!tpu.dma_semaphore, #tpu.memory_space<semaphore_mem>>) src(%dma_wait3A_302 : memref<20000x128xf32, #tpu.memory_space<hbm>>) dst(%dma_wait3A_297 : memref<128x128xf32, #tpu.memory_space<vmem>>)
      %scan3A_305 = arith.constant 0 : i32
      %scan3A_306 = arith.constant 0 : i32
      %scan3A_307 = arith.constant 32 : i32
      %scan3A_308 = arith.addi %scan3A_306, %scan3A_307 : i32
      %scan3A_309 = arith.constant 1 : i32
      scf.for %scan3A_398 = %scan3A_306 to %scan3A_308 step %scan3A_309  : i32 {
        %add3A_399 = arith.constant 0 : i32
        %add3A_400 = arith.addi %add3A_399, %scan3A_398 : i32
        %get3A_401 = arith.constant 1 : i32
        %get3A_402 = arith.index_cast %get3A_401 : i32 to index
        %get3A_403 = arith.index_cast %add3A_400 : i32 to index
        %get3A_404 = arith.constant 0 : index
        %get3A_405 = tpu.vector_load %arg9[%get3A_402, %get3A_403, %get3A_404] {strides = array<i32>} : memref<2x128x128xf32, #tpu.memory_space<vmem>>, vector<16xf32>,
        %get3A_406 = arith.index_cast %scan3A_398 : i32 to index
        %get3A_407 = arith.constant 0 : index
        %get3A_408 = tpu.vector_load %arg10[%get3A_406, %get3A_407] {strides = array<i32>} : memref<32x128xf32, #tpu.memory_space<vmem>>, vector<16xf32>,
        %add3A_409 = arith.addf %get3A_405, %get3A_408 : vector<16xf32>
        %max3A = arith.constant 0.000000e+00 : f32
        %max3A_410 = vector.broadcast %max3A : f32 to vector<16xf32>
        %max3A_411 = arith.maximumf %add3A_409, %max3A_410 : vector<16xf32>
        %add3A_412 = arith.constant 0 : i32
        %add3A_413 = arith.addi %add3A_412, %scan3A_398 : i32
        %swap3A = arith.constant 1 : i32
        %swap3A_414 = arith.index_cast %swap3A : i32 to index
        %swap3A_415 = arith.index_cast %add3A_413 : i32 to index
        %swap3A_416 = arith.constant 0 : index
        %swap3A_417 = tpu.vector_load %arg9[%swap3A_414, %swap3A_415, %swap3A_416] {strides = array<i32>} : memref<2x128x128xf32, #tpu.memory_space<vmem>>, vector<16xf32>,
        tpu.vector_store %arg9[%swap3A_414, %swap3A_415, %swap3A_416], %max3A_411 {strides = array<i32>} : memref<2x128x128xf32, #tpu.memory_space<vmem>>, vector<16xf32>,
        %add3A_418 = arith.constant 0 : i32
        %add3A_419 = arith.addi %add3A_418, %scan3A_398 : i32
        %get3A_420 = arith.constant 1 : i32
        %get3A_421 = arith.index_cast %get3A_420 : i32 to index
        %get3A_422 = arith.index_cast %add3A_419 : i32 to index
        %get3A_423 = arith.constant 16 : index
        %get3A_424 = tpu.vector_load %arg9[%get3A_421, %get3A_422, %get3A_423] {strides = array<i32>} : memref<2x128x128xf32, #tpu.memory_space<vmem>>, vector<16xf32>,
        %get3A_425 = arith.index_cast %scan3A_398 : i32 to index
        %get3A_426 = arith.constant 16 : index
        %get3A_427 = tpu.vector_load %arg10[%get3A_425, %get3A_426] {strides = array<i32>} : memref<32x128xf32, #tpu.memory_space<vmem>>, vector<16xf32>,
        %add3A_428 = arith.addf %get3A_424, %get3A_427 : vector<16xf32>
        %max3A_429 = arith.constant 0.000000e+00 : f32
        %max3A_430 = vector.broadcast %max3A_429 : f32 to vector<16xf32>
        %max3A_431 = arith.maximumf %add3A_428, %max3A_430 : vector<16xf32>
        %add3A_432 = arith.constant 0 : i32
        %add3A_433 = arith.addi %add3A_432, %scan3A_398 : i32
        %swap3A_434 = arith.constant 1 : i32
        %swap3A_435 = arith.index_cast %swap3A_434 : i32 to index
        %swap3A_436 = arith.index_cast %add3A_433 : i32 to index
        %swap3A_437 = arith.constant 16 : index
        %swap3A_438 = tpu.vector_load %arg9[%swap3A_435, %swap3A_436, %swap3A_437] {strides = array<i32>} : memref<2x128x128xf32, #tpu.memory_space<vmem>>, vector<16xf32>,
        tpu.vector_store %arg9[%swap3A_435, %swap3A_436, %swap3A_437], %max3A_431 {strides = array<i32>} : memref<2x128x128xf32, #tpu.memory_space<vmem>>, vector<16xf32>,
        %add3A_439 = arith.constant 0 : i32
        %add3A_440 = arith.addi %add3A_439, %scan3A_398 : i32
        %get3A_441 = arith.constant 1 : i32
        %get3A_442 = arith.index_cast %get3A_441 : i32 to index
        %get3A_443 = arith.index_cast %add3A_440 : i32 to index
        %get3A_444 = arith.constant 32 : index
        %get3A_445 = tpu.vector_load %arg9[%get3A_442, %get3A_443, %get3A_444] {strides = array<i32>} : memref<2x128x128xf32, #tpu.memory_space<vmem>>, vector<16xf32>,
        %get3A_446 = arith.index_cast %scan3A_398 : i32 to index
        %get3A_447 = arith.constant 32 : index
        %get3A_448 = tpu.vector_load %arg10[%get3A_446, %get3A_447] {strides = array<i32>} : memref<32x128xf32, #tpu.memory_space<vmem>>, vector<16xf32>,
        %add3A_449 = arith.addf %get3A_445, %get3A_448 : vector<16xf32>
        %max3A_450 = arith.constant 0.000000e+00 : f32
        %max3A_451 = vector.broadcast %max3A_450 : f32 to vector<16xf32>
        %max3A_452 = arith.maximumf %add3A_449, %max3A_451 : vector<16xf32>
        %add3A_453 = arith.constant 0 : i32
        %add3A_454 = arith.addi %add3A_453, %scan3A_398 : i32
        %swap3A_455 = arith.constant 1 : i32
        %swap3A_456 = arith.index_cast %swap3A_455 : i32 to index
        %swap3A_457 = arith.index_cast %add3A_454 : i32 to index
        %swap3A_458 = arith.constant 32 : index
        %swap3A_459 = tpu.vector_load %arg9[%swap3A_456, %swap3A_457, %swap3A_458] {strides = array<i32>} : memref<2x128x128xf32, #tpu.memory_space<vmem>>, vector<16xf32>,
        tpu.vector_store %arg9[%swap3A_456, %swap3A_457, %swap3A_458], %max3A_452 {strides = array<i32>} : memref<2x128x128xf32, #tpu.memory_space<vmem>>, vector<16xf32>,
        %add3A_460 = arith.constant 0 : i32
        %add3A_461 = arith.addi %add3A_460, %scan3A_398 : i32
        %get3A_462 = arith.constant 1 : i32
        %get3A_463 = arith.index_cast %get3A_462 : i32 to index
        %get3A_464 = arith.index_cast %add3A_461 : i32 to index
        %get3A_465 = arith.constant 48 : index
        %get3A_466 = tpu.vector_load %arg9[%get3A_463, %get3A_464, %get3A_465] {strides = array<i32>} : memref<2x128x128xf32, #tpu.memory_space<vmem>>, vector<16xf32>,
        %get3A_467 = arith.index_cast %scan3A_398 : i32 to index
        %get3A_468 = arith.constant 48 : index
        %get3A_469 = tpu.vector_load %arg10[%get3A_467, %get3A_468] {strides = array<i32>} : memref<32x128xf32, #tpu.memory_space<vmem>>, vector<16xf32>,
        %add3A_470 = arith.addf %get3A_466, %get3A_469 : vector<16xf32>
        %max3A_471 = arith.constant 0.000000e+00 : f32
        %max3A_472 = vector.broadcast %max3A_471 : f32 to vector<16xf32>
        %max3A_473 = arith.maximumf %add3A_470, %max3A_472 : vector<16xf32>
        %add3A_474 = arith.constant 0 : i32
        %add3A_475 = arith.addi %add3A_474, %scan3A_398 : i32
        %swap3A_476 = arith.constant 1 : i32
        %swap3A_477 = arith.index_cast %swap3A_476 : i32 to index
        %swap3A_478 = arith.index_cast %add3A_475 : i32 to index
        %swap3A_479 = arith.constant 48 : index
        %swap3A_480 = tpu.vector_load %arg9[%swap3A_477, %swap3A_478, %swap3A_479] {strides = array<i32>} : memref<2x128x128xf32, #tpu.memory_space<vmem>>, vector<16xf32>,
        tpu.vector_store %arg9[%swap3A_477, %swap3A_478, %swap3A_479], %max3A_473 {strides = array<i32>} : memref<2x128x128xf32, #tpu.memory_space<vmem>>, vector<16xf32>,
        %add3A_481 = arith.constant 0 : i32
        %add3A_482 = arith.addi %add3A_481, %scan3A_398 : i32
        %get3A_483 = arith.constant 1 : i32
        %get3A_484 = arith.index_cast %get3A_483 : i32 to index
        %get3A_485 = arith.index_cast %add3A_482 : i32 to index
        %get3A_486 = arith.constant 64 : index
        %get3A_487 = tpu.vector_load %arg9[%get3A_484, %get3A_485, %get3A_486] {strides = array<i32>} : memref<2x128x128xf32, #tpu.memory_space<vmem>>, vector<16xf32>,
        %get3A_488 = arith.index_cast %scan3A_398 : i32 to index
        %get3A_489 = arith.constant 64 : index
        %get3A_490 = tpu.vector_load %arg10[%get3A_488, %get3A_489] {strides = array<i32>} : memref<32x128xf32, #tpu.memory_space<vmem>>, vector<16xf32>,
        %add3A_491 = arith.addf %get3A_487, %get3A_490 : vector<16xf32>
        %max3A_492 = arith.constant 0.000000e+00 : f32
        %max3A_493 = vector.broadcast %max3A_492 : f32 to vector<16xf32>
        %max3A_494 = arith.maximumf %add3A_491, %max3A_493 : vector<16xf32>
        %add3A_495 = arith.constant 0 : i32
        %add3A_496 = arith.addi %add3A_495, %scan3A_398 : i32
        %swap3A_497 = arith.constant 1 : i32
        %swap3A_498 = arith.index_cast %swap3A_497 : i32 to index
        %swap3A_499 = arith.index_cast %add3A_496 : i32 to index
        %swap3A_500 = arith.constant 64 : index
        %swap3A_501 = tpu.vector_load %arg9[%swap3A_498, %swap3A_499, %swap3A_500] {strides = array<i32>} : memref<2x128x128xf32, #tpu.memory_space<vmem>>, vector<16xf32>,
        tpu.vector_store %arg9[%swap3A_498, %swap3A_499, %swap3A_500], %max3A_494 {strides = array<i32>} : memref<2x128x128xf32, #tpu.memory_space<vmem>>, vector<16xf32>,
        %add3A_502 = arith.constant 0 : i32
        %add3A_503 = arith.addi %add3A_502, %scan3A_398 : i32
        %get3A_504 = arith.constant 1 : i32
        %get3A_505 = arith.index_cast %get3A_504 : i32 to index
        %get3A_506 = arith.index_cast %add3A_503 : i32 to index
        %get3A_507 = arith.constant 80 : index
        %get3A_508 = tpu.vector_load %arg9[%get3A_505, %get3A_506, %get3A_507] {strides = array<i32>} : memref<2x128x128xf32, #tpu.memory_space<vmem>>, vector<16xf32>,
        %get3A_509 = arith.index_cast %scan3A_398 : i32 to index
        %get3A_510 = arith.constant 80 : index
        %get3A_511 = tpu.vector_load %arg10[%get3A_509, %get3A_510] {strides = array<i32>} : memref<32x128xf32, #tpu.memory_space<vmem>>, vector<16xf32>,
        %add3A_512 = arith.addf %get3A_508, %get3A_511 : vector<16xf32>
        %max3A_513 = arith.constant 0.000000e+00 : f32
        %max3A_514 = vector.broadcast %max3A_513 : f32 to vector<16xf32>
        %max3A_515 = arith.maximumf %add3A_512, %max3A_514 : vector<16xf32>
        %add3A_516 = arith.constant 0 : i32
        %add3A_517 = arith.addi %add3A_516, %scan3A_398 : i32
        %swap3A_518 = arith.constant 1 : i32
        %swap3A_519 = arith.index_cast %swap3A_518 : i32 to index
        %swap3A_520 = arith.index_cast %add3A_517 : i32 to index
        %swap3A_521 = arith.constant 80 : index
        %swap3A_522 = tpu.vector_load %arg9[%swap3A_519, %swap3A_520, %swap3A_521] {strides = array<i32>} : memref<2x128x128xf32, #tpu.memory_space<vmem>>, vector<16xf32>,
        tpu.vector_store %arg9[%swap3A_519, %swap3A_520, %swap3A_521], %max3A_515 {strides = array<i32>} : memref<2x128x128xf32, #tpu.memory_space<vmem>>, vector<16xf32>,
        %add3A_523 = arith.constant 0 : i32
        %add3A_524 = arith.addi %add3A_523, %scan3A_398 : i32
        %get3A_525 = arith.constant 1 : i32
        %get3A_526 = arith.index_cast %get3A_525 : i32 to index
        %get3A_527 = arith.index_cast %add3A_524 : i32 to index
        %get3A_528 = arith.constant 96 : index
        %get3A_529 = tpu.vector_load %arg9[%get3A_526, %get3A_527, %get3A_528] {strides = array<i32>} : memref<2x128x128xf32, #tpu.memory_space<vmem>>, vector<16xf32>,
        %get3A_530 = arith.index_cast %scan3A_398 : i32 to index
        %get3A_531 = arith.constant 96 : index
        %get3A_532 = tpu.vector_load %arg10[%get3A_530, %get3A_531] {strides = array<i32>} : memref<32x128xf32, #tpu.memory_space<vmem>>, vector<16xf32>,
        %add3A_533 = arith.addf %get3A_529, %get3A_532 : vector<16xf32>
        %max3A_534 = arith.constant 0.000000e+00 : f32
        %max3A_535 = vector.broadcast %max3A_534 : f32 to vector<16xf32>
        %max3A_536 = arith.maximumf %add3A_533, %max3A_535 : vector<16xf32>
        %add3A_537 = arith.constant 0 : i32
        %add3A_538 = arith.addi %add3A_537, %scan3A_398 : i32
        %swap3A_539 = arith.constant 1 : i32
        %swap3A_540 = arith.index_cast %swap3A_539 : i32 to index
        %swap3A_541 = arith.index_cast %add3A_538 : i32 to index
        %swap3A_542 = arith.constant 96 : index
        %swap3A_543 = tpu.vector_load %arg9[%swap3A_540, %swap3A_541, %swap3A_542] {strides = array<i32>} : memref<2x128x128xf32, #tpu.memory_space<vmem>>, vector<16xf32>,
        tpu.vector_store %arg9[%swap3A_540, %swap3A_541, %swap3A_542], %max3A_536 {strides = array<i32>} : memref<2x128x128xf32, #tpu.memory_space<vmem>>, vector<16xf32>,
        %add3A_544 = arith.constant 0 : i32
        %add3A_545 = arith.addi %add3A_544, %scan3A_398 : i32
        %get3A_546 = arith.constant 1 : i32
        %get3A_547 = arith.index_cast %get3A_546 : i32 to index
        %get3A_548 = arith.index_cast %add3A_545 : i32 to index
        %get3A_549 = arith.constant 112 : index
        %get3A_550 = tpu.vector_load %arg9[%get3A_547, %get3A_548, %get3A_549] {strides = array<i32>} : memref<2x128x128xf32, #tpu.memory_space<vmem>>, vector<16xf32>,
        %get3A_551 = arith.index_cast %scan3A_398 : i32 to index
        %get3A_552 = arith.constant 112 : index
        %get3A_553 = tpu.vector_load %arg10[%get3A_551, %get3A_552] {strides = array<i32>} : memref<32x128xf32, #tpu.memory_space<vmem>>, vector<16xf32>,
        %add3A_554 = arith.addf %get3A_550, %get3A_553 : vector<16xf32>
        %max3A_555 = arith.constant 0.000000e+00 : f32
        %max3A_556 = vector.broadcast %max3A_555 : f32 to vector<16xf32>
        %max3A_557 = arith.maximumf %add3A_554, %max3A_556 : vector<16xf32>
        %add3A_558 = arith.constant 0 : i32
        %add3A_559 = arith.addi %add3A_558, %scan3A_398 : i32
        %swap3A_560 = arith.constant 1 : i32
        %swap3A_561 = arith.index_cast %swap3A_560 : i32 to index
        %swap3A_562 = arith.index_cast %add3A_559 : i32 to index
        %swap3A_563 = arith.constant 112 : index
        %swap3A_564 = tpu.vector_load %arg9[%swap3A_561, %swap3A_562, %swap3A_563] {strides = array<i32>} : memref<2x128x128xf32, #tpu.memory_space<vmem>>, vector<16xf32>,
        tpu.vector_store %arg9[%swap3A_561, %swap3A_562, %swap3A_563], %max3A_557 {strides = array<i32>} : memref<2x128x128xf32, #tpu.memory_space<vmem>>, vector<16xf32>,
      }
      %scan3A_310 = arith.constant 32 : i32
      %add3A_311 = arith.constant 32 : i32
      %add3A_312 = arith.addi %add3A_265, %add3A_311 : i32
      "tpu.region"() ({
        %run_scoped3A_398 = tpu.sem_alloc : memref<!tpu.dma_semaphore, #tpu.memory_space<semaphore_mem>>
        %dma_start3A_399 = arith.constant 0 : i32
        %dma_start3A_400 = tpu.memref_slice %arg3[%add3A_312, %dma_start3A_399] : memref<323584x128xf32, #tpu.memory_space<hbm>> -> memref<32x128xf32, #tpu.memory_space<hbm>>
        %dma_start3A_401 = arith.constant 0 : i32
        %dma_start3A_402 = tpu.memref_slice %arg3[%add3A_312, %dma_start3A_401] : memref<323584x128xf32, #tpu.memory_space<hbm>> -> memref<32x128xf32, #tpu.memory_space<hbm>>
        tpu.enqueue_dma source(%dma_start3A_402 : memref<32x128xf32, #tpu.memory_space<hbm>>) target(%arg10 : memref<32x128xf32, #tpu.memory_space<vmem>>) target_semaphore(%run_scoped3A_398 : memref<!tpu.dma_semaphore, #tpu.memory_space<semaphore_mem>>)
        %dma_wait3A_403 = arith.constant 0 : i32
        %dma_wait3A_404 = tpu.memref_slice %arg3[%add3A_312, %dma_wait3A_403] : memref<323584x128xf32, #tpu.memory_space<hbm>> -> memref<32x128xf32, #tpu.memory_space<hbm>>
        %dma_wait3A_405 = arith.constant 0 : i32
        %dma_wait3A_406 = tpu.memref_slice %arg3[%add3A_312, %dma_wait3A_405] : memref<323584x128xf32, #tpu.memory_space<hbm>> -> memref<32x128xf32, #tpu.memory_space<hbm>>
        tpu.wait_dma2 semaphore(%run_scoped3A_398 : memref<!tpu.dma_semaphore, #tpu.memory_space<semaphore_mem>>) src(%dma_wait3A_406 : memref<32x128xf32, #tpu.memory_space<hbm>>) dst(%arg10 : memref<32x128xf32, #tpu.memory_space<vmem>>)
        tpu.yield
      }) : () -> ()
      %scan3A_313 = arith.constant 0 : i32
      %scan3A_314 = arith.constant 0 : i32
      %scan3A_315 = arith.constant 32 : i32
      %scan3A_316 = arith.addi %scan3A_314, %scan3A_315 : i32
      %scan3A_317 = arith.constant 1 : i32
      scf.for %scan3A_398 = %scan3A_314 to %scan3A_316 step %scan3A_317  : i32 {
        %add3A_399 = arith.constant 32 : i32
        %add3A_400 = arith.addi %add3A_399, %scan3A_398 : i32
        %get3A_401 = arith.constant 1 : i32
        %get3A_402 = arith.index_cast %get3A_401 : i32 to index
        %get3A_403 = arith.index_cast %add3A_400 : i32 to index
        %get3A_404 = arith.constant 0 : index
        %get3A_405 = tpu.vector_load %arg9[%get3A_402, %get3A_403, %get3A_404] {strides = array<i32>} : memref<2x128x128xf32, #tpu.memory_space<vmem>>, vector<16xf32>,
        %get3A_406 = arith.index_cast %scan3A_398 : i32 to index
        %get3A_407 = arith.constant 0 : index
        %get3A_408 = tpu.vector_load %arg10[%get3A_406, %get3A_407] {strides = array<i32>} : memref<32x128xf32, #tpu.memory_space<vmem>>, vector<16xf32>,
        %add3A_409 = arith.addf %get3A_405, %get3A_408 : vector<16xf32>
        %max3A = arith.constant 0.000000e+00 : f32
        %max3A_410 = vector.broadcast %max3A : f32 to vector<16xf32>
        %max3A_411 = arith.maximumf %add3A_409, %max3A_410 : vector<16xf32>
        %add3A_412 = arith.constant 32 : i32
        %add3A_413 = arith.addi %add3A_412, %scan3A_398 : i32
        %swap3A = arith.constant 1 : i32
        %swap3A_414 = arith.index_cast %swap3A : i32 to index
        %swap3A_415 = arith.index_cast %add3A_413 : i32 to index
        %swap3A_416 = arith.constant 0 : index
        %swap3A_417 = tpu.vector_load %arg9[%swap3A_414, %swap3A_415, %swap3A_416] {strides = array<i32>} : memref<2x128x128xf32, #tpu.memory_space<vmem>>, vector<16xf32>,
        tpu.vector_store %arg9[%swap3A_414, %swap3A_415, %swap3A_416], %max3A_411 {strides = array<i32>} : memref<2x128x128xf32, #tpu.memory_space<vmem>>, vector<16xf32>,
        %add3A_418 = arith.constant 32 : i32
        %add3A_419 = arith.addi %add3A_418, %scan3A_398 : i32
        %get3A_420 = arith.constant 1 : i32
        %get3A_421 = arith.index_cast %get3A_420 : i32 to index
        %get3A_422 = arith.index_cast %add3A_419 : i32 to index
        %get3A_423 = arith.constant 16 : index
        %get3A_424 = tpu.vector_load %arg9[%get3A_421, %get3A_422, %get3A_423] {strides = array<i32>} : memref<2x128x128xf32, #tpu.memory_space<vmem>>, vector<16xf32>,
        %get3A_425 = arith.index_cast %scan3A_398 : i32 to index
        %get3A_426 = arith.constant 16 : index
        %get3A_427 = tpu.vector_load %arg10[%get3A_425, %get3A_426] {strides = array<i32>} : memref<32x128xf32, #tpu.memory_space<vmem>>, vector<16xf32>,
        %add3A_428 = arith.addf %get3A_424, %get3A_427 : vector<16xf32>
        %max3A_429 = arith.constant 0.000000e+00 : f32
        %max3A_430 = vector.broadcast %max3A_429 : f32 to vector<16xf32>
        %max3A_431 = arith.maximumf %add3A_428, %max3A_430 : vector<16xf32>
        %add3A_432 = arith.constant 32 : i32
        %add3A_433 = arith.addi %add3A_432, %scan3A_398 : i32
        %swap3A_434 = arith.constant 1 : i32
        %swap3A_435 = arith.index_cast %swap3A_434 : i32 to index
        %swap3A_436 = arith.index_cast %add3A_433 : i32 to index
        %swap3A_437 = arith.constant 16 : index
        %swap3A_438 = tpu.vector_load %arg9[%swap3A_435, %swap3A_436, %swap3A_437] {strides = array<i32>} : memref<2x128x128xf32, #tpu.memory_space<vmem>>, vector<16xf32>,
        tpu.vector_store %arg9[%swap3A_435, %swap3A_436, %swap3A_437], %max3A_431 {strides = array<i32>} : memref<2x128x128xf32, #tpu.memory_space<vmem>>, vector<16xf32>,
        %add3A_439 = arith.constant 32 : i32
        %add3A_440 = arith.addi %add3A_439, %scan3A_398 : i32
        %get3A_441 = arith.constant 1 : i32
        %get3A_442 = arith.index_cast %get3A_441 : i32 to index
        %get3A_443 = arith.index_cast %add3A_440 : i32 to index
        %get3A_444 = arith.constant 32 : index
        %get3A_445 = tpu.vector_load %arg9[%get3A_442, %get3A_443, %get3A_444] {strides = array<i32>} : memref<2x128x128xf32, #tpu.memory_space<vmem>>, vector<16xf32>,
        %get3A_446 = arith.index_cast %scan3A_398 : i32 to index
        %get3A_447 = arith.constant 32 : index
        %get3A_448 = tpu.vector_load %arg10[%get3A_446, %get3A_447] {strides = array<i32>} : memref<32x128xf32, #tpu.memory_space<vmem>>, vector<16xf32>,
        %add3A_449 = arith.addf %get3A_445, %get3A_448 : vector<16xf32>
        %max3A_450 = arith.constant 0.000000e+00 : f32
        %max3A_451 = vector.broadcast %max3A_450 : f32 to vector<16xf32>
        %max3A_452 = arith.maximumf %add3A_449, %max3A_451 : vector<16xf32>
        %add3A_453 = arith.constant 32 : i32
        %add3A_454 = arith.addi %add3A_453, %scan3A_398 : i32
        %swap3A_455 = arith.constant 1 : i32
        %swap3A_456 = arith.index_cast %swap3A_455 : i32 to index
        %swap3A_457 = arith.index_cast %add3A_454 : i32 to index
        %swap3A_458 = arith.constant 32 : index
        %swap3A_459 = tpu.vector_load %arg9[%swap3A_456, %swap3A_457, %swap3A_458] {strides = array<i32>} : memref<2x128x128xf32, #tpu.memory_space<vmem>>, vector<16xf32>,
        tpu.vector_store %arg9[%swap3A_456, %swap3A_457, %swap3A_458], %max3A_452 {strides = array<i32>} : memref<2x128x128xf32, #tpu.memory_space<vmem>>, vector<16xf32>,
        %add3A_460 = arith.constant 32 : i32
        %add3A_461 = arith.addi %add3A_460, %scan3A_398 : i32
        %get3A_462 = arith.constant 1 : i32
        %get3A_463 = arith.index_cast %get3A_462 : i32 to index
        %get3A_464 = arith.index_cast %add3A_461 : i32 to index
        %get3A_465 = arith.constant 48 : index
        %get3A_466 = tpu.vector_load %arg9[%get3A_463, %get3A_464, %get3A_465] {strides = array<i32>} : memref<2x128x128xf32, #tpu.memory_space<vmem>>, vector<16xf32>,
        %get3A_467 = arith.index_cast %scan3A_398 : i32 to index
        %get3A_468 = arith.constant 48 : index
        %get3A_469 = tpu.vector_load %arg10[%get3A_467, %get3A_468] {strides = array<i32>} : memref<32x128xf32, #tpu.memory_space<vmem>>, vector<16xf32>,
        %add3A_470 = arith.addf %get3A_466, %get3A_469 : vector<16xf32>
        %max3A_471 = arith.constant 0.000000e+00 : f32
        %max3A_472 = vector.broadcast %max3A_471 : f32 to vector<16xf32>
        %max3A_473 = arith.maximumf %add3A_470, %max3A_472 : vector<16xf32>
        %add3A_474 = arith.constant 32 : i32
        %add3A_475 = arith.addi %add3A_474, %scan3A_398 : i32
        %swap3A_476 = arith.constant 1 : i32
        %swap3A_477 = arith.index_cast %swap3A_476 : i32 to index
        %swap3A_478 = arith.index_cast %add3A_475 : i32 to index
        %swap3A_479 = arith.constant 48 : index
        %swap3A_480 = tpu.vector_load %arg9[%swap3A_477, %swap3A_478, %swap3A_479] {strides = array<i32>} : memref<2x128x128xf32, #tpu.memory_space<vmem>>, vector<16xf32>,
        tpu.vector_store %arg9[%swap3A_477, %swap3A_478, %swap3A_479], %max3A_473 {strides = array<i32>} : memref<2x128x128xf32, #tpu.memory_space<vmem>>, vector<16xf32>,
        %add3A_481 = arith.constant 32 : i32
        %add3A_482 = arith.addi %add3A_481, %scan3A_398 : i32
        %get3A_483 = arith.constant 1 : i32
        %get3A_484 = arith.index_cast %get3A_483 : i32 to index
        %get3A_485 = arith.index_cast %add3A_482 : i32 to index
        %get3A_486 = arith.constant 64 : index
        %get3A_487 = tpu.vector_load %arg9[%get3A_484, %get3A_485, %get3A_486] {strides = array<i32>} : memref<2x128x128xf32, #tpu.memory_space<vmem>>, vector<16xf32>,
        %get3A_488 = arith.index_cast %scan3A_398 : i32 to index
        %get3A_489 = arith.constant 64 : index
        %get3A_490 = tpu.vector_load %arg10[%get3A_488, %get3A_489] {strides = array<i32>} : memref<32x128xf32, #tpu.memory_space<vmem>>, vector<16xf32>,
        %add3A_491 = arith.addf %get3A_487, %get3A_490 : vector<16xf32>
        %max3A_492 = arith.constant 0.000000e+00 : f32
        %max3A_493 = vector.broadcast %max3A_492 : f32 to vector<16xf32>
        %max3A_494 = arith.maximumf %add3A_491, %max3A_493 : vector<16xf32>
        %add3A_495 = arith.constant 32 : i32
        %add3A_496 = arith.addi %add3A_495, %scan3A_398 : i32
        %swap3A_497 = arith.constant 1 : i32
        %swap3A_498 = arith.index_cast %swap3A_497 : i32 to index
        %swap3A_499 = arith.index_cast %add3A_496 : i32 to index
        %swap3A_500 = arith.constant 64 : index
        %swap3A_501 = tpu.vector_load %arg9[%swap3A_498, %swap3A_499, %swap3A_500] {strides = array<i32>} : memref<2x128x128xf32, #tpu.memory_space<vmem>>, vector<16xf32>,
        tpu.vector_store %arg9[%swap3A_498, %swap3A_499, %swap3A_500], %max3A_494 {strides = array<i32>} : memref<2x128x128xf32, #tpu.memory_space<vmem>>, vector<16xf32>,
        %add3A_502 = arith.constant 32 : i32
        %add3A_503 = arith.addi %add3A_502, %scan3A_398 : i32
        %get3A_504 = arith.constant 1 : i32
        %get3A_505 = arith.index_cast %get3A_504 : i32 to index
        %get3A_506 = arith.index_cast %add3A_503 : i32 to index
        %get3A_507 = arith.constant 80 : index
        %get3A_508 = tpu.vector_load %arg9[%get3A_505, %get3A_506, %get3A_507] {strides = array<i32>} : memref<2x128x128xf32, #tpu.memory_space<vmem>>, vector<16xf32>,
        %get3A_509 = arith.index_cast %scan3A_398 : i32 to index
        %get3A_510 = arith.constant 80 : index
        %get3A_511 = tpu.vector_load %arg10[%get3A_509, %get3A_510] {strides = array<i32>} : memref<32x128xf32, #tpu.memory_space<vmem>>, vector<16xf32>,
        %add3A_512 = arith.addf %get3A_508, %get3A_511 : vector<16xf32>
        %max3A_513 = arith.constant 0.000000e+00 : f32
        %max3A_514 = vector.broadcast %max3A_513 : f32 to vector<16xf32>
        %max3A_515 = arith.maximumf %add3A_512, %max3A_514 : vector<16xf32>
        %add3A_516 = arith.constant 32 : i32
        %add3A_517 = arith.addi %add3A_516, %scan3A_398 : i32
        %swap3A_518 = arith.constant 1 : i32
        %swap3A_519 = arith.index_cast %swap3A_518 : i32 to index
        %swap3A_520 = arith.index_cast %add3A_517 : i32 to index
        %swap3A_521 = arith.constant 80 : index
        %swap3A_522 = tpu.vector_load %arg9[%swap3A_519, %swap3A_520, %swap3A_521] {strides = array<i32>} : memref<2x128x128xf32, #tpu.memory_space<vmem>>, vector<16xf32>,
        tpu.vector_store %arg9[%swap3A_519, %swap3A_520, %swap3A_521], %max3A_515 {strides = array<i32>} : memref<2x128x128xf32, #tpu.memory_space<vmem>>, vector<16xf32>,
        %add3A_523 = arith.constant 32 : i32
        %add3A_524 = arith.addi %add3A_523, %scan3A_398 : i32
        %get3A_525 = arith.constant 1 : i32
        %get3A_526 = arith.index_cast %get3A_525 : i32 to index
        %get3A_527 = arith.index_cast %add3A_524 : i32 to index
        %get3A_528 = arith.constant 96 : index
        %get3A_529 = tpu.vector_load %arg9[%get3A_526, %get3A_527, %get3A_528] {strides = array<i32>} : memref<2x128x128xf32, #tpu.memory_space<vmem>>, vector<16xf32>,
        %get3A_530 = arith.index_cast %scan3A_398 : i32 to index
        %get3A_531 = arith.constant 96 : index
        %get3A_532 = tpu.vector_load %arg10[%get3A_530, %get3A_531] {strides = array<i32>} : memref<32x128xf32, #tpu.memory_space<vmem>>, vector<16xf32>,
        %add3A_533 = arith.addf %get3A_529, %get3A_532 : vector<16xf32>
        %max3A_534 = arith.constant 0.000000e+00 : f32
        %max3A_535 = vector.broadcast %max3A_534 : f32 to vector<16xf32>
        %max3A_536 = arith.maximumf %add3A_533, %max3A_535 : vector<16xf32>
        %add3A_537 = arith.constant 32 : i32
        %add3A_538 = arith.addi %add3A_537, %scan3A_398 : i32
        %swap3A_539 = arith.constant 1 : i32
        %swap3A_540 = arith.index_cast %swap3A_539 : i32 to index
        %swap3A_541 = arith.index_cast %add3A_538 : i32 to index
        %swap3A_542 = arith.constant 96 : index
        %swap3A_543 = tpu.vector_load %arg9[%swap3A_540, %swap3A_541, %swap3A_542] {strides = array<i32>} : memref<2x128x128xf32, #tpu.memory_space<vmem>>, vector<16xf32>,
        tpu.vector_store %arg9[%swap3A_540, %swap3A_541, %swap3A_542], %max3A_536 {strides = array<i32>} : memref<2x128x128xf32, #tpu.memory_space<vmem>>, vector<16xf32>,
        %add3A_544 = arith.constant 32 : i32
        %add3A_545 = arith.addi %add3A_544, %scan3A_398 : i32
        %get3A_546 = arith.constant 1 : i32
        %get3A_547 = arith.index_cast %get3A_546 : i32 to index
        %get3A_548 = arith.index_cast %add3A_545 : i32 to index
        %get3A_549 = arith.constant 112 : index
        %get3A_550 = tpu.vector_load %arg9[%get3A_547, %get3A_548, %get3A_549] {strides = array<i32>} : memref<2x128x128xf32, #tpu.memory_space<vmem>>, vector<16xf32>,
        %get3A_551 = arith.index_cast %scan3A_398 : i32 to index
        %get3A_552 = arith.constant 112 : index
        %get3A_553 = tpu.vector_load %arg10[%get3A_551, %get3A_552] {strides = array<i32>} : memref<32x128xf32, #tpu.memory_space<vmem>>, vector<16xf32>,
        %add3A_554 = arith.addf %get3A_550, %get3A_553 : vector<16xf32>
        %max3A_555 = arith.constant 0.000000e+00 : f32
        %max3A_556 = vector.broadcast %max3A_555 : f32 to vector<16xf32>
        %max3A_557 = arith.maximumf %add3A_554, %max3A_556 : vector<16xf32>
        %add3A_558 = arith.constant 32 : i32
        %add3A_559 = arith.addi %add3A_558, %scan3A_398 : i32
        %swap3A_560 = arith.constant 1 : i32
        %swap3A_561 = arith.index_cast %swap3A_560 : i32 to index
        %swap3A_562 = arith.index_cast %add3A_559 : i32 to index
        %swap3A_563 = arith.constant 112 : index
        %swap3A_564 = tpu.vector_load %arg9[%swap3A_561, %swap3A_562, %swap3A_563] {strides = array<i32>} : memref<2x128x128xf32, #tpu.memory_space<vmem>>, vector<16xf32>,
        tpu.vector_store %arg9[%swap3A_561, %swap3A_562, %swap3A_563], %max3A_557 {strides = array<i32>} : memref<2x128x128xf32, #tpu.memory_space<vmem>>, vector<16xf32>,
      }
      %scan3A_318 = arith.constant 32 : i32
      %add3A_319 = arith.constant 64 : i32
      %add3A_320 = arith.addi %add3A_265, %add3A_319 : i32
      "tpu.region"() ({
        %run_scoped3A_398 = tpu.sem_alloc : memref<!tpu.dma_semaphore, #tpu.memory_space<semaphore_mem>>
        %dma_start3A_399 = arith.constant 0 : i32
        %dma_start3A_400 = tpu.memref_slice %arg3[%add3A_320, %dma_start3A_399] : memref<323584x128xf32, #tpu.memory_space<hbm>> -> memref<32x128xf32, #tpu.memory_space<hbm>>
        %dma_start3A_401 = arith.constant 0 : i32
        %dma_start3A_402 = tpu.memref_slice %arg3[%add3A_320, %dma_start3A_401] : memref<323584x128xf32, #tpu.memory_space<hbm>> -> memref<32x128xf32, #tpu.memory_space<hbm>>
        tpu.enqueue_dma source(%dma_start3A_402 : memref<32x128xf32, #tpu.memory_space<hbm>>) target(%arg10 : memref<32x128xf32, #tpu.memory_space<vmem>>) target_semaphore(%run_scoped3A_398 : memref<!tpu.dma_semaphore, #tpu.memory_space<semaphore_mem>>)
        %dma_wait3A_403 = arith.constant 0 : i32
        %dma_wait3A_404 = tpu.memref_slice %arg3[%add3A_320, %dma_wait3A_403] : memref<323584x128xf32, #tpu.memory_space<hbm>> -> memref<32x128xf32, #tpu.memory_space<hbm>>
        %dma_wait3A_405 = arith.constant 0 : i32
        %dma_wait3A_406 = tpu.memref_slice %arg3[%add3A_320, %dma_wait3A_405] : memref<323584x128xf32, #tpu.memory_space<hbm>> -> memref<32x128xf32, #tpu.memory_space<hbm>>
        tpu.wait_dma2 semaphore(%run_scoped3A_398 : memref<!tpu.dma_semaphore, #tpu.memory_space<semaphore_mem>>) src(%dma_wait3A_406 : memref<32x128xf32, #tpu.memory_space<hbm>>) dst(%arg10 : memref<32x128xf32, #tpu.memory_space<vmem>>)
        tpu.yield
      }) : () -> ()
      %scan3A_321 = arith.constant 0 : i32
      %scan3A_322 = arith.constant 0 : i32
      %scan3A_323 = arith.constant 32 : i32
      %scan3A_324 = arith.addi %scan3A_322, %scan3A_323 : i32
      %scan3A_325 = arith.constant 1 : i32
      scf.for %scan3A_398 = %scan3A_322 to %scan3A_324 step %scan3A_325  : i32 {
        %add3A_399 = arith.constant 64 : i32
        %add3A_400 = arith.addi %add3A_399, %scan3A_398 : i32
        %get3A_401 = arith.constant 1 : i32
        %get3A_402 = arith.index_cast %get3A_401 : i32 to index
        %get3A_403 = arith.index_cast %add3A_400 : i32 to index
        %get3A_404 = arith.constant 0 : index
        %get3A_405 = tpu.vector_load %arg9[%get3A_402, %get3A_403, %get3A_404] {strides = array<i32>} : memref<2x128x128xf32, #tpu.memory_space<vmem>>, vector<16xf32>,
        %get3A_406 = arith.index_cast %scan3A_398 : i32 to index
        %get3A_407 = arith.constant 0 : index
        %get3A_408 = tpu.vector_load %arg10[%get3A_406, %get3A_407] {strides = array<i32>} : memref<32x128xf32, #tpu.memory_space<vmem>>, vector<16xf32>,
        %add3A_409 = arith.addf %get3A_405, %get3A_408 : vector<16xf32>
        %max3A = arith.constant 0.000000e+00 : f32
        %max3A_410 = vector.broadcast %max3A : f32 to vector<16xf32>
        %max3A_411 = arith.maximumf %add3A_409, %max3A_410 : vector<16xf32>
        %add3A_412 = arith.constant 64 : i32
        %add3A_413 = arith.addi %add3A_412, %scan3A_398 : i32
        %swap3A = arith.constant 1 : i32
        %swap3A_414 = arith.index_cast %swap3A : i32 to index
        %swap3A_415 = arith.index_cast %add3A_413 : i32 to index
        %swap3A_416 = arith.constant 0 : index
        %swap3A_417 = tpu.vector_load %arg9[%swap3A_414, %swap3A_415, %swap3A_416] {strides = array<i32>} : memref<2x128x128xf32, #tpu.memory_space<vmem>>, vector<16xf32>,
        tpu.vector_store %arg9[%swap3A_414, %swap3A_415, %swap3A_416], %max3A_411 {strides = array<i32>} : memref<2x128x128xf32, #tpu.memory_space<vmem>>, vector<16xf32>,
        %add3A_418 = arith.constant 64 : i32
        %add3A_419 = arith.addi %add3A_418, %scan3A_398 : i32
        %get3A_420 = arith.constant 1 : i32
        %get3A_421 = arith.index_cast %get3A_420 : i32 to index
        %get3A_422 = arith.index_cast %add3A_419 : i32 to index
        %get3A_423 = arith.constant 16 : index
        %get3A_424 = tpu.vector_load %arg9[%get3A_421, %get3A_422, %get3A_423] {strides = array<i32>} : memref<2x128x128xf32, #tpu.memory_space<vmem>>, vector<16xf32>,
        %get3A_425 = arith.index_cast %scan3A_398 : i32 to index
        %get3A_426 = arith.constant 16 : index
        %get3A_427 = tpu.vector_load %arg10[%get3A_425, %get3A_426] {strides = array<i32>} : memref<32x128xf32, #tpu.memory_space<vmem>>, vector<16xf32>,
        %add3A_428 = arith.addf %get3A_424, %get3A_427 : vector<16xf32>
        %max3A_429 = arith.constant 0.000000e+00 : f32
        %max3A_430 = vector.broadcast %max3A_429 : f32 to vector<16xf32>
        %max3A_431 = arith.maximumf %add3A_428, %max3A_430 : vector<16xf32>
        %add3A_432 = arith.constant 64 : i32
        %add3A_433 = arith.addi %add3A_432, %scan3A_398 : i32
        %swap3A_434 = arith.constant 1 : i32
        %swap3A_435 = arith.index_cast %swap3A_434 : i32 to index
        %swap3A_436 = arith.index_cast %add3A_433 : i32 to index
        %swap3A_437 = arith.constant 16 : index
        %swap3A_438 = tpu.vector_load %arg9[%swap3A_435, %swap3A_436, %swap3A_437] {strides = array<i32>} : memref<2x128x128xf32, #tpu.memory_space<vmem>>, vector<16xf32>,
        tpu.vector_store %arg9[%swap3A_435, %swap3A_436, %swap3A_437], %max3A_431 {strides = array<i32>} : memref<2x128x128xf32, #tpu.memory_space<vmem>>, vector<16xf32>,
        %add3A_439 = arith.constant 64 : i32
        %add3A_440 = arith.addi %add3A_439, %scan3A_398 : i32
        %get3A_441 = arith.constant 1 : i32
        %get3A_442 = arith.index_cast %get3A_441 : i32 to index
        %get3A_443 = arith.index_cast %add3A_440 : i32 to index
        %get3A_444 = arith.constant 32 : index
        %get3A_445 = tpu.vector_load %arg9[%get3A_442, %get3A_443, %get3A_444] {strides = array<i32>} : memref<2x128x128xf32, #tpu.memory_space<vmem>>, vector<16xf32>,
        %get3A_446 = arith.index_cast %scan3A_398 : i32 to index
        %get3A_447 = arith.constant 32 : index
        %get3A_448 = tpu.vector_load %arg10[%get3A_446, %get3A_447] {strides = array<i32>} : memref<32x128xf32, #tpu.memory_space<vmem>>, vector<16xf32>,
        %add3A_449 = arith.addf %get3A_445, %get3A_448 : vector<16xf32>
        %max3A_450 = arith.constant 0.000000e+00 : f32
        %max3A_451 = vector.broadcast %max3A_450 : f32 to vector<16xf32>
        %max3A_452 = arith.maximumf %add3A_449, %max3A_451 : vector<16xf32>
        %add3A_453 = arith.constant 64 : i32
        %add3A_454 = arith.addi %add3A_453, %scan3A_398 : i32
        %swap3A_455 = arith.constant 1 : i32
        %swap3A_456 = arith.index_cast %swap3A_455 : i32 to index
        %swap3A_457 = arith.index_cast %add3A_454 : i32 to index
        %swap3A_458 = arith.constant 32 : index
        %swap3A_459 = tpu.vector_load %arg9[%swap3A_456, %swap3A_457, %swap3A_458] {strides = array<i32>} : memref<2x128x128xf32, #tpu.memory_space<vmem>>, vector<16xf32>,
        tpu.vector_store %arg9[%swap3A_456, %swap3A_457, %swap3A_458], %max3A_452 {strides = array<i32>} : memref<2x128x128xf32, #tpu.memory_space<vmem>>, vector<16xf32>,
        %add3A_460 = arith.constant 64 : i32
        %add3A_461 = arith.addi %add3A_460, %scan3A_398 : i32
        %get3A_462 = arith.constant 1 : i32
        %get3A_463 = arith.index_cast %get3A_462 : i32 to index
        %get3A_464 = arith.index_cast %add3A_461 : i32 to index
        %get3A_465 = arith.constant 48 : index
        %get3A_466 = tpu.vector_load %arg9[%get3A_463, %get3A_464, %get3A_465] {strides = array<i32>} : memref<2x128x128xf32, #tpu.memory_space<vmem>>, vector<16xf32>,
        %get3A_467 = arith.index_cast %scan3A_398 : i32 to index
        %get3A_468 = arith.constant 48 : index
        %get3A_469 = tpu.vector_load %arg10[%get3A_467, %get3A_468] {strides = array<i32>} : memref<32x128xf32, #tpu.memory_space<vmem>>, vector<16xf32>,
        %add3A_470 = arith.addf %get3A_466, %get3A_469 : vector<16xf32>
        %max3A_471 = arith.constant 0.000000e+00 : f32
        %max3A_472 = vector.broadcast %max3A_471 : f32 to vector<16xf32>
        %max3A_473 = arith.maximumf %add3A_470, %max3A_472 : vector<16xf32>
        %add3A_474 = arith.constant 64 : i32
        %add3A_475 = arith.addi %add3A_474, %scan3A_398 : i32
        %swap3A_476 = arith.constant 1 : i32
        %swap3A_477 = arith.index_cast %swap3A_476 : i32 to index
        %swap3A_478 = arith.index_cast %add3A_475 : i32 to index
        %swap3A_479 = arith.constant 48 : index
        %swap3A_480 = tpu.vector_load %arg9[%swap3A_477, %swap3A_478, %swap3A_479] {strides = array<i32>} : memref<2x128x128xf32, #tpu.memory_space<vmem>>, vector<16xf32>,
        tpu.vector_store %arg9[%swap3A_477, %swap3A_478, %swap3A_479], %max3A_473 {strides = array<i32>} : memref<2x128x128xf32, #tpu.memory_space<vmem>>, vector<16xf32>,
        %add3A_481 = arith.constant 64 : i32
        %add3A_482 = arith.addi %add3A_481, %scan3A_398 : i32
        %get3A_483 = arith.constant 1 : i32
        %get3A_484 = arith.index_cast %get3A_483 : i32 to index
        %get3A_485 = arith.index_cast %add3A_482 : i32 to index
        %get3A_486 = arith.constant 64 : index
        %get3A_487 = tpu.vector_load %arg9[%get3A_484, %get3A_485, %get3A_486] {strides = array<i32>} : memref<2x128x128xf32, #tpu.memory_space<vmem>>, vector<16xf32>,
        %get3A_488 = arith.index_cast %scan3A_398 : i32 to index
        %get3A_489 = arith.constant 64 : index
        %get3A_490 = tpu.vector_load %arg10[%get3A_488, %get3A_489] {strides = array<i32>} : memref<32x128xf32, #tpu.memory_space<vmem>>, vector<16xf32>,
        %add3A_491 = arith.addf %get3A_487, %get3A_490 : vector<16xf32>
        %max3A_492 = arith.constant 0.000000e+00 : f32
        %max3A_493 = vector.broadcast %max3A_492 : f32 to vector<16xf32>
        %max3A_494 = arith.maximumf %add3A_491, %max3A_493 : vector<16xf32>
        %add3A_495 = arith.constant 64 : i32
        %add3A_496 = arith.addi %add3A_495, %scan3A_398 : i32
        %swap3A_497 = arith.constant 1 : i32
        %swap3A_498 = arith.index_cast %swap3A_497 : i32 to index
        %swap3A_499 = arith.index_cast %add3A_496 : i32 to index
        %swap3A_500 = arith.constant 64 : index
        %swap3A_501 = tpu.vector_load %arg9[%swap3A_498, %swap3A_499, %swap3A_500] {strides = array<i32>} : memref<2x128x128xf32, #tpu.memory_space<vmem>>, vector<16xf32>,
        tpu.vector_store %arg9[%swap3A_498, %swap3A_499, %swap3A_500], %max3A_494 {strides = array<i32>} : memref<2x128x128xf32, #tpu.memory_space<vmem>>, vector<16xf32>,
        %add3A_502 = arith.constant 64 : i32
        %add3A_503 = arith.addi %add3A_502, %scan3A_398 : i32
        %get3A_504 = arith.constant 1 : i32
        %get3A_505 = arith.index_cast %get3A_504 : i32 to index
        %get3A_506 = arith.index_cast %add3A_503 : i32 to index
        %get3A_507 = arith.constant 80 : index
        %get3A_508 = tpu.vector_load %arg9[%get3A_505, %get3A_506, %get3A_507] {strides = array<i32>} : memref<2x128x128xf32, #tpu.memory_space<vmem>>, vector<16xf32>,
        %get3A_509 = arith.index_cast %scan3A_398 : i32 to index
        %get3A_510 = arith.constant 80 : index
        %get3A_511 = tpu.vector_load %arg10[%get3A_509, %get3A_510] {strides = array<i32>} : memref<32x128xf32, #tpu.memory_space<vmem>>, vector<16xf32>,
        %add3A_512 = arith.addf %get3A_508, %get3A_511 : vector<16xf32>
        %max3A_513 = arith.constant 0.000000e+00 : f32
        %max3A_514 = vector.broadcast %max3A_513 : f32 to vector<16xf32>
        %max3A_515 = arith.maximumf %add3A_512, %max3A_514 : vector<16xf32>
        %add3A_516 = arith.constant 64 : i32
        %add3A_517 = arith.addi %add3A_516, %scan3A_398 : i32
        %swap3A_518 = arith.constant 1 : i32
        %swap3A_519 = arith.index_cast %swap3A_518 : i32 to index
        %swap3A_520 = arith.index_cast %add3A_517 : i32 to index
        %swap3A_521 = arith.constant 80 : index
        %swap3A_522 = tpu.vector_load %arg9[%swap3A_519, %swap3A_520, %swap3A_521] {strides = array<i32>} : memref<2x128x128xf32, #tpu.memory_space<vmem>>, vector<16xf32>,
        tpu.vector_store %arg9[%swap3A_519, %swap3A_520, %swap3A_521], %max3A_515 {strides = array<i32>} : memref<2x128x128xf32, #tpu.memory_space<vmem>>, vector<16xf32>,
        %add3A_523 = arith.constant 64 : i32
        %add3A_524 = arith.addi %add3A_523, %scan3A_398 : i32
        %get3A_525 = arith.constant 1 : i32
        %get3A_526 = arith.index_cast %get3A_525 : i32 to index
        %get3A_527 = arith.index_cast %add3A_524 : i32 to index
        %get3A_528 = arith.constant 96 : index
        %get3A_529 = tpu.vector_load %arg9[%get3A_526, %get3A_527, %get3A_528] {strides = array<i32>} : memref<2x128x128xf32, #tpu.memory_space<vmem>>, vector<16xf32>,
        %get3A_530 = arith.index_cast %scan3A_398 : i32 to index
        %get3A_531 = arith.constant 96 : index
        %get3A_532 = tpu.vector_load %arg10[%get3A_530, %get3A_531] {strides = array<i32>} : memref<32x128xf32, #tpu.memory_space<vmem>>, vector<16xf32>,
        %add3A_533 = arith.addf %get3A_529, %get3A_532 : vector<16xf32>
        %max3A_534 = arith.constant 0.000000e+00 : f32
        %max3A_535 = vector.broadcast %max3A_534 : f32 to vector<16xf32>
        %max3A_536 = arith.maximumf %add3A_533, %max3A_535 : vector<16xf32>
        %add3A_537 = arith.constant 64 : i32
        %add3A_538 = arith.addi %add3A_537, %scan3A_398 : i32
        %swap3A_539 = arith.constant 1 : i32
        %swap3A_540 = arith.index_cast %swap3A_539 : i32 to index
        %swap3A_541 = arith.index_cast %add3A_538 : i32 to index
        %swap3A_542 = arith.constant 96 : index
        %swap3A_543 = tpu.vector_load %arg9[%swap3A_540, %swap3A_541, %swap3A_542] {strides = array<i32>} : memref<2x128x128xf32, #tpu.memory_space<vmem>>, vector<16xf32>,
        tpu.vector_store %arg9[%swap3A_540, %swap3A_541, %swap3A_542], %max3A_536 {strides = array<i32>} : memref<2x128x128xf32, #tpu.memory_space<vmem>>, vector<16xf32>,
        %add3A_544 = arith.constant 64 : i32
        %add3A_545 = arith.addi %add3A_544, %scan3A_398 : i32
        %get3A_546 = arith.constant 1 : i32
        %get3A_547 = arith.index_cast %get3A_546 : i32 to index
        %get3A_548 = arith.index_cast %add3A_545 : i32 to index
        %get3A_549 = arith.constant 112 : index
        %get3A_550 = tpu.vector_load %arg9[%get3A_547, %get3A_548, %get3A_549] {strides = array<i32>} : memref<2x128x128xf32, #tpu.memory_space<vmem>>, vector<16xf32>,
        %get3A_551 = arith.index_cast %scan3A_398 : i32 to index
        %get3A_552 = arith.constant 112 : index
        %get3A_553 = tpu.vector_load %arg10[%get3A_551, %get3A_552] {strides = array<i32>} : memref<32x128xf32, #tpu.memory_space<vmem>>, vector<16xf32>,
        %add3A_554 = arith.addf %get3A_550, %get3A_553 : vector<16xf32>
        %max3A_555 = arith.constant 0.000000e+00 : f32
        %max3A_556 = vector.broadcast %max3A_555 : f32 to vector<16xf32>
        %max3A_557 = arith.maximumf %add3A_554, %max3A_556 : vector<16xf32>
        %add3A_558 = arith.constant 64 : i32
        %add3A_559 = arith.addi %add3A_558, %scan3A_398 : i32
        %swap3A_560 = arith.constant 1 : i32
        %swap3A_561 = arith.index_cast %swap3A_560 : i32 to index
        %swap3A_562 = arith.index_cast %add3A_559 : i32 to index
        %swap3A_563 = arith.constant 112 : index
        %swap3A_564 = tpu.vector_load %arg9[%swap3A_561, %swap3A_562, %swap3A_563] {strides = array<i32>} : memref<2x128x128xf32, #tpu.memory_space<vmem>>, vector<16xf32>,
        tpu.vector_store %arg9[%swap3A_561, %swap3A_562, %swap3A_563], %max3A_557 {strides = array<i32>} : memref<2x128x128xf32, #tpu.memory_space<vmem>>, vector<16xf32>,
      }
      %scan3A_326 = arith.constant 32 : i32
      %add3A_327 = arith.constant 96 : i32
      %add3A_328 = arith.addi %add3A_265, %add3A_327 : i32
      "tpu.region"() ({
        %run_scoped3A_398 = tpu.sem_alloc : memref<!tpu.dma_semaphore, #tpu.memory_space<semaphore_mem>>
        %dma_start3A_399 = arith.constant 0 : i32
        %dma_start3A_400 = tpu.memref_slice %arg3[%add3A_328, %dma_start3A_399] : memref<323584x128xf32, #tpu.memory_space<hbm>> -> memref<32x128xf32, #tpu.memory_space<hbm>>
        %dma_start3A_401 = arith.constant 0 : i32
        %dma_start3A_402 = tpu.memref_slice %arg3[%add3A_328, %dma_start3A_401] : memref<323584x128xf32, #tpu.memory_space<hbm>> -> memref<32x128xf32, #tpu.memory_space<hbm>>
        tpu.enqueue_dma source(%dma_start3A_402 : memref<32x128xf32, #tpu.memory_space<hbm>>) target(%arg10 : memref<32x128xf32, #tpu.memory_space<vmem>>) target_semaphore(%run_scoped3A_398 : memref<!tpu.dma_semaphore, #tpu.memory_space<semaphore_mem>>)
        %dma_wait3A_403 = arith.constant 0 : i32
        %dma_wait3A_404 = tpu.memref_slice %arg3[%add3A_328, %dma_wait3A_403] : memref<323584x128xf32, #tpu.memory_space<hbm>> -> memref<32x128xf32, #tpu.memory_space<hbm>>
        %dma_wait3A_405 = arith.constant 0 : i32
        %dma_wait3A_406 = tpu.memref_slice %arg3[%add3A_328, %dma_wait3A_405] : memref<323584x128xf32, #tpu.memory_space<hbm>> -> memref<32x128xf32, #tpu.memory_space<hbm>>
        tpu.wait_dma2 semaphore(%run_scoped3A_398 : memref<!tpu.dma_semaphore, #tpu.memory_space<semaphore_mem>>) src(%dma_wait3A_406 : memref<32x128xf32, #tpu.memory_space<hbm>>) dst(%arg10 : memref<32x128xf32, #tpu.memory_space<vmem>>)
        tpu.yield
      }) : () -> ()
      %scan3A_329 = arith.constant 0 : i32
      %scan3A_330 = arith.constant 0 : i32
      %scan3A_331 = arith.constant 32 : i32
      %scan3A_332 = arith.addi %scan3A_330, %scan3A_331 : i32
      %scan3A_333 = arith.constant 1 : i32
      scf.for %scan3A_398 = %scan3A_330 to %scan3A_332 step %scan3A_333  : i32 {
        %add3A_399 = arith.constant 96 : i32
        %add3A_400 = arith.addi %add3A_399, %scan3A_398 : i32
        %get3A_401 = arith.constant 1 : i32
        %get3A_402 = arith.index_cast %get3A_401 : i32 to index
        %get3A_403 = arith.index_cast %add3A_400 : i32 to index
        %get3A_404 = arith.constant 0 : index
        %get3A_405 = tpu.vector_load %arg9[%get3A_402, %get3A_403, %get3A_404] {strides = array<i32>} : memref<2x128x128xf32, #tpu.memory_space<vmem>>, vector<16xf32>,
        %get3A_406 = arith.index_cast %scan3A_398 : i32 to index
        %get3A_407 = arith.constant 0 : index
        %get3A_408 = tpu.vector_load %arg10[%get3A_406, %get3A_407] {strides = array<i32>} : memref<32x128xf32, #tpu.memory_space<vmem>>, vector<16xf32>,
        %add3A_409 = arith.addf %get3A_405, %get3A_408 : vector<16xf32>
        %max3A = arith.constant 0.000000e+00 : f32
        %max3A_410 = vector.broadcast %max3A : f32 to vector<16xf32>
        %max3A_411 = arith.maximumf %add3A_409, %max3A_410 : vector<16xf32>
        %add3A_412 = arith.constant 96 : i32
        %add3A_413 = arith.addi %add3A_412, %scan3A_398 : i32
        %swap3A = arith.constant 1 : i32
        %swap3A_414 = arith.index_cast %swap3A : i32 to index
        %swap3A_415 = arith.index_cast %add3A_413 : i32 to index
        %swap3A_416 = arith.constant 0 : index
        %swap3A_417 = tpu.vector_load %arg9[%swap3A_414, %swap3A_415, %swap3A_416] {strides = array<i32>} : memref<2x128x128xf32, #tpu.memory_space<vmem>>, vector<16xf32>,
        tpu.vector_store %arg9[%swap3A_414, %swap3A_415, %swap3A_416], %max3A_411 {strides = array<i32>} : memref<2x128x128xf32, #tpu.memory_space<vmem>>, vector<16xf32>,
        %add3A_418 = arith.constant 96 : i32
        %add3A_419 = arith.addi %add3A_418, %scan3A_398 : i32
        %get3A_420 = arith.constant 1 : i32
        %get3A_421 = arith.index_cast %get3A_420 : i32 to index
        %get3A_422 = arith.index_cast %add3A_419 : i32 to index
        %get3A_423 = arith.constant 16 : index
        %get3A_424 = tpu.vector_load %arg9[%get3A_421, %get3A_422, %get3A_423] {strides = array<i32>} : memref<2x128x128xf32, #tpu.memory_space<vmem>>, vector<16xf32>,
        %get3A_425 = arith.index_cast %scan3A_398 : i32 to index
        %get3A_426 = arith.constant 16 : index
        %get3A_427 = tpu.vector_load %arg10[%get3A_425, %get3A_426] {strides = array<i32>} : memref<32x128xf32, #tpu.memory_space<vmem>>, vector<16xf32>,
        %add3A_428 = arith.addf %get3A_424, %get3A_427 : vector<16xf32>
        %max3A_429 = arith.constant 0.000000e+00 : f32
        %max3A_430 = vector.broadcast %max3A_429 : f32 to vector<16xf32>
        %max3A_431 = arith.maximumf %add3A_428, %max3A_430 : vector<16xf32>
        %add3A_432 = arith.constant 96 : i32
        %add3A_433 = arith.addi %add3A_432, %scan3A_398 : i32
        %swap3A_434 = arith.constant 1 : i32
        %swap3A_435 = arith.index_cast %swap3A_434 : i32 to index
        %swap3A_436 = arith.index_cast %add3A_433 : i32 to index
        %swap3A_437 = arith.constant 16 : index
        %swap3A_438 = tpu.vector_load %arg9[%swap3A_435, %swap3A_436, %swap3A_437] {strides = array<i32>} : memref<2x128x128xf32, #tpu.memory_space<vmem>>, vector<16xf32>,
        tpu.vector_store %arg9[%swap3A_435, %swap3A_436, %swap3A_437], %max3A_431 {strides = array<i32>} : memref<2x128x128xf32, #tpu.memory_space<vmem>>, vector<16xf32>,
        %add3A_439 = arith.constant 96 : i32
        %add3A_440 = arith.addi %add3A_439, %scan3A_398 : i32
        %get3A_441 = arith.constant 1 : i32
        %get3A_442 = arith.index_cast %get3A_441 : i32 to index
        %get3A_443 = arith.index_cast %add3A_440 : i32 to index
        %get3A_444 = arith.constant 32 : index
        %get3A_445 = tpu.vector_load %arg9[%get3A_442, %get3A_443, %get3A_444] {strides = array<i32>} : memref<2x128x128xf32, #tpu.memory_space<vmem>>, vector<16xf32>,
        %get3A_446 = arith.index_cast %scan3A_398 : i32 to index
        %get3A_447 = arith.constant 32 : index
        %get3A_448 = tpu.vector_load %arg10[%get3A_446, %get3A_447] {strides = array<i32>} : memref<32x128xf32, #tpu.memory_space<vmem>>, vector<16xf32>,
        %add3A_449 = arith.addf %get3A_445, %get3A_448 : vector<16xf32>
        %max3A_450 = arith.constant 0.000000e+00 : f32
        %max3A_451 = vector.broadcast %max3A_450 : f32 to vector<16xf32>
        %max3A_452 = arith.maximumf %add3A_449, %max3A_451 : vector<16xf32>
        %add3A_453 = arith.constant 96 : i32
        %add3A_454 = arith.addi %add3A_453, %scan3A_398 : i32
        %swap3A_455 = arith.constant 1 : i32
        %swap3A_456 = arith.index_cast %swap3A_455 : i32 to index
        %swap3A_457 = arith.index_cast %add3A_454 : i32 to index
        %swap3A_458 = arith.constant 32 : index
        %swap3A_459 = tpu.vector_load %arg9[%swap3A_456, %swap3A_457, %swap3A_458] {strides = array<i32>} : memref<2x128x128xf32, #tpu.memory_space<vmem>>, vector<16xf32>,
        tpu.vector_store %arg9[%swap3A_456, %swap3A_457, %swap3A_458], %max3A_452 {strides = array<i32>} : memref<2x128x128xf32, #tpu.memory_space<vmem>>, vector<16xf32>,
        %add3A_460 = arith.constant 96 : i32
        %add3A_461 = arith.addi %add3A_460, %scan3A_398 : i32
        %get3A_462 = arith.constant 1 : i32
        %get3A_463 = arith.index_cast %get3A_462 : i32 to index
        %get3A_464 = arith.index_cast %add3A_461 : i32 to index
        %get3A_465 = arith.constant 48 : index
        %get3A_466 = tpu.vector_load %arg9[%get3A_463, %get3A_464, %get3A_465] {strides = array<i32>} : memref<2x128x128xf32, #tpu.memory_space<vmem>>, vector<16xf32>,
        %get3A_467 = arith.index_cast %scan3A_398 : i32 to index
        %get3A_468 = arith.constant 48 : index
        %get3A_469 = tpu.vector_load %arg10[%get3A_467, %get3A_468] {strides = array<i32>} : memref<32x128xf32, #tpu.memory_space<vmem>>, vector<16xf32>,
        %add3A_470 = arith.addf %get3A_466, %get3A_469 : vector<16xf32>
        %max3A_471 = arith.constant 0.000000e+00 : f32
        %max3A_472 = vector.broadcast %max3A_471 : f32 to vector<16xf32>
        %max3A_473 = arith.maximumf %add3A_470, %max3A_472 : vector<16xf32>
        %add3A_474 = arith.constant 96 : i32
        %add3A_475 = arith.addi %add3A_474, %scan3A_398 : i32
        %swap3A_476 = arith.constant 1 : i32
        %swap3A_477 = arith.index_cast %swap3A_476 : i32 to index
        %swap3A_478 = arith.index_cast %add3A_475 : i32 to index
        %swap3A_479 = arith.constant 48 : index
        %swap3A_480 = tpu.vector_load %arg9[%swap3A_477, %swap3A_478, %swap3A_479] {strides = array<i32>} : memref<2x128x128xf32, #tpu.memory_space<vmem>>, vector<16xf32>,
        tpu.vector_store %arg9[%swap3A_477, %swap3A_478, %swap3A_479], %max3A_473 {strides = array<i32>} : memref<2x128x128xf32, #tpu.memory_space<vmem>>, vector<16xf32>,
        %add3A_481 = arith.constant 96 : i32
        %add3A_482 = arith.addi %add3A_481, %scan3A_398 : i32
        %get3A_483 = arith.constant 1 : i32
        %get3A_484 = arith.index_cast %get3A_483 : i32 to index
        %get3A_485 = arith.index_cast %add3A_482 : i32 to index
        %get3A_486 = arith.constant 64 : index
        %get3A_487 = tpu.vector_load %arg9[%get3A_484, %get3A_485, %get3A_486] {strides = array<i32>} : memref<2x128x128xf32, #tpu.memory_space<vmem>>, vector<16xf32>,
        %get3A_488 = arith.index_cast %scan3A_398 : i32 to index
        %get3A_489 = arith.constant 64 : index
        %get3A_490 = tpu.vector_load %arg10[%get3A_488, %get3A_489] {strides = array<i32>} : memref<32x128xf32, #tpu.memory_space<vmem>>, vector<16xf32>,
        %add3A_491 = arith.addf %get3A_487, %get3A_490 : vector<16xf32>
        %max3A_492 = arith.constant 0.000000e+00 : f32
        %max3A_493 = vector.broadcast %max3A_492 : f32 to vector<16xf32>
        %max3A_494 = arith.maximumf %add3A_491, %max3A_493 : vector<16xf32>
        %add3A_495 = arith.constant 96 : i32
        %add3A_496 = arith.addi %add3A_495, %scan3A_398 : i32
        %swap3A_497 = arith.constant 1 : i32
        %swap3A_498 = arith.index_cast %swap3A_497 : i32 to index
        %swap3A_499 = arith.index_cast %add3A_496 : i32 to index
        %swap3A_500 = arith.constant 64 : index
        %swap3A_501 = tpu.vector_load %arg9[%swap3A_498, %swap3A_499, %swap3A_500] {strides = array<i32>} : memref<2x128x128xf32, #tpu.memory_space<vmem>>, vector<16xf32>,
        tpu.vector_store %arg9[%swap3A_498, %swap3A_499, %swap3A_500], %max3A_494 {strides = array<i32>} : memref<2x128x128xf32, #tpu.memory_space<vmem>>, vector<16xf32>,
        %add3A_502 = arith.constant 96 : i32
        %add3A_503 = arith.addi %add3A_502, %scan3A_398 : i32
        %get3A_504 = arith.constant 1 : i32
        %get3A_505 = arith.index_cast %get3A_504 : i32 to index
        %get3A_506 = arith.index_cast %add3A_503 : i32 to index
        %get3A_507 = arith.constant 80 : index
        %get3A_508 = tpu.vector_load %arg9[%get3A_505, %get3A_506, %get3A_507] {strides = array<i32>} : memref<2x128x128xf32, #tpu.memory_space<vmem>>, vector<16xf32>,
        %get3A_509 = arith.index_cast %scan3A_398 : i32 to index
        %get3A_510 = arith.constant 80 : index
        %get3A_511 = tpu.vector_load %arg10[%get3A_509, %get3A_510] {strides = array<i32>} : memref<32x128xf32, #tpu.memory_space<vmem>>, vector<16xf32>,
        %add3A_512 = arith.addf %get3A_508, %get3A_511 : vector<16xf32>
        %max3A_513 = arith.constant 0.000000e+00 : f32
        %max3A_514 = vector.broadcast %max3A_513 : f32 to vector<16xf32>
        %max3A_515 = arith.maximumf %add3A_512, %max3A_514 : vector<16xf32>
        %add3A_516 = arith.constant 96 : i32
        %add3A_517 = arith.addi %add3A_516, %scan3A_398 : i32
        %swap3A_518 = arith.constant 1 : i32
        %swap3A_519 = arith.index_cast %swap3A_518 : i32 to index
        %swap3A_520 = arith.index_cast %add3A_517 : i32 to index
        %swap3A_521 = arith.constant 80 : index
        %swap3A_522 = tpu.vector_load %arg9[%swap3A_519, %swap3A_520, %swap3A_521] {strides = array<i32>} : memref<2x128x128xf32, #tpu.memory_space<vmem>>, vector<16xf32>,
        tpu.vector_store %arg9[%swap3A_519, %swap3A_520, %swap3A_521], %max3A_515 {strides = array<i32>} : memref<2x128x128xf32, #tpu.memory_space<vmem>>, vector<16xf32>,
        %add3A_523 = arith.constant 96 : i32
        %add3A_524 = arith.addi %add3A_523, %scan3A_398 : i32
        %get3A_525 = arith.constant 1 : i32
        %get3A_526 = arith.index_cast %get3A_525 : i32 to index
        %get3A_527 = arith.index_cast %add3A_524 : i32 to index
        %get3A_528 = arith.constant 96 : index
        %get3A_529 = tpu.vector_load %arg9[%get3A_526, %get3A_527, %get3A_528] {strides = array<i32>} : memref<2x128x128xf32, #tpu.memory_space<vmem>>, vector<16xf32>,
        %get3A_530 = arith.index_cast %scan3A_398 : i32 to index
        %get3A_531 = arith.constant 96 : index
        %get3A_532 = tpu.vector_load %arg10[%get3A_530, %get3A_531] {strides = array<i32>} : memref<32x128xf32, #tpu.memory_space<vmem>>, vector<16xf32>,
        %add3A_533 = arith.addf %get3A_529, %get3A_532 : vector<16xf32>
        %max3A_534 = arith.constant 0.000000e+00 : f32
        %max3A_535 = vector.broadcast %max3A_534 : f32 to vector<16xf32>
        %max3A_536 = arith.maximumf %add3A_533, %max3A_535 : vector<16xf32>
        %add3A_537 = arith.constant 96 : i32
        %add3A_538 = arith.addi %add3A_537, %scan3A_398 : i32
        %swap3A_539 = arith.constant 1 : i32
        %swap3A_540 = arith.index_cast %swap3A_539 : i32 to index
        %swap3A_541 = arith.index_cast %add3A_538 : i32 to index
        %swap3A_542 = arith.constant 96 : index
        %swap3A_543 = tpu.vector_load %arg9[%swap3A_540, %swap3A_541, %swap3A_542] {strides = array<i32>} : memref<2x128x128xf32, #tpu.memory_space<vmem>>, vector<16xf32>,
        tpu.vector_store %arg9[%swap3A_540, %swap3A_541, %swap3A_542], %max3A_536 {strides = array<i32>} : memref<2x128x128xf32, #tpu.memory_space<vmem>>, vector<16xf32>,
        %add3A_544 = arith.constant 96 : i32
        %add3A_545 = arith.addi %add3A_544, %scan3A_398 : i32
        %get3A_546 = arith.constant 1 : i32
        %get3A_547 = arith.index_cast %get3A_546 : i32 to index
        %get3A_548 = arith.index_cast %add3A_545 : i32 to index
        %get3A_549 = arith.constant 112 : index
        %get3A_550 = tpu.vector_load %arg9[%get3A_547, %get3A_548, %get3A_549] {strides = array<i32>} : memref<2x128x128xf32, #tpu.memory_space<vmem>>, vector<16xf32>,
        %get3A_551 = arith.index_cast %scan3A_398 : i32 to index
        %get3A_552 = arith.constant 112 : index
        %get3A_553 = tpu.vector_load %arg10[%get3A_551, %get3A_552] {strides = array<i32>} : memref<32x128xf32, #tpu.memory_space<vmem>>, vector<16xf32>,
        %add3A_554 = arith.addf %get3A_550, %get3A_553 : vector<16xf32>
        %max3A_555 = arith.constant 0.000000e+00 : f32
        %max3A_556 = vector.broadcast %max3A_555 : f32 to vector<16xf32>
        %max3A_557 = arith.maximumf %add3A_554, %max3A_556 : vector<16xf32>
        %add3A_558 = arith.constant 96 : i32
        %add3A_559 = arith.addi %add3A_558, %scan3A_398 : i32
        %swap3A_560 = arith.constant 1 : i32
        %swap3A_561 = arith.index_cast %swap3A_560 : i32 to index
        %swap3A_562 = arith.index_cast %add3A_559 : i32 to index
        %swap3A_563 = arith.constant 112 : index
        %swap3A_564 = tpu.vector_load %arg9[%swap3A_561, %swap3A_562, %swap3A_563] {strides = array<i32>} : memref<2x128x128xf32, #tpu.memory_space<vmem>>, vector<16xf32>,
        tpu.vector_store %arg9[%swap3A_561, %swap3A_562, %swap3A_563], %max3A_557 {strides = array<i32>} : memref<2x128x128xf32, #tpu.memory_space<vmem>>, vector<16xf32>,
      }
      %scan3A_334 = arith.constant 32 : i32
      %dma_start3A_335 = arith.constant 1 : i32
      %dma_start3A_336 = arith.constant 3 : i32
      %dma_start3A_337 = arith.constant 2 : i32
      %dma_start3A_338 = arith.constant 0 : i32
      %dma_start3A_339 = arith.constant 0 : i32
      %dma_start3A_340 = tpu.memref_slice %arg9[%dma_start3A_335, %dma_start3A_338, %dma_start3A_339] : memref<2x128x128xf32, #tpu.memory_space<vmem>> -> memref<1x128x128xf32, #tpu.memory_space<vmem>>
      %dma_start3A_341 = tpu.memref_squeeze %dma_start3A_340 : memref<1x128x128xf32, #tpu.memory_space<vmem>> -> memref<128x128xf32, #tpu.memory_space<vmem>>
      %dma_start3A_342 = arith.constant 0 : i32
      %dma_start3A_343 = tpu.memref_slice %arg7[%dma_start3A_336, %dma_start3A_342] : memref<4x128xi32, #tpu.memory_space<vmem>> -> memref<1x128xi32, #tpu.memory_space<vmem>>
      %dma_start3A_344 = tpu.memref_squeeze %dma_start3A_343 : memref<1x128xi32, #tpu.memory_space<vmem>> -> memref<128xi32, #tpu.memory_space<vmem>>
      %dma_start3A_345 = arith.constant 0 : i32
      %dma_start3A_346 = arith.constant 0 : i32
      %dma_start3A_347 = tpu.memref_slice %arg11[%dma_start3A_345, %dma_start3A_346] : memref<10112x128xf32, #tpu.memory_space<vmem_shared>> -> memref<10112x128xf32, #tpu.memory_space<vmem_shared>>
      %dma_start3A_348 = tpu.memref_slice %arg13[%dma_start3A_337] : memref<3x!tpu.dma_semaphore, #tpu.memory_space<semaphore_mem>> -> memref<1x!tpu.dma_semaphore, #tpu.memory_space<semaphore_mem>>
      %dma_start3A_349 = tpu.memref_squeeze %dma_start3A_348 : memref<1x!tpu.dma_semaphore, #tpu.memory_space<semaphore_mem>> -> memref<!tpu.dma_semaphore, #tpu.memory_space<semaphore_mem>>
      tpu.enqueue_indirect_dma source(%dma_start3A_341 : memref<128x128xf32, #tpu.memory_space<vmem>>) target(%dma_start3A_347 : memref<10112x128xf32, #tpu.memory_space<vmem_shared>>) offsets(%dma_start3A_344 : memref<128xi32, #tpu.memory_space<vmem>>) semaphore(%dma_start3A_349 : memref<!tpu.dma_semaphore, #tpu.memory_space<semaphore_mem>>) {add = true}
      %get3A_350 = arith.constant 3 : i32
      %get3A_351 = arith.index_cast %get3A_350 : i32 to index
      %get3A_352 = arith.constant 0 : index
      %get3A_353 = tpu.vector_load %arg7[%get3A_351, %get3A_352] {strides = array<i32>} : memref<4x128xi32, #tpu.memory_space<vmem>>, vector<16xi32>,
      %broadcast_in_dim3A_354 = arith.constant 1.000000e+00 : f32
      %broadcast_in_dim3A_355 = vector.broadcast %broadcast_in_dim3A_354 : f32 to vector<16xf32>
      tpu.vector_store_idx %arg12[%get3A_353], %broadcast_in_dim3A_355 {add = true} : memref<10112xf32, #tpu.memory_space<vmem>>[vector<16xi32>], vector<16xf32>,
      %get3A_356 = arith.constant 3 : i32
      %get3A_357 = arith.index_cast %get3A_356 : i32 to index
      %get3A_358 = arith.constant 16 : index
      %get3A_359 = tpu.vector_load %arg7[%get3A_357, %get3A_358] {strides = array<i32>} : memref<4x128xi32, #tpu.memory_space<vmem>>, vector<16xi32>,
      %broadcast_in_dim3A_360 = arith.constant 1.000000e+00 : f32
      %broadcast_in_dim3A_361 = vector.broadcast %broadcast_in_dim3A_360 : f32 to vector<16xf32>
      tpu.vector_store_idx %arg12[%get3A_359], %broadcast_in_dim3A_361 {add = true} : memref<10112xf32, #tpu.memory_space<vmem>>[vector<16xi32>], vector<16xf32>,
      %get3A_362 = arith.constant 3 : i32
      %get3A_363 = arith.index_cast %get3A_362 : i32 to index
      %get3A_364 = arith.constant 32 : index
      %get3A_365 = tpu.vector_load %arg7[%get3A_363, %get3A_364] {strides = array<i32>} : memref<4x128xi32, #tpu.memory_space<vmem>>, vector<16xi32>,
      %broadcast_in_dim3A_366 = arith.constant 1.000000e+00 : f32
      %broadcast_in_dim3A_367 = vector.broadcast %broadcast_in_dim3A_366 : f32 to vector<16xf32>
      tpu.vector_store_idx %arg12[%get3A_365], %broadcast_in_dim3A_367 {add = true} : memref<10112xf32, #tpu.memory_space<vmem>>[vector<16xi32>], vector<16xf32>,
      %get3A_368 = arith.constant 3 : i32
      %get3A_369 = arith.index_cast %get3A_368 : i32 to index
      %get3A_370 = arith.constant 48 : index
      %get3A_371 = tpu.vector_load %arg7[%get3A_369, %get3A_370] {strides = array<i32>} : memref<4x128xi32, #tpu.memory_space<vmem>>, vector<16xi32>,
      %broadcast_in_dim3A_372 = arith.constant 1.000000e+00 : f32
      %broadcast_in_dim3A_373 = vector.broadcast %broadcast_in_dim3A_372 : f32 to vector<16xf32>
      tpu.vector_store_idx %arg12[%get3A_371], %broadcast_in_dim3A_373 {add = true} : memref<10112xf32, #tpu.memory_space<vmem>>[vector<16xi32>], vector<16xf32>,
      %get3A_374 = arith.constant 3 : i32
      %get3A_375 = arith.index_cast %get3A_374 : i32 to index
      %get3A_376 = arith.constant 64 : index
      %get3A_377 = tpu.vector_load %arg7[%get3A_375, %get3A_376] {strides = array<i32>} : memref<4x128xi32, #tpu.memory_space<vmem>>, vector<16xi32>,
      %broadcast_in_dim3A_378 = arith.constant 1.000000e+00 : f32
      %broadcast_in_dim3A_379 = vector.broadcast %broadcast_in_dim3A_378 : f32 to vector<16xf32>
      tpu.vector_store_idx %arg12[%get3A_377], %broadcast_in_dim3A_379 {add = true} : memref<10112xf32, #tpu.memory_space<vmem>>[vector<16xi32>], vector<16xf32>,
      %get3A_380 = arith.constant 3 : i32
      %get3A_381 = arith.index_cast %get3A_380 : i32 to index
      %get3A_382 = arith.constant 80 : index
      %get3A_383 = tpu.vector_load %arg7[%get3A_381, %get3A_382] {strides = array<i32>} : memref<4x128xi32, #tpu.memory_space<vmem>>, vector<16xi32>,
      %broadcast_in_dim3A_384 = arith.constant 1.000000e+00 : f32
      %broadcast_in_dim3A_385 = vector.broadcast %broadcast_in_dim3A_384 : f32 to vector<16xf32>
      tpu.vector_store_idx %arg12[%get3A_383], %broadcast_in_dim3A_385 {add = true} : memref<10112xf32, #tpu.memory_space<vmem>>[vector<16xi32>], vector<16xf32>,
      %get3A_386 = arith.constant 3 : i32
      %get3A_387 = arith.index_cast %get3A_386 : i32 to index
      %get3A_388 = arith.constant 96 : index
      %get3A_389 = tpu.vector_load %arg7[%get3A_387, %get3A_388] {strides = array<i32>} : memref<4x128xi32, #tpu.memory_space<vmem>>, vector<16xi32>,
      %broadcast_in_dim3A_390 = arith.constant 1.000000e+00 : f32
      %broadcast_in_dim3A_391 = vector.broadcast %broadcast_in_dim3A_390 : f32 to vector<16xf32>
      tpu.vector_store_idx %arg12[%get3A_389], %broadcast_in_dim3A_391 {add = true} : memref<10112xf32, #tpu.memory_space<vmem>>[vector<16xi32>], vector<16xf32>,
      %get3A_392 = arith.constant 3 : i32
      %get3A_393 = arith.index_cast %get3A_392 : i32 to index
      %get3A_394 = arith.constant 112 : index
      %get3A_395 = tpu.vector_load %arg7[%get3A_393, %get3A_394] {strides = array<i32>} : memref<4x128xi32, #tpu.memory_space<vmem>>, vector<16xi32>,
      %broadcast_in_dim3A_396 = arith.constant 1.000000e+00 : f32
      %broadcast_in_dim3A_397 = vector.broadcast %broadcast_in_dim3A_396 : f32 to vector<16xf32>
      tpu.vector_store_idx %arg12[%get3A_395], %broadcast_in_dim3A_397 {add = true} : memref<10112xf32, #tpu.memory_space<vmem>>[vector<16xi32>], vector<16xf32>,
    }
    %scan3A_30 = arith.constant 79 : i32
    %dma_wait3A = arith.constant 0 : i32
    %dma_wait3A_31 = arith.constant 2 : i32
    %dma_wait3A_32 = arith.constant 1 : i32
    %dma_wait3A_33 = arith.constant 0 : i32
    %dma_wait3A_34 = arith.constant 0 : i32
    %dma_wait3A_35 = tpu.memref_slice %arg9[%dma_wait3A, %dma_wait3A_33, %dma_wait3A_34] : memref<2x128x128xf32, #tpu.memory_space<vmem>> -> memref<1x128x128xf32, #tpu.memory_space<vmem>>
    %dma_wait3A_36 = tpu.memref_squeeze %dma_wait3A_35 : memref<1x128x128xf32, #tpu.memory_space<vmem>> -> memref<128x128xf32, #tpu.memory_space<vmem>>
    %dma_wait3A_37 = arith.constant 0 : i32
    %dma_wait3A_38 = tpu.memref_slice %arg7[%dma_wait3A_31, %dma_wait3A_37] : memref<4x128xi32, #tpu.memory_space<vmem>> -> memref<1x128xi32, #tpu.memory_space<vmem>>
    %dma_wait3A_39 = tpu.memref_squeeze %dma_wait3A_38 : memref<1x128xi32, #tpu.memory_space<vmem>> -> memref<128xi32, #tpu.memory_space<vmem>>
    %dma_wait3A_40 = arith.constant 0 : i32
    %dma_wait3A_41 = arith.constant 0 : i32
    %dma_wait3A_42 = tpu.memref_slice %arg11[%dma_wait3A_40, %dma_wait3A_41] : memref<10112x128xf32, #tpu.memory_space<vmem_shared>> -> memref<10112x128xf32, #tpu.memory_space<vmem_shared>>
    %dma_wait3A_43 = tpu.memref_slice %arg13[%dma_wait3A_32] : memref<3x!tpu.dma_semaphore, #tpu.memory_space<semaphore_mem>> -> memref<1x!tpu.dma_semaphore, #tpu.memory_space<semaphore_mem>>
    %dma_wait3A_44 = tpu.memref_squeeze %dma_wait3A_43 : memref<1x!tpu.dma_semaphore, #tpu.memory_space<semaphore_mem>> -> memref<!tpu.dma_semaphore, #tpu.memory_space<semaphore_mem>>
    tpu.wait_indirect_dma semaphore(%dma_wait3A_44 : memref<!tpu.dma_semaphore, #tpu.memory_space<semaphore_mem>>) src(%dma_wait3A_36 : memref<128x128xf32, #tpu.memory_space<vmem>>) dst(%dma_wait3A_42 : memref<10112x128xf32, #tpu.memory_space<vmem_shared>>)
    %dma_wait3A_45 = arith.constant 1 : i32
    %dma_wait3A_46 = arith.constant 3 : i32
    %dma_wait3A_47 = arith.constant 2 : i32
    %dma_wait3A_48 = arith.constant 0 : i32
    %dma_wait3A_49 = arith.constant 0 : i32
    %dma_wait3A_50 = tpu.memref_slice %arg9[%dma_wait3A_45, %dma_wait3A_48, %dma_wait3A_49] : memref<2x128x128xf32, #tpu.memory_space<vmem>> -> memref<1x128x128xf32, #tpu.memory_space<vmem>>
    %dma_wait3A_51 = tpu.memref_squeeze %dma_wait3A_50 : memref<1x128x128xf32, #tpu.memory_space<vmem>> -> memref<128x128xf32, #tpu.memory_space<vmem>>
    %dma_wait3A_52 = arith.constant 0 : i32
    %dma_wait3A_53 = tpu.memref_slice %arg7[%dma_wait3A_46, %dma_wait3A_52] : memref<4x128xi32, #tpu.memory_space<vmem>> -> memref<1x128xi32, #tpu.memory_space<vmem>>
    %dma_wait3A_54 = tpu.memref_squeeze %dma_wait3A_53 : memref<1x128xi32, #tpu.memory_space<vmem>> -> memref<128xi32, #tpu.memory_space<vmem>>
    %dma_wait3A_55 = arith.constant 0 : i32
    %dma_wait3A_56 = arith.constant 0 : i32
    %dma_wait3A_57 = tpu.memref_slice %arg11[%dma_wait3A_55, %dma_wait3A_56] : memref<10112x128xf32, #tpu.memory_space<vmem_shared>> -> memref<10112x128xf32, #tpu.memory_space<vmem_shared>>
    %dma_wait3A_58 = tpu.memref_slice %arg13[%dma_wait3A_47] : memref<3x!tpu.dma_semaphore, #tpu.memory_space<semaphore_mem>> -> memref<1x!tpu.dma_semaphore, #tpu.memory_space<semaphore_mem>>
    %dma_wait3A_59 = tpu.memref_squeeze %dma_wait3A_58 : memref<1x!tpu.dma_semaphore, #tpu.memory_space<semaphore_mem>> -> memref<!tpu.dma_semaphore, #tpu.memory_space<semaphore_mem>>
    tpu.wait_indirect_dma semaphore(%dma_wait3A_59 : memref<!tpu.dma_semaphore, #tpu.memory_space<semaphore_mem>>) src(%dma_wait3A_51 : memref<128x128xf32, #tpu.memory_space<vmem>>) dst(%dma_wait3A_57 : memref<10112x128xf32, #tpu.memory_space<vmem_shared>>)
    %barrier3A_60 = arith.constant 0 : index
    tpu.barrier barrier_id(%barrier3A_60)
    %add3A_61 = arith.constant 0 : i32
    %add3A_62 = arith.addi %mul3A_11, %add3A_61 : i32
    %run_scoped3A_63 = arith.constant 0 : i32
    "tpu.region"() ({
      %run_scoped3A_111 = tpu.sem_alloc : memref<!tpu.dma_semaphore, #tpu.memory_space<semaphore_mem>>
      %dma_start3A = arith.constant 0 : i32
      %dma_start3A_112 = arith.constant 0 : i32
      %dma_start3A_113 = tpu.memref_slice %arg9[%run_scoped3A_63, %dma_start3A, %dma_start3A_112] : memref<2x128x128xf32, #tpu.memory_space<vmem>> -> memref<1x128x128xf32, #tpu.memory_space<vmem>>
      %dma_start3A_114 = tpu.memref_squeeze %dma_start3A_113 : memref<1x128x128xf32, #tpu.memory_space<vmem>> -> memref<128x128xf32, #tpu.memory_space<vmem>>
      %dma_start3A_115 = arith.constant 0 : i32
      %dma_start3A_116 = tpu.memref_slice %arg11[%add3A_62, %dma_start3A_115] : memref<10112x128xf32, #tpu.memory_space<vmem_shared>> -> memref<128x128xf32, #tpu.memory_space<vmem_shared>>
      %dma_start3A_117 = arith.constant 0 : i32
      %dma_start3A_118 = arith.constant 0 : i32
      %dma_start3A_119 = tpu.memref_slice %arg9[%run_scoped3A_63, %dma_start3A_117, %dma_start3A_118] : memref<2x128x128xf32, #tpu.memory_space<vmem>> -> memref<1x128x128xf32, #tpu.memory_space<vmem>>
      %dma_start3A_120 = tpu.memref_squeeze %dma_start3A_119 : memref<1x128x128xf32, #tpu.memory_space<vmem>> -> memref<128x128xf32, #tpu.memory_space<vmem>>
      %dma_start3A_121 = arith.constant 0 : i32
      %dma_start3A_122 = tpu.memref_slice %arg11[%add3A_62, %dma_start3A_121] : memref<10112x128xf32, #tpu.memory_space<vmem_shared>> -> memref<128x128xf32, #tpu.memory_space<vmem_shared>>
      tpu.enqueue_dma source(%dma_start3A_122 : memref<128x128xf32, #tpu.memory_space<vmem_shared>>) target(%dma_start3A_120 : memref<128x128xf32, #tpu.memory_space<vmem>>) target_semaphore(%run_scoped3A_111 : memref<!tpu.dma_semaphore, #tpu.memory_space<semaphore_mem>>)
      %dma_wait3A_123 = arith.constant 0 : i32
      %dma_wait3A_124 = arith.constant 0 : i32
      %dma_wait3A_125 = tpu.memref_slice %arg9[%run_scoped3A_63, %dma_wait3A_123, %dma_wait3A_124] : memref<2x128x128xf32, #tpu.memory_space<vmem>> -> memref<1x128x128xf32, #tpu.memory_space<vmem>>
      %dma_wait3A_126 = tpu.memref_squeeze %dma_wait3A_125 : memref<1x128x128xf32, #tpu.memory_space<vmem>> -> memref<128x128xf32, #tpu.memory_space<vmem>>
      %dma_wait3A_127 = arith.constant 0 : i32
      %dma_wait3A_128 = tpu.memref_slice %arg11[%add3A_62, %dma_wait3A_127] : memref<10112x128xf32, #tpu.memory_space<vmem_shared>> -> memref<128x128xf32, #tpu.memory_space<vmem_shared>>
      %dma_wait3A_129 = arith.constant 0 : i32
      %dma_wait3A_130 = arith.constant 0 : i32
      %dma_wait3A_131 = tpu.memref_slice %arg9[%run_scoped3A_63, %dma_wait3A_129, %dma_wait3A_130] : memref<2x128x128xf32, #tpu.memory_space<vmem>> -> memref<1x128x128xf32, #tpu.memory_space<vmem>>
      %dma_wait3A_132 = tpu.memref_squeeze %dma_wait3A_131 : memref<1x128x128xf32, #tpu.memory_space<vmem>> -> memref<128x128xf32, #tpu.memory_space<vmem>>
      %dma_wait3A_133 = arith.constant 0 : i32
      %dma_wait3A_134 = tpu.memref_slice %arg11[%add3A_62, %dma_wait3A_133] : memref<10112x128xf32, #tpu.memory_space<vmem_shared>> -> memref<128x128xf32, #tpu.memory_space<vmem_shared>>
      tpu.wait_dma2 semaphore(%run_scoped3A_111 : memref<!tpu.dma_semaphore, #tpu.memory_space<semaphore_mem>>) src(%dma_wait3A_134 : memref<128x128xf32, #tpu.memory_space<vmem_shared>>) dst(%dma_wait3A_132 : memref<128x128xf32, #tpu.memory_space<vmem>>)
      tpu.yield
    }) : () -> ()
    %mul3A_64 = arith.constant 10112 : i32
    %mul3A_65 = arith.muli %arg0, %mul3A_64 : i32
    %add3A_66 = arith.addi %mul3A_65, %mul3A_11 : i32
    %add3A_67 = arith.constant 0 : i32
    %add3A_68 = arith.addi %add3A_66, %add3A_67 : i32
    %run_scoped3A_69 = arith.constant 0 : i32
    "tpu.region"() ({
      %run_scoped3A_111 = tpu.sem_alloc : memref<!tpu.dma_semaphore, #tpu.memory_space<semaphore_mem>>
      %dma_start3A = arith.constant 0 : i32
      %dma_start3A_112 = arith.constant 0 : i32
      %dma_start3A_113 = tpu.memref_slice %arg9[%run_scoped3A_69, %dma_start3A, %dma_start3A_112] : memref<2x128x128xf32, #tpu.memory_space<vmem>> -> memref<1x128x128xf32, #tpu.memory_space<vmem>>
      %dma_start3A_114 = tpu.memref_squeeze %dma_start3A_113 : memref<1x128x128xf32, #tpu.memory_space<vmem>> -> memref<128x128xf32, #tpu.memory_space<vmem>>
      %dma_start3A_115 = arith.constant 0 : i32
      %dma_start3A_116 = tpu.memref_slice %arg5[%add3A_68, %dma_start3A_115] : memref<20224x128xf32, #tpu.memory_space<hbm>> -> memref<128x128xf32, #tpu.memory_space<hbm>>
      %dma_start3A_117 = arith.constant 0 : i32
      %dma_start3A_118 = tpu.memref_slice %arg5[%add3A_68, %dma_start3A_117] : memref<20224x128xf32, #tpu.memory_space<hbm>> -> memref<128x128xf32, #tpu.memory_space<hbm>>
      %dma_start3A_119 = arith.constant 0 : i32
      %dma_start3A_120 = arith.constant 0 : i32
      %dma_start3A_121 = tpu.memref_slice %arg9[%run_scoped3A_69, %dma_start3A_119, %dma_start3A_120] : memref<2x128x128xf32, #tpu.memory_space<vmem>> -> memref<1x128x128xf32, #tpu.memory_space<vmem>>
      %dma_start3A_122 = tpu.memref_squeeze %dma_start3A_121 : memref<1x128x128xf32, #tpu.memory_space<vmem>> -> memref<128x128xf32, #tpu.memory_space<vmem>>
      tpu.enqueue_dma source(%dma_start3A_122 : memref<128x128xf32, #tpu.memory_space<vmem>>) target(%dma_start3A_118 : memref<128x128xf32, #tpu.memory_space<hbm>>) target_semaphore(%run_scoped3A_111 : memref<!tpu.dma_semaphore, #tpu.memory_space<semaphore_mem>>)
      %dma_wait3A_123 = arith.constant 0 : i32
      %dma_wait3A_124 = arith.constant 0 : i32
      %dma_wait3A_125 = tpu.memref_slice %arg9[%run_scoped3A_69, %dma_wait3A_123, %dma_wait3A_124] : memref<2x128x128xf32, #tpu.memory_space<vmem>> -> memref<1x128x128xf32, #tpu.memory_space<vmem>>
      %dma_wait3A_126 = tpu.memref_squeeze %dma_wait3A_125 : memref<1x128x128xf32, #tpu.memory_space<vmem>> -> memref<128x128xf32, #tpu.memory_space<vmem>>
      %dma_wait3A_127 = arith.constant 0 : i32
      %dma_wait3A_128 = tpu.memref_slice %arg5[%add3A_68, %dma_wait3A_127] : memref<20224x128xf32, #tpu.memory_space<hbm>> -> memref<128x128xf32, #tpu.memory_space<hbm>>
      %dma_wait3A_129 = arith.constant 0 : i32
      %dma_wait3A_130 = tpu.memref_slice %arg5[%add3A_68, %dma_wait3A_129] : memref<20224x128xf32, #tpu.memory_space<hbm>> -> memref<128x128xf32, #tpu.memory_space<hbm>>
      %dma_wait3A_131 = arith.constant 0 : i32
      %dma_wait3A_132 = arith.constant 0 : i32
      %dma_wait3A_133 = tpu.memref_slice %arg9[%run_scoped3A_69, %dma_wait3A_131, %dma_wait3A_132] : memref<2x128x128xf32, #tpu.memory_space<vmem>> -> memref<1x128x128xf32, #tpu.memory_space<vmem>>
      %dma_wait3A_134 = tpu.memref_squeeze %dma_wait3A_133 : memref<1x128x128xf32, #tpu.memory_space<vmem>> -> memref<128x128xf32, #tpu.memory_space<vmem>>
      tpu.wait_dma2 semaphore(%run_scoped3A_111 : memref<!tpu.dma_semaphore, #tpu.memory_space<semaphore_mem>>) src(%dma_wait3A_134 : memref<128x128xf32, #tpu.memory_space<vmem>>) dst(%dma_wait3A_130 : memref<128x128xf32, #tpu.memory_space<hbm>>)
      tpu.yield
    }) : () -> ()
    %add3A_70 = arith.constant 128 : i32
    %add3A_71 = arith.addi %mul3A_11, %add3A_70 : i32
    %run_scoped3A_72 = arith.constant 0 : i32
    "tpu.region"() ({
      %run_scoped3A_111 = tpu.sem_alloc : memref<!tpu.dma_semaphore, #tpu.memory_space<semaphore_mem>>
      %dma_start3A = arith.constant 0 : i32
      %dma_start3A_112 = arith.constant 0 : i32
      %dma_start3A_113 = tpu.memref_slice %arg9[%run_scoped3A_72, %dma_start3A, %dma_start3A_112] : memref<2x128x128xf32, #tpu.memory_space<vmem>> -> memref<1x128x128xf32, #tpu.memory_space<vmem>>
      %dma_start3A_114 = tpu.memref_squeeze %dma_start3A_113 : memref<1x128x128xf32, #tpu.memory_space<vmem>> -> memref<128x128xf32, #tpu.memory_space<vmem>>
      %dma_start3A_115 = arith.constant 0 : i32
      %dma_start3A_116 = tpu.memref_slice %arg11[%add3A_71, %dma_start3A_115] : memref<10112x128xf32, #tpu.memory_space<vmem_shared>> -> memref<128x128xf32, #tpu.memory_space<vmem_shared>>
      %dma_start3A_117 = arith.constant 0 : i32
      %dma_start3A_118 = arith.constant 0 : i32
      %dma_start3A_119 = tpu.memref_slice %arg9[%run_scoped3A_72, %dma_start3A_117, %dma_start3A_118] : memref<2x128x128xf32, #tpu.memory_space<vmem>> -> memref<1x128x128xf32, #tpu.memory_space<vmem>>
      %dma_start3A_120 = tpu.memref_squeeze %dma_start3A_119 : memref<1x128x128xf32, #tpu.memory_space<vmem>> -> memref<128x128xf32, #tpu.memory_space<vmem>>
      %dma_start3A_121 = arith.constant 0 : i32
      %dma_start3A_122 = tpu.memref_slice %arg11[%add3A_71, %dma_start3A_121] : memref<10112x128xf32, #tpu.memory_space<vmem_shared>> -> memref<128x128xf32, #tpu.memory_space<vmem_shared>>
      tpu.enqueue_dma source(%dma_start3A_122 : memref<128x128xf32, #tpu.memory_space<vmem_shared>>) target(%dma_start3A_120 : memref<128x128xf32, #tpu.memory_space<vmem>>) target_semaphore(%run_scoped3A_111 : memref<!tpu.dma_semaphore, #tpu.memory_space<semaphore_mem>>)
      %dma_wait3A_123 = arith.constant 0 : i32
      %dma_wait3A_124 = arith.constant 0 : i32
      %dma_wait3A_125 = tpu.memref_slice %arg9[%run_scoped3A_72, %dma_wait3A_123, %dma_wait3A_124] : memref<2x128x128xf32, #tpu.memory_space<vmem>> -> memref<1x128x128xf32, #tpu.memory_space<vmem>>
      %dma_wait3A_126 = tpu.memref_squeeze %dma_wait3A_125 : memref<1x128x128xf32, #tpu.memory_space<vmem>> -> memref<128x128xf32, #tpu.memory_space<vmem>>
      %dma_wait3A_127 = arith.constant 0 : i32
      %dma_wait3A_128 = tpu.memref_slice %arg11[%add3A_71, %dma_wait3A_127] : memref<10112x128xf32, #tpu.memory_space<vmem_shared>> -> memref<128x128xf32, #tpu.memory_space<vmem_shared>>
      %dma_wait3A_129 = arith.constant 0 : i32
      %dma_wait3A_130 = arith.constant 0 : i32
      %dma_wait3A_131 = tpu.memref_slice %arg9[%run_scoped3A_72, %dma_wait3A_129, %dma_wait3A_130] : memref<2x128x128xf32, #tpu.memory_space<vmem>> -> memref<1x128x128xf32, #tpu.memory_space<vmem>>
      %dma_wait3A_132 = tpu.memref_squeeze %dma_wait3A_131 : memref<1x128x128xf32, #tpu.memory_space<vmem>> -> memref<128x128xf32, #tpu.memory_space<vmem>>
      %dma_wait3A_133 = arith.constant 0 : i32
      %dma_wait3A_134 = tpu.memref_slice %arg11[%add3A_71, %dma_wait3A_133] : memref<10112x128xf32, #tpu.memory_space<vmem_shared>> -> memref<128x128xf32, #tpu.memory_space<vmem_shared>>
      tpu.wait_dma2 semaphore(%run_scoped3A_111 : memref<!tpu.dma_semaphore, #tpu.memory_space<semaphore_mem>>) src(%dma_wait3A_134 : memref<128x128xf32, #tpu.memory_space<vmem_shared>>) dst(%dma_wait3A_132 : memref<128x128xf32, #tpu.memory_space<vmem>>)
      tpu.yield
    }) : () -> ()
    %mul3A_73 = arith.constant 10112 : i32
    %mul3A_74 = arith.muli %arg0, %mul3A_73 : i32
    %add3A_75 = arith.addi %mul3A_74, %mul3A_11 : i32
    %add3A_76 = arith.constant 128 : i32
    %add3A_77 = arith.addi %add3A_75, %add3A_76 : i32
    %run_scoped3A_78 = arith.constant 0 : i32
    "tpu.region"() ({
      %run_scoped3A_111 = tpu.sem_alloc : memref<!tpu.dma_semaphore, #tpu.memory_space<semaphore_mem>>
      %dma_start3A = arith.constant 0 : i32
      %dma_start3A_112 = arith.constant 0 : i32
      %dma_start3A_113 = tpu.memref_slice %arg9[%run_scoped3A_78, %dma_start3A, %dma_start3A_112] : memref<2x128x128xf32, #tpu.memory_space<vmem>> -> memref<1x128x128xf32, #tpu.memory_space<vmem>>
      %dma_start3A_114 = tpu.memref_squeeze %dma_start3A_113 : memref<1x128x128xf32, #tpu.memory_space<vmem>> -> memref<128x128xf32, #tpu.memory_space<vmem>>
      %dma_start3A_115 = arith.constant 0 : i32
      %dma_start3A_116 = tpu.memref_slice %arg5[%add3A_77, %dma_start3A_115] : memref<20224x128xf32, #tpu.memory_space<hbm>> -> memref<128x128xf32, #tpu.memory_space<hbm>>
      %dma_start3A_117 = arith.constant 0 : i32
      %dma_start3A_118 = tpu.memref_slice %arg5[%add3A_77, %dma_start3A_117] : memref<20224x128xf32, #tpu.memory_space<hbm>> -> memref<128x128xf32, #tpu.memory_space<hbm>>
      %dma_start3A_119 = arith.constant 0 : i32
      %dma_start3A_120 = arith.constant 0 : i32
      %dma_start3A_121 = tpu.memref_slice %arg9[%run_scoped3A_78, %dma_start3A_119, %dma_start3A_120] : memref<2x128x128xf32, #tpu.memory_space<vmem>> -> memref<1x128x128xf32, #tpu.memory_space<vmem>>
      %dma_start3A_122 = tpu.memref_squeeze %dma_start3A_121 : memref<1x128x128xf32, #tpu.memory_space<vmem>> -> memref<128x128xf32, #tpu.memory_space<vmem>>
      tpu.enqueue_dma source(%dma_start3A_122 : memref<128x128xf32, #tpu.memory_space<vmem>>) target(%dma_start3A_118 : memref<128x128xf32, #tpu.memory_space<hbm>>) target_semaphore(%run_scoped3A_111 : memref<!tpu.dma_semaphore, #tpu.memory_space<semaphore_mem>>)
      %dma_wait3A_123 = arith.constant 0 : i32
      %dma_wait3A_124 = arith.constant 0 : i32
      %dma_wait3A_125 = tpu.memref_slice %arg9[%run_scoped3A_78, %dma_wait3A_123, %dma_wait3A_124] : memref<2x128x128xf32, #tpu.memory_space<vmem>> -> memref<1x128x128xf32, #tpu.memory_space<vmem>>
      %dma_wait3A_126 = tpu.memref_squeeze %dma_wait3A_125 : memref<1x128x128xf32, #tpu.memory_space<vmem>> -> memref<128x128xf32, #tpu.memory_space<vmem>>
      %dma_wait3A_127 = arith.constant 0 : i32
      %dma_wait3A_128 = tpu.memref_slice %arg5[%add3A_77, %dma_wait3A_127] : memref<20224x128xf32, #tpu.memory_space<hbm>> -> memref<128x128xf32, #tpu.memory_space<hbm>>
      %dma_wait3A_129 = arith.constant 0 : i32
      %dma_wait3A_130 = tpu.memref_slice %arg5[%add3A_77, %dma_wait3A_129] : memref<20224x128xf32, #tpu.memory_space<hbm>> -> memref<128x128xf32, #tpu.memory_space<hbm>>
      %dma_wait3A_131 = arith.constant 0 : i32
      %dma_wait3A_132 = arith.constant 0 : i32
      %dma_wait3A_133 = tpu.memref_slice %arg9[%run_scoped3A_78, %dma_wait3A_131, %dma_wait3A_132] : memref<2x128x128xf32, #tpu.memory_space<vmem>> -> memref<1x128x128xf32, #tpu.memory_space<vmem>>
      %dma_wait3A_134 = tpu.memref_squeeze %dma_wait3A_133 : memref<1x128x128xf32, #tpu.memory_space<vmem>> -> memref<128x128xf32, #tpu.memory_space<vmem>>
      tpu.wait_dma2 semaphore(%run_scoped3A_111 : memref<!tpu.dma_semaphore, #tpu.memory_space<semaphore_mem>>) src(%dma_wait3A_134 : memref<128x128xf32, #tpu.memory_space<vmem>>) dst(%dma_wait3A_130 : memref<128x128xf32, #tpu.memory_space<hbm>>)
      tpu.yield
    }) : () -> ()
    %add3A_79 = arith.constant 256 : i32
    %add3A_80 = arith.addi %mul3A_11, %add3A_79 : i32
    %run_scoped3A_81 = arith.constant 0 : i32
    "tpu.region"() ({
      %run_scoped3A_111 = tpu.sem_alloc : memref<!tpu.dma_semaphore, #tpu.memory_space<semaphore_mem>>
      %dma_start3A = arith.constant 0 : i32
      %dma_start3A_112 = arith.constant 0 : i32
      %dma_start3A_113 = tpu.memref_slice %arg9[%run_scoped3A_81, %dma_start3A, %dma_start3A_112] : memref<2x128x128xf32, #tpu.memory_space<vmem>> -> memref<1x128x128xf32, #tpu.memory_space<vmem>>
      %dma_start3A_114 = tpu.memref_squeeze %dma_start3A_113 : memref<1x128x128xf32, #tpu.memory_space<vmem>> -> memref<128x128xf32, #tpu.memory_space<vmem>>
      %dma_start3A_115 = arith.constant 0 : i32
      %dma_start3A_116 = tpu.memref_slice %arg11[%add3A_80, %dma_start3A_115] : memref<10112x128xf32, #tpu.memory_space<vmem_shared>> -> memref<128x128xf32, #tpu.memory_space<vmem_shared>>
      %dma_start3A_117 = arith.constant 0 : i32
      %dma_start3A_118 = arith.constant 0 : i32
      %dma_start3A_119 = tpu.memref_slice %arg9[%run_scoped3A_81, %dma_start3A_117, %dma_start3A_118] : memref<2x128x128xf32, #tpu.memory_space<vmem>> -> memref<1x128x128xf32, #tpu.memory_space<vmem>>
      %dma_start3A_120 = tpu.memref_squeeze %dma_start3A_119 : memref<1x128x128xf32, #tpu.memory_space<vmem>> -> memref<128x128xf32, #tpu.memory_space<vmem>>
      %dma_start3A_121 = arith.constant 0 : i32
      %dma_start3A_122 = tpu.memref_slice %arg11[%add3A_80, %dma_start3A_121] : memref<10112x128xf32, #tpu.memory_space<vmem_shared>> -> memref<128x128xf32, #tpu.memory_space<vmem_shared>>
      tpu.enqueue_dma source(%dma_start3A_122 : memref<128x128xf32, #tpu.memory_space<vmem_shared>>) target(%dma_start3A_120 : memref<128x128xf32, #tpu.memory_space<vmem>>) target_semaphore(%run_scoped3A_111 : memref<!tpu.dma_semaphore, #tpu.memory_space<semaphore_mem>>)
      %dma_wait3A_123 = arith.constant 0 : i32
      %dma_wait3A_124 = arith.constant 0 : i32
      %dma_wait3A_125 = tpu.memref_slice %arg9[%run_scoped3A_81, %dma_wait3A_123, %dma_wait3A_124] : memref<2x128x128xf32, #tpu.memory_space<vmem>> -> memref<1x128x128xf32, #tpu.memory_space<vmem>>
      %dma_wait3A_126 = tpu.memref_squeeze %dma_wait3A_125 : memref<1x128x128xf32, #tpu.memory_space<vmem>> -> memref<128x128xf32, #tpu.memory_space<vmem>>
      %dma_wait3A_127 = arith.constant 0 : i32
      %dma_wait3A_128 = tpu.memref_slice %arg11[%add3A_80, %dma_wait3A_127] : memref<10112x128xf32, #tpu.memory_space<vmem_shared>> -> memref<128x128xf32, #tpu.memory_space<vmem_shared>>
      %dma_wait3A_129 = arith.constant 0 : i32
      %dma_wait3A_130 = arith.constant 0 : i32
      %dma_wait3A_131 = tpu.memref_slice %arg9[%run_scoped3A_81, %dma_wait3A_129, %dma_wait3A_130] : memref<2x128x128xf32, #tpu.memory_space<vmem>> -> memref<1x128x128xf32, #tpu.memory_space<vmem>>
      %dma_wait3A_132 = tpu.memref_squeeze %dma_wait3A_131 : memref<1x128x128xf32, #tpu.memory_space<vmem>> -> memref<128x128xf32, #tpu.memory_space<vmem>>
      %dma_wait3A_133 = arith.constant 0 : i32
      %dma_wait3A_134 = tpu.memref_slice %arg11[%add3A_80, %dma_wait3A_133] : memref<10112x128xf32, #tpu.memory_space<vmem_shared>> -> memref<128x128xf32, #tpu.memory_space<vmem_shared>>
      tpu.wait_dma2 semaphore(%run_scoped3A_111 : memref<!tpu.dma_semaphore, #tpu.memory_space<semaphore_mem>>) src(%dma_wait3A_134 : memref<128x128xf32, #tpu.memory_space<vmem_shared>>) dst(%dma_wait3A_132 : memref<128x128xf32, #tpu.memory_space<vmem>>)
      tpu.yield
    }) : () -> ()
    %mul3A_82 = arith.constant 10112 : i32
    %mul3A_83 = arith.muli %arg0, %mul3A_82 : i32
    %add3A_84 = arith.addi %mul3A_83, %mul3A_11 : i32
    %add3A_85 = arith.constant 256 : i32
    %add3A_86 = arith.addi %add3A_84, %add3A_85 : i32
    %run_scoped3A_87 = arith.constant 0 : i32
    "tpu.region"() ({
      %run_scoped3A_111 = tpu.sem_alloc : memref<!tpu.dma_semaphore, #tpu.memory_space<semaphore_mem>>
      %dma_start3A = arith.constant 0 : i32
      %dma_start3A_112 = arith.constant 0 : i32
      %dma_start3A_113 = tpu.memref_slice %arg9[%run_scoped3A_87, %dma_start3A, %dma_start3A_112] : memref<2x128x128xf32, #tpu.memory_space<vmem>> -> memref<1x128x128xf32, #tpu.memory_space<vmem>>
      %dma_start3A_114 = tpu.memref_squeeze %dma_start3A_113 : memref<1x128x128xf32, #tpu.memory_space<vmem>> -> memref<128x128xf32, #tpu.memory_space<vmem>>
      %dma_start3A_115 = arith.constant 0 : i32
      %dma_start3A_116 = tpu.memref_slice %arg5[%add3A_86, %dma_start3A_115] : memref<20224x128xf32, #tpu.memory_space<hbm>> -> memref<128x128xf32, #tpu.memory_space<hbm>>
      %dma_start3A_117 = arith.constant 0 : i32
      %dma_start3A_118 = tpu.memref_slice %arg5[%add3A_86, %dma_start3A_117] : memref<20224x128xf32, #tpu.memory_space<hbm>> -> memref<128x128xf32, #tpu.memory_space<hbm>>
      %dma_start3A_119 = arith.constant 0 : i32
      %dma_start3A_120 = arith.constant 0 : i32
      %dma_start3A_121 = tpu.memref_slice %arg9[%run_scoped3A_87, %dma_start3A_119, %dma_start3A_120] : memref<2x128x128xf32, #tpu.memory_space<vmem>> -> memref<1x128x128xf32, #tpu.memory_space<vmem>>
      %dma_start3A_122 = tpu.memref_squeeze %dma_start3A_121 : memref<1x128x128xf32, #tpu.memory_space<vmem>> -> memref<128x128xf32, #tpu.memory_space<vmem>>
      tpu.enqueue_dma source(%dma_start3A_122 : memref<128x128xf32, #tpu.memory_space<vmem>>) target(%dma_start3A_118 : memref<128x128xf32, #tpu.memory_space<hbm>>) target_semaphore(%run_scoped3A_111 : memref<!tpu.dma_semaphore, #tpu.memory_space<semaphore_mem>>)
      %dma_wait3A_123 = arith.constant 0 : i32
      %dma_wait3A_124 = arith.constant 0 : i32
      %dma_wait3A_125 = tpu.memref_slice %arg9[%run_scoped3A_87, %dma_wait3A_123, %dma_wait3A_124] : memref<2x128x128xf32, #tpu.memory_space<vmem>> -> memref<1x128x128xf32, #tpu.memory_space<vmem>>
      %dma_wait3A_126 = tpu.memref_squeeze %dma_wait3A_125 : memref<1x128x128xf32, #tpu.memory_space<vmem>> -> memref<128x128xf32, #tpu.memory_space<vmem>>
      %dma_wait3A_127 = arith.constant 0 : i32
      %dma_wait3A_128 = tpu.memref_slice %arg5[%add3A_86, %dma_wait3A_127] : memref<20224x128xf32, #tpu.memory_space<hbm>> -> memref<128x128xf32, #tpu.memory_space<hbm>>
      %dma_wait3A_129 = arith.constant 0 : i32
      %dma_wait3A_130 = tpu.memref_slice %arg5[%add3A_86, %dma_wait3A_129] : memref<20224x128xf32, #tpu.memory_space<hbm>> -> memref<128x128xf32, #tpu.memory_space<hbm>>
      %dma_wait3A_131 = arith.constant 0 : i32
      %dma_wait3A_132 = arith.constant 0 : i32
      %dma_wait3A_133 = tpu.memref_slice %arg9[%run_scoped3A_87, %dma_wait3A_131, %dma_wait3A_132] : memref<2x128x128xf32, #tpu.memory_space<vmem>> -> memref<1x128x128xf32, #tpu.memory_space<vmem>>
      %dma_wait3A_134 = tpu.memref_squeeze %dma_wait3A_133 : memref<1x128x128xf32, #tpu.memory_space<vmem>> -> memref<128x128xf32, #tpu.memory_space<vmem>>
      tpu.wait_dma2 semaphore(%run_scoped3A_111 : memref<!tpu.dma_semaphore, #tpu.memory_space<semaphore_mem>>) src(%dma_wait3A_134 : memref<128x128xf32, #tpu.memory_space<vmem>>) dst(%dma_wait3A_130 : memref<128x128xf32, #tpu.memory_space<hbm>>)
      tpu.yield
    }) : () -> ()
    %add3A_88 = arith.constant 384 : i32
    %add3A_89 = arith.addi %mul3A_11, %add3A_88 : i32
    %run_scoped3A_90 = arith.constant 0 : i32
    "tpu.region"() ({
      %run_scoped3A_111 = tpu.sem_alloc : memref<!tpu.dma_semaphore, #tpu.memory_space<semaphore_mem>>
      %dma_start3A = arith.constant 0 : i32
      %dma_start3A_112 = arith.constant 0 : i32
      %dma_start3A_113 = tpu.memref_slice %arg9[%run_scoped3A_90, %dma_start3A, %dma_start3A_112] : memref<2x128x128xf32, #tpu.memory_space<vmem>> -> memref<1x128x128xf32, #tpu.memory_space<vmem>>
      %dma_start3A_114 = tpu.memref_squeeze %dma_start3A_113 : memref<1x128x128xf32, #tpu.memory_space<vmem>> -> memref<128x128xf32, #tpu.memory_space<vmem>>
      %dma_start3A_115 = arith.constant 0 : i32
      %dma_start3A_116 = tpu.memref_slice %arg11[%add3A_89, %dma_start3A_115] : memref<10112x128xf32, #tpu.memory_space<vmem_shared>> -> memref<128x128xf32, #tpu.memory_space<vmem_shared>>
      %dma_start3A_117 = arith.constant 0 : i32
      %dma_start3A_118 = arith.constant 0 : i32
      %dma_start3A_119 = tpu.memref_slice %arg9[%run_scoped3A_90, %dma_start3A_117, %dma_start3A_118] : memref<2x128x128xf32, #tpu.memory_space<vmem>> -> memref<1x128x128xf32, #tpu.memory_space<vmem>>
      %dma_start3A_120 = tpu.memref_squeeze %dma_start3A_119 : memref<1x128x128xf32, #tpu.memory_space<vmem>> -> memref<128x128xf32, #tpu.memory_space<vmem>>
      %dma_start3A_121 = arith.constant 0 : i32
      %dma_start3A_122 = tpu.memref_slice %arg11[%add3A_89, %dma_start3A_121] : memref<10112x128xf32, #tpu.memory_space<vmem_shared>> -> memref<128x128xf32, #tpu.memory_space<vmem_shared>>
      tpu.enqueue_dma source(%dma_start3A_122 : memref<128x128xf32, #tpu.memory_space<vmem_shared>>) target(%dma_start3A_120 : memref<128x128xf32, #tpu.memory_space<vmem>>) target_semaphore(%run_scoped3A_111 : memref<!tpu.dma_semaphore, #tpu.memory_space<semaphore_mem>>)
      %dma_wait3A_123 = arith.constant 0 : i32
      %dma_wait3A_124 = arith.constant 0 : i32
      %dma_wait3A_125 = tpu.memref_slice %arg9[%run_scoped3A_90, %dma_wait3A_123, %dma_wait3A_124] : memref<2x128x128xf32, #tpu.memory_space<vmem>> -> memref<1x128x128xf32, #tpu.memory_space<vmem>>
      %dma_wait3A_126 = tpu.memref_squeeze %dma_wait3A_125 : memref<1x128x128xf32, #tpu.memory_space<vmem>> -> memref<128x128xf32, #tpu.memory_space<vmem>>
      %dma_wait3A_127 = arith.constant 0 : i32
      %dma_wait3A_128 = tpu.memref_slice %arg11[%add3A_89, %dma_wait3A_127] : memref<10112x128xf32, #tpu.memory_space<vmem_shared>> -> memref<128x128xf32, #tpu.memory_space<vmem_shared>>
      %dma_wait3A_129 = arith.constant 0 : i32
      %dma_wait3A_130 = arith.constant 0 : i32
      %dma_wait3A_131 = tpu.memref_slice %arg9[%run_scoped3A_90, %dma_wait3A_129, %dma_wait3A_130] : memref<2x128x128xf32, #tpu.memory_space<vmem>> -> memref<1x128x128xf32, #tpu.memory_space<vmem>>
      %dma_wait3A_132 = tpu.memref_squeeze %dma_wait3A_131 : memref<1x128x128xf32, #tpu.memory_space<vmem>> -> memref<128x128xf32, #tpu.memory_space<vmem>>
      %dma_wait3A_133 = arith.constant 0 : i32
      %dma_wait3A_134 = tpu.memref_slice %arg11[%add3A_89, %dma_wait3A_133] : memref<10112x128xf32, #tpu.memory_space<vmem_shared>> -> memref<128x128xf32, #tpu.memory_space<vmem_shared>>
      tpu.wait_dma2 semaphore(%run_scoped3A_111 : memref<!tpu.dma_semaphore, #tpu.memory_space<semaphore_mem>>) src(%dma_wait3A_134 : memref<128x128xf32, #tpu.memory_space<vmem_shared>>) dst(%dma_wait3A_132 : memref<128x128xf32, #tpu.memory_space<vmem>>)
      tpu.yield
    }) : () -> ()
    %mul3A_91 = arith.constant 10112 : i32
    %mul3A_92 = arith.muli %arg0, %mul3A_91 : i32
    %add3A_93 = arith.addi %mul3A_92, %mul3A_11 : i32
    %add3A_94 = arith.constant 384 : i32
    %add3A_95 = arith.addi %add3A_93, %add3A_94 : i32
    %run_scoped3A_96 = arith.constant 0 : i32
    "tpu.region"() ({
      %run_scoped3A_111 = tpu.sem_alloc : memref<!tpu.dma_semaphore, #tpu.memory_space<semaphore_mem>>
      %dma_start3A = arith.constant 0 : i32
      %dma_start3A_112 = arith.constant 0 : i32
      %dma_start3A_113 = tpu.memref_slice %arg9[%run_scoped3A_96, %dma_start3A, %dma_start3A_112] : memref<2x128x128xf32, #tpu.memory_space<vmem>> -> memref<1x128x128xf32, #tpu.memory_space<vmem>>
      %dma_start3A_114 = tpu.memref_squeeze %dma_start3A_113 : memref<1x128x128xf32, #tpu.memory_space<vmem>> -> memref<128x128xf32, #tpu.memory_space<vmem>>
      %dma_start3A_115 = arith.constant 0 : i32
      %dma_start3A_116 = tpu.memref_slice %arg5[%add3A_95, %dma_start3A_115] : memref<20224x128xf32, #tpu.memory_space<hbm>> -> memref<128x128xf32, #tpu.memory_space<hbm>>
      %dma_start3A_117 = arith.constant 0 : i32
      %dma_start3A_118 = tpu.memref_slice %arg5[%add3A_95, %dma_start3A_117] : memref<20224x128xf32, #tpu.memory_space<hbm>> -> memref<128x128xf32, #tpu.memory_space<hbm>>
      %dma_start3A_119 = arith.constant 0 : i32
      %dma_start3A_120 = arith.constant 0 : i32
      %dma_start3A_121 = tpu.memref_slice %arg9[%run_scoped3A_96, %dma_start3A_119, %dma_start3A_120] : memref<2x128x128xf32, #tpu.memory_space<vmem>> -> memref<1x128x128xf32, #tpu.memory_space<vmem>>
      %dma_start3A_122 = tpu.memref_squeeze %dma_start3A_121 : memref<1x128x128xf32, #tpu.memory_space<vmem>> -> memref<128x128xf32, #tpu.memory_space<vmem>>
      tpu.enqueue_dma source(%dma_start3A_122 : memref<128x128xf32, #tpu.memory_space<vmem>>) target(%dma_start3A_118 : memref<128x128xf32, #tpu.memory_space<hbm>>) target_semaphore(%run_scoped3A_111 : memref<!tpu.dma_semaphore, #tpu.memory_space<semaphore_mem>>)
      %dma_wait3A_123 = arith.constant 0 : i32
      %dma_wait3A_124 = arith.constant 0 : i32
      %dma_wait3A_125 = tpu.memref_slice %arg9[%run_scoped3A_96, %dma_wait3A_123, %dma_wait3A_124] : memref<2x128x128xf32, #tpu.memory_space<vmem>> -> memref<1x128x128xf32, #tpu.memory_space<vmem>>
      %dma_wait3A_126 = tpu.memref_squeeze %dma_wait3A_125 : memref<1x128x128xf32, #tpu.memory_space<vmem>> -> memref<128x128xf32, #tpu.memory_space<vmem>>
      %dma_wait3A_127 = arith.constant 0 : i32
      %dma_wait3A_128 = tpu.memref_slice %arg5[%add3A_95, %dma_wait3A_127] : memref<20224x128xf32, #tpu.memory_space<hbm>> -> memref<128x128xf32, #tpu.memory_space<hbm>>
      %dma_wait3A_129 = arith.constant 0 : i32
      %dma_wait3A_130 = tpu.memref_slice %arg5[%add3A_95, %dma_wait3A_129] : memref<20224x128xf32, #tpu.memory_space<hbm>> -> memref<128x128xf32, #tpu.memory_space<hbm>>
      %dma_wait3A_131 = arith.constant 0 : i32
      %dma_wait3A_132 = arith.constant 0 : i32
      %dma_wait3A_133 = tpu.memref_slice %arg9[%run_scoped3A_96, %dma_wait3A_131, %dma_wait3A_132] : memref<2x128x128xf32, #tpu.memory_space<vmem>> -> memref<1x128x128xf32, #tpu.memory_space<vmem>>
      %dma_wait3A_134 = tpu.memref_squeeze %dma_wait3A_133 : memref<1x128x128xf32, #tpu.memory_space<vmem>> -> memref<128x128xf32, #tpu.memory_space<vmem>>
      tpu.wait_dma2 semaphore(%run_scoped3A_111 : memref<!tpu.dma_semaphore, #tpu.memory_space<semaphore_mem>>) src(%dma_wait3A_134 : memref<128x128xf32, #tpu.memory_space<vmem>>) dst(%dma_wait3A_130 : memref<128x128xf32, #tpu.memory_space<hbm>>)
      tpu.yield
    }) : () -> ()
    %add3A_97 = arith.constant 512 : i32
    %add3A_98 = arith.addi %mul3A_11, %add3A_97 : i32
    %mul3A_99 = arith.constant 10112 : i32
    %mul3A_100 = arith.muli %arg0, %mul3A_99 : i32
    %add3A_101 = arith.addi %mul3A_100, %mul3A_11 : i32
    %add3A_102 = arith.constant 512 : i32
    %add3A_103 = arith.addi %add3A_101, %add3A_102 : i32
    %run_scoped3A_104 = arith.constant 0 : i32
    "tpu.region"() ({
      %run_scoped3A_111 = tpu.sem_alloc : memref<!tpu.dma_semaphore, #tpu.memory_space<semaphore_mem>>
      %dma_start3A = arith.constant 0 : i32
      %dma_start3A_112 = arith.constant 0 : i32
      %dma_start3A_113 = tpu.memref_slice %arg9[%run_scoped3A_104, %dma_start3A, %dma_start3A_112] : memref<2x128x128xf32, #tpu.memory_space<vmem>> -> memref<1x128x128xf32, #tpu.memory_space<vmem>>
      %dma_start3A_114 = tpu.memref_squeeze %dma_start3A_113 : memref<1x128x128xf32, #tpu.memory_space<vmem>> -> memref<128x128xf32, #tpu.memory_space<vmem>>
      %dma_start3A_115 = arith.constant 0 : i32
      %dma_start3A_116 = arith.constant 0 : i32
      %dma_start3A_117 = tpu.memref_slice %dma_start3A_114[%dma_start3A_115, %dma_start3A_116] : memref<128x128xf32, #tpu.memory_space<vmem>> -> memref<120x128xf32, #tpu.memory_space<vmem>>
      %dma_start3A_118 = arith.constant 0 : i32
      %dma_start3A_119 = tpu.memref_slice %arg11[%add3A_98, %dma_start3A_118] : memref<10112x128xf32, #tpu.memory_space<vmem_shared>> -> memref<120x128xf32, #tpu.memory_space<vmem_shared>>
      %dma_start3A_120 = arith.constant 0 : i32
      %dma_start3A_121 = arith.constant 0 : i32
      %dma_start3A_122 = tpu.memref_slice %arg9[%run_scoped3A_104, %dma_start3A_120, %dma_start3A_121] : memref<2x128x128xf32, #tpu.memory_space<vmem>> -> memref<1x128x128xf32, #tpu.memory_space<vmem>>
      %dma_start3A_123 = tpu.memref_squeeze %dma_start3A_122 : memref<1x128x128xf32, #tpu.memory_space<vmem>> -> memref<128x128xf32, #tpu.memory_space<vmem>>
      %dma_start3A_124 = arith.constant 0 : i32
      %dma_start3A_125 = arith.constant 0 : i32
      %dma_start3A_126 = tpu.memref_slice %dma_start3A_123[%dma_start3A_124, %dma_start3A_125] : memref<128x128xf32, #tpu.memory_space<vmem>> -> memref<120x128xf32, #tpu.memory_space<vmem>>
      %dma_start3A_127 = arith.constant 0 : i32
      %dma_start3A_128 = tpu.memref_slice %arg11[%add3A_98, %dma_start3A_127] : memref<10112x128xf32, #tpu.memory_space<vmem_shared>> -> memref<120x128xf32, #tpu.memory_space<vmem_shared>>
      tpu.enqueue_dma source(%dma_start3A_128 : memref<120x128xf32, #tpu.memory_space<vmem_shared>>) target(%dma_start3A_126 : memref<120x128xf32, #tpu.memory_space<vmem>>) target_semaphore(%run_scoped3A_111 : memref<!tpu.dma_semaphore, #tpu.memory_space<semaphore_mem>>)
      %dma_wait3A_129 = arith.constant 0 : i32
      %dma_wait3A_130 = arith.constant 0 : i32
      %dma_wait3A_131 = tpu.memref_slice %arg9[%run_scoped3A_104, %dma_wait3A_129, %dma_wait3A_130] : memref<2x128x128xf32, #tpu.memory_space<vmem>> -> memref<1x128x128xf32, #tpu.memory_space<vmem>>
      %dma_wait3A_132 = tpu.memref_squeeze %dma_wait3A_131 : memref<1x128x128xf32, #tpu.memory_space<vmem>> -> memref<128x128xf32, #tpu.memory_space<vmem>>
      %dma_wait3A_133 = arith.constant 0 : i32
      %dma_wait3A_134 = arith.constant 0 : i32
      %dma_wait3A_135 = tpu.memref_slice %dma_wait3A_132[%dma_wait3A_133, %dma_wait3A_134] : memref<128x128xf32, #tpu.memory_space<vmem>> -> memref<120x128xf32, #tpu.memory_space<vmem>>
      %dma_wait3A_136 = arith.constant 0 : i32
      %dma_wait3A_137 = tpu.memref_slice %arg11[%add3A_98, %dma_wait3A_136] : memref<10112x128xf32, #tpu.memory_space<vmem_shared>> -> memref<120x128xf32, #tpu.memory_space<vmem_shared>>
      %dma_wait3A_138 = arith.constant 0 : i32
      %dma_wait3A_139 = arith.constant 0 : i32
      %dma_wait3A_140 = tpu.memref_slice %arg9[%run_scoped3A_104, %dma_wait3A_138, %dma_wait3A_139] : memref<2x128x128xf32, #tpu.memory_space<vmem>> -> memref<1x128x128xf32, #tpu.memory_space<vmem>>
      %dma_wait3A_141 = tpu.memref_squeeze %dma_wait3A_140 : memref<1x128x128xf32, #tpu.memory_space<vmem>> -> memref<128x128xf32, #tpu.memory_space<vmem>>
      %dma_wait3A_142 = arith.constant 0 : i32
      %dma_wait3A_143 = arith.constant 0 : i32
      %dma_wait3A_144 = tpu.memref_slice %dma_wait3A_141[%dma_wait3A_142, %dma_wait3A_143] : memref<128x128xf32, #tpu.memory_space<vmem>> -> memref<120x128xf32, #tpu.memory_space<vmem>>
      %dma_wait3A_145 = arith.constant 0 : i32
      %dma_wait3A_146 = tpu.memref_slice %arg11[%add3A_98, %dma_wait3A_145] : memref<10112x128xf32, #tpu.memory_space<vmem_shared>> -> memref<120x128xf32, #tpu.memory_space<vmem_shared>>
      tpu.wait_dma2 semaphore(%run_scoped3A_111 : memref<!tpu.dma_semaphore, #tpu.memory_space<semaphore_mem>>) src(%dma_wait3A_146 : memref<120x128xf32, #tpu.memory_space<vmem_shared>>) dst(%dma_wait3A_144 : memref<120x128xf32, #tpu.memory_space<vmem>>)
      tpu.yield
    }) : () -> ()
    %run_scoped3A_105 = arith.constant 0 : i32
    "tpu.region"() ({
      %run_scoped3A_111 = tpu.sem_alloc : memref<!tpu.dma_semaphore, #tpu.memory_space<semaphore_mem>>
      %dma_start3A = arith.constant 0 : i32
      %dma_start3A_112 = arith.constant 0 : i32
      %dma_start3A_113 = tpu.memref_slice %arg9[%run_scoped3A_105, %dma_start3A, %dma_start3A_112] : memref<2x128x128xf32, #tpu.memory_space<vmem>> -> memref<1x128x128xf32, #tpu.memory_space<vmem>>
      %dma_start3A_114 = tpu.memref_squeeze %dma_start3A_113 : memref<1x128x128xf32, #tpu.memory_space<vmem>> -> memref<128x128xf32, #tpu.memory_space<vmem>>
      %dma_start3A_115 = arith.constant 0 : i32
      %dma_start3A_116 = arith.constant 0 : i32
      %dma_start3A_117 = tpu.memref_slice %dma_start3A_114[%dma_start3A_115, %dma_start3A_116] : memref<128x128xf32, #tpu.memory_space<vmem>> -> memref<120x128xf32, #tpu.memory_space<vmem>>
      %dma_start3A_118 = arith.constant 0 : i32
      %dma_start3A_119 = tpu.memref_slice %arg5[%add3A_103, %dma_start3A_118] : memref<20224x128xf32, #tpu.memory_space<hbm>> -> memref<120x128xf32, #tpu.memory_space<hbm>>
      %dma_start3A_120 = arith.constant 0 : i32
      %dma_start3A_121 = tpu.memref_slice %arg5[%add3A_103, %dma_start3A_120] : memref<20224x128xf32, #tpu.memory_space<hbm>> -> memref<120x128xf32, #tpu.memory_space<hbm>>
      %dma_start3A_122 = arith.constant 0 : i32
      %dma_start3A_123 = arith.constant 0 : i32
      %dma_start3A_124 = tpu.memref_slice %arg9[%run_scoped3A_105, %dma_start3A_122, %dma_start3A_123] : memref<2x128x128xf32, #tpu.memory_space<vmem>> -> memref<1x128x128xf32, #tpu.memory_space<vmem>>
      %dma_start3A_125 = tpu.memref_squeeze %dma_start3A_124 : memref<1x128x128xf32, #tpu.memory_space<vmem>> -> memref<128x128xf32, #tpu.memory_space<vmem>>
      %dma_start3A_126 = arith.constant 0 : i32
      %dma_start3A_127 = arith.constant 0 : i32
      %dma_start3A_128 = tpu.memref_slice %dma_start3A_125[%dma_start3A_126, %dma_start3A_127] : memref<128x128xf32, #tpu.memory_space<vmem>> -> memref<120x128xf32, #tpu.memory_space<vmem>>
      tpu.enqueue_dma source(%dma_start3A_128 : memref<120x128xf32, #tpu.memory_space<vmem>>) target(%dma_start3A_121 : memref<120x128xf32, #tpu.memory_space<hbm>>) target_semaphore(%run_scoped3A_111 : memref<!tpu.dma_semaphore, #tpu.memory_space<semaphore_mem>>)
      %dma_wait3A_129 = arith.constant 0 : i32
      %dma_wait3A_130 = arith.constant 0 : i32
      %dma_wait3A_131 = tpu.memref_slice %arg9[%run_scoped3A_105, %dma_wait3A_129, %dma_wait3A_130] : memref<2x128x128xf32, #tpu.memory_space<vmem>> -> memref<1x128x128xf32, #tpu.memory_space<vmem>>
      %dma_wait3A_132 = tpu.memref_squeeze %dma_wait3A_131 : memref<1x128x128xf32, #tpu.memory_space<vmem>> -> memref<128x128xf32, #tpu.memory_space<vmem>>
      %dma_wait3A_133 = arith.constant 0 : i32
      %dma_wait3A_134 = arith.constant 0 : i32
      %dma_wait3A_135 = tpu.memref_slice %dma_wait3A_132[%dma_wait3A_133, %dma_wait3A_134] : memref<128x128xf32, #tpu.memory_space<vmem>> -> memref<120x128xf32, #tpu.memory_space<vmem>>
      %dma_wait3A_136 = arith.constant 0 : i32
      %dma_wait3A_137 = tpu.memref_slice %arg5[%add3A_103, %dma_wait3A_136] : memref<20224x128xf32, #tpu.memory_space<hbm>> -> memref<120x128xf32, #tpu.memory_space<hbm>>
      %dma_wait3A_138 = arith.constant 0 : i32
      %dma_wait3A_139 = tpu.memref_slice %arg5[%add3A_103, %dma_wait3A_138] : memref<20224x128xf32, #tpu.memory_space<hbm>> -> memref<120x128xf32, #tpu.memory_space<hbm>>
      %dma_wait3A_140 = arith.constant 0 : i32
      %dma_wait3A_141 = arith.constant 0 : i32
      %dma_wait3A_142 = tpu.memref_slice %arg9[%run_scoped3A_105, %dma_wait3A_140, %dma_wait3A_141] : memref<2x128x128xf32, #tpu.memory_space<vmem>> -> memref<1x128x128xf32, #tpu.memory_space<vmem>>
      %dma_wait3A_143 = tpu.memref_squeeze %dma_wait3A_142 : memref<1x128x128xf32, #tpu.memory_space<vmem>> -> memref<128x128xf32, #tpu.memory_space<vmem>>
      %dma_wait3A_144 = arith.constant 0 : i32
      %dma_wait3A_145 = arith.constant 0 : i32
      %dma_wait3A_146 = tpu.memref_slice %dma_wait3A_143[%dma_wait3A_144, %dma_wait3A_145] : memref<128x128xf32, #tpu.memory_space<vmem>> -> memref<120x128xf32, #tpu.memory_space<vmem>>
      tpu.wait_dma2 semaphore(%run_scoped3A_111 : memref<!tpu.dma_semaphore, #tpu.memory_space<semaphore_mem>>) src(%dma_wait3A_146 : memref<120x128xf32, #tpu.memory_space<vmem>>) dst(%dma_wait3A_139 : memref<120x128xf32, #tpu.memory_space<hbm>>)
      tpu.yield
    }) : () -> ()
    %mul3A_106 = arith.constant 16 : i32
    %mul3A_107 = arith.muli %arg0, %mul3A_106 : i32
    %add3A_108 = arith.addi %mul3A_107, %arg1 : i32
    %mul3A_109 = arith.constant 10112 : i32
    %mul3A_110 = arith.muli %add3A_108, %mul3A_109 : i32
    "tpu.region"() ({
      %run_scoped3A_111 = tpu.sem_alloc : memref<!tpu.dma_semaphore, #tpu.memory_space<semaphore_mem>>
      %dma_start3A = tpu.memref_slice %arg6[%mul3A_110] : memref<323584xf32, #tpu.memory_space<hbm>> -> memref<10112xf32, #tpu.memory_space<hbm>>
      %dma_start3A_112 = tpu.memref_slice %arg6[%mul3A_110] : memref<323584xf32, #tpu.memory_space<hbm>> -> memref<10112xf32, #tpu.memory_space<hbm>>
      tpu.enqueue_dma source(%arg12 : memref<10112xf32, #tpu.memory_space<vmem>>) target(%dma_start3A_112 : memref<10112xf32, #tpu.memory_space<hbm>>) target_semaphore(%run_scoped3A_111 : memref<!tpu.dma_semaphore, #tpu.memory_space<semaphore_mem>>)
      %dma_wait3A_113 = tpu.memref_slice %arg6[%mul3A_110] : memref<323584xf32, #tpu.memory_space<hbm>> -> memref<10112xf32, #tpu.memory_space<hbm>>
      %dma_wait3A_114 = tpu.memref_slice %arg6[%mul3A_110] : memref<323584xf32, #tpu.memory_space<hbm>> -> memref<10112xf32, #tpu.memory_space<hbm>>
      tpu.wait_dma2 semaphore(%run_scoped3A_111 : memref<!tpu.dma_semaphore, #tpu.memory_space<semaphore_mem>>) src(%arg12 : memref<10112xf32, #tpu.memory_space<vmem>>) dst(%dma_wait3A_114 : memref<10112xf32, #tpu.memory_space<hbm>>)
      tpu.yield
    }) : () -> ()
    return
  }
}

module attributes {stable_mosaic.version = 14 : i64} {
  func.func @_lambda_(%arg0: i32, %arg1: memref<2000x128xf32, #tpu.memory_space<vmem>>, %arg2: memref<128x128xf32, #tpu.memory_space<vmem>>, %arg3: memref<1x128xf32, #tpu.memory_space<vmem>>, %arg4: memref<2000x128xf32, #tpu.memory_space<vmem>>) attributes {dimension_semantics = [#tpu.dimension_semantics<arbitrary>], iteration_bounds = array<i64: 5>, scalar_prefetch = 0 : i64, scratch_operands = 0 : i64, tpu.core_type = #tpu.core_type<tc>, window_params = [{transform_indices = @transform_0, window_bounds = array<i64: 2000, 128>}, {pipeline_mode = #tpu.pipeline_mode<synchronous>, transform_indices = @transform_1, window_bounds = array<i64: 128, 128>}, {pipeline_mode = #tpu.pipeline_mode<synchronous>, transform_indices = @transform_2, window_bounds = array<i64: 1, 128>}, {transform_indices = @transform_3, window_bounds = array<i64: 2000, 128>}]} {
    %get3A = arith.constant 0 : index
    %get3A_0 = arith.constant 0 : index
    %get3A_1 = vector.load %arg1[%get3A, %get3A_0] : memref<2000x128xf32, #tpu.memory_space<vmem>>, vector<2000x128xf32>
    %get3A_2 = arith.constant 0 : index
    %get3A_3 = arith.constant 0 : index
    %get3A_4 = vector.load %arg2[%get3A_2, %get3A_3] : memref<128x128xf32, #tpu.memory_space<vmem>>, vector<128x128xf32>
    %dot_general3A = arith.constant dense<0.000000e+00> : vector<2000x128xf32>
    %dot_general3A_5 = tpu.matmul %get3A_1, %get3A_4, %dot_general3A {dimension_numbers = #tpu.dot_dimension_numbers<[1], [0], [0], [1], [0, 0, 1, 1], [], []>, transpose_lhs_hint = false} : vector<2000x128xf32>, vector<128x128xf32>, vector<2000x128xf32> -> vector<2000x128xf32>
    %get3A_6 = arith.constant 0 : index
    %get3A_7 = arith.constant 0 : index
    %get3A_8 = vector.load %arg3[%get3A_6, %get3A_7] : memref<1x128xf32, #tpu.memory_space<vmem>>, vector<1x128xf32>
    %add3A = vector.broadcast %get3A_8 : vector<1x128xf32> to vector<2000x128xf32>
    %add3A_9 = arith.addf %dot_general3A_5, %add3A : vector<2000x128xf32>
    %swap3A = arith.constant 0 : index
    %swap3A_10 = arith.constant 0 : index
    %swap3A_11 = vector.load %arg4[%swap3A, %swap3A_10] : memref<2000x128xf32, #tpu.memory_space<vmem>>, vector<2000x128xf32>
    tpu.vector_store %arg4[%swap3A, %swap3A_10], %add3A_9 {strides = array<i32>} : memref<2000x128xf32, #tpu.memory_space<vmem>>, vector<2000x128xf32>,
    return
  }
  func.func @transform_0(%arg0: i32) -> (i32, i32) {
    %c0_i32 = arith.constant 0 : i32
    %c0_i32_0 = arith.constant 0 : i32
    return %arg0, %c0_i32 : i32, i32
  }
  func.func @transform_1(%arg0: i32) -> (i32, i32) {
    %c0_i32 = arith.constant 0 : i32
    %c0_i32_0 = arith.constant 0 : i32
    %c0_i32_1 = arith.constant 0 : i32
    return %c0_i32, %c0_i32_0 : i32, i32
  }
  func.func @transform_2(%arg0: i32) -> (i32, i32) {
    %c0_i32 = arith.constant 0 : i32
    %c0_i32_0 = arith.constant 0 : i32
    %c0_i32_1 = arith.constant 0 : i32
    return %c0_i32, %c0_i32_0 : i32, i32
  }
  func.func @transform_3(%arg0: i32) -> (i32, i32) {
    %c0_i32 = arith.constant 0 : i32
    %c0_i32_0 = arith.constant 0 : i32
    return %arg0, %c0_i32 : i32, i32
  }
}

module attributes {stable_mosaic.version = 14 : i64} {
  func.func @body(%arg0: i32, %arg1: memref<4096x16xf32, #tpu.memory_space<vmem>>, %arg2: memref<16x128xf32, #tpu.memory_space<vmem>>, %arg3: memref<16x16xf32, #tpu.memory_space<vmem>>, %arg4: memref<1x16xf32, #tpu.memory_space<vmem>>, %arg5: memref<4096x128xf32, #tpu.memory_space<vmem>>, %arg6: memref<4096x16xf32, #tpu.memory_space<vmem>>) attributes {dimension_semantics = [#tpu.dimension_semantics<arbitrary>], iteration_bounds = array<i64: 79>, scalar_prefetch = 0 : i64, scratch_operands = 0 : i64, tpu.core_type = #tpu.core_type<tc>, window_params = [{transform_indices = @transform_0, window_bounds = array<i64: 4096, 16>}, {pipeline_mode = #tpu.pipeline_mode<synchronous>, transform_indices = @transform_1, window_bounds = array<i64: 16, 128>}, {pipeline_mode = #tpu.pipeline_mode<synchronous>, transform_indices = @transform_2, window_bounds = array<i64: 16, 16>}, {pipeline_mode = #tpu.pipeline_mode<synchronous>, transform_indices = @transform_3, window_bounds = array<i64: 1, 16>}, {transform_indices = @transform_4, window_bounds = array<i64: 4096, 128>}, {transform_indices = @transform_5, window_bounds = array<i64: 4096, 16>}]} {
    %get3A = arith.constant 0 : index
    %get3A_0 = arith.constant 0 : index
    %get3A_1 = vector.load %arg1[%get3A, %get3A_0] : memref<4096x16xf32, #tpu.memory_space<vmem>>, vector<4096x16xf32>
    %get3A_2 = arith.constant 0 : index
    %get3A_3 = arith.constant 0 : index
    %get3A_4 = vector.load %arg2[%get3A_2, %get3A_3] : memref<16x128xf32, #tpu.memory_space<vmem>>, vector<16x128xf32>
    %dot_general3A = arith.constant dense<0.000000e+00> : vector<4096x128xf32>
    %dot_general3A_5 = tpu.matmul %get3A_1, %get3A_4, %dot_general3A {dimension_numbers = #tpu.dot_dimension_numbers<[1], [0], [0], [1], [0, 0, 1, 1], [], []>, transpose_lhs_hint = false} : vector<4096x16xf32>, vector<16x128xf32>, vector<4096x128xf32> -> vector<4096x128xf32>
    %swap3A = arith.constant 0 : index
    %swap3A_6 = arith.constant 0 : index
    %swap3A_7 = vector.load %arg5[%swap3A, %swap3A_6] : memref<4096x128xf32, #tpu.memory_space<vmem>>, vector<4096x128xf32>
    tpu.vector_store %arg5[%swap3A, %swap3A_6], %dot_general3A_5 {strides = array<i32>} : memref<4096x128xf32, #tpu.memory_space<vmem>>, vector<4096x128xf32>,
    %get3A_8 = arith.constant 0 : index
    %get3A_9 = arith.constant 0 : index
    %get3A_10 = vector.load %arg3[%get3A_8, %get3A_9] : memref<16x16xf32, #tpu.memory_space<vmem>>, vector<16x16xf32>
    %dot_general3A_11 = arith.constant dense<0.000000e+00> : vector<4096x16xf32>
    %dot_general3A_12 = tpu.matmul %get3A_1, %get3A_10, %dot_general3A_11 {dimension_numbers = #tpu.dot_dimension_numbers<[1], [0], [0], [1], [0, 0, 1, 1], [], []>, transpose_lhs_hint = false} : vector<4096x16xf32>, vector<16x16xf32>, vector<4096x16xf32> -> vector<4096x16xf32>
    %get3A_13 = arith.constant 0 : index
    %get3A_14 = arith.constant 0 : index
    %get3A_15 = vector.load %arg4[%get3A_13, %get3A_14] : memref<1x16xf32, #tpu.memory_space<vmem>>, vector<1x16xf32>
    %add3A = vector.broadcast %get3A_15 : vector<1x16xf32> to vector<4096x16xf32>
    %add3A_16 = arith.addf %dot_general3A_12, %add3A : vector<4096x16xf32>
    %swap3A_17 = arith.constant 0 : index
    %swap3A_18 = arith.constant 0 : index
    %swap3A_19 = vector.load %arg6[%swap3A_17, %swap3A_18] : memref<4096x16xf32, #tpu.memory_space<vmem>>, vector<4096x16xf32>
    tpu.vector_store %arg6[%swap3A_17, %swap3A_18], %add3A_16 {strides = array<i32>} : memref<4096x16xf32, #tpu.memory_space<vmem>>, vector<4096x16xf32>,
    return
  }
  func.func @transform_0(%arg0: i32) -> (i32, i32) {
    %c0_i32 = arith.constant 0 : i32
    %c0_i32_0 = arith.constant 0 : i32
    return %arg0, %c0_i32 : i32, i32
  }
  func.func @transform_1(%arg0: i32) -> (i32, i32) {
    %c0_i32 = arith.constant 0 : i32
    %c0_i32_0 = arith.constant 0 : i32
    %c0_i32_1 = arith.constant 0 : i32
    return %c0_i32, %c0_i32_0 : i32, i32
  }
  func.func @transform_2(%arg0: i32) -> (i32, i32) {
    %c0_i32 = arith.constant 0 : i32
    %c0_i32_0 = arith.constant 0 : i32
    %c0_i32_1 = arith.constant 0 : i32
    return %c0_i32, %c0_i32_0 : i32, i32
  }
  func.func @transform_3(%arg0: i32) -> (i32, i32) {
    %c0_i32 = arith.constant 0 : i32
    %c0_i32_0 = arith.constant 0 : i32
    %c0_i32_1 = arith.constant 0 : i32
    return %c0_i32, %c0_i32_0 : i32, i32
  }
  func.func @transform_4(%arg0: i32) -> (i32, i32) {
    %c0_i32 = arith.constant 0 : i32
    %c0_i32_0 = arith.constant 0 : i32
    return %arg0, %c0_i32 : i32, i32
  }
  func.func @transform_5(%arg0: i32) -> (i32, i32) {
    %c0_i32 = arith.constant 0 : i32
    %c0_i32_0 = arith.constant 0 : i32
    return %arg0, %c0_i32 : i32, i32
  }
}

module attributes {stable_mosaic.version = 14 : i64} {
  func.func @body(%arg0: i32, %arg1: memref<128x128xf32, #tpu.memory_space<vmem>>, %arg2: memref<128x128xf32, #tpu.memory_space<vmem>>, %arg3: memref<16x128xf32, #tpu.memory_space<vmem>>, %arg4: memref<256x128xf32, #tpu.memory_space<vmem>>, %arg5: memref<1x128xf32, #tpu.memory_space<vmem>>, %arg6: memref<128x128xf32, #tpu.memory_space<vmem>>, %arg7: memref<128x128xf32, #tpu.memory_space<vmem>>, %arg8: memref<128x128xf32, #tpu.memory_space<vmem>>) attributes {dimension_semantics = [#tpu.dimension_semantics<arbitrary>], iteration_bounds = array<i64: 79>, scalar_prefetch = 0 : i64, scratch_operands = 0 : i64, tpu.core_type = #tpu.core_type<tc>, window_params = [{transform_indices = @transform_0, window_bounds = array<i64: 128, 128>}, {transform_indices = @transform_1, window_bounds = array<i64: 128, 128>}, {transform_indices = @transform_2, window_bounds = array<i64: 16, 128>}, {pipeline_mode = #tpu.pipeline_mode<synchronous>, transform_indices = @transform_3, window_bounds = array<i64: 256, 128>}, {pipeline_mode = #tpu.pipeline_mode<synchronous>, transform_indices = @transform_4, window_bounds = array<i64: 1, 128>}, {pipeline_mode = #tpu.pipeline_mode<synchronous>, transform_indices = @transform_5, window_bounds = array<i64: 128, 128>}, {transform_indices = @transform_6, window_bounds = array<i64: 128, 128>}, {transform_indices = @transform_7, window_bounds = array<i64: 128, 128>}]} {
    %get3A = arith.constant 0 : index
    %get3A_0 = arith.constant 0 : index
    %get3A_1 = vector.load %arg3[%get3A, %get3A_0] : memref<16x128xf32, #tpu.memory_space<vmem>>, vector<16x128xf32>
    %reduce_sum3A = arith.constant dense<0.000000e+00> : vector<128xf32>
    %reduce_sum3A_2 = vector.multi_reduction <add>, %get3A_1, %reduce_sum3A [0] : vector<16x128xf32> to vector<128xf32>
    %max3A = arith.constant 1.000000e+00 : f32
    %max3A_3 = vector.broadcast %max3A : f32 to vector<128xf32>
    %max3A_4 = arith.maximumf %reduce_sum3A_2, %max3A_3 : vector<128xf32>
    %broadcast_in_dim3A = vector.shape_cast %max3A_4 : vector<128xf32> to vector<128x1xf32>
    %get3A_5 = arith.constant 0 : index
    %get3A_6 = arith.constant 0 : index
    %get3A_7 = vector.load %arg2[%get3A_5, %get3A_6] : memref<128x128xf32, #tpu.memory_space<vmem>>, vector<128x128xf32>
    %div3A = vector.broadcast %broadcast_in_dim3A : vector<128x1xf32> to vector<128x128xf32>
    %div3A_8 = arith.divf %get3A_7, %div3A : vector<128x128xf32>
    %get3A_9 = arith.constant 0 : index
    %get3A_10 = arith.constant 0 : index
    %get3A_11 = vector.load %arg1[%get3A_9, %get3A_10] : memref<128x128xf32, #tpu.memory_space<vmem>>, vector<128x128xf32>
    %concatenate3A = tpu.concatenate %get3A_11, %div3A_8 in 1 : vector<128x128xf32>, vector<128x128xf32> -> vector<128x256xf32>
    %get3A_12 = arith.constant 0 : index
    %get3A_13 = arith.constant 0 : index
    %get3A_14 = vector.load %arg4[%get3A_12, %get3A_13] : memref<256x128xf32, #tpu.memory_space<vmem>>, vector<256x128xf32>
    %dot_general3A = arith.constant dense<0.000000e+00> : vector<128x128xf32>
    %dot_general3A_15 = tpu.matmul %concatenate3A, %get3A_14, %dot_general3A {dimension_numbers = #tpu.dot_dimension_numbers<[1], [0], [0], [1], [0, 0, 1, 1], [], []>, transpose_lhs_hint = false} : vector<128x256xf32>, vector<256x128xf32>, vector<128x128xf32> -> vector<128x128xf32>
    %get3A_16 = arith.constant 0 : index
    %get3A_17 = arith.constant 0 : index
    %get3A_18 = vector.load %arg5[%get3A_16, %get3A_17] : memref<1x128xf32, #tpu.memory_space<vmem>>, vector<1x128xf32>
    %add3A = vector.broadcast %get3A_18 : vector<1x128xf32> to vector<128x128xf32>
    %add3A_19 = arith.addf %dot_general3A_15, %add3A : vector<128x128xf32>
    %swap3A = arith.constant 0 : index
    %swap3A_20 = arith.constant 0 : index
    %swap3A_21 = vector.load %arg7[%swap3A, %swap3A_20] : memref<128x128xf32, #tpu.memory_space<vmem>>, vector<128x128xf32>
    tpu.vector_store %arg7[%swap3A, %swap3A_20], %add3A_19 {strides = array<i32>} : memref<128x128xf32, #tpu.memory_space<vmem>>, vector<128x128xf32>,
    %get3A_22 = arith.constant 0 : index
    %get3A_23 = arith.constant 0 : index
    %get3A_24 = vector.load %arg6[%get3A_22, %get3A_23] : memref<128x128xf32, #tpu.memory_space<vmem>>, vector<128x128xf32>
    %dot_general3A_25 = arith.constant dense<0.000000e+00> : vector<128x128xf32>
    %dot_general3A_26 = tpu.matmul %add3A_19, %get3A_24, %dot_general3A_25 {dimension_numbers = #tpu.dot_dimension_numbers<[1], [0], [0], [1], [0, 0, 1, 1], [], []>, transpose_lhs_hint = false} : vector<128x128xf32>, vector<128x128xf32>, vector<128x128xf32> -> vector<128x128xf32>
    %swap3A_27 = arith.constant 0 : index
    %swap3A_28 = arith.constant 0 : index
    %swap3A_29 = vector.load %arg8[%swap3A_27, %swap3A_28] : memref<128x128xf32, #tpu.memory_space<vmem>>, vector<128x128xf32>
    tpu.vector_store %arg8[%swap3A_27, %swap3A_28], %dot_general3A_26 {strides = array<i32>} : memref<128x128xf32, #tpu.memory_space<vmem>>, vector<128x128xf32>,
    return
  }
  func.func @transform_0(%arg0: i32) -> (i32, i32) {
    %c0_i32 = arith.constant 0 : i32
    %c0_i32_0 = arith.constant 0 : i32
    return %arg0, %c0_i32 : i32, i32
  }
  func.func @transform_1(%arg0: i32) -> (i32, i32) {
    %add3A = arith.constant 0 : i32
    %add3A_0 = arith.addi %add3A, %arg0 : i32
    %c0_i32 = arith.constant 0 : i32
    %c0_i32_1 = arith.constant 0 : i32
    return %add3A_0, %c0_i32 : i32, i32
  }
  func.func @transform_2(%arg0: i32) -> (i32, i32) {
    %c0_i32 = arith.constant 0 : i32
    %c0_i32_0 = arith.constant 0 : i32
    return %c0_i32, %arg0 : i32, i32
  }
  func.func @transform_3(%arg0: i32) -> (i32, i32) {
    %c0_i32 = arith.constant 0 : i32
    %c0_i32_0 = arith.constant 0 : i32
    %c0_i32_1 = arith.constant 0 : i32
    return %c0_i32, %c0_i32_0 : i32, i32
  }
  func.func @transform_4(%arg0: i32) -> (i32, i32) {
    %c0_i32 = arith.constant 0 : i32
    %c0_i32_0 = arith.constant 0 : i32
    %c0_i32_1 = arith.constant 0 : i32
    return %c0_i32, %c0_i32_0 : i32, i32
  }
  func.func @transform_5(%arg0: i32) -> (i32, i32) {
    %c0_i32 = arith.constant 0 : i32
    %c0_i32_0 = arith.constant 0 : i32
    %c0_i32_1 = arith.constant 0 : i32
    return %c0_i32, %c0_i32_0 : i32, i32
  }
  func.func @transform_6(%arg0: i32) -> (i32, i32) {
    %c0_i32 = arith.constant 0 : i32
    %c0_i32_0 = arith.constant 0 : i32
    return %arg0, %c0_i32 : i32, i32
  }
  func.func @transform_7(%arg0: i32) -> (i32, i32) {
    %c0_i32 = arith.constant 0 : i32
    %c0_i32_0 = arith.constant 0 : i32
    return %arg0, %c0_i32 : i32, i32
  }
}

module attributes {stable_mosaic.version = 14 : i64} {
  func.func @body(%arg0: i32, %arg1: memref<128x128xf32, #tpu.memory_space<vmem>>, %arg2: memref<128x128xf32, #tpu.memory_space<vmem>>, %arg3: memref<16x128xf32, #tpu.memory_space<vmem>>, %arg4: memref<256x128xf32, #tpu.memory_space<vmem>>, %arg5: memref<1x128xf32, #tpu.memory_space<vmem>>, %arg6: memref<128x128xf32, #tpu.memory_space<vmem>>, %arg7: memref<128x128xf32, #tpu.memory_space<vmem>>, %arg8: memref<128x128xf32, #tpu.memory_space<vmem>>) attributes {dimension_semantics = [#tpu.dimension_semantics<arbitrary>], iteration_bounds = array<i64: 79>, scalar_prefetch = 0 : i64, scratch_operands = 0 : i64, tpu.core_type = #tpu.core_type<tc>, window_params = [{transform_indices = @transform_0, window_bounds = array<i64: 128, 128>}, {transform_indices = @transform_1, window_bounds = array<i64: 128, 128>}, {transform_indices = @transform_2, window_bounds = array<i64: 16, 128>}, {pipeline_mode = #tpu.pipeline_mode<synchronous>, transform_indices = @transform_3, window_bounds = array<i64: 256, 128>}, {pipeline_mode = #tpu.pipeline_mode<synchronous>, transform_indices = @transform_4, window_bounds = array<i64: 1, 128>}, {pipeline_mode = #tpu.pipeline_mode<synchronous>, transform_indices = @transform_5, window_bounds = array<i64: 128, 128>}, {transform_indices = @transform_6, window_bounds = array<i64: 128, 128>}, {transform_indices = @transform_7, window_bounds = array<i64: 128, 128>}]} {
    %get3A = arith.constant 0 : index
    %get3A_0 = arith.constant 0 : index
    %get3A_1 = vector.load %arg3[%get3A, %get3A_0] : memref<16x128xf32, #tpu.memory_space<vmem>>, vector<16x128xf32>
    %reduce_sum3A = arith.constant dense<0.000000e+00> : vector<128xf32>
    %reduce_sum3A_2 = vector.multi_reduction <add>, %get3A_1, %reduce_sum3A [0] : vector<16x128xf32> to vector<128xf32>
    %max3A = arith.constant 1.000000e+00 : f32
    %max3A_3 = vector.broadcast %max3A : f32 to vector<128xf32>
    %max3A_4 = arith.maximumf %reduce_sum3A_2, %max3A_3 : vector<128xf32>
    %broadcast_in_dim3A = vector.shape_cast %max3A_4 : vector<128xf32> to vector<128x1xf32>
    %get3A_5 = arith.constant 0 : index
    %get3A_6 = arith.constant 0 : index
    %get3A_7 = vector.load %arg2[%get3A_5, %get3A_6] : memref<128x128xf32, #tpu.memory_space<vmem>>, vector<128x128xf32>
    %div3A = vector.broadcast %broadcast_in_dim3A : vector<128x1xf32> to vector<128x128xf32>
    %div3A_8 = arith.divf %get3A_7, %div3A : vector<128x128xf32>
    %get3A_9 = arith.constant 0 : index
    %get3A_10 = arith.constant 0 : index
    %get3A_11 = vector.load %arg1[%get3A_9, %get3A_10] : memref<128x128xf32, #tpu.memory_space<vmem>>, vector<128x128xf32>
    %concatenate3A = tpu.concatenate %get3A_11, %div3A_8 in 1 : vector<128x128xf32>, vector<128x128xf32> -> vector<128x256xf32>
    %get3A_12 = arith.constant 0 : index
    %get3A_13 = arith.constant 0 : index
    %get3A_14 = vector.load %arg4[%get3A_12, %get3A_13] : memref<256x128xf32, #tpu.memory_space<vmem>>, vector<256x128xf32>
    %dot_general3A = arith.constant dense<0.000000e+00> : vector<128x128xf32>
    %dot_general3A_15 = tpu.matmul %concatenate3A, %get3A_14, %dot_general3A {dimension_numbers = #tpu.dot_dimension_numbers<[1], [0], [0], [1], [0, 0, 1, 1], [], []>, transpose_lhs_hint = false} : vector<128x256xf32>, vector<256x128xf32>, vector<128x128xf32> -> vector<128x128xf32>
    %get3A_16 = arith.constant 0 : index
    %get3A_17 = arith.constant 0 : index
    %get3A_18 = vector.load %arg5[%get3A_16, %get3A_17] : memref<1x128xf32, #tpu.memory_space<vmem>>, vector<1x128xf32>
    %add3A = vector.broadcast %get3A_18 : vector<1x128xf32> to vector<128x128xf32>
    %add3A_19 = arith.addf %dot_general3A_15, %add3A : vector<128x128xf32>
    %swap3A = arith.constant 0 : index
    %swap3A_20 = arith.constant 0 : index
    %swap3A_21 = vector.load %arg7[%swap3A, %swap3A_20] : memref<128x128xf32, #tpu.memory_space<vmem>>, vector<128x128xf32>
    tpu.vector_store %arg7[%swap3A, %swap3A_20], %add3A_19 {strides = array<i32>} : memref<128x128xf32, #tpu.memory_space<vmem>>, vector<128x128xf32>,
    %get3A_22 = arith.constant 0 : index
    %get3A_23 = arith.constant 0 : index
    %get3A_24 = vector.load %arg6[%get3A_22, %get3A_23] : memref<128x128xf32, #tpu.memory_space<vmem>>, vector<128x128xf32>
    %dot_general3A_25 = arith.constant dense<0.000000e+00> : vector<128x128xf32>
    %dot_general3A_26 = tpu.matmul %add3A_19, %get3A_24, %dot_general3A_25 {dimension_numbers = #tpu.dot_dimension_numbers<[1], [0], [0], [1], [0, 0, 1, 1], [], []>, transpose_lhs_hint = false} : vector<128x128xf32>, vector<128x128xf32>, vector<128x128xf32> -> vector<128x128xf32>
    %swap3A_27 = arith.constant 0 : index
    %swap3A_28 = arith.constant 0 : index
    %swap3A_29 = vector.load %arg8[%swap3A_27, %swap3A_28] : memref<128x128xf32, #tpu.memory_space<vmem>>, vector<128x128xf32>
    tpu.vector_store %arg8[%swap3A_27, %swap3A_28], %dot_general3A_26 {strides = array<i32>} : memref<128x128xf32, #tpu.memory_space<vmem>>, vector<128x128xf32>,
    return
  }
  func.func @transform_0(%arg0: i32) -> (i32, i32) {
    %c0_i32 = arith.constant 0 : i32
    %c0_i32_0 = arith.constant 0 : i32
    return %arg0, %c0_i32 : i32, i32
  }
  func.func @transform_1(%arg0: i32) -> (i32, i32) {
    %add3A = arith.constant 79 : i32
    %add3A_0 = arith.addi %add3A, %arg0 : i32
    %c0_i32 = arith.constant 0 : i32
    %c0_i32_1 = arith.constant 0 : i32
    return %add3A_0, %c0_i32 : i32, i32
  }
  func.func @transform_2(%arg0: i32) -> (i32, i32) {
    %c1_i32 = arith.constant 1 : i32
    %c0_i32 = arith.constant 0 : i32
    return %c1_i32, %arg0 : i32, i32
  }
  func.func @transform_3(%arg0: i32) -> (i32, i32) {
    %c0_i32 = arith.constant 0 : i32
    %c0_i32_0 = arith.constant 0 : i32
    %c0_i32_1 = arith.constant 0 : i32
    return %c0_i32, %c0_i32_0 : i32, i32
  }
  func.func @transform_4(%arg0: i32) -> (i32, i32) {
    %c0_i32 = arith.constant 0 : i32
    %c0_i32_0 = arith.constant 0 : i32
    %c0_i32_1 = arith.constant 0 : i32
    return %c0_i32, %c0_i32_0 : i32, i32
  }
  func.func @transform_5(%arg0: i32) -> (i32, i32) {
    %c0_i32 = arith.constant 0 : i32
    %c0_i32_0 = arith.constant 0 : i32
    %c0_i32_1 = arith.constant 0 : i32
    return %c0_i32, %c0_i32_0 : i32, i32
  }
  func.func @transform_6(%arg0: i32) -> (i32, i32) {
    %c0_i32 = arith.constant 0 : i32
    %c0_i32_0 = arith.constant 0 : i32
    return %arg0, %c0_i32 : i32, i32
  }
  func.func @transform_7(%arg0: i32) -> (i32, i32) {
    %c0_i32 = arith.constant 0 : i32
    %c0_i32_0 = arith.constant 0 : i32
    return %arg0, %c0_i32 : i32, i32
  }
}

</mosaic_0001>

<sc_bundles>
// kernel: kernel.12.cloned.1.call-start
scs
__scs_entry_jumppad:
0x0: {  	(pc) =	sbr.rel $0x88, $3  }
0x1: {  	(tag) =	ssettag $0x0;
	lr =	simm.s32 $0x1  }
0x2: {  	[smem:$0x3F97] =	sst lr;
	_ =	strace $0xD0000000  }
0x3: {  	_ = 	snop  }
0x4: {  	_ = 	snop  }
0x5: {  	_ = 	snop  }
0x6: {  	_ = 	snop  }
0x7: {  	_ = 	snop  }
__scs_overlays_trampoline_lowered:
0x8: {  	[smem:$0x3FA6] =	sst s0  }
0x9: {  	[smem:$0x3FA7] =	sst s1  }
0xa: {  	[smem:$0x3FA8] =	sst s2  }
0xb: {  	[smem:$0x3FA9] =	sst s3  }
0xc: {  	[smem:$0x3FAA] =	sst s4  }
0xd: {  	[smem:$0x3FAB] =	sst s5  }
0xe: {  	[smem:$0x3FAC] =	sst s6  }
0xf: {  	[smem:$0x3FAD] =	sst s7  }
0x10: {  	[smem:$0x3FAE] =	sst s8  }
0x11: {  	[smem:$0x3FAF] =	sst s9;
	s0 =	simm.s32 @!p0 $0x0  }
0x12: {  	s1 =	sld [smem:$0x3F95];
	s0 =	simm.s32 @p0 $0x1  }
0x13: {  	[smem:$0x3FB0] =	sst s0;
	s0 =	simm.s32 @!p1 $0x0  }
0x14: {  	s2 =	sld [smem:$0x3F94];
	s0 =	simm.s32 @p1 $0x1  }
0x15: {  	[smem:$0x3FB1] =	sst s0;
	s0 =	simm.s32 @!p2 $0x0  }
0x16: {  	s3 =	sld [smem:$0x3FDB];
	s0 =	simm.s32 @p2 $0x1  }
0x17: {  	s4 =	simm.s32 $0x1BF5;
	[smem:$0x3FB3] =	sst s0  }
0x18: {  	s0 =	sld [smem:$0x3F96];
	_ =	swait.ge [sflag:s4], $0x0  }
0x19: {  	s7 =	sld [smem:$0x3F97]  }
0x1a: {  	s8 =	sadd.s32 $0xFFFFE003, lr  }
0x1b: {  	s9 =	sadd.s32 $0xFFFFFEF7, lr;
	s5 =	simm.s32 $0xFFFFFFFF;
	p2 =	slt.u32 s8, $0xFFFFF086  }
0x1c: {  	p1 =	slt.u32 s9, $0xF7A;
	s5 =	simm.s32 @!p2 $0x0  }
0x1d: {  	s5 =	simm.s32 @p1 $0x1;
	p0 =	seq.s32 s7, s2  }
0x1e: {  	s7 =	smul.u32 @!p0 $0xF7A, s2;
	p2 =	seq.s32 @!p0 s5, $0x0  }
0x1f: {  	s9 =	smul.u32 $0xF7A, s1;
	s8 =	simm.s32 @!p0 $0x1BF5;
	p2 =	por !p2, p0  }
0x20: {  	[sflag:s8] =	ssyncset.s32 @!p0 $0xFFFFF086;
	s6 =	sadd.s32 @!p0 s3, s7;
	s7 =	simm.s32 @!p0 $0x108  }
0x21: {  	s3 =	sadd.s32 s3, s9;
	s6 =	sadd.s32 @!p0 $0x88, s6;
	s7 =	simm.s32 @p2 $0x1082  }
0x22: {  	[simem:s7], [sflag:s8] =	dma.local @!p0 [hbm:s6], $0xF7A  }
0x23: {  	s9 =	sor.u32 $0xD0000000, s2;
	s6 =	simm.s32 $0x108;
	_ =	swait.ge @!p0 [sflag:s8], $0x0  }
0x24: {  	s3 =	sadd.s32 $0x88, s3;
	s6 =	simm.s32 @!p1 $0x1082;
	[sflag:s4] =	ssyncset.s32 $0xFFFFF086  }
0x25: {  	[simem:s6], [sflag:s4] =	dma.local [hbm:s3], $0xF7A  }
0x26: {  	[smem:$0x3F97] =	sst s1;
	(tag) =	ssettag s2;
	_ =	strace s9  }
0x27: {  	s1 =	sld [smem:$0x3FA7]  }
0x28: {  	s2 =	sld [smem:$0x3FA8]  }
0x29: {  	s4 =	sld [smem:$0x3FAA]  }
0x2a: {  	p0 =	seq.s32 s5, $0x0;
	s5 =	sld [smem:$0x3FAB]  }
0x2b: {  	s6 =	sld [smem:$0x3FAC]  }
0x2c: {  	s7 =	sld [smem:$0x3FAD]  }
0x2d: {  	s3 =	simm.s32 $0x108;
	s8 =	sld [smem:$0x3FAE]  }
0x2e: {  	s3 =	simm.s32 @!p0 $0x1082;
	s9 =	sld [smem:$0x3FAF]  }
0x2f: {  	lr =	sadd.s32 s0, s3;
	s0 =	sld [smem:$0x3FA6]  }
0x30: {  	s3 =	sld [smem:$0x3FA9]  }
0x31: {  	[smem:$0x3FB2] =	sst s10  }
0x32: {  	s10 =	sld [smem:$0x3FB0];
	_ =	sdelay $0x3  }
0x33: {  	p0 =	seq.s32 s10, $0x1;
	s10 =	sld [smem:$0x3FB2];
	_ =	sdelay $0x3  }
0x34: {  	[smem:$0x3FB2] =	sst s10  }
0x35: {  	s10 =	sld [smem:$0x3FB1];
	_ =	sdelay $0x3  }
0x36: {  	p1 =	seq.s32 s10, $0x1;
	s10 =	sld [smem:$0x3FB2];
	_ =	sdelay $0x3  }
0x37: {  	[smem:$0x3FB2] =	sst s10  }
0x38: {  	s10 =	sld [smem:$0x3FB3]  }
0x39: {  	_ = 	snop;
	(pc) =	sbr.ind lr, $3  }
0x3a: {  	_ = 	snop  }
0x3b: {  	_ = 	snop  }
0x3c: {  	p2 =	seq.s32 s10, $0x1;
	s10 =	sld [smem:$0x3FB2]  }
0x3d: {  	_ =	shalt  }
0x3e: {  	_ =	shalt  }
0x3f: {  	_ =	shalt  }
0x40: {  	_ =	shalt  }
0x41: {  	_ =	shalt  }
0x42: {  	_ =	shalt  }
0x43: {  	_ =	shalt  }
0x44: {  	_ =	shalt  }
0x45: {  	_ =	shalt  }
0x46: {  	_ =	shalt  }
0x47: {  	_ =	shalt  }
0x48: {  	_ =	shalt  }
0x49: {  	_ =	shalt  }
0x4a: {  	_ =	shalt  }
0x4b: {  	_ =	shalt  }
0x4c: {  	_ =	shalt  }
0x4d: {  	_ =	shalt  }
0x4e: {  	_ =	shalt  }
0x4f: {  	_ =	shalt  }
0x50: {  	_ =	shalt  }
0x51: {  	_ =	shalt  }
0x52: {  	_ =	shalt  }
0x53: {  	_ =	shalt  }
0x54: {  	_ =	shalt  }
0x55: {  	_ =	shalt  }
0x56: {  	_ =	shalt  }
0x57: {  	_ =	shalt  }
0x58: {  	_ =	shalt  }
0x59: {  	_ =	shalt  }
0x5a: {  	_ =	shalt  }
0x5b: {  	_ =	shalt  }
0x5c: {  	_ =	shalt  }
0x5d: {  	_ =	shalt  }
0x5e: {  	_ =	shalt  }
0x5f: {  	_ =	shalt  }
0x60: {  	_ =	shalt  }
0x61: {  	_ =	shalt  }
0x62: {  	_ =	shalt  }
0x63: {  	_ =	shalt  }
0x64: {  	_ =	shalt  }
0x65: {  	_ =	shalt  }
0x66: {  	_ =	shalt  }
0x67: {  	_ =	shalt  }
0x68: {  	_ =	shalt  }
0x69: {  	_ =	shalt  }
0x6a: {  	_ =	shalt  }
0x6b: {  	_ =	shalt  }
0x6c: {  	_ =	shalt  }
0x6d: {  	_ =	shalt  }
0x6e: {  	_ =	shalt  }
0x6f: {  	_ =	shalt  }
0x70: {  	_ =	shalt  }
0x71: {  	_ =	shalt  }
0x72: {  	_ =	shalt  }
0x73: {  	_ =	shalt  }
0x74: {  	_ =	shalt  }
0x75: {  	_ =	shalt  }
0x76: {  	_ =	shalt  }
0x77: {  	_ =	shalt  }
0x78: {  	_ =	shalt  }
0x79: {  	_ =	shalt  }
0x7a: {  	_ =	shalt  }
0x7b: {  	_ =	shalt  }
0x7c: {  	_ =	shalt  }
0x7d: {  	_ =	shalt  }
0x7e: {  	_ =	shalt  }
0x7f: {  	_ =	shalt  }
0x80: {  	_ =	shalt  }
0x81: {  	_ =	shalt  }
0x82: {  	_ =	shalt  }
0x83: {  	_ =	shalt  }
0x84: {  	_ =	shalt  }
0x85: {  	_ =	shalt  }
0x86: {  	_ =	shalt  }
0x87: {  	_ =	shalt  }
.Lfunc_end0:
.L_simem_size_0:
called_computation.1_lowered:
.L_overlay_start_0:
0x88: {  	s2 =	sld [smem:$0x3FD9]  }
0x89: {  	s3 =	sld [smem:$0x3FFE];
	_ =	sdelay $0x1  }
0x8a: {  	s1 =	srdreg.scid  }
0x8b: {  	s0 =	sand.u32 $0x1, s1  }
0x8c: {  	s14 =	sshll.u32 s0, $0xA;
	s2 =	sadd.s32 s3, s2  }
0x8d: {  	s2 =	sadd.s32 s2, s14  }
0x8e: {  	[smem:$0x3FBE] =	sst s2  }
0x8f: {  	_ = 	snop  }
0x90: {  	s2 =	sld [smem:$0x3FD0];
	_ =	sdelay $0x2  }
0x91: {  	s15 =	simm.s32 $0xA;
	s4 =	simm.s32 $0x10  }
0x92: {  	[smem:s4], [sflag:s15] =	dma.local [hbm:s2], $0x1  }
0x93: {  	_ =	swait.eq [sflag:s15], $0x1  }
0x94: {  	[sflag:s15] =	ssyncset.done $0x0  }
0x95: {  	[sflag:s15] =	ssyncadd.s32 $0xFFFFFFFF  }
0x96: {  	s16 =	sld [smem:$0x11];
	(tm) =	ssettm $0x1  }
0x97: {  	s17 =	sld [smem:$0x3FFB];
	_ =	sdelay $0x3  }
0x98: {  	_ =	strace s17  }
0x99: {  	s3 =	sld [smem:$0x3FFC];
	_ =	sdelay $0x3  }
0x9a: {  	_ =	strace s3  }
0x9b: {  	s3 =	sld [smem:$0x3FFD];
	_ =	sdelay $0x3  }
0x9c: {  	_ =	strace s3  }
0x9d: {  	_ =	strace $0x8FFFFFFF  }
0x9e: {  	s18 =	sld [smem:$0x3FDB];
	_ =	sdelay $0x1  }
0x9f: {  	s19 =	simm.s32 $_scs_section_size  }
0xa0: {  	s5 =	simm.s32 $_size__tile_overlayer_lowered;
	s6 =	simm.s32 $_tile_overlayer_lowered  }
0xa1: {  	s22 =	simm.s32 $0x1BFF;
	s21 =	sshll.u32 s6, $0x1;
	s3 =	sadd.s32 s19, s18  }
0xa2: {  	s7 =	simm.s32 $0x0;
	s20 =	sshll.u32 s5, $0x1;
	s5 =	sadd.s32 s21, s3  }
0xa3: {  	[timem:s7], [sflag:s22] =	dma.local [hbm:s5], s20  }
0xa4: {  	_ =	swait.ge [sflag:s22], s20  }
0xa5: {  	s4 =	ssub.s32 $0x0, s20;
	[sflag:s22] =	ssyncset.done $0x0  }
0xa6: {  	[sflag:s22] =	ssyncadd.s32 s4;
	_ =	sdelay $0x1  }
0xa7: {  	s23 =	simm.s32 $0x1B8B  }
0xa8: {  	_ =	swait.ge [sflag:s23], $0x1  }
0xa9: {  	[sflag:s23] =	ssyncset.done $0x0  }
0xaa: {  	s25 =	simm.s32 $0x1B8E;
	s24 =	sld [smem:$0x3FFE];
	[sflag:s23] =	ssyncadd.s32 $0xFFFFFFFF  }
0xab: {  	s26 =	simm.s32 $execute0_lowered;
	[smem:$0x3FD2] =	sst s25  }
0xac: {  	s5 =	sshll.u32 s26, $0x1;
	_ =	strace $0x80000049;
	[dreg:$0x1] =	wrdreg $0xFFFFFFFF  }
0xad: {  	s28 =	simm.s32 $_size_execute0_lowered;
	s3 =	sadd.s32 s3, s5;
	[dreg:$0x0] =	wrdreg $0x0  }
0xae: {  	s5 =	sshll.u32 s28, $0x1;
	[dreg:$0x2] =	wrdreg s3  }
0xaf: {  	[dreg:$0x3] =	wrdreg s5  }
0xb0: {  	[dreg:$0x4] =	wrdreg $0xC0  }
0xb1: {  	_ =	task [dreg:s7], $0x5FFFF  }
0xb2: {  	[dreg:$0x1] =	wrdreg $0xFFFFFFFF  }
0xb3: {  	[dreg:$0x0] =	wrdreg $0x60  }
0xb4: {  	[dreg:$0x2] =	wrdreg s24  }
0xb5: {  	[dreg:$0x3] =	wrdreg s16  }
0xb6: {  	[dreg:$0x4] =	wrdreg $0x9  }
0xb7: {  	_ =	task.clear_ibuf [dreg:s7], $0x5FFFF;
	_ =	strace $0x90000049  }
0xb8: {  	s29 =	simm.s32 $0x9;
	_ =	strace $0x8000004B  }
0xb9: {  	_ =	swait.ge [sflag:s29], $0x1  }
0xba: {  	[sflag:s29] =	ssyncadd.s32 $0xFFFFFFFF  }
0xbb: {  	_ =	strace $0x9000004B  }
0xbc: {  	_ =	sfence  }
0xbd: {  	s30 =	sld [smem:$0x0];
	_ =	sdelay $0x2  }
0xbe: {  	s31 =	sshll.u32 s1, $0xD;
	s1 =	sshrl.u32 s1, $0x2  }
0xbf: {  	s3 =	sand.u32 $0x4000, s31;
	s1 =	sadd.s32 s1, s30  }
0xc0: {  	s0 =	sor.u32 s3, s0;
	s1 =	sshll.u32 s1, $0x11  }
0xc1: {  	s0 =	sor.u32 s1, s0  }
0xc2: {  	s0 =	sadd.s32 $0x8F2B, s0  }
0xc3: {  	[sflag:s0] =	ssyncadd.remote.s32 $0x1  }
0xc4: {  	_ =	sfence.sel $0xFFFF  }
0xc5: {  	[dreg:$0x0] =	wrdreg $0xFFFFFFFF;
	(pc) =	sbr.abs _section_cstart, $3  }
0xc6: {  	[dreg:$0x1] =	wrdreg $0xFFFFFFFF  }
0xc7: {  	_ =	task.clear_ibuf [dreg:s7], $0x2FFFF;
	_ =	strace $0x9FFFFFFF  }
0xc8: {  	(tm) =	ssettm $0x7FFFFFFF  }
0xc9: {  	_ =	shalt  }
tec
execute0_lowered:
.L_overlay_start_1:
0x0: {  	(tag) =	ssettag $0x1  }
0x1: {  	s0 =	rddreg [dreg:$0x0]  }
0x2: {  	s2 =	rddreg [dreg:$0x1];
	s3 =	simm.s32 $0x0  }
0x3: {  	s1 =	srdreg.scid;
	s4 =	stileid.u32;
	s14 =	simm.s32 $0x4  }
0x4: {  	s15 =	simm.s32 $0x100;
	s16 =	simm.s32 $0x80;
	s30 =	simm.s32 $0x10E00  }
0x5: {  	s31 =	simm.s32 $0x10F00;
	s12 =	simm.s32 $0x10D80;
	s22 =	simm.s32 $0x10E80  }
0x6: {  	s17 =	simm.s32 $0x10F80;
	s23 =	simm.s32 $0x11080;
	s18 =	simm.s32 $0x0  }
0x7: {  	[smem:$0x7FF] =	sst s3;
	s1 =	sand.u32 $0x1, s1;
	s4 =	sshll.u32 s4, $0x1  }
0x8: {  	s5 =	sadd.s32 $0xDCE00, s0;
	s7 =	sadd.s32 $0x3A00, s0;
	s9 =	sor.u32 s1, s4  }
0x9: {  	s8 =	sadd.s32 $0xA1A00, s0;
	s25 =	ssub.s32 $0x2, s1;
	s6 =	smul.u32 $0x2780, s9  }
0xa: {  	_ =	strace $0x8000004A;
	s4 =	sadd.s32 $0xB5600, s0;
	s1 =	sshrl.u32 s25, $0x1  }
0xb: {  	p0 =	seq.s32 s9, $0x1F;
	s0 =	ssub.s32 s25, s1;
	s10 =	sadd.s32 $0x2700, s6  }
0xc: {  	s11 =	sshrl.u32 s6, $0x3;
	s0 =	smax.u32 s0, $0x1;
	s26 =	sshrl.u32 s10, $0x3  }
0xd: {  	s11 =	sadd.s32 s8, s11;
	[dreg:$0x7] =	wrdreg s0;
	s1 =	sadd.s32 s8, s26  }
0xe: {  	s29 =	sshll.u32 s10, $0x1;
	s28 =	sadd.s32 $0xA2E0, s11;
	[dreg:$0x3] =	wrdreg s1  }
0xf: {  	s9 =	simm.s32 $0x1;
	s10 =	sadd.s32 s7, s29;
	[dreg:$0x4] =	wrdreg s28  }
0x10: {  	s0 =	simm.s32 $0x11000;
	[dreg:$0x5] =	wrdreg s10;
	s1 =	sadd.s32 s2, s29  }
0x11: {  	s10 =	simm.s32 $0x11180;
	[dreg:$0x6] =	wrdreg s1;
	s1 =	simm.s32 $0x11100  }
.LBB2_1:
0x12: {  	[dreg:$0x8] =	wrdreg s18;
	s24 =	simm.s32 $0x0  }
.LBB2_2:
0x13: {  	s18 =	sshll.u32 s24, $0x8  }
0x14: {  	s13 =	sadd.s32 s6, s18  }
0x15: {  	s11 =	sshrl.u32 s13, $0x3  }
0x16: {  	s11 =	sadd.s32 s8, s11  }
0x17: {  	[tilespmem:s3], [sflag:$0x4] =	stream.linear.gather [hbm4b:s11+s3], $0x100, $0x38;
	[tilespmem:$0x11200] =	vst v63  }
0x18: {  	_ =	swait.ge [sflag:s14], $0x100  }
0x19: {  	[sflag:s14] =	ssyncset.done $0x0  }
0x1a: {  	p1 =	seq.s32 s24, $0x0;
	s11 =	sadd.s32 $0x9E00, s11;
	[sflag:s14] =	ssyncadd.s32 $0xFFFFFF00  }
0x1b: {  	[tilespmem:s15], [sflag:$0x4] =	stream.linear.gather [hbm4b:s11+s3], $0x100, $0x38;
	[tilespmem:$0x11200] =	vst v63  }
0x1c: {  	p2 =	sgt.u32 @!p1 s13, $0x4E2FF;
	_ =	swait.ge [sflag:s14], $0x100  }
0x1d: {  	p2 =	por p2, p1;
	[sflag:s14] =	ssyncset.done $0x0  }
0x1e: {  	s11 =	simm.s32 @!p2 $0x2;
	[sflag:s14] =	ssyncadd.s32 $0xFFFFFF00  }
0x1f: {  	_ =	swait.ge @!p2 [sflag:s11], $0x800  }
0x20: {  	[sflag:s11] =	ssyncset.done @!p2 $0x0  }
0x21: {  	s20 =	simm.s32 $0x200;
	[sflag:s11] =	ssyncadd.s32 @!p2 $0xFFFFF800;
	s11 =	simm.s32 $0x0  }
0x22: {  	[tilespmem:s20], [sflag:$0x1] =	stream.indirect.gather [hbm4b:s4+s16], $0x80, s11, s16, $0xb8;
	[tilespmem:$0x11200] =	vst v63  }
0x23: {  	s19 =	simm.s32 $0x8200;
	s25 =	sshll.u32 s13, $0x1  }
0x24: {  	[tilespmem:s19], [sflag:$0x1] =	stream.indirect.gather [hbm4b:s5+s16], $0x80, s15, s16, $0xb8;
	[tilespmem:$0x11200] =	vst v63  }
0x25: {  	s21 =	simm.s32 $0x10200;
	s26 =	sadd.s32 s7, s25  }
0x26: {  	[tilespmem:s21], [sflag:$0x4] =	stream.linear.gather [hbm4b:s26+s11], $0x80, $0x38;
	[tilespmem:$0x11200] =	vst v63  }
0x27: {  	s28 =	sadd.s32 $0x10, s26;
	s21 =	simm.s32 $0x10300  }
0x28: {  	[tilespmem:s21], [sflag:$0x4] =	stream.linear.gather [hbm4b:s28+s11], $0x80, $0x38;
	[tilespmem:$0x11200] =	vst v63  }
0x29: {  	s28 =	sadd.s32 $0x20, s26;
	s21 =	simm.s32 $0x10400  }
0x2a: {  	[tilespmem:s21], [sflag:$0x4] =	stream.linear.gather [hbm4b:s28+s11], $0x80, $0x38;
	[tilespmem:$0x11200] =	vst v63  }
0x2b: {  	s28 =	sadd.s32 $0x30, s26;
	s21 =	simm.s32 $0x10500  }
0x2c: {  	[tilespmem:s21], [sflag:$0x4] =	stream.linear.gather [hbm4b:s28+s11], $0x80, $0x38;
	[tilespmem:$0x11200] =	vst v63  }
0x2d: {  	s28 =	sadd.s32 $0x40, s26;
	s21 =	simm.s32 $0x10600  }
0x2e: {  	[tilespmem:s21], [sflag:$0x4] =	stream.linear.gather [hbm4b:s28+s11], $0x80, $0x38;
	[tilespmem:$0x11200] =	vst v63  }
0x2f: {  	s28 =	sadd.s32 $0x50, s26;
	s21 =	simm.s32 $0x10700  }
0x30: {  	[tilespmem:s21], [sflag:$0x4] =	stream.linear.gather [hbm4b:s28+s11], $0x80, $0x38;
	[tilespmem:$0x11200] =	vst v63  }
0x31: {  	s28 =	sadd.s32 $0x60, s26;
	s21 =	simm.s32 $0x10800  }
0x32: {  	[tilespmem:s21], [sflag:$0x4] =	stream.linear.gather [hbm4b:s28+s11], $0x80, $0x38;
	[tilespmem:$0x11200] =	vst v63  }
0x33: {  	s28 =	sadd.s32 $0x70, s26;
	s21 =	simm.s32 $0x10900  }
0x34: {  	[tilespmem:s21], [sflag:$0x4] =	stream.linear.gather [hbm4b:s28+s11], $0x80, $0x38;
	[tilespmem:$0x11200] =	vst v63  }
0x35: {  	s28 =	sadd.s32 $0x80, s26;
	s21 =	simm.s32 $0x10A00  }
0x36: {  	[tilespmem:s21], [sflag:$0x4] =	stream.linear.gather [hbm4b:s28+s11], $0x80, $0x38;
	[tilespmem:$0x11200] =	vst v63  }
0x37: {  	s28 =	sadd.s32 $0x90, s26;
	s21 =	simm.s32 $0x10B00  }
0x38: {  	[tilespmem:s21], [sflag:$0x4] =	stream.linear.gather [hbm4b:s28+s11], $0x80, $0x38;
	[tilespmem:$0x11200] =	vst v63  }
0x39: {  	s28 =	sadd.s32 $0xA0, s26;
	s21 =	simm.s32 $0x10C00  }
0x3a: {  	[tilespmem:s21], [sflag:$0x4] =	stream.linear.gather [hbm4b:s28+s11], $0x80, $0x38;
	[tilespmem:$0x11200] =	vst v63  }
0x3b: {  	s28 =	sadd.s32 $0xB0, s26;
	s21 =	simm.s32 $0x10D00  }
0x3c: {  	[tilespmem:s21], [sflag:$0x4] =	stream.linear.gather [hbm4b:s28+s11], $0x80, $0x38;
	[tilespmem:$0x11200] =	vst v63  }
0x3d: {  	s28 =	sadd.s32 $0xC0, s26  }
0x3e: {  	[tilespmem:s30], [sflag:$0x4] =	stream.linear.gather [hbm4b:s28+s11], $0x80, $0x38;
	[tilespmem:$0x11200] =	vst v63  }
0x3f: {  	s28 =	sadd.s32 $0xD0, s26  }
0x40: {  	[tilespmem:s31], [sflag:$0x4] =	stream.linear.gather [hbm4b:s28+s11], $0x80, $0x38;
	[tilespmem:$0x11200] =	vst v63  }
0x41: {  	s28 =	sadd.s32 $0xE0, s26  }
0x42: {  	[tilespmem:s0], [sflag:$0x4] =	stream.linear.gather [hbm4b:s28+s11], $0x80, $0x38;
	[tilespmem:$0x11200] =	vst v63  }
0x43: {  	s26 =	sadd.s32 $0xF0, s26  }
0x44: {  	[tilespmem:s1], [sflag:$0x4] =	stream.linear.gather [hbm4b:s26+s11], $0x80, $0x38;
	[tilespmem:$0x11200] =	vst v63  }
0x45: {  	_ =	swait.ge [sflag:s14], $0x800  }
0x46: {  	[sflag:s14] =	ssyncset.done $0x0  }
0x47: {  	[sflag:s14] =	ssyncadd.s32 $0xFFFFF800  }
0x48: {  	_ =	swait.ge [sflag:s9], $0x4000  }
0x49: {  	[sflag:s9] =	ssyncset.done $0x0  }
0x4a: {  	[sflag:s9] =	ssyncadd.s32 $0xFFFFC000  }
0x4b: {  	_ =	swait.ge [sflag:s9], $0x4000  }
0x4c: {  	[sflag:s9] =	ssyncset.done $0x0  }
0x4d: {  	s21 =	sand.u32 $0x70, s11;
	s11 =	sand.u32 $0xF00, s11;
	[sflag:s9] =	ssyncadd.s32 $0xFFFFC000  }
0x4e: {  	s28 =	sor.u32 s21, s11;
	v0 =	vld [tilespmem:s20+$0x0]  }
0x4f: {  	v1 =	vld [tilespmem:s28+$0x10200];
	_ =	sdelay $0x1  }
0x50: {  	v2 =	vld [tilespmem:s19+$0x0];
	_ =	sdelay $0x2  }
0x51: {  	v0 =	vadd.f32 v0, v1;
	_ =	sdelay $0x1  }
0x52: {  	v0 =	vadd.f32 v2, v0  }
0x53: {  	s26 =	simm.s32 $0x280;
	s21 =	simm.s32 $0x10;
	s11 =	simm.s32 $0x20  }
0x54: {  	s29 =	sand.u32 $0xF00, s11;
	s20 =	sand.u32 $0x70, s21;
	[tilespmem:s28+$0x10200] =	vst v0;
	s28 =	simm.s32 $0x20  }
.LBB2_3:
0x55: {  	p2 =	sne.s32 s28, $0x7F0;
	s21 =	sor.u32 s20, s29;
	v0 =	vld [tilespmem:s26+$0x0]  }
0x56: {  	v1 =	vld [tilespmem:s21+$0x10200]  }
0x57: {  	s19 =	sadd.s32 $0x80, s19  }
0x58: {  	v2 =	vld [tilespmem:s19+$0x0];
	_ =	sdelay $0x2  }
.Ltmp0:
0x59: {  	v0 =	vadd.f32 v0, v1;
	(pc) =	sbr.rel @p2 .LBB2_3-.Ltmp0, $4  }
0x5a: {  	_ = 	snop  }
0x5b: {  	v0 =	vadd.f32 v2, v0  }
0x5c: {  	s26 =	sadd.s32 $0x80, s26;
	s11 =	sadd.s32 $0x20, s11  }
0x5d: {  	s20 =	sand.u32 $0x70, s28;
	s28 =	sadd.s32 $0x10, s28;
	s29 =	sand.u32 $0xF00, s11;
	[tilespmem:s21+$0x10200] =	vst v0  }
0x5e: {  	s11 =	sor.u32 s20, s29;
	v0 =	vld [tilespmem:s26+$0x0]  }
0x5f: {  	v1 =	vld [tilespmem:s11+$0x10200]  }
0x60: {  	s19 =	sadd.s32 $0x80, s19  }
0x61: {  	v2 =	vld [tilespmem:s19+$0x0];
	_ =	sdelay $0x2  }
0x62: {  	v0 =	vadd.f32 v0, v1;
	_ =	sdelay $0x1  }
0x63: {  	v0 =	vadd.f32 v2, v0  }
0x64: {  	p2 =	sgt.u32 s13, $0x4E1FF  }
0x65: {  	s13 =	simm.s32 @!p2 $0x0;
	s19 =	simm.s32 @!p2 $0x10200;
	[tilespmem:s11+$0x10200] =	vst v0;
	s11 =	sadd.s32 @!p2 s2, s25  }
0x66: {  	[hbm4b:s11+s13] =	stream.linear.scatter @!p2 [tilespmem:s19], [sflag:$0x2], $0x80, $0x38;
	[tilespmem:$0x11200] =	vst v63  }
0x67: {  	s20 =	simm.s32 @!p2 $0x10300;
	s19 =	sadd.s32 @!p2 $0x10, s11  }
0x68: {  	[hbm4b:s19+s13] =	stream.linear.scatter @!p2 [tilespmem:s20], [sflag:$0x2], $0x80, $0x38;
	[tilespmem:$0x11200] =	vst v63  }
0x69: {  	s19 =	sadd.s32 @!p2 $0x20, s11;
	s20 =	simm.s32 @!p2 $0x10400  }
0x6a: {  	[hbm4b:s19+s13] =	stream.linear.scatter @!p2 [tilespmem:s20], [sflag:$0x2], $0x80, $0x38;
	[tilespmem:$0x11200] =	vst v63  }
0x6b: {  	s19 =	sadd.s32 @!p2 $0x30, s11;
	s20 =	simm.s32 @!p2 $0x10500  }
0x6c: {  	[hbm4b:s19+s13] =	stream.linear.scatter @!p2 [tilespmem:s20], [sflag:$0x2], $0x80, $0x38;
	[tilespmem:$0x11200] =	vst v63  }
0x6d: {  	s19 =	sadd.s32 @!p2 $0x40, s11;
	s20 =	simm.s32 @!p2 $0x10600  }
0x6e: {  	[hbm4b:s19+s13] =	stream.linear.scatter @!p2 [tilespmem:s20], [sflag:$0x2], $0x80, $0x38;
	[tilespmem:$0x11200] =	vst v63  }
0x6f: {  	s19 =	sadd.s32 @!p2 $0x50, s11;
	s20 =	simm.s32 @!p2 $0x10700  }
0x70: {  	[hbm4b:s19+s13] =	stream.linear.scatter @!p2 [tilespmem:s20], [sflag:$0x2], $0x80, $0x38;
	[tilespmem:$0x11200] =	vst v63  }
0x71: {  	s19 =	sadd.s32 @!p2 $0x60, s11;
	s20 =	simm.s32 @!p2 $0x10800  }
0x72: {  	[hbm4b:s19+s13] =	stream.linear.scatter @!p2 [tilespmem:s20], [sflag:$0x2], $0x80, $0x38;
	[tilespmem:$0x11200] =	vst v63  }
0x73: {  	s19 =	sadd.s32 @!p2 $0x70, s11;
	s20 =	simm.s32 @!p2 $0x10900  }
0x74: {  	[hbm4b:s19+s13] =	stream.linear.scatter @!p2 [tilespmem:s20], [sflag:$0x2], $0x80, $0x38;
	[tilespmem:$0x11200] =	vst v63  }
0x75: {  	s19 =	sadd.s32 @!p2 $0x80, s11;
	s20 =	simm.s32 @!p2 $0x10A00  }
0x76: {  	[hbm4b:s19+s13] =	stream.linear.scatter @!p2 [tilespmem:s20], [sflag:$0x2], $0x80, $0x38;
	[tilespmem:$0x11200] =	vst v63  }
0x77: {  	s19 =	sadd.s32 @!p2 $0x90, s11;
	s20 =	simm.s32 @!p2 $0x10B00  }
0x78: {  	[hbm4b:s19+s13] =	stream.linear.scatter @!p2 [tilespmem:s20], [sflag:$0x2], $0x80, $0x38;
	[tilespmem:$0x11200] =	vst v63  }
0x79: {  	s19 =	sadd.s32 @!p2 $0xA0, s11;
	s20 =	simm.s32 @!p2 $0x10C00  }
0x7a: {  	[hbm4b:s19+s13] =	stream.linear.scatter @!p2 [tilespmem:s20], [sflag:$0x2], $0x80, $0x38;
	[tilespmem:$0x11200] =	vst v63  }
0x7b: {  	s19 =	sadd.s32 @!p2 $0xB0, s11;
	s20 =	simm.s32 @!p2 $0x10D00  }
0x7c: {  	[hbm4b:s19+s13] =	stream.linear.scatter @!p2 [tilespmem:s20], [sflag:$0x2], $0x80, $0x38;
	[tilespmem:$0x11200] =	vst v63  }
0x7d: {  	s19 =	sadd.s32 @!p2 $0xC0, s11;
	s20 =	simm.s32 @!p2 $0x10E00  }
0x7e: {  	[hbm4b:s19+s13] =	stream.linear.scatter @!p2 [tilespmem:s20], [sflag:$0x2], $0x80, $0x38;
	[tilespmem:$0x11200] =	vst v63  }
0x7f: {  	s19 =	sadd.s32 @!p2 $0xD0, s11;
	s20 =	simm.s32 @!p2 $0x10F00  }
0x80: {  	[hbm4b:s19+s13] =	stream.linear.scatter @!p2 [tilespmem:s20], [sflag:$0x2], $0x80, $0x38;
	[tilespmem:$0x11200] =	vst v63  }
0x81: {  	s19 =	sadd.s32 @!p2 $0xE0, s11;
	s20 =	simm.s32 @!p2 $0x11000  }
0x82: {  	[hbm4b:s19+s13] =	stream.linear.scatter @!p2 [tilespmem:s20], [sflag:$0x2], $0x80, $0x38;
	[tilespmem:$0x11200] =	vst v63  }
0x83: {  	s11 =	sadd.s32 @!p2 $0xF0, s11;
	s19 =	simm.s32 @!p2 $0x11100  }
0x84: {  	[hbm4b:s11+s13] =	stream.linear.scatter @!p2 [tilespmem:s19], [sflag:$0x2], $0x80, $0x38;
	[tilespmem:$0x11200] =	vst v63  }
0x85: {  	s19 =	sadd.s32 s18, s6  }
0x86: {  	s13 =	sadd.s32 $0x80, s19  }
0x87: {  	p2 =	sgt.u32 @!p1 s13, $0x4E2FF  }
0x88: {  	p1 =	por p2, p1  }
0x89: {  	s11 =	simm.s32 @!p1 $0x3  }
0x8a: {  	_ =	swait.ge @!p1 [sflag:s11], $0x800  }
0x8b: {  	[sflag:s11] =	ssyncset.done @!p1 $0x0  }
0x8c: {  	s21 =	sshll.u32 s13, $0x1;
	[sflag:s11] =	ssyncadd.s32 @!p1 $0xFFFFF800;
	s11 =	simm.s32 $0x4200  }
0x8d: {  	[tilespmem:s11], [sflag:$0x1] =	stream.indirect.gather [hbm4b:s4+s16], $0x80, s16, s16, $0xb8;
	[tilespmem:$0x11200] =	vst v63  }
0x8e: {  	s25 =	simm.s32 $0xC200;
	s20 =	simm.s32 $0x180;
	s18 =	sand.u32 $0x1FFFFF00, s21  }
0x8f: {  	[tilespmem:s25], [sflag:$0x1] =	stream.indirect.gather [hbm4b:s5+s16], $0x80, s20, s16, $0xb8;
	[tilespmem:$0x11200] =	vst v63  }
0x90: {  	s21 =	simm.s32 $0x10280;
	s19 =	sadd.s32 s7, s18;
	s20 =	simm.s32 $0x0  }
0x91: {  	[tilespmem:s21], [sflag:$0x4] =	stream.linear.gather [hbm4b:s19+s20], $0x80, $0x38;
	[tilespmem:$0x11200] =	vst v63  }
0x92: {  	s29 =	simm.s32 $0x10380;
	s26 =	sadd.s32 $0x10, s19  }
0x93: {  	[tilespmem:s29], [sflag:$0x4] =	stream.linear.gather [hbm4b:s26+s20], $0x80, $0x38;
	[tilespmem:$0x11200] =	vst v63  }
0x94: {  	s26 =	sadd.s32 $0x20, s19;
	s29 =	simm.s32 $0x10480  }
0x95: {  	[tilespmem:s29], [sflag:$0x4] =	stream.linear.gather [hbm4b:s26+s20], $0x80, $0x38;
	[tilespmem:$0x11200] =	vst v63  }
0x96: {  	s26 =	sadd.s32 $0x30, s19;
	s29 =	simm.s32 $0x10580  }
0x97: {  	[tilespmem:s29], [sflag:$0x4] =	stream.linear.gather [hbm4b:s26+s20], $0x80, $0x38;
	[tilespmem:$0x11200] =	vst v63  }
0x98: {  	s26 =	sadd.s32 $0x40, s19;
	s29 =	simm.s32 $0x10680  }
0x99: {  	[tilespmem:s29], [sflag:$0x4] =	stream.linear.gather [hbm4b:s26+s20], $0x80, $0x38;
	[tilespmem:$0x11200] =	vst v63  }
0x9a: {  	s26 =	sadd.s32 $0x50, s19;
	s29 =	simm.s32 $0x10780  }
0x9b: {  	[tilespmem:s29], [sflag:$0x4] =	stream.linear.gather [hbm4b:s26+s20], $0x80, $0x38;
	[tilespmem:$0x11200] =	vst v63  }
0x9c: {  	s26 =	sadd.s32 $0x60, s19;
	s29 =	simm.s32 $0x10880  }
0x9d: {  	[tilespmem:s29], [sflag:$0x4] =	stream.linear.gather [hbm4b:s26+s20], $0x80, $0x38;
	[tilespmem:$0x11200] =	vst v63  }
0x9e: {  	s26 =	sadd.s32 $0x70, s19;
	s29 =	simm.s32 $0x10980  }
0x9f: {  	[tilespmem:s29], [sflag:$0x4] =	stream.linear.gather [hbm4b:s26+s20], $0x80, $0x38;
	[tilespmem:$0x11200] =	vst v63  }
0xa0: {  	s26 =	sadd.s32 $0x80, s19;
	s29 =	simm.s32 $0x10A80  }
0xa1: {  	[tilespmem:s29], [sflag:$0x4] =	stream.linear.gather [hbm4b:s26+s20], $0x80, $0x38;
	[tilespmem:$0x11200] =	vst v63  }
0xa2: {  	s26 =	sadd.s32 $0x90, s19;
	s29 =	simm.s32 $0x10B80  }
0xa3: {  	[tilespmem:s29], [sflag:$0x4] =	stream.linear.gather [hbm4b:s26+s20], $0x80, $0x38;
	[tilespmem:$0x11200] =	vst v63  }
0xa4: {  	s26 =	sadd.s32 $0xA0, s19;
	s29 =	simm.s32 $0x10C80  }
0xa5: {  	[tilespmem:s29], [sflag:$0x4] =	stream.linear.gather [hbm4b:s26+s20], $0x80, $0x38;
	[tilespmem:$0x11200] =	vst v63  }
0xa6: {  	s26 =	sadd.s32 $0xB0, s19  }
0xa7: {  	[tilespmem:s12], [sflag:$0x4] =	stream.linear.gather [hbm4b:s26+s20], $0x80, $0x38;
	[tilespmem:$0x11200] =	vst v63  }
0xa8: {  	s29 =	sadd.s32 $0xC0, s19  }
0xa9: {  	[tilespmem:s22], [sflag:$0x4] =	stream.linear.gather [hbm4b:s29+s20], $0x80, $0x38;
	[tilespmem:$0x11200] =	vst v63  }
0xaa: {  	s26 =	sadd.s32 $0xD0, s19  }
0xab: {  	[tilespmem:s17], [sflag:$0x4] =	stream.linear.gather [hbm4b:s26+s20], $0x80, $0x38;
	[tilespmem:$0x11200] =	vst v63  }
0xac: {  	s29 =	sadd.s32 $0xE0, s19  }
0xad: {  	[tilespmem:s23], [sflag:$0x4] =	stream.linear.gather [hbm4b:s29+s20], $0x80, $0x38;
	[tilespmem:$0x11200] =	vst v63  }
0xae: {  	s19 =	sadd.s32 $0xF0, s19  }
0xaf: {  	[tilespmem:s10], [sflag:$0x4] =	stream.linear.gather [hbm4b:s19+s20], $0x80, $0x38;
	[tilespmem:$0x11200] =	vst v63  }
0xb0: {  	_ =	swait.ge [sflag:s14], $0x800  }
0xb1: {  	[sflag:s14] =	ssyncset.done $0x0  }
0xb2: {  	[sflag:s14] =	ssyncadd.s32 $0xFFFFF800  }
0xb3: {  	_ =	swait.ge [sflag:s9], $0x4000  }
0xb4: {  	[sflag:s9] =	ssyncset.done $0x0  }
0xb5: {  	[sflag:s9] =	ssyncadd.s32 $0xFFFFC000  }
0xb6: {  	_ =	swait.ge [sflag:s9], $0x4000  }
0xb7: {  	[sflag:s9] =	ssyncset.done $0x0  }
0xb8: {  	s21 =	sand.u32 $0x70, s20;
	s20 =	sand.u32 $0xF00, s20;
	[sflag:s9] =	ssyncadd.s32 $0xFFFFC000  }
0xb9: {  	s26 =	sor.u32 s21, s20;
	v61 =	vld [tilespmem:s11+$0x0]  }
0xba: {  	v62 =	vld [tilespmem:s26+$0x10280];
	_ =	sdelay $0x1  }
0xbb: {  	v63 =	vld [tilespmem:s25+$0x0];
	_ =	sdelay $0x2  }
0xbc: {  	v0 =	vadd.f32 v61, v62;
	_ =	sdelay $0x1  }
0xbd: {  	v0 =	vadd.f32 v63, v0  }
0xbe: {  	s29 =	simm.s32 $0x10;
	s19 =	simm.s32 $0x4280;
	s11 =	simm.s32 $0x20  }
0xbf: {  	s20 =	sand.u32 $0x70, s29;
	s28 =	sand.u32 $0xF00, s11;
	[tilespmem:s26+$0x10280] =	vst v0;
	s26 =	simm.s32 $0x20  }
.LBB2_5:
0xc0: {  	p1 =	sne.s32 s26, $0x7F0;
	s21 =	sor.u32 s20, s28;
	v0 =	vld [tilespmem:s19+$0x0]  }
0xc1: {  	v1 =	vld [tilespmem:s21+$0x10280]  }
0xc2: {  	s25 =	sadd.s32 $0x80, s25  }
0xc3: {  	v2 =	vld [tilespmem:s25+$0x0];
	_ =	sdelay $0x2  }
.Ltmp1:
0xc4: {  	v0 =	vadd.f32 v0, v1;
	(pc) =	sbr.rel @p1 .LBB2_5-.Ltmp1, $4  }
0xc5: {  	_ = 	snop  }
0xc6: {  	v0 =	vadd.f32 v2, v0  }
0xc7: {  	s19 =	sadd.s32 $0x80, s19;
	s11 =	sadd.s32 $0x20, s11  }
0xc8: {  	s20 =	sand.u32 $0x70, s26;
	s26 =	sadd.s32 $0x10, s26;
	s28 =	sand.u32 $0xF00, s11;
	[tilespmem:s21+$0x10280] =	vst v0  }
0xc9: {  	s11 =	sor.u32 s20, s28;
	v0 =	vld [tilespmem:s19+$0x0]  }
0xca: {  	v1 =	vld [tilespmem:s11+$0x10280]  }
0xcb: {  	s29 =	sadd.s32 $0x80, s25  }
0xcc: {  	v2 =	vld [tilespmem:s29+$0x0];
	_ =	sdelay $0x2  }
0xcd: {  	v0 =	vadd.f32 v0, v1;
	_ =	sdelay $0x1  }
0xce: {  	v0 =	vadd.f32 v2, v0  }
0xcf: {  	p1 =	sgt.u32 s13, $0x4E1FF  }
0xd0: {  	s13 =	simm.s32 @!p1 $0x0;
	[tilespmem:s11+$0x10280] =	vst v0;
	s11 =	sadd.s32 @!p1 s2, s18;
	s18 =	simm.s32 @!p1 $0x10280  }
0xd1: {  	[hbm4b:s11+s13] =	stream.linear.scatter @!p1 [tilespmem:s18], [sflag:$0x3], $0x80, $0x38;
	[tilespmem:$0x11200] =	vst v63  }
0xd2: {  	s19 =	simm.s32 @!p1 $0x10380;
	s18 =	sadd.s32 @!p1 $0x10, s11  }
0xd3: {  	[hbm4b:s18+s13] =	stream.linear.scatter @!p1 [tilespmem:s19], [sflag:$0x3], $0x80, $0x38;
	[tilespmem:$0x11200] =	vst v63  }
0xd4: {  	s18 =	sadd.s32 @!p1 $0x20, s11;
	s19 =	simm.s32 @!p1 $0x10480  }
0xd5: {  	[hbm4b:s18+s13] =	stream.linear.scatter @!p1 [tilespmem:s19], [sflag:$0x3], $0x80, $0x38;
	[tilespmem:$0x11200] =	vst v63  }
0xd6: {  	s18 =	sadd.s32 @!p1 $0x30, s11;
	s19 =	simm.s32 @!p1 $0x10580  }
0xd7: {  	[hbm4b:s18+s13] =	stream.linear.scatter @!p1 [tilespmem:s19], [sflag:$0x3], $0x80, $0x38;
	[tilespmem:$0x11200] =	vst v63  }
0xd8: {  	s18 =	sadd.s32 @!p1 $0x40, s11;
	s19 =	simm.s32 @!p1 $0x10680  }
0xd9: {  	[hbm4b:s18+s13] =	stream.linear.scatter @!p1 [tilespmem:s19], [sflag:$0x3], $0x80, $0x38;
	[tilespmem:$0x11200] =	vst v63  }
0xda: {  	s18 =	sadd.s32 @!p1 $0x50, s11;
	s19 =	simm.s32 @!p1 $0x10780  }
0xdb: {  	[hbm4b:s18+s13] =	stream.linear.scatter @!p1 [tilespmem:s19], [sflag:$0x3], $0x80, $0x38;
	[tilespmem:$0x11200] =	vst v63  }
0xdc: {  	s18 =	sadd.s32 @!p1 $0x60, s11;
	s19 =	simm.s32 @!p1 $0x10880  }
0xdd: {  	[hbm4b:s18+s13] =	stream.linear.scatter @!p1 [tilespmem:s19], [sflag:$0x3], $0x80, $0x38;
	[tilespmem:$0x11200] =	vst v63  }
0xde: {  	s18 =	sadd.s32 @!p1 $0x70, s11;
	s19 =	simm.s32 @!p1 $0x10980  }
0xdf: {  	[hbm4b:s18+s13] =	stream.linear.scatter @!p1 [tilespmem:s19], [sflag:$0x3], $0x80, $0x38;
	[tilespmem:$0x11200] =	vst v63  }
0xe0: {  	s18 =	sadd.s32 @!p1 $0x80, s11;
	s19 =	simm.s32 @!p1 $0x10A80  }
0xe1: {  	[hbm4b:s18+s13] =	stream.linear.scatter @!p1 [tilespmem:s19], [sflag:$0x3], $0x80, $0x38;
	[tilespmem:$0x11200] =	vst v63  }
0xe2: {  	s18 =	sadd.s32 @!p1 $0x90, s11;
	s19 =	simm.s32 @!p1 $0x10B80  }
0xe3: {  	[hbm4b:s18+s13] =	stream.linear.scatter @!p1 [tilespmem:s19], [sflag:$0x3], $0x80, $0x38;
	[tilespmem:$0x11200] =	vst v63  }
0xe4: {  	s18 =	sadd.s32 @!p1 $0xA0, s11;
	s19 =	simm.s32 @!p1 $0x10C80  }
0xe5: {  	[hbm4b:s18+s13] =	stream.linear.scatter @!p1 [tilespmem:s19], [sflag:$0x3], $0x80, $0x38;
	[tilespmem:$0x11200] =	vst v63  }
0xe6: {  	s18 =	sadd.s32 @!p1 $0xB0, s11;
	s19 =	simm.s32 @!p1 $0x10D80  }
0xe7: {  	[hbm4b:s18+s13] =	stream.linear.scatter @!p1 [tilespmem:s19], [sflag:$0x3], $0x80, $0x38;
	[tilespmem:$0x11200] =	vst v63  }
0xe8: {  	s18 =	sadd.s32 @!p1 $0xC0, s11;
	s19 =	simm.s32 @!p1 $0x10E80  }
0xe9: {  	[hbm4b:s18+s13] =	stream.linear.scatter @!p1 [tilespmem:s19], [sflag:$0x3], $0x80, $0x38;
	[tilespmem:$0x11200] =	vst v63  }
0xea: {  	s18 =	sadd.s32 @!p1 $0xD0, s11;
	s19 =	simm.s32 @!p1 $0x10F80  }
0xeb: {  	[hbm4b:s18+s13] =	stream.linear.scatter @!p1 [tilespmem:s19], [sflag:$0x3], $0x80, $0x38;
	[tilespmem:$0x11200] =	vst v63  }
0xec: {  	s18 =	sadd.s32 @!p1 $0xE0, s11;
	s19 =	simm.s32 @!p1 $0x11080  }
0xed: {  	[hbm4b:s18+s13] =	stream.linear.scatter @!p1 [tilespmem:s19], [sflag:$0x3], $0x80, $0x38;
	[tilespmem:$0x11200] =	vst v63  }
0xee: {  	s24 =	sadd.s32 $0x1, s24;
	s11 =	sadd.s32 @!p1 $0xF0, s11;
	s18 =	simm.s32 @!p1 $0x11180  }
0xef: {  	[hbm4b:s11+s13] =	stream.linear.scatter @!p1 [tilespmem:s18], [sflag:$0x3], $0x80, $0x38;
	[tilespmem:$0x11200] =	vst v63  }
0xf0: {  	p1 =	sne.s32 s24, $0x27  }
.Ltmp2:
0xf1: {  	_ = 	snop;
	(pc) =	sbr.rel @p1 .LBB2_2-.Ltmp2, $1  }
0xf2: {  	_ =	sdelay $0x3  }
0xf3: {  	s11 =	rddreg [dreg:$0x3]  }
0xf4: {  	[tilespmem:s3], [sflag:$0x4] =	stream.linear.gather [hbm4b:s11+s3], $0x80, $0x38;
	[tilespmem:$0x11200] =	vst v63  }
0xf5: {  	_ =	swait.ge [sflag:s14], $0x80  }
0xf6: {  	[sflag:s14] =	ssyncset.done $0x0  }
0xf7: {  	s25 =	rddreg [dreg:$0x4];
	[sflag:s14] =	ssyncadd.s32 $0xFFFFFF80  }
0xf8: {  	[tilespmem:s15], [sflag:$0x4] =	stream.linear.gather [hbm4b:s25+s3], $0x80, $0x38;
	[tilespmem:$0x11200] =	vst v63  }
0xf9: {  	_ =	swait.ge [sflag:s14], $0x80  }
0xfa: {  	[sflag:s14] =	ssyncset.done $0x0  }
0xfb: {  	s11 =	simm.s32 @!p0 $0x2;
	[sflag:s14] =	ssyncadd.s32 $0xFFFFFF80  }
0xfc: {  	_ =	swait.ge @!p0 [sflag:s11], $0x800  }
0xfd: {  	[sflag:s11] =	ssyncset.done @!p0 $0x0  }
0xfe: {  	s18 =	simm.s32 $0x200;
	[sflag:s11] =	ssyncadd.s32 @!p0 $0xFFFFF800;
	s11 =	simm.s32 $0x0  }
0xff: {  	[tilespmem:s18], [sflag:$0x1] =	stream.indirect.gather [hbm4b:s4+s16], $0x80, s11, s16, $0xb8;
	[tilespmem:$0x11200] =	vst v63  }
0x100: {  	s13 =	simm.s32 $0x8200  }
0x101: {  	[tilespmem:s13], [sflag:$0x1] =	stream.indirect.gather [hbm4b:s5+s16], $0x80, s15, s16, $0xb8;
	[tilespmem:$0x11200] =	vst v63  }
0x102: {  	s19 =	simm.s32 $0x10200;
	s20 =	rddreg [dreg:$0x5]  }
0x103: {  	[tilespmem:s19], [sflag:$0x4] =	stream.linear.gather [hbm4b:s20+s11], $0x80, $0x38;
	[tilespmem:$0x11200] =	vst v63  }
0x104: {  	s21 =	simm.s32 $0x10300;
	s26 =	sadd.s32 $0x10, s20  }
0x105: {  	[tilespmem:s21], [sflag:$0x4] =	stream.linear.gather [hbm4b:s26+s11], $0x80, $0x38;
	[tilespmem:$0x11200] =	vst v63  }
0x106: {  	s29 =	simm.s32 $0x10400;
	s28 =	sadd.s32 $0x20, s20  }
0x107: {  	[tilespmem:s29], [sflag:$0x4] =	stream.linear.gather [hbm4b:s28+s11], $0x80, $0x38;
	[tilespmem:$0x11200] =	vst v63  }
0x108: {  	s24 =	simm.s32 $0x10500;
	s21 =	sadd.s32 $0x30, s20  }
0x109: {  	[tilespmem:s24], [sflag:$0x4] =	stream.linear.gather [hbm4b:s21+s11], $0x80, $0x38;
	[tilespmem:$0x11200] =	vst v63  }
0x10a: {  	s25 =	sadd.s32 $0x40, s20;
	s26 =	simm.s32 $0x10600  }
0x10b: {  	[tilespmem:s26], [sflag:$0x4] =	stream.linear.gather [hbm4b:s25+s11], $0x80, $0x38;
	[tilespmem:$0x11200] =	vst v63  }
0x10c: {  	s28 =	sadd.s32 $0x50, s20;
	s29 =	simm.s32 $0x10700  }
0x10d: {  	[tilespmem:s29], [sflag:$0x4] =	stream.linear.gather [hbm4b:s28+s11], $0x80, $0x38;
	[tilespmem:$0x11200] =	vst v63  }
0x10e: {  	s21 =	sadd.s32 $0x60, s20;
	s24 =	simm.s32 $0x10800  }
0x10f: {  	[tilespmem:s24], [sflag:$0x4] =	stream.linear.gather [hbm4b:s21+s11], $0x80, $0x38;
	[tilespmem:$0x11200] =	vst v63  }
0x110: {  	s25 =	sadd.s32 $0x70, s20;
	s26 =	simm.s32 $0x10900  }
0x111: {  	[tilespmem:s26], [sflag:$0x4] =	stream.linear.gather [hbm4b:s25+s11], $0x80, $0x38;
	[tilespmem:$0x11200] =	vst v63  }
0x112: {  	s28 =	sadd.s32 $0x80, s20;
	s29 =	simm.s32 $0x10A00  }
0x113: {  	[tilespmem:s29], [sflag:$0x4] =	stream.linear.gather [hbm4b:s28+s11], $0x80, $0x38;
	[tilespmem:$0x11200] =	vst v63  }
0x114: {  	s21 =	sadd.s32 $0x90, s20;
	s24 =	simm.s32 $0x10B00  }
0x115: {  	[tilespmem:s24], [sflag:$0x4] =	stream.linear.gather [hbm4b:s21+s11], $0x80, $0x38;
	[tilespmem:$0x11200] =	vst v63  }
0x116: {  	s25 =	sadd.s32 $0xA0, s20;
	s26 =	simm.s32 $0x10C00  }
0x117: {  	[tilespmem:s26], [sflag:$0x4] =	stream.linear.gather [hbm4b:s25+s11], $0x80, $0x38;
	[tilespmem:$0x11200] =	vst v63  }
0x118: {  	s28 =	sadd.s32 $0xB0, s20;
	s29 =	simm.s32 $0x10D00  }
0x119: {  	[tilespmem:s29], [sflag:$0x4] =	stream.linear.gather [hbm4b:s28+s11], $0x80, $0x38;
	[tilespmem:$0x11200] =	vst v63  }
0x11a: {  	s21 =	sadd.s32 $0xC0, s20  }
0x11b: {  	[tilespmem:s30], [sflag:$0x4] =	stream.linear.gather [hbm4b:s21+s11], $0x80, $0x38;
	[tilespmem:$0x11200] =	vst v63  }
0x11c: {  	s24 =	sadd.s32 $0xD0, s20  }
0x11d: {  	[tilespmem:s31], [sflag:$0x4] =	stream.linear.gather [hbm4b:s24+s11], $0x80, $0x38;
	[tilespmem:$0x11200] =	vst v63  }
0x11e: {  	s25 =	sadd.s32 $0xE0, s20  }
0x11f: {  	[tilespmem:s0], [sflag:$0x4] =	stream.linear.gather [hbm4b:s25+s11], $0x80, $0x38;
	[tilespmem:$0x11200] =	vst v63  }
0x120: {  	s26 =	sadd.s32 $0xF0, s20  }
0x121: {  	[tilespmem:s1], [sflag:$0x4] =	stream.linear.gather [hbm4b:s26+s11], $0x80, $0x38;
	[tilespmem:$0x11200] =	vst v63  }
0x122: {  	_ =	swait.ge [sflag:s14], $0x800  }
0x123: {  	[sflag:s14] =	ssyncset.done $0x0  }
0x124: {  	[sflag:s14] =	ssyncadd.s32 $0xFFFFF800  }
0x125: {  	_ =	swait.ge [sflag:s9], $0x4000  }
0x126: {  	[sflag:s9] =	ssyncset.done $0x0  }
0x127: {  	[sflag:s9] =	ssyncadd.s32 $0xFFFFC000  }
0x128: {  	_ =	swait.ge [sflag:s9], $0x4000  }
0x129: {  	[sflag:s9] =	ssyncset.done $0x0  }
0x12a: {  	s28 =	sand.u32 $0x70, s11;
	s11 =	sand.u32 $0xF00, s11;
	[sflag:s9] =	ssyncadd.s32 $0xFFFFC000  }
0x12b: {  	s19 =	sor.u32 s28, s11;
	v0 =	vld [tilespmem:s18+$0x0]  }
0x12c: {  	v1 =	vld [tilespmem:s19+$0x10200];
	_ =	sdelay $0x1  }
0x12d: {  	v2 =	vld [tilespmem:s13+$0x0];
	_ =	sdelay $0x2  }
0x12e: {  	v0 =	vadd.f32 v0, v1;
	_ =	sdelay $0x1  }
0x12f: {  	s29 =	simm.s32 $0x10;
	v0 =	vadd.f32 v2, v0  }
0x130: {  	s20 =	sand.u32 $0x70, s29;
	s11 =	simm.s32 $0x20  }
0x131: {  	s24 =	sand.u32 $0xF00, s11;
	s18 =	simm.s32 $0x280;
	[tilespmem:s19+$0x10200] =	vst v0;
	s19 =	simm.s32 $0x20  }
.LBB2_8:
0x132: {  	p1 =	sne.s32 s19, $0x7F0;
	s21 =	sor.u32 s20, s24;
	v0 =	vld [tilespmem:s18+$0x0]  }
0x133: {  	v1 =	vld [tilespmem:s21+$0x10200]  }
0x134: {  	s13 =	sadd.s32 $0x80, s13  }
0x135: {  	v2 =	vld [tilespmem:s13+$0x0];
	_ =	sdelay $0x2  }
.Ltmp3:
0x136: {  	v0 =	vadd.f32 v0, v1;
	(pc) =	sbr.rel @p1 .LBB2_8-.Ltmp3, $4  }
0x137: {  	_ = 	snop  }
0x138: {  	v0 =	vadd.f32 v2, v0  }
0x139: {  	s18 =	sadd.s32 $0x80, s18;
	s11 =	sadd.s32 $0x20, s11  }
0x13a: {  	s20 =	sand.u32 $0x70, s19;
	s19 =	sadd.s32 $0x10, s19;
	s24 =	sand.u32 $0xF00, s11;
	[tilespmem:s21+$0x10200] =	vst v0  }
0x13b: {  	s11 =	sor.u32 s20, s24;
	v0 =	vld [tilespmem:s18+$0x0]  }
0x13c: {  	v1 =	vld [tilespmem:s11+$0x10200]  }
0x13d: {  	s13 =	sadd.s32 $0x80, s13  }
0x13e: {  	v2 =	vld [tilespmem:s13+$0x0];
	_ =	sdelay $0x2  }
0x13f: {  	v0 =	vadd.f32 v0, v1;
	_ =	sdelay $0x1  }
0x140: {  	v0 =	vadd.f32 v2, v0;
	_ =	sdelay $0x1  }
0x141: {  	s19 =	rddreg [dreg:$0x6];
	s13 =	simm.s32 @!p0 $0x10200;
	[tilespmem:s11+$0x10200] =	vst v0;
	s11 =	simm.s32 @!p0 $0x0  }
0x142: {  	[hbm4b:s19+s11] =	stream.linear.scatter @!p0 [tilespmem:s13], [sflag:$0x2], $0x80, $0x38;
	[tilespmem:$0x11200] =	vst v63  }
0x143: {  	s18 =	simm.s32 @!p0 $0x10300;
	s13 =	sadd.s32 @!p0 $0x10, s19  }
0x144: {  	[hbm4b:s13+s11] =	stream.linear.scatter @!p0 [tilespmem:s18], [sflag:$0x2], $0x80, $0x38;
	[tilespmem:$0x11200] =	vst v63  }
0x145: {  	s13 =	sadd.s32 @!p0 $0x20, s19;
	s18 =	simm.s32 @!p0 $0x10400  }
0x146: {  	[hbm4b:s13+s11] =	stream.linear.scatter @!p0 [tilespmem:s18], [sflag:$0x2], $0x80, $0x38;
	[tilespmem:$0x11200] =	vst v63  }
0x147: {  	s13 =	sadd.s32 @!p0 $0x30, s19;
	s18 =	simm.s32 @!p0 $0x10500  }
0x148: {  	[hbm4b:s13+s11] =	stream.linear.scatter @!p0 [tilespmem:s18], [sflag:$0x2], $0x80, $0x38;
	[tilespmem:$0x11200] =	vst v63  }
0x149: {  	s13 =	sadd.s32 @!p0 $0x40, s19;
	s18 =	simm.s32 @!p0 $0x10600  }
0x14a: {  	[hbm4b:s13+s11] =	stream.linear.scatter @!p0 [tilespmem:s18], [sflag:$0x2], $0x80, $0x38;
	[tilespmem:$0x11200] =	vst v63  }
0x14b: {  	s13 =	sadd.s32 @!p0 $0x50, s19;
	s18 =	simm.s32 @!p0 $0x10700  }
0x14c: {  	[hbm4b:s13+s11] =	stream.linear.scatter @!p0 [tilespmem:s18], [sflag:$0x2], $0x80, $0x38;
	[tilespmem:$0x11200] =	vst v63  }
0x14d: {  	s13 =	sadd.s32 @!p0 $0x60, s19;
	s18 =	simm.s32 @!p0 $0x10800  }
0x14e: {  	[hbm4b:s13+s11] =	stream.linear.scatter @!p0 [tilespmem:s18], [sflag:$0x2], $0x80, $0x38;
	[tilespmem:$0x11200] =	vst v63  }
0x14f: {  	s13 =	sadd.s32 @!p0 $0x70, s19;
	s18 =	simm.s32 @!p0 $0x10900  }
0x150: {  	[hbm4b:s13+s11] =	stream.linear.scatter @!p0 [tilespmem:s18], [sflag:$0x2], $0x80, $0x38;
	[tilespmem:$0x11200] =	vst v63  }
0x151: {  	s13 =	sadd.s32 @!p0 $0x80, s19;
	s18 =	simm.s32 @!p0 $0x10A00  }
0x152: {  	[hbm4b:s13+s11] =	stream.linear.scatter @!p0 [tilespmem:s18], [sflag:$0x2], $0x80, $0x38;
	[tilespmem:$0x11200] =	vst v63  }
0x153: {  	s13 =	sadd.s32 @!p0 $0x90, s19;
	s18 =	simm.s32 @!p0 $0x10B00  }
0x154: {  	[hbm4b:s13+s11] =	stream.linear.scatter @!p0 [tilespmem:s18], [sflag:$0x2], $0x80, $0x38;
	[tilespmem:$0x11200] =	vst v63  }
0x155: {  	s13 =	sadd.s32 @!p0 $0xA0, s19;
	s18 =	simm.s32 @!p0 $0x10C00  }
0x156: {  	[hbm4b:s13+s11] =	stream.linear.scatter @!p0 [tilespmem:s18], [sflag:$0x2], $0x80, $0x38;
	[tilespmem:$0x11200] =	vst v63  }
0x157: {  	s13 =	sadd.s32 @!p0 $0xB0, s19;
	s18 =	simm.s32 @!p0 $0x10D00  }
0x158: {  	[hbm4b:s13+s11] =	stream.linear.scatter @!p0 [tilespmem:s18], [sflag:$0x2], $0x80, $0x38;
	[tilespmem:$0x11200] =	vst v63  }
0x159: {  	s13 =	sadd.s32 @!p0 $0xC0, s19;
	s18 =	simm.s32 @!p0 $0x10E00  }
0x15a: {  	[hbm4b:s13+s11] =	stream.linear.scatter @!p0 [tilespmem:s18], [sflag:$0x2], $0x80, $0x38;
	[tilespmem:$0x11200] =	vst v63  }
0x15b: {  	s13 =	sadd.s32 @!p0 $0xD0, s19;
	s18 =	simm.s32 @!p0 $0x10F00  }
0x15c: {  	[hbm4b:s13+s11] =	stream.linear.scatter @!p0 [tilespmem:s18], [sflag:$0x2], $0x80, $0x38;
	[tilespmem:$0x11200] =	vst v63  }
0x15d: {  	s13 =	sadd.s32 @!p0 $0xE0, s19;
	s18 =	simm.s32 @!p0 $0x11000  }
0x15e: {  	[hbm4b:s13+s11] =	stream.linear.scatter @!p0 [tilespmem:s18], [sflag:$0x2], $0x80, $0x38;
	[tilespmem:$0x11200] =	vst v63  }
0x15f: {  	s13 =	sadd.s32 @!p0 $0xF0, s19;
	s18 =	simm.s32 @!p0 $0x11100  }
0x160: {  	[hbm4b:s13+s11] =	stream.linear.scatter @!p0 [tilespmem:s18], [sflag:$0x2], $0x80, $0x38;
	[tilespmem:$0x11200] =	vst v63  }
0x161: {  	s11 =	simm.s32 @!p0 $0x2  }
0x162: {  	_ =	swait.ge @!p0 [sflag:s11], $0x800  }
0x163: {  	[sflag:s11] =	ssyncset.done @!p0 $0x0  }
0x164: {  	[sflag:s11] =	ssyncadd.s32 @!p0 $0xFFFFF800;
	s11 =	simm.s32 @!p0 $0x3  }
0x165: {  	_ =	swait.ge @!p0 [sflag:s11], $0x800  }
0x166: {  	s28 =	rddreg [dreg:$0x8]  }
0x167: {  	s29 =	rddreg [dreg:$0x7];
	s18 =	sadd.s32 $0x1, s28  }
0x168: {  	p1 =	sne.s32 s18, s29  }
.Ltmp4:
0x169: {  	_ = 	snop;
	(pc) =	sbr.rel @p1 .LBB2_1-.Ltmp4, $3  }
0x16a: {  	_ =	sdelay $0x1  }
0x16b: {  	[sflag:s11] =	ssyncset.done @!p0 $0x0  }
0x16c: {  	[sflag:s11] =	ssyncadd.s32 @!p0 $0xFFFFF800  }
0x16d: {  	_ =	sfence.sel $0x180000  }
0x16e: {  	[bflag:$0x0] =	sbarrier.arrive $0xFFFF  }
0x16f: {  	_ =	strace $0x9000004A  }
0x170: {  	s0 =	stileid.u32;
	[bflag:$0x2] =	sbarrier.arrive $0xFFFF  }
0x171: {  	p0 =	sne.s32 s0, $0x0;
	s0 =	rddreg [dreg:$0x2]  }
0x172: {  	s0 =	sadd.s32 @!p0 $0x100000, s0  }
0x173: {  	[sflag:s0] =	ssyncadd.tile.s32 @!p0 $0x1;
	_ =	shalt  }
.Lfunc_end2:
_tile_overlayer_lowered:
.L_overlay_start_2:
0x174: {  	(tag) =	ssettag $0x2  }
0x175: {  	s0 =	rddreg [dreg:$0x0];
	s2 =	stileid.u32  }
0x176: {  	s1 =	rddreg [dreg:$0x1];
	p0 =	sne.s32 s2, $0x0  }
0x177: {  	s3 =	rddreg [dreg:$0x2];
	[bflag:$0x3] =	sbarrier.arrive $0xFFFF;
	s2 =	simm.s32 @!p0 $0x1C04  }
0x178: {  	[timem:s3], [sflag:s2] =	dma.local @!p0 [hbm:s0], s1  }
0x179: {  	s0 =	simm.s32 @!p0 $0x4  }
0x17a: {  	_ =	swait.ge @!p0 [sflag:s0], s1  }
0x17b: {  	s1 =	ssub.s32 @!p0 $0x0, s1;
	[sflag:s0] =	ssyncset.done @!p0 $0x0  }
0x17c: {  	[sflag:s0] =	ssyncadd.s32 @!p0 s1  }
0x17d: {  	[bflag:$0x3] =	sbarrier.arrive $0xFFFF  }
0x17e: {  	_ =	shalt  }

// kernel: kernel.9.cloned.1.call-start
scs
__scs_entry_jumppad:
0x0: {  	(pc) =	sbr.rel $0x88, $3  }
0x1: {  	(tag) =	ssettag $0x0;
	lr =	simm.s32 $0x1  }
0x2: {  	[smem:$0x3F97] =	sst lr;
	_ =	strace $0xD0000000  }
0x3: {  	_ = 	snop  }
0x4: {  	_ = 	snop  }
0x5: {  	_ = 	snop  }
0x6: {  	_ = 	snop  }
0x7: {  	_ = 	snop  }
__scs_overlays_trampoline_lowered:
0x8: {  	[smem:$0x3FA6] =	sst s0  }
0x9: {  	[smem:$0x3FA7] =	sst s1  }
0xa: {  	[smem:$0x3FA8] =	sst s2  }
0xb: {  	[smem:$0x3FA9] =	sst s3  }
0xc: {  	[smem:$0x3FAA] =	sst s4  }
0xd: {  	[smem:$0x3FAB] =	sst s5  }
0xe: {  	[smem:$0x3FAC] =	sst s6  }
0xf: {  	[smem:$0x3FAD] =	sst s7  }
0x10: {  	[smem:$0x3FAE] =	sst s8  }
0x11: {  	[smem:$0x3FAF] =	sst s9;
	s0 =	simm.s32 @!p0 $0x0  }
0x12: {  	s1 =	sld [smem:$0x3F95];
	s0 =	simm.s32 @p0 $0x1  }
0x13: {  	[smem:$0x3FB0] =	sst s0;
	s0 =	simm.s32 @!p1 $0x0  }
0x14: {  	s2 =	sld [smem:$0x3F94];
	s0 =	simm.s32 @p1 $0x1  }
0x15: {  	[smem:$0x3FB1] =	sst s0;
	s0 =	simm.s32 @!p2 $0x0  }
0x16: {  	s3 =	sld [smem:$0x3FDB];
	s0 =	simm.s32 @p2 $0x1  }
0x17: {  	s4 =	simm.s32 $0x1BF5;
	[smem:$0x3FB3] =	sst s0  }
0x18: {  	s0 =	sld [smem:$0x3F96];
	_ =	swait.ge [sflag:s4], $0x0  }
0x19: {  	s7 =	sld [smem:$0x3F97]  }
0x1a: {  	s8 =	sadd.s32 $0xFFFFE003, lr  }
0x1b: {  	s9 =	sadd.s32 $0xFFFFFEF7, lr;
	s5 =	simm.s32 $0xFFFFFFFF;
	p2 =	slt.u32 s8, $0xFFFFF086  }
0x1c: {  	p1 =	slt.u32 s9, $0xF7A;
	s5 =	simm.s32 @!p2 $0x0  }
0x1d: {  	s5 =	simm.s32 @p1 $0x1;
	p0 =	seq.s32 s7, s2  }
0x1e: {  	s7 =	smul.u32 @!p0 $0xF7A, s2;
	p2 =	seq.s32 @!p0 s5, $0x0  }
0x1f: {  	s9 =	smul.u32 $0xF7A, s1;
	s8 =	simm.s32 @!p0 $0x1BF5;
	p2 =	por !p2, p0  }
0x20: {  	[sflag:s8] =	ssyncset.s32 @!p0 $0xFFFFF086;
	s6 =	sadd.s32 @!p0 s3, s7;
	s7 =	simm.s32 @!p0 $0x108  }
0x21: {  	s3 =	sadd.s32 s3, s9;
	s6 =	sadd.s32 @!p0 $0x88, s6;
	s7 =	simm.s32 @p2 $0x1082  }
0x22: {  	[simem:s7], [sflag:s8] =	dma.local @!p0 [hbm:s6], $0xF7A  }
0x23: {  	s9 =	sor.u32 $0xD0000000, s2;
	s6 =	simm.s32 $0x108;
	_ =	swait.ge @!p0 [sflag:s8], $0x0  }
0x24: {  	s3 =	sadd.s32 $0x88, s3;
	s6 =	simm.s32 @!p1 $0x1082;
	[sflag:s4] =	ssyncset.s32 $0xFFFFF086  }
0x25: {  	[simem:s6], [sflag:s4] =	dma.local [hbm:s3], $0xF7A  }
0x26: {  	[smem:$0x3F97] =	sst s1;
	(tag) =	ssettag s2;
	_ =	strace s9  }
0x27: {  	s1 =	sld [smem:$0x3FA7]  }
0x28: {  	s2 =	sld [smem:$0x3FA8]  }
0x29: {  	s4 =	sld [smem:$0x3FAA]  }
0x2a: {  	p0 =	seq.s32 s5, $0x0;
	s5 =	sld [smem:$0x3FAB]  }
0x2b: {  	s6 =	sld [smem:$0x3FAC]  }
0x2c: {  	s7 =	sld [smem:$0x3FAD]  }
0x2d: {  	s3 =	simm.s32 $0x108;
	s8 =	sld [smem:$0x3FAE]  }
0x2e: {  	s3 =	simm.s32 @!p0 $0x1082;
	s9 =	sld [smem:$0x3FAF]  }
0x2f: {  	lr =	sadd.s32 s0, s3;
	s0 =	sld [smem:$0x3FA6]  }
0x30: {  	s3 =	sld [smem:$0x3FA9]  }
0x31: {  	[smem:$0x3FB2] =	sst s10  }
0x32: {  	s10 =	sld [smem:$0x3FB0];
	_ =	sdelay $0x3  }
0x33: {  	p0 =	seq.s32 s10, $0x1;
	s10 =	sld [smem:$0x3FB2];
	_ =	sdelay $0x3  }
0x34: {  	[smem:$0x3FB2] =	sst s10  }
0x35: {  	s10 =	sld [smem:$0x3FB1];
	_ =	sdelay $0x3  }
0x36: {  	p1 =	seq.s32 s10, $0x1;
	s10 =	sld [smem:$0x3FB2];
	_ =	sdelay $0x3  }
0x37: {  	[smem:$0x3FB2] =	sst s10  }
0x38: {  	s10 =	sld [smem:$0x3FB3]  }
0x39: {  	_ = 	snop;
	(pc) =	sbr.ind lr, $3  }
0x3a: {  	_ = 	snop  }
0x3b: {  	_ = 	snop  }
0x3c: {  	p2 =	seq.s32 s10, $0x1;
	s10 =	sld [smem:$0x3FB2]  }
0x3d: {  	_ =	shalt  }
0x3e: {  	_ =	shalt  }
0x3f: {  	_ =	shalt  }
0x40: {  	_ =	shalt  }
0x41: {  	_ =	shalt  }
0x42: {  	_ =	shalt  }
0x43: {  	_ =	shalt  }
0x44: {  	_ =	shalt  }
0x45: {  	_ =	shalt  }
0x46: {  	_ =	shalt  }
0x47: {  	_ =	shalt  }
0x48: {  	_ =	shalt  }
0x49: {  	_ =	shalt  }
0x4a: {  	_ =	shalt  }
0x4b: {  	_ =	shalt  }
0x4c: {  	_ =	shalt  }
0x4d: {  	_ =	shalt  }
0x4e: {  	_ =	shalt  }
0x4f: {  	_ =	shalt  }
0x50: {  	_ =	shalt  }
0x51: {  	_ =	shalt  }
0x52: {  	_ =	shalt  }
0x53: {  	_ =	shalt  }
0x54: {  	_ =	shalt  }
0x55: {  	_ =	shalt  }
0x56: {  	_ =	shalt  }
0x57: {  	_ =	shalt  }
0x58: {  	_ =	shalt  }
0x59: {  	_ =	shalt  }
0x5a: {  	_ =	shalt  }
0x5b: {  	_ =	shalt  }
0x5c: {  	_ =	shalt  }
0x5d: {  	_ =	shalt  }
0x5e: {  	_ =	shalt  }
0x5f: {  	_ =	shalt  }
0x60: {  	_ =	shalt  }
0x61: {  	_ =	shalt  }
0x62: {  	_ =	shalt  }
0x63: {  	_ =	shalt  }
0x64: {  	_ =	shalt  }
0x65: {  	_ =	shalt  }
0x66: {  	_ =	shalt  }
0x67: {  	_ =	shalt  }
0x68: {  	_ =	shalt  }
0x69: {  	_ =	shalt  }
0x6a: {  	_ =	shalt  }
0x6b: {  	_ =	shalt  }
0x6c: {  	_ =	shalt  }
0x6d: {  	_ =	shalt  }
0x6e: {  	_ =	shalt  }
0x6f: {  	_ =	shalt  }
0x70: {  	_ =	shalt  }
0x71: {  	_ =	shalt  }
0x72: {  	_ =	shalt  }
0x73: {  	_ =	shalt  }
0x74: {  	_ =	shalt  }
0x75: {  	_ =	shalt  }
0x76: {  	_ =	shalt  }
0x77: {  	_ =	shalt  }
0x78: {  	_ =	shalt  }
0x79: {  	_ =	shalt  }
0x7a: {  	_ =	shalt  }
0x7b: {  	_ =	shalt  }
0x7c: {  	_ =	shalt  }
0x7d: {  	_ =	shalt  }
0x7e: {  	_ =	shalt  }
0x7f: {  	_ =	shalt  }
0x80: {  	_ =	shalt  }
0x81: {  	_ =	shalt  }
0x82: {  	_ =	shalt  }
0x83: {  	_ =	shalt  }
0x84: {  	_ =	shalt  }
0x85: {  	_ =	shalt  }
0x86: {  	_ =	shalt  }
0x87: {  	_ =	shalt  }
.Lfunc_end0:
.L_simem_size_0:
called_computation_lowered:
.L_overlay_start_0:
0x88: {  	s2 =	sld [smem:$0x3FD9]  }
0x89: {  	s3 =	sld [smem:$0x3FFE];
	_ =	sdelay $0x1  }
0x8a: {  	s1 =	srdreg.scid  }
0x8b: {  	s0 =	sand.u32 $0x1, s1  }
0x8c: {  	s14 =	sshll.u32 s0, $0xA;
	s2 =	sadd.s32 s3, s2  }
0x8d: {  	s2 =	sadd.s32 s2, s14  }
0x8e: {  	[smem:$0x3FBE] =	sst s2  }
0x8f: {  	_ = 	snop  }
0x90: {  	s2 =	sld [smem:$0x3FD0];
	_ =	sdelay $0x2  }
0x91: {  	s15 =	simm.s32 $0xA;
	s4 =	simm.s32 $0x10  }
0x92: {  	[smem:s4], [sflag:s15] =	dma.local [hbm:s2], $0x1  }
0x93: {  	_ =	swait.eq [sflag:s15], $0x1  }
0x94: {  	[sflag:s15] =	ssyncset.done $0x0  }
0x95: {  	s16 =	sld [smem:$0x11];
	[sflag:s15] =	ssyncadd.s32 $0xFFFFFFFF  }
0x96: {  	s17 =	sld [smem:$0x12];
	(tm) =	ssettm $0x1  }
0x97: {  	s18 =	sld [smem:$0x3FFB];
	_ =	sdelay $0x3  }
0x98: {  	_ =	strace s18  }
0x99: {  	s4 =	sld [smem:$0x3FFC];
	_ =	sdelay $0x3  }
0x9a: {  	_ =	strace s4  }
0x9b: {  	s4 =	sld [smem:$0x3FFD];
	_ =	sdelay $0x3  }
0x9c: {  	_ =	strace s4  }
0x9d: {  	_ =	strace $0x8FFFFFFF  }
0x9e: {  	s19 =	sld [smem:$0x3FDB];
	_ =	sdelay $0x1  }
0x9f: {  	s5 =	simm.s32 $_scs_section_size  }
0xa0: {  	s6 =	simm.s32 $_size__tile_overlayer_lowered;
	s7 =	simm.s32 $_tile_overlayer_lowered  }
0xa1: {  	s22 =	simm.s32 $0x1BFF;
	s21 =	sshll.u32 s7, $0x1;
	s4 =	sadd.s32 s5, s19  }
0xa2: {  	s8 =	simm.s32 $0x0;
	s20 =	sshll.u32 s6, $0x1;
	s6 =	sadd.s32 s21, s4  }
0xa3: {  	[timem:s8], [sflag:s22] =	dma.local [hbm:s6], s20  }
0xa4: {  	_ =	swait.ge [sflag:s22], s20  }
0xa5: {  	s5 =	ssub.s32 $0x0, s20;
	[sflag:s22] =	ssyncset.done $0x0  }
0xa6: {  	[sflag:s22] =	ssyncadd.s32 s5;
	_ =	sdelay $0x1  }
0xa7: {  	s23 =	simm.s32 $0x1B8B  }
0xa8: {  	_ =	swait.ge [sflag:s23], $0x1  }
0xa9: {  	[sflag:s23] =	ssyncset.done $0x0  }
0xaa: {  	s25 =	simm.s32 $0x1B8E;
	s24 =	sld [smem:$0x3FFE];
	[sflag:s23] =	ssyncadd.s32 $0xFFFFFFFF  }
0xab: {  	s26 =	simm.s32 $execute0_lowered;
	[smem:$0x3FD2] =	sst s25  }
0xac: {  	s6 =	sshll.u32 s26, $0x1;
	_ =	strace $0x80000046;
	[dreg:$0x1] =	wrdreg $0xFFFFFFFF  }
0xad: {  	s28 =	simm.s32 $_size_execute0_lowered;
	s4 =	sadd.s32 s4, s6;
	[dreg:$0x0] =	wrdreg $0x0  }
0xae: {  	s6 =	sshll.u32 s28, $0x1;
	[dreg:$0x2] =	wrdreg s4  }
0xaf: {  	[dreg:$0x3] =	wrdreg s6  }
0xb0: {  	[dreg:$0x4] =	wrdreg $0xC0  }
0xb1: {  	_ =	task [dreg:s8], $0x5FFFF  }
0xb2: {  	[dreg:$0x1] =	wrdreg $0xFFFFFFFF  }
0xb3: {  	[dreg:$0x0] =	wrdreg $0x60  }
0xb4: {  	[dreg:$0x2] =	wrdreg s24  }
0xb5: {  	[dreg:$0x3] =	wrdreg s16  }
0xb6: {  	[dreg:$0x4] =	wrdreg s17  }
0xb7: {  	[dreg:$0x5] =	wrdreg $0x93000  }
0xb8: {  	[dreg:$0x6] =	wrdreg $0x9  }
0xb9: {  	_ =	task.clear_ibuf [dreg:s8], $0x7FFFF;
	_ =	strace $0x90000046  }
0xba: {  	s29 =	simm.s32 $0x9;
	_ =	strace $0x80000048  }
0xbb: {  	_ =	swait.ge [sflag:s29], $0x1  }
0xbc: {  	[sflag:s29] =	ssyncadd.s32 $0xFFFFFFFF  }
0xbd: {  	_ =	strace $0x90000048  }
0xbe: {  	_ =	sfence  }
0xbf: {  	s30 =	sld [smem:$0x0];
	_ =	sdelay $0x2  }
0xc0: {  	s31 =	sshll.u32 s1, $0xD;
	s1 =	sshrl.u32 s1, $0x2  }
0xc1: {  	s3 =	sand.u32 $0x4000, s31;
	s1 =	sadd.s32 s1, s30  }
0xc2: {  	s0 =	sor.u32 s3, s0;
	s1 =	sshll.u32 s1, $0x11  }
0xc3: {  	s0 =	sor.u32 s1, s0  }
0xc4: {  	s0 =	sadd.s32 $0x8F2B, s0  }
0xc5: {  	[sflag:s0] =	ssyncadd.remote.s32 $0x1  }
0xc6: {  	_ =	sfence.sel $0xFFFF  }
0xc7: {  	[dreg:$0x0] =	wrdreg $0xFFFFFFFF;
	(pc) =	sbr.abs _section_cstart, $3  }
0xc8: {  	[dreg:$0x1] =	wrdreg $0xFFFFFFFF  }
0xc9: {  	_ =	task.clear_ibuf [dreg:s8], $0x2FFFF;
	_ =	strace $0x9FFFFFFF  }
0xca: {  	(tm) =	ssettm $0x7FFFFFFF  }
0xcb: {  	_ =	shalt  }
tec
execute0_lowered:
.L_overlay_start_1:
0x0: {  	(tag) =	ssettag $0x1  }
0x1: {  	s0 =	rddreg [dreg:$0x0]  }
0x2: {  	s3 =	rddreg [dreg:$0x1]  }
0x3: {  	s9 =	rddreg [dreg:$0x2]  }
0x4: {  	s1 =	rddreg [dreg:$0x3];
	s2 =	simm.s32 $0x0  }
0x5: {  	s6 =	srdreg.scid;
	s16 =	stileid.u32;
	s28 =	simm.s32 $0x200  }
0x6: {  	s29 =	simm.s32 $0x100;
	s30 =	simm.s32 $0x80;
	s31 =	simm.s32 $0x8300  }
0x7: {  	[smem:$0x7FF] =	sst s2;
	s5 =	sadd.s32 $0xF45200, s0;
	s7 =	smul.u32 $0x4F000, s16  }
0x8: {  	s10 =	sand.u32 $0x1, s6;
	s6 =	sadd.s32 $0x4EF800, s0;
	s11 =	smul.u32 $0x278, s16  }
0x9: {  	s4 =	sadd.s32 $0x517000, s0;
	s18 =	sadd.s32 $0xF45800, s0;
	s14 =	smul.u32 $0x4F000, s10  }
0xa: {  	_ =	strace $0x80000047;
	s8 =	ssub.s32 $0x2, s10;
	s15 =	smul.u32 $0x2780, s10  }
0xb: {  	s10 =	sshll.u32 s10, $0x4;
	s12 =	sshrl.u32 s8, $0x1;
	s7 =	sshrl.u32 s7, $0x2  }
0xc: {  	s10 =	sor.u32 s16, s10;
	s17 =	ssub.s32 s8, s12;
	s22 =	sadd.s32 s7, s1  }
0xd: {  	s8 =	smul.u32 $0x4F00, s16;
	s11 =	sadd.s32 s11, s15;
	s7 =	sadd.s32 $0x8000, s22  }
0xe: {  	s15 =	sadd.s32 $0xF45400, s0;
	s25 =	sadd.s32 $0xC000, s22;
	[dreg:$0x6] =	wrdreg s7  }
0xf: {  	s19 =	smul.u32 $0x4F0, s10;
	s26 =	sadd.s32 $0x10000, s22;
	[dreg:$0x7] =	wrdreg s25  }
0x10: {  	s12 =	sadd.s32 $0x4000, s22;
	s11 =	sshll.u32 s11, $0x4;
	[dreg:$0x8] =	wrdreg s26  }
0x11: {  	s16 =	sadd.s32 $0xF45600, s0;
	s11 =	sadd.s32 s3, s11;
	[dreg:$0x5] =	wrdreg s12  }
0x12: {  	s0 =	simm.s32 $0x1;
	s25 =	sadd.s32 s9, s19;
	[dreg:$0x9] =	wrdreg s11  }
0x13: {  	s13 =	sadd.s32 s14, s8;
	s26 =	smax.u32 s17, $0x1;
	[dreg:$0xe] =	wrdreg s25  }
0x14: {  	s14 =	sadd.s32 $0x9E000, s14;
	s20 =	sadd.s32 $0x800, s11;
	[dreg:$0xf] =	wrdreg s26  }
0x15: {  	s3 =	simm.s32 $0x1CF00;
	s21 =	sadd.s32 $0x1000, s11;
	[dreg:$0xa] =	wrdreg s20  }
0x16: {  	s19 =	simm.s32 $0x180;
	s23 =	sadd.s32 $0x1800, s11;
	[dreg:$0xb] =	wrdreg s21  }
0x17: {  	s17 =	simm.s32 $0x0;
	s24 =	sadd.s32 $0x2000, s11;
	[dreg:$0xc] =	wrdreg s23  }
0x18: {  	s25 =	simm.s32 $0x300;
	s26 =	simm.s32 $0x4;
	[dreg:$0xd] =	wrdreg s24  }
0x19: {  	v0 =	vimm.f32 $0.0e+00;
	v1 =	vimm.f32 $1.000000000e+00;
	s20 =	simm.s32 $0x280;
	s21 =	simm.s32 $0x4300;
	s24 =	simm.s32 $0x0  }
.LBB2_1:
0x1a: {  	s9 =	simm.s32 $0x0;
	s10 =	simm.s32 $0x200  }
.LBB2_2:
0x1b: {  	p0 =	sne.s32 s10, $0xFE00;
	[tilespmem:s9+$0x370] =	vst v0  }
0x1c: {  	[tilespmem:s9+$0x300] =	vst v0  }
0x1d: {  	[tilespmem:s9+$0x310] =	vst v0  }
.Ltmp0:
0x1e: {  	[tilespmem:s9+$0x320] =	vst v0;
	(pc) =	sbr.rel @p0 .LBB2_2-.Ltmp0, $4  }
0x1f: {  	[tilespmem:s9+$0x330] =	vst v0  }
0x20: {  	[tilespmem:s9+$0x340] =	vst v0  }
0x21: {  	[tilespmem:s9+$0x350] =	vst v0  }
0x22: {  	[tilespmem:s9+$0x360] =	vst v0;
	s9 =	sshra.s32 s10, $0x2;
	s10 =	sadd.s32 $0x200, s10  }
0x23: {  	[tilespmem:s9+$0x370] =	vst v0  }
0x24: {  	[tilespmem:s9+$0x300] =	vst v0  }
0x25: {  	[tilespmem:s9+$0x310] =	vst v0  }
0x26: {  	[tilespmem:s9+$0x320] =	vst v0  }
0x27: {  	[tilespmem:s9+$0x330] =	vst v0  }
0x28: {  	[tilespmem:s9+$0x340] =	vst v0  }
0x29: {  	[tilespmem:s9+$0x350] =	vst v0  }
0x2a: {  	[tilespmem:s9+$0x360] =	vst v0;
	s9 =	simm.s32 $0x40;
	s10 =	simm.s32 $0x0  }
.LBB2_4:
0x2b: {  	p0 =	sne.s32 s9, $0x9DC0;
	[tilespmem:s10+$0x1CF00] =	vst v0;
	s10 =	smov.u32 s9;
	s9 =	sadd.s32 $0x40, s9  }
.Ltmp1:
0x2c: {  	(pc) =	sbr.rel @p0 .LBB2_4-.Ltmp1, $2  }
0x2d: {  	_ =	sdelay $0x2  }
0x2e: {  	s10 =	sshra.s32 s10, $0x2  }
0x2f: {  	[tilespmem:s10+$0x1CF00] =	vst v0  }
0x30: {  	[spmem:s22] =	stream.linear.scatter [tilespmem:s25], [sflag:$0x4], $0x4000, $0x38;
	[tilespmem:$0x1F680] =	vst v63  }
0x31: {  	_ =	swait.ge [sflag:s26], $0x4000  }
0x32: {  	[sflag:s26] =	ssyncset.done $0x0  }
0x33: {  	[sflag:s26] =	ssyncadd.s32 $0xFFFFC000  }
0x34: {  	[spmem:s12] =	stream.linear.scatter [tilespmem:s25], [sflag:$0x4], $0x4000, $0x38;
	[tilespmem:$0x1F680] =	vst v63  }
0x35: {  	_ =	swait.ge [sflag:s26], $0x4000  }
0x36: {  	[sflag:s26] =	ssyncset.done $0x0  }
0x37: {  	s9 =	rddreg [dreg:$0x6];
	[sflag:s26] =	ssyncadd.s32 $0xFFFFC000  }
0x38: {  	[spmem:s9] =	stream.linear.scatter [tilespmem:s25], [sflag:$0x4], $0x4000, $0x38;
	[tilespmem:$0x1F680] =	vst v63  }
0x39: {  	_ =	swait.ge [sflag:s26], $0x4000  }
0x3a: {  	[sflag:s26] =	ssyncset.done $0x0  }
0x3b: {  	s7 =	smov.u32 s22;
	s22 =	rddreg [dreg:$0x7];
	[sflag:s26] =	ssyncadd.s32 $0xFFFFC000  }
0x3c: {  	[spmem:s22] =	stream.linear.scatter [tilespmem:s25], [sflag:$0x4], $0x4000, $0x38;
	[tilespmem:$0x1F680] =	vst v63  }
0x3d: {  	_ =	swait.ge [sflag:s26], $0x4000  }
0x3e: {  	[sflag:s26] =	ssyncset.done $0x0  }
0x3f: {  	s23 =	rddreg [dreg:$0x8];
	[sflag:s26] =	ssyncadd.s32 $0xFFFFC000  }
0x40: {  	[spmem:s23] =	stream.linear.scatter [tilespmem:s25], [sflag:$0x4], $0x3C00, $0x38;
	[tilespmem:$0x1F680] =	vst v63  }
0x41: {  	_ =	swait.ge [sflag:s26], $0x3C00  }
0x42: {  	[sflag:s26] =	ssyncset.done $0x0  }
0x43: {  	[sflag:s26] =	ssyncadd.s32 $0xFFFFC400  }
0x44: {  	s22 =	simm.s32 $0x0;
	[bflag:$0x0] =	sbarrier.arrive $0xFFFF  }
.LBB2_6:
0x45: {  	s23 =	sshll.u32 s22, $0x8  }
0x46: {  	s9 =	sadd.s32 s13, s23  }
0x47: {  	s9 =	sshrl.u32 s9, $0x3  }
0x48: {  	s9 =	sadd.s32 s6, s9  }
0x49: {  	[tilespmem:s28], [sflag:$0x4] =	stream.linear.gather [hbm4b:s9+s2], $0x100, $0x38;
	[tilespmem:$0x1F680] =	vst v63  }
0x4a: {  	_ =	swait.ge [sflag:s26], $0x100  }
0x4b: {  	p0 =	seq.s32 s22, $0x0;
	[sflag:s26] =	ssyncset.done $0x0  }
0x4c: {  	s12 =	sadd.s32 s8, s23;
	s10 =	simm.s32 @!p0 $0x2;
	[sflag:s26] =	ssyncadd.s32 $0xFFFFFF00  }
0x4d: {  	s11 =	sadd.s32 s12, s14;
	_ =	swait.ge @!p0 [sflag:s10], $0x4000  }
0x4e: {  	s11 =	sshrl.u32 s11, $0x3;
	[sflag:s10] =	ssyncset.done @!p0 $0x0  }
0x4f: {  	s11 =	sadd.s32 s6, s11;
	[sflag:s10] =	ssyncadd.s32 @!p0 $0xFFFFC000  }
0x50: {  	[tilespmem:s29], [sflag:$0x4] =	stream.linear.gather [hbm4b:s11+s17], $0x80, $0x38;
	[tilespmem:$0x1F680] =	vst v63  }
0x51: {  	_ =	swait.ge [sflag:s26], $0x80  }
0x52: {  	[sflag:s26] =	ssyncset.done $0x0  }
0x53: {  	s9 =	sshll.u32 s12, $0x4;
	[sflag:s26] =	ssyncadd.s32 $0xFFFFFF80  }
0x54: {  	[tilespmem:s25], [sflag:$0x1] =	stream.indirect.gather [hbm4b:s4+s30], $0x80, s28, s30, $0xb8;
	[tilespmem:$0x1F680] =	vst v63  }
0x55: {  	s12 =	sadd.s32 s5, s9  }
0x56: {  	[tilespmem:s31], [sflag:$0x4] =	stream.linear.gather [hbm4b:s12+s17], $0x1000, $0x38;
	[tilespmem:$0x1F680] =	vst v63  }
0x57: {  	_ =	swait.ge [sflag:s26], $0x1000  }
0x58: {  	[sflag:s26] =	ssyncset.done $0x0  }
0x59: {  	[sflag:s26] =	ssyncadd.s32 $0xFFFFF000  }
0x5a: {  	_ =	swait.ge [sflag:s0], $0x4000  }
0x5b: {  	[sflag:s0] =	ssyncset.done $0x0  }
0x5c: {  	s10 =	simm.s32 $0x0;
	[sflag:s0] =	ssyncadd.s32 $0xFFFFC000  }
0x5d: {  	v8 =	vld [tilespmem:s10+$0x8300]  }
0x5e: {  	v13 =	vld [tilespmem:s10+$0x8310]  }
0x5f: {  	v7 =	vld [tilespmem:s10+$0x8320]  }
0x60: {  	v6 =	vld [tilespmem:s10+$0x8330]  }
0x61: {  	v5 =	vld [tilespmem:s10+$0x8340]  }
0x62: {  	v4 =	vld [tilespmem:s10+$0x8350]  }
0x63: {  	v3 =	vld [tilespmem:s10+$0x8360]  }
0x64: {  	v2 =	vld [tilespmem:s10+$0x8370]  }
0x65: {  	v14 =	vld [tilespmem:s10+$0x300]  }
0x66: {  	v15 =	vld [tilespmem:s10+$0x310]  }
0x67: {  	v12 =	vld [tilespmem:s10+$0x320]  }
0x68: {  	v11 =	vld [tilespmem:s10+$0x330]  }
0x69: {  	v10 =	vld [tilespmem:s10+$0x340]  }
0x6a: {  	v9 =	vld [tilespmem:s10+$0x350];
	v14 =	vadd.f32 v8, v14  }
0x6b: {  	s11 =	simm.s32 $0x200;
	v13 =	vadd.f32 v13, v15;
	v8 =	vld [tilespmem:s10+$0x360]  }
.LBB2_7:
0x6c: {  	s12 =	sshra.s32 s11, $0x2;
	p1 =	sne.s32 s11, $0x3E00;
	v14 =	vmax.f32 v14, $0.0e+00;
	v7 =	vadd.f32 v7, v12;
	v12 =	vld [tilespmem:s10+$0x370]  }
0x6d: {  	v15 =	vld [tilespmem:s12+$0x8300];
	[tilespmem:s10+$0x300] =	vst v14;
	v13 =	vmax.f32 v13, $0.0e+00;
	v6 =	vadd.f32 v6, v11  }
0x6e: {  	v16 =	vld [tilespmem:s12+$0x8310];
	[tilespmem:s10+$0x310] =	vst v13;
	v11 =	vmax.f32 v7, $0.0e+00;
	v5 =	vadd.f32 v5, v10  }
0x6f: {  	v7 =	vld [tilespmem:s12+$0x8320];
	[tilespmem:s10+$0x320] =	vst v11;
	v10 =	vmax.f32 v6, $0.0e+00;
	v4 =	vadd.f32 v4, v9  }
0x70: {  	v6 =	vld [tilespmem:s12+$0x8330];
	[tilespmem:s10+$0x330] =	vst v10;
	v9 =	vmax.f32 v5, $0.0e+00;
	v3 =	vadd.f32 v3, v8  }
0x71: {  	v5 =	vld [tilespmem:s12+$0x8340];
	[tilespmem:s10+$0x340] =	vst v9;
	v8 =	vmax.f32 v4, $0.0e+00;
	v2 =	vadd.f32 v2, v12  }
0x72: {  	v4 =	vld [tilespmem:s12+$0x8350];
	[tilespmem:s10+$0x350] =	vst v8;
	v8 =	vmax.f32 v3, $0.0e+00  }
0x73: {  	v3 =	vld [tilespmem:s12+$0x8360];
	[tilespmem:s10+$0x360] =	vst v8;
	v8 =	vmax.f32 v2, $0.0e+00  }
0x74: {  	v2 =	vld [tilespmem:s12+$0x8370];
	[tilespmem:s10+$0x370] =	vst v8;
	s10 =	smov.u32 s12  }
0x75: {  	v8 =	vld [tilespmem:s10+$0x300]  }
0x76: {  	v13 =	vld [tilespmem:s10+$0x310]  }
.Ltmp2:
0x77: {  	v12 =	vld [tilespmem:s10+$0x320];
	(pc) =	sbr.rel @p1 .LBB2_7-.Ltmp2, $4  }
0x78: {  	v11 =	vld [tilespmem:s10+$0x330]  }
0x79: {  	v10 =	vld [tilespmem:s10+$0x340]  }
0x7a: {  	v14 =	vadd.f32 v15, v8;
	v9 =	vld [tilespmem:s10+$0x350]  }
0x7b: {  	s11 =	sadd.s32 $0x200, s11;
	v13 =	vadd.f32 v16, v13;
	v8 =	vld [tilespmem:s10+$0x360]  }
0x7c: {  	v14 =	vmax.f32 v14, $0.0e+00;
	v7 =	vadd.f32 v7, v12;
	v12 =	vld [tilespmem:s10+$0x370]  }
0x7d: {  	[tilespmem:s10+$0x300] =	vst v14;
	v13 =	vmax.f32 v13, $0.0e+00;
	v6 =	vadd.f32 v6, v11  }
0x7e: {  	[tilespmem:s10+$0x310] =	vst v13;
	v7 =	vmax.f32 v7, $0.0e+00;
	v5 =	vadd.f32 v5, v10  }
0x7f: {  	[tilespmem:s10+$0x320] =	vst v7;
	v6 =	vmax.f32 v6, $0.0e+00;
	v4 =	vadd.f32 v4, v9  }
0x80: {  	[tilespmem:s10+$0x330] =	vst v6;
	v5 =	vmax.f32 v5, $0.0e+00;
	v3 =	vadd.f32 v3, v8  }
0x81: {  	[tilespmem:s10+$0x340] =	vst v5;
	v4 =	vmax.f32 v4, $0.0e+00;
	v2 =	vadd.f32 v2, v12  }
0x82: {  	[tilespmem:s10+$0x350] =	vst v4;
	v3 =	vmax.f32 v3, $0.0e+00  }
0x83: {  	[tilespmem:s10+$0x360] =	vst v3;
	v2 =	vmax.f32 v2, $0.0e+00  }
0x84: {  	s12 =	sadd.s32 s9, s15;
	s11 =	simm.s32 $0x0;
	[tilespmem:s10+$0x370] =	vst v2  }
0x85: {  	[tilespmem:s31], [sflag:$0x4] =	stream.linear.gather [hbm4b:s12+s11], $0x1000, $0x38;
	[tilespmem:$0x1F680] =	vst v63  }
0x86: {  	_ =	swait.ge [sflag:s26], $0x1000  }
0x87: {  	[sflag:s26] =	ssyncset.done $0x0  }
0x88: {  	s10 =	simm.s32 $0x0;
	[sflag:s26] =	ssyncadd.s32 $0xFFFFF000  }
0x89: {  	v8 =	vld [tilespmem:s10+$0x8300]  }
0x8a: {  	v13 =	vld [tilespmem:s10+$0x8310]  }
0x8b: {  	v7 =	vld [tilespmem:s10+$0x8320]  }
0x8c: {  	v6 =	vld [tilespmem:s10+$0x8330]  }
0x8d: {  	v5 =	vld [tilespmem:s10+$0x8340]  }
0x8e: {  	v4 =	vld [tilespmem:s10+$0x8350]  }
0x8f: {  	v3 =	vld [tilespmem:s10+$0x8360]  }
0x90: {  	v2 =	vld [tilespmem:s10+$0x8370]  }
0x91: {  	v14 =	vld [tilespmem:s10+$0x1300]  }
0x92: {  	v15 =	vld [tilespmem:s10+$0x1310]  }
0x93: {  	v12 =	vld [tilespmem:s10+$0x1320]  }
0x94: {  	v11 =	vld [tilespmem:s10+$0x1330]  }
0x95: {  	v10 =	vld [tilespmem:s10+$0x1340]  }
0x96: {  	v9 =	vld [tilespmem:s10+$0x1350];
	v14 =	vadd.f32 v8, v14  }
0x97: {  	s11 =	simm.s32 $0x200;
	v13 =	vadd.f32 v13, v15;
	v8 =	vld [tilespmem:s10+$0x1360]  }
.LBB2_9:
0x98: {  	s12 =	sshra.s32 s11, $0x2;
	p1 =	sne.s32 s11, $0x3E00;
	v14 =	vmax.f32 v14, $0.0e+00;
	v7 =	vadd.f32 v7, v12;
	v12 =	vld [tilespmem:s10+$0x1370]  }
0x99: {  	v15 =	vld [tilespmem:s12+$0x8300];
	[tilespmem:s10+$0x1300] =	vst v14;
	v13 =	vmax.f32 v13, $0.0e+00;
	v6 =	vadd.f32 v6, v11  }
0x9a: {  	v16 =	vld [tilespmem:s12+$0x8310];
	[tilespmem:s10+$0x1310] =	vst v13;
	v11 =	vmax.f32 v7, $0.0e+00;
	v5 =	vadd.f32 v5, v10  }
0x9b: {  	v7 =	vld [tilespmem:s12+$0x8320];
	[tilespmem:s10+$0x1320] =	vst v11;
	v10 =	vmax.f32 v6, $0.0e+00;
	v4 =	vadd.f32 v4, v9  }
0x9c: {  	v6 =	vld [tilespmem:s12+$0x8330];
	[tilespmem:s10+$0x1330] =	vst v10;
	v9 =	vmax.f32 v5, $0.0e+00;
	v3 =	vadd.f32 v3, v8  }
0x9d: {  	v5 =	vld [tilespmem:s12+$0x8340];
	[tilespmem:s10+$0x1340] =	vst v9;
	v8 =	vmax.f32 v4, $0.0e+00;
	v2 =	vadd.f32 v2, v12  }
0x9e: {  	v4 =	vld [tilespmem:s12+$0x8350];
	[tilespmem:s10+$0x1350] =	vst v8;
	v8 =	vmax.f32 v3, $0.0e+00  }
0x9f: {  	v3 =	vld [tilespmem:s12+$0x8360];
	[tilespmem:s10+$0x1360] =	vst v8;
	v8 =	vmax.f32 v2, $0.0e+00  }
0xa0: {  	v2 =	vld [tilespmem:s12+$0x8370];
	[tilespmem:s10+$0x1370] =	vst v8;
	s10 =	smov.u32 s12  }
0xa1: {  	v8 =	vld [tilespmem:s10+$0x1300]  }
0xa2: {  	v13 =	vld [tilespmem:s10+$0x1310]  }
.Ltmp3:
0xa3: {  	v12 =	vld [tilespmem:s10+$0x1320];
	(pc) =	sbr.rel @p1 .LBB2_9-.Ltmp3, $4  }
0xa4: {  	v11 =	vld [tilespmem:s10+$0x1330]  }
0xa5: {  	v10 =	vld [tilespmem:s10+$0x1340]  }
0xa6: {  	v14 =	vadd.f32 v15, v8;
	v9 =	vld [tilespmem:s10+$0x1350]  }
0xa7: {  	s11 =	sadd.s32 $0x200, s11;
	v13 =	vadd.f32 v16, v13;
	v8 =	vld [tilespmem:s10+$0x1360]  }
0xa8: {  	v14 =	vmax.f32 v14, $0.0e+00;
	v7 =	vadd.f32 v7, v12;
	v12 =	vld [tilespmem:s10+$0x1370]  }
0xa9: {  	[tilespmem:s10+$0x1300] =	vst v14;
	v13 =	vmax.f32 v13, $0.0e+00;
	v6 =	vadd.f32 v6, v11  }
0xaa: {  	[tilespmem:s10+$0x1310] =	vst v13;
	v7 =	vmax.f32 v7, $0.0e+00;
	v5 =	vadd.f32 v5, v10  }
0xab: {  	[tilespmem:s10+$0x1320] =	vst v7;
	v6 =	vmax.f32 v6, $0.0e+00;
	v4 =	vadd.f32 v4, v9  }
0xac: {  	[tilespmem:s10+$0x1330] =	vst v6;
	v5 =	vmax.f32 v5, $0.0e+00;
	v3 =	vadd.f32 v3, v8  }
0xad: {  	[tilespmem:s10+$0x1340] =	vst v5;
	v4 =	vmax.f32 v4, $0.0e+00;
	v2 =	vadd.f32 v2, v12  }
0xae: {  	[tilespmem:s10+$0x1350] =	vst v4;
	v3 =	vmax.f32 v3, $0.0e+00  }
0xaf: {  	[tilespmem:s10+$0x1360] =	vst v3;
	v2 =	vmax.f32 v2, $0.0e+00  }
0xb0: {  	s12 =	sadd.s32 s9, s16;
	s11 =	simm.s32 $0x0;
	[tilespmem:s10+$0x1370] =	vst v2  }
0xb1: {  	[tilespmem:s31], [sflag:$0x4] =	stream.linear.gather [hbm4b:s12+s11], $0x1000, $0x38;
	[tilespmem:$0x1F680] =	vst v63  }
0xb2: {  	_ =	swait.ge [sflag:s26], $0x1000  }
0xb3: {  	[sflag:s26] =	ssyncset.done $0x0  }
0xb4: {  	s10 =	simm.s32 $0x0;
	[sflag:s26] =	ssyncadd.s32 $0xFFFFF000  }
0xb5: {  	v8 =	vld [tilespmem:s10+$0x8300]  }
0xb6: {  	v13 =	vld [tilespmem:s10+$0x8310]  }
0xb7: {  	v7 =	vld [tilespmem:s10+$0x8320]  }
0xb8: {  	v6 =	vld [tilespmem:s10+$0x8330]  }
0xb9: {  	v5 =	vld [tilespmem:s10+$0x8340]  }
0xba: {  	v4 =	vld [tilespmem:s10+$0x8350]  }
0xbb: {  	v3 =	vld [tilespmem:s10+$0x8360]  }
0xbc: {  	v2 =	vld [tilespmem:s10+$0x8370]  }
0xbd: {  	v14 =	vld [tilespmem:s10+$0x2300]  }
0xbe: {  	v15 =	vld [tilespmem:s10+$0x2310]  }
0xbf: {  	v12 =	vld [tilespmem:s10+$0x2320]  }
0xc0: {  	v11 =	vld [tilespmem:s10+$0x2330]  }
0xc1: {  	v10 =	vld [tilespmem:s10+$0x2340]  }
0xc2: {  	v9 =	vld [tilespmem:s10+$0x2350];
	v14 =	vadd.f32 v8, v14  }
0xc3: {  	s11 =	simm.s32 $0x200;
	v13 =	vadd.f32 v13, v15;
	v8 =	vld [tilespmem:s10+$0x2360]  }
.LBB2_11:
0xc4: {  	s12 =	sshra.s32 s11, $0x2;
	p1 =	sne.s32 s11, $0x3E00;
	v14 =	vmax.f32 v14, $0.0e+00;
	v7 =	vadd.f32 v7, v12;
	v12 =	vld [tilespmem:s10+$0x2370]  }
0xc5: {  	v15 =	vld [tilespmem:s12+$0x8300];
	[tilespmem:s10+$0x2300] =	vst v14;
	v13 =	vmax.f32 v13, $0.0e+00;
	v6 =	vadd.f32 v6, v11  }
0xc6: {  	v16 =	vld [tilespmem:s12+$0x8310];
	[tilespmem:s10+$0x2310] =	vst v13;
	v11 =	vmax.f32 v7, $0.0e+00;
	v5 =	vadd.f32 v5, v10  }
0xc7: {  	v7 =	vld [tilespmem:s12+$0x8320];
	[tilespmem:s10+$0x2320] =	vst v11;
	v10 =	vmax.f32 v6, $0.0e+00;
	v4 =	vadd.f32 v4, v9  }
0xc8: {  	v6 =	vld [tilespmem:s12+$0x8330];
	[tilespmem:s10+$0x2330] =	vst v10;
	v9 =	vmax.f32 v5, $0.0e+00;
	v3 =	vadd.f32 v3, v8  }
0xc9: {  	v5 =	vld [tilespmem:s12+$0x8340];
	[tilespmem:s10+$0x2340] =	vst v9;
	v8 =	vmax.f32 v4, $0.0e+00;
	v2 =	vadd.f32 v2, v12  }
0xca: {  	v4 =	vld [tilespmem:s12+$0x8350];
	[tilespmem:s10+$0x2350] =	vst v8;
	v8 =	vmax.f32 v3, $0.0e+00  }
0xcb: {  	v3 =	vld [tilespmem:s12+$0x8360];
	[tilespmem:s10+$0x2360] =	vst v8;
	v8 =	vmax.f32 v2, $0.0e+00  }
0xcc: {  	v2 =	vld [tilespmem:s12+$0x8370];
	[tilespmem:s10+$0x2370] =	vst v8;
	s10 =	smov.u32 s12  }
0xcd: {  	v8 =	vld [tilespmem:s10+$0x2300]  }
0xce: {  	v13 =	vld [tilespmem:s10+$0x2310]  }
.Ltmp4:
0xcf: {  	v12 =	vld [tilespmem:s10+$0x2320];
	(pc) =	sbr.rel @p1 .LBB2_11-.Ltmp4, $4  }
0xd0: {  	v11 =	vld [tilespmem:s10+$0x2330]  }
0xd1: {  	v10 =	vld [tilespmem:s10+$0x2340]  }
0xd2: {  	v14 =	vadd.f32 v15, v8;
	v9 =	vld [tilespmem:s10+$0x2350]  }
0xd3: {  	s11 =	sadd.s32 $0x200, s11;
	v13 =	vadd.f32 v16, v13;
	v8 =	vld [tilespmem:s10+$0x2360]  }
0xd4: {  	v14 =	vmax.f32 v14, $0.0e+00;
	v7 =	vadd.f32 v7, v12;
	v12 =	vld [tilespmem:s10+$0x2370]  }
0xd5: {  	[tilespmem:s10+$0x2300] =	vst v14;
	v13 =	vmax.f32 v13, $0.0e+00;
	v6 =	vadd.f32 v6, v11  }
0xd6: {  	[tilespmem:s10+$0x2310] =	vst v13;
	v7 =	vmax.f32 v7, $0.0e+00;
	v5 =	vadd.f32 v5, v10  }
0xd7: {  	[tilespmem:s10+$0x2320] =	vst v7;
	v6 =	vmax.f32 v6, $0.0e+00;
	v4 =	vadd.f32 v4, v9  }
0xd8: {  	[tilespmem:s10+$0x2330] =	vst v6;
	v5 =	vmax.f32 v5, $0.0e+00;
	v3 =	vadd.f32 v3, v8  }
0xd9: {  	[tilespmem:s10+$0x2340] =	vst v5;
	v4 =	vmax.f32 v4, $0.0e+00;
	v2 =	vadd.f32 v2, v12  }
0xda: {  	[tilespmem:s10+$0x2350] =	vst v4;
	v3 =	vmax.f32 v3, $0.0e+00  }
0xdb: {  	[tilespmem:s10+$0x2360] =	vst v3;
	v2 =	vmax.f32 v2, $0.0e+00  }
0xdc: {  	s9 =	sadd.s32 s9, s18;
	s12 =	simm.s32 $0x0;
	[tilespmem:s10+$0x2370] =	vst v2  }
0xdd: {  	[tilespmem:s31], [sflag:$0x4] =	stream.linear.gather [hbm4b:s9+s12], $0x1000, $0x38;
	[tilespmem:$0x1F680] =	vst v63  }
0xde: {  	_ =	swait.ge [sflag:s26], $0x1000  }
0xdf: {  	[sflag:s26] =	ssyncset.done $0x0  }
0xe0: {  	s9 =	simm.s32 $0x0;
	[sflag:s26] =	ssyncadd.s32 $0xFFFFF000  }
0xe1: {  	v8 =	vld [tilespmem:s9+$0x8300]  }
0xe2: {  	v13 =	vld [tilespmem:s9+$0x8310]  }
0xe3: {  	v7 =	vld [tilespmem:s9+$0x8320]  }
0xe4: {  	v6 =	vld [tilespmem:s9+$0x8330]  }
0xe5: {  	v5 =	vld [tilespmem:s9+$0x8340]  }
0xe6: {  	v4 =	vld [tilespmem:s9+$0x8350]  }
0xe7: {  	v3 =	vld [tilespmem:s9+$0x8360]  }
0xe8: {  	v2 =	vld [tilespmem:s9+$0x8370]  }
0xe9: {  	v14 =	vld [tilespmem:s9+$0x3300]  }
0xea: {  	v15 =	vld [tilespmem:s9+$0x3310]  }
0xeb: {  	v12 =	vld [tilespmem:s9+$0x3320]  }
0xec: {  	v11 =	vld [tilespmem:s9+$0x3330]  }
0xed: {  	v10 =	vld [tilespmem:s9+$0x3340]  }
0xee: {  	v9 =	vld [tilespmem:s9+$0x3350];
	v14 =	vadd.f32 v8, v14  }
0xef: {  	s10 =	simm.s32 $0x200;
	v13 =	vadd.f32 v13, v15;
	v8 =	vld [tilespmem:s9+$0x3360]  }
.LBB2_13:
0xf0: {  	s11 =	sshra.s32 s10, $0x2;
	p1 =	sne.s32 s10, $0x3E00;
	v14 =	vmax.f32 v14, $0.0e+00;
	v7 =	vadd.f32 v7, v12;
	v12 =	vld [tilespmem:s9+$0x3370]  }
0xf1: {  	v15 =	vld [tilespmem:s11+$0x8300];
	[tilespmem:s9+$0x3300] =	vst v14;
	v13 =	vmax.f32 v13, $0.0e+00;
	v6 =	vadd.f32 v6, v11  }
0xf2: {  	v16 =	vld [tilespmem:s11+$0x8310];
	[tilespmem:s9+$0x3310] =	vst v13;
	v11 =	vmax.f32 v7, $0.0e+00;
	v5 =	vadd.f32 v5, v10  }
0xf3: {  	v7 =	vld [tilespmem:s11+$0x8320];
	[tilespmem:s9+$0x3320] =	vst v11;
	v10 =	vmax.f32 v6, $0.0e+00;
	v4 =	vadd.f32 v4, v9  }
0xf4: {  	v6 =	vld [tilespmem:s11+$0x8330];
	[tilespmem:s9+$0x3330] =	vst v10;
	v9 =	vmax.f32 v5, $0.0e+00;
	v3 =	vadd.f32 v3, v8  }
0xf5: {  	v5 =	vld [tilespmem:s11+$0x8340];
	[tilespmem:s9+$0x3340] =	vst v9;
	v8 =	vmax.f32 v4, $0.0e+00;
	v2 =	vadd.f32 v2, v12  }
0xf6: {  	v4 =	vld [tilespmem:s11+$0x8350];
	[tilespmem:s9+$0x3350] =	vst v8;
	v8 =	vmax.f32 v3, $0.0e+00  }
0xf7: {  	v3 =	vld [tilespmem:s11+$0x8360];
	[tilespmem:s9+$0x3360] =	vst v8;
	v8 =	vmax.f32 v2, $0.0e+00  }
0xf8: {  	v2 =	vld [tilespmem:s11+$0x8370];
	[tilespmem:s9+$0x3370] =	vst v8;
	s9 =	smov.u32 s11  }
0xf9: {  	v8 =	vld [tilespmem:s9+$0x3300]  }
0xfa: {  	v13 =	vld [tilespmem:s9+$0x3310]  }
.Ltmp5:
0xfb: {  	v12 =	vld [tilespmem:s9+$0x3320];
	(pc) =	sbr.rel @p1 .LBB2_13-.Ltmp5, $4  }
0xfc: {  	v11 =	vld [tilespmem:s9+$0x3330]  }
0xfd: {  	v10 =	vld [tilespmem:s9+$0x3340]  }
0xfe: {  	v14 =	vadd.f32 v15, v8;
	v9 =	vld [tilespmem:s9+$0x3350]  }
0xff: {  	s10 =	sadd.s32 $0x200, s10;
	v13 =	vadd.f32 v16, v13;
	v8 =	vld [tilespmem:s9+$0x3360]  }
0x100: {  	v14 =	vmax.f32 v14, $0.0e+00;
	v7 =	vadd.f32 v7, v12;
	v12 =	vld [tilespmem:s9+$0x3370]  }
0x101: {  	[tilespmem:s9+$0x3300] =	vst v14;
	v13 =	vmax.f32 v13, $0.0e+00;
	v6 =	vadd.f32 v6, v11  }
0x102: {  	[tilespmem:s9+$0x3310] =	vst v13;
	v7 =	vmax.f32 v7, $0.0e+00;
	v5 =	vadd.f32 v5, v10  }
0x103: {  	[tilespmem:s9+$0x3320] =	vst v7;
	v6 =	vmax.f32 v6, $0.0e+00;
	v4 =	vadd.f32 v4, v9  }
0x104: {  	[tilespmem:s9+$0x3330] =	vst v6;
	v5 =	vmax.f32 v5, $0.0e+00;
	v3 =	vadd.f32 v3, v8  }
0x105: {  	[tilespmem:s9+$0x3340] =	vst v5;
	v4 =	vmax.f32 v4, $0.0e+00;
	v2 =	vadd.f32 v2, v12  }
0x106: {  	[tilespmem:s9+$0x3350] =	vst v4;
	v3 =	vmax.f32 v3, $0.0e+00  }
0x107: {  	[tilespmem:s9+$0x3360] =	vst v3;
	v2 =	vmax.f32 v2, $0.0e+00  }
0x108: {  	[tilespmem:s9+$0x3370] =	vst v2  }
0x109: {  	[spmem:s1] =	stream.indirect.scatter.add.f32 [tilespmem:s25], [sflag:$0x2], $0x80, s29, s30, $0xb8;
	[tilespmem:$0x1F680] =	vst v63  }
0x10a: {  	v2 =	vld [tilespmem:$0x100];
	_ =	sdelay $0x7  }
0x10b: {  	[tilespmem:v2+s3+$0x0] =	vst.idx.add.f32.msk $0xffff, v1  }
0x10c: {  	v2 =	vld [tilespmem:$0x110];
	_ =	sdelay $0x7  }
0x10d: {  	[tilespmem:v2+s3+$0x0] =	vst.idx.add.f32.msk $0xffff, v1  }
0x10e: {  	v2 =	vld [tilespmem:$0x120];
	_ =	sdelay $0x7  }
0x10f: {  	[tilespmem:v2+s3+$0x0] =	vst.idx.add.f32.msk $0xffff, v1  }
0x110: {  	v2 =	vld [tilespmem:$0x130];
	_ =	sdelay $0x7  }
0x111: {  	[tilespmem:v2+s3+$0x0] =	vst.idx.add.f32.msk $0xffff, v1  }
0x112: {  	v2 =	vld [tilespmem:$0x140];
	_ =	sdelay $0x7  }
0x113: {  	[tilespmem:v2+s3+$0x0] =	vst.idx.add.f32.msk $0xffff, v1  }
0x114: {  	v2 =	vld [tilespmem:$0x150];
	_ =	sdelay $0x7  }
0x115: {  	[tilespmem:v2+s3+$0x0] =	vst.idx.add.f32.msk $0xffff, v1  }
0x116: {  	v2 =	vld [tilespmem:$0x160];
	_ =	sdelay $0x7  }
0x117: {  	[tilespmem:v2+s3+$0x0] =	vst.idx.add.f32.msk $0xffff, v1  }
0x118: {  	v2 =	vld [tilespmem:$0x170];
	_ =	sdelay $0x6  }
0x119: {  	s10 =	sadd.s32 s23, s8  }
0x11a: {  	s9 =	sadd.s32 $0x80, s10;
	s10 =	simm.s32 @!p0 $0x3;
	[tilespmem:v2+s3+$0x0] =	vst.idx.add.f32.msk $0xffff, v1  }
0x11b: {  	s11 =	sadd.s32 s9, s14;
	_ =	swait.ge @!p0 [sflag:s10], $0x4000  }
0x11c: {  	s11 =	sshrl.u32 s11, $0x3;
	[sflag:s10] =	ssyncset.done @!p0 $0x0  }
0x11d: {  	s12 =	simm.s32 $0x0;
	s11 =	sadd.s32 s6, s11;
	[sflag:s10] =	ssyncadd.s32 @!p0 $0xFFFFC000  }
0x11e: {  	[tilespmem:s19], [sflag:$0x4] =	stream.linear.gather [hbm4b:s11+s12], $0x80, $0x38;
	[tilespmem:$0x1F680] =	vst v63  }
0x11f: {  	_ =	swait.ge [sflag:s26], $0x80  }
0x120: {  	[sflag:s26] =	ssyncset.done $0x0  }
0x121: {  	s9 =	sshll.u32 s9, $0x4;
	[sflag:s26] =	ssyncadd.s32 $0xFFFFFF80  }
0x122: {  	[tilespmem:s21], [sflag:$0x1] =	stream.indirect.gather [hbm4b:s4+s30], $0x80, s20, s30, $0xb8;
	[tilespmem:$0x1F680] =	vst v63  }
0x123: {  	s23 =	sadd.s32 s5, s9  }
0x124: {  	[tilespmem:s31], [sflag:$0x4] =	stream.linear.gather [hbm4b:s23+s12], $0x1000, $0x38;
	[tilespmem:$0x1F680] =	vst v63  }
0x125: {  	_ =	swait.ge [sflag:s26], $0x1000  }
0x126: {  	[sflag:s26] =	ssyncset.done $0x0  }
0x127: {  	[sflag:s26] =	ssyncadd.s32 $0xFFFFF000  }
0x128: {  	_ =	swait.ge [sflag:s0], $0x4000  }
0x129: {  	[sflag:s0] =	ssyncset.done $0x0  }
0x12a: {  	s10 =	simm.s32 $0x0;
	[sflag:s0] =	ssyncadd.s32 $0xFFFFC000  }
0x12b: {  	v8 =	vld [tilespmem:s10+$0x8300]  }
0x12c: {  	v13 =	vld [tilespmem:s10+$0x8310]  }
0x12d: {  	v7 =	vld [tilespmem:s10+$0x8320]  }
0x12e: {  	v6 =	vld [tilespmem:s10+$0x8330]  }
0x12f: {  	v5 =	vld [tilespmem:s10+$0x8340]  }
0x130: {  	v4 =	vld [tilespmem:s10+$0x8350]  }
0x131: {  	v3 =	vld [tilespmem:s10+$0x8360]  }
0x132: {  	v2 =	vld [tilespmem:s10+$0x8370]  }
0x133: {  	v14 =	vld [tilespmem:s10+$0x4300]  }
0x134: {  	v15 =	vld [tilespmem:s10+$0x4310]  }
0x135: {  	v12 =	vld [tilespmem:s10+$0x4320]  }
0x136: {  	v11 =	vld [tilespmem:s10+$0x4330]  }
0x137: {  	v10 =	vld [tilespmem:s10+$0x4340]  }
0x138: {  	v9 =	vld [tilespmem:s10+$0x4350];
	v14 =	vadd.f32 v8, v14  }
0x139: {  	s11 =	simm.s32 $0x200;
	v13 =	vadd.f32 v13, v15;
	v8 =	vld [tilespmem:s10+$0x4360]  }
.LBB2_15:
0x13a: {  	s12 =	sshra.s32 s11, $0x2;
	p0 =	sne.s32 s11, $0x3E00;
	v14 =	vmax.f32 v14, $0.0e+00;
	v7 =	vadd.f32 v7, v12;
	v12 =	vld [tilespmem:s10+$0x4370]  }
0x13b: {  	v15 =	vld [tilespmem:s12+$0x8300];
	[tilespmem:s10+$0x4300] =	vst v14;
	v13 =	vmax.f32 v13, $0.0e+00;
	v6 =	vadd.f32 v6, v11  }
0x13c: {  	v16 =	vld [tilespmem:s12+$0x8310];
	[tilespmem:s10+$0x4310] =	vst v13;
	v11 =	vmax.f32 v7, $0.0e+00;
	v5 =	vadd.f32 v5, v10  }
0x13d: {  	v7 =	vld [tilespmem:s12+$0x8320];
	[tilespmem:s10+$0x4320] =	vst v11;
	v10 =	vmax.f32 v6, $0.0e+00;
	v4 =	vadd.f32 v4, v9  }
0x13e: {  	v6 =	vld [tilespmem:s12+$0x8330];
	[tilespmem:s10+$0x4330] =	vst v10;
	v9 =	vmax.f32 v5, $0.0e+00;
	v3 =	vadd.f32 v3, v8  }
0x13f: {  	v5 =	vld [tilespmem:s12+$0x8340];
	[tilespmem:s10+$0x4340] =	vst v9;
	v8 =	vmax.f32 v4, $0.0e+00;
	v2 =	vadd.f32 v2, v12  }
0x140: {  	v4 =	vld [tilespmem:s12+$0x8350];
	[tilespmem:s10+$0x4350] =	vst v8;
	v8 =	vmax.f32 v3, $0.0e+00  }
0x141: {  	v3 =	vld [tilespmem:s12+$0x8360];
	[tilespmem:s10+$0x4360] =	vst v8;
	v8 =	vmax.f32 v2, $0.0e+00  }
0x142: {  	v2 =	vld [tilespmem:s12+$0x8370];
	[tilespmem:s10+$0x4370] =	vst v8;
	s10 =	smov.u32 s12  }
0x143: {  	v8 =	vld [tilespmem:s10+$0x4300]  }
0x144: {  	v13 =	vld [tilespmem:s10+$0x4310]  }
.Ltmp6:
0x145: {  	v12 =	vld [tilespmem:s10+$0x4320];
	(pc) =	sbr.rel @p0 .LBB2_15-.Ltmp6, $4  }
0x146: {  	v11 =	vld [tilespmem:s10+$0x4330]  }
0x147: {  	v10 =	vld [tilespmem:s10+$0x4340]  }
0x148: {  	v14 =	vadd.f32 v15, v8;
	v9 =	vld [tilespmem:s10+$0x4350]  }
0x149: {  	s11 =	sadd.s32 $0x200, s11;
	v13 =	vadd.f32 v16, v13;
	v8 =	vld [tilespmem:s10+$0x4360]  }
0x14a: {  	v14 =	vmax.f32 v14, $0.0e+00;
	v7 =	vadd.f32 v7, v12;
	v12 =	vld [tilespmem:s10+$0x4370]  }
0x14b: {  	[tilespmem:s10+$0x4300] =	vst v14;
	v13 =	vmax.f32 v13, $0.0e+00;
	v6 =	vadd.f32 v6, v11  }
0x14c: {  	[tilespmem:s10+$0x4310] =	vst v13;
	v7 =	vmax.f32 v7, $0.0e+00;
	v5 =	vadd.f32 v5, v10  }
0x14d: {  	[tilespmem:s10+$0x4320] =	vst v7;
	v6 =	vmax.f32 v6, $0.0e+00;
	v4 =	vadd.f32 v4, v9  }
0x14e: {  	[tilespmem:s10+$0x4330] =	vst v6;
	v5 =	vmax.f32 v5, $0.0e+00;
	v3 =	vadd.f32 v3, v8  }
0x14f: {  	[tilespmem:s10+$0x4340] =	vst v5;
	v4 =	vmax.f32 v4, $0.0e+00;
	v2 =	vadd.f32 v2, v12  }
0x150: {  	[tilespmem:s10+$0x4350] =	vst v4;
	v3 =	vmax.f32 v3, $0.0e+00  }
0x151: {  	[tilespmem:s10+$0x4360] =	vst v3;
	v2 =	vmax.f32 v2, $0.0e+00  }
0x152: {  	s23 =	sadd.s32 s9, s15;
	s11 =	simm.s32 $0x0;
	[tilespmem:s10+$0x4370] =	vst v2  }
0x153: {  	[tilespmem:s31], [sflag:$0x4] =	stream.linear.gather [hbm4b:s23+s11], $0x1000, $0x38;
	[tilespmem:$0x1F680] =	vst v63  }
0x154: {  	_ =	swait.ge [sflag:s26], $0x1000  }
0x155: {  	[sflag:s26] =	ssyncset.done $0x0  }
0x156: {  	s10 =	simm.s32 $0x0;
	[sflag:s26] =	ssyncadd.s32 $0xFFFFF000  }
0x157: {  	v8 =	vld [tilespmem:s10+$0x8300]  }
0x158: {  	v13 =	vld [tilespmem:s10+$0x8310]  }
0x159: {  	v7 =	vld [tilespmem:s10+$0x8320]  }
0x15a: {  	v6 =	vld [tilespmem:s10+$0x8330]  }
0x15b: {  	v5 =	vld [tilespmem:s10+$0x8340]  }
0x15c: {  	v4 =	vld [tilespmem:s10+$0x8350]  }
0x15d: {  	v3 =	vld [tilespmem:s10+$0x8360]  }
0x15e: {  	v2 =	vld [tilespmem:s10+$0x8370]  }
0x15f: {  	v14 =	vld [tilespmem:s10+$0x5300]  }
0x160: {  	v15 =	vld [tilespmem:s10+$0x5310]  }
0x161: {  	v12 =	vld [tilespmem:s10+$0x5320]  }
0x162: {  	v11 =	vld [tilespmem:s10+$0x5330]  }
0x163: {  	v10 =	vld [tilespmem:s10+$0x5340]  }
0x164: {  	v9 =	vld [tilespmem:s10+$0x5350];
	v14 =	vadd.f32 v8, v14  }
0x165: {  	s11 =	simm.s32 $0x200;
	v13 =	vadd.f32 v13, v15;
	v8 =	vld [tilespmem:s10+$0x5360]  }
.LBB2_17:
0x166: {  	s12 =	sshra.s32 s11, $0x2;
	p0 =	sne.s32 s11, $0x3E00;
	v14 =	vmax.f32 v14, $0.0e+00;
	v7 =	vadd.f32 v7, v12;
	v12 =	vld [tilespmem:s10+$0x5370]  }
0x167: {  	v15 =	vld [tilespmem:s12+$0x8300];
	[tilespmem:s10+$0x5300] =	vst v14;
	v13 =	vmax.f32 v13, $0.0e+00;
	v6 =	vadd.f32 v6, v11  }
0x168: {  	v16 =	vld [tilespmem:s12+$0x8310];
	[tilespmem:s10+$0x5310] =	vst v13;
	v11 =	vmax.f32 v7, $0.0e+00;
	v5 =	vadd.f32 v5, v10  }
0x169: {  	v7 =	vld [tilespmem:s12+$0x8320];
	[tilespmem:s10+$0x5320] =	vst v11;
	v10 =	vmax.f32 v6, $0.0e+00;
	v4 =	vadd.f32 v4, v9  }
0x16a: {  	v6 =	vld [tilespmem:s12+$0x8330];
	[tilespmem:s10+$0x5330] =	vst v10;
	v9 =	vmax.f32 v5, $0.0e+00;
	v3 =	vadd.f32 v3, v8  }
0x16b: {  	v5 =	vld [tilespmem:s12+$0x8340];
	[tilespmem:s10+$0x5340] =	vst v9;
	v8 =	vmax.f32 v4, $0.0e+00;
	v2 =	vadd.f32 v2, v12  }
0x16c: {  	v4 =	vld [tilespmem:s12+$0x8350];
	[tilespmem:s10+$0x5350] =	vst v8;
	v8 =	vmax.f32 v3, $0.0e+00  }
0x16d: {  	v3 =	vld [tilespmem:s12+$0x8360];
	[tilespmem:s10+$0x5360] =	vst v8;
	v8 =	vmax.f32 v2, $0.0e+00  }
0x16e: {  	v2 =	vld [tilespmem:s12+$0x8370];
	[tilespmem:s10+$0x5370] =	vst v8;
	s10 =	smov.u32 s12  }
0x16f: {  	v8 =	vld [tilespmem:s10+$0x5300]  }
0x170: {  	v13 =	vld [tilespmem:s10+$0x5310]  }
.Ltmp7:
0x171: {  	v12 =	vld [tilespmem:s10+$0x5320];
	(pc) =	sbr.rel @p0 .LBB2_17-.Ltmp7, $4  }
0x172: {  	v11 =	vld [tilespmem:s10+$0x5330]  }
0x173: {  	v10 =	vld [tilespmem:s10+$0x5340]  }
0x174: {  	v14 =	vadd.f32 v15, v8;
	v9 =	vld [tilespmem:s10+$0x5350]  }
0x175: {  	s11 =	sadd.s32 $0x200, s11;
	v13 =	vadd.f32 v16, v13;
	v8 =	vld [tilespmem:s10+$0x5360]  }
0x176: {  	v14 =	vmax.f32 v14, $0.0e+00;
	v7 =	vadd.f32 v7, v12;
	v12 =	vld [tilespmem:s10+$0x5370]  }
0x177: {  	[tilespmem:s10+$0x5300] =	vst v14;
	v13 =	vmax.f32 v13, $0.0e+00;
	v6 =	vadd.f32 v6, v11  }
0x178: {  	[tilespmem:s10+$0x5310] =	vst v13;
	v7 =	vmax.f32 v7, $0.0e+00;
	v5 =	vadd.f32 v5, v10  }
0x179: {  	[tilespmem:s10+$0x5320] =	vst v7;
	v6 =	vmax.f32 v6, $0.0e+00;
	v4 =	vadd.f32 v4, v9  }
0x17a: {  	[tilespmem:s10+$0x5330] =	vst v6;
	v5 =	vmax.f32 v5, $0.0e+00;
	v3 =	vadd.f32 v3, v8  }
0x17b: {  	[tilespmem:s10+$0x5340] =	vst v5;
	v4 =	vmax.f32 v4, $0.0e+00;
	v2 =	vadd.f32 v2, v12  }
0x17c: {  	[tilespmem:s10+$0x5350] =	vst v4;
	v3 =	vmax.f32 v3, $0.0e+00  }
0x17d: {  	[tilespmem:s10+$0x5360] =	vst v3;
	v2 =	vmax.f32 v2, $0.0e+00  }
0x17e: {  	s23 =	sadd.s32 s9, s16;
	s11 =	simm.s32 $0x0;
	[tilespmem:s10+$0x5370] =	vst v2  }
0x17f: {  	[tilespmem:s31], [sflag:$0x4] =	stream.linear.gather [hbm4b:s23+s11], $0x1000, $0x38;
	[tilespmem:$0x1F680] =	vst v63  }
0x180: {  	_ =	swait.ge [sflag:s26], $0x1000  }
0x181: {  	[sflag:s26] =	ssyncset.done $0x0  }
0x182: {  	s10 =	simm.s32 $0x0;
	[sflag:s26] =	ssyncadd.s32 $0xFFFFF000  }
0x183: {  	v8 =	vld [tilespmem:s10+$0x8300]  }
0x184: {  	v13 =	vld [tilespmem:s10+$0x8310]  }
0x185: {  	v7 =	vld [tilespmem:s10+$0x8320]  }
0x186: {  	v6 =	vld [tilespmem:s10+$0x8330]  }
0x187: {  	v5 =	vld [tilespmem:s10+$0x8340]  }
0x188: {  	v4 =	vld [tilespmem:s10+$0x8350]  }
0x189: {  	v3 =	vld [tilespmem:s10+$0x8360]  }
0x18a: {  	v2 =	vld [tilespmem:s10+$0x8370]  }
0x18b: {  	v14 =	vld [tilespmem:s10+$0x6300]  }
0x18c: {  	v15 =	vld [tilespmem:s10+$0x6310]  }
0x18d: {  	v12 =	vld [tilespmem:s10+$0x6320]  }
0x18e: {  	v11 =	vld [tilespmem:s10+$0x6330]  }
0x18f: {  	v10 =	vld [tilespmem:s10+$0x6340]  }
0x190: {  	v9 =	vld [tilespmem:s10+$0x6350];
	v14 =	vadd.f32 v8, v14  }
0x191: {  	s11 =	simm.s32 $0x200;
	v13 =	vadd.f32 v13, v15;
	v8 =	vld [tilespmem:s10+$0x6360]  }
.LBB2_19:
0x192: {  	s12 =	sshra.s32 s11, $0x2;
	p0 =	sne.s32 s11, $0x3E00;
	v14 =	vmax.f32 v14, $0.0e+00;
	v7 =	vadd.f32 v7, v12;
	v12 =	vld [tilespmem:s10+$0x6370]  }
0x193: {  	v15 =	vld [tilespmem:s12+$0x8300];
	[tilespmem:s10+$0x6300] =	vst v14;
	v13 =	vmax.f32 v13, $0.0e+00;
	v6 =	vadd.f32 v6, v11  }
0x194: {  	v16 =	vld [tilespmem:s12+$0x8310];
	[tilespmem:s10+$0x6310] =	vst v13;
	v11 =	vmax.f32 v7, $0.0e+00;
	v5 =	vadd.f32 v5, v10  }
0x195: {  	v7 =	vld [tilespmem:s12+$0x8320];
	[tilespmem:s10+$0x6320] =	vst v11;
	v10 =	vmax.f32 v6, $0.0e+00;
	v4 =	vadd.f32 v4, v9  }
0x196: {  	v6 =	vld [tilespmem:s12+$0x8330];
	[tilespmem:s10+$0x6330] =	vst v10;
	v9 =	vmax.f32 v5, $0.0e+00;
	v3 =	vadd.f32 v3, v8  }
0x197: {  	v5 =	vld [tilespmem:s12+$0x8340];
	[tilespmem:s10+$0x6340] =	vst v9;
	v8 =	vmax.f32 v4, $0.0e+00;
	v2 =	vadd.f32 v2, v12  }
0x198: {  	v4 =	vld [tilespmem:s12+$0x8350];
	[tilespmem:s10+$0x6350] =	vst v8;
	v8 =	vmax.f32 v3, $0.0e+00  }
0x199: {  	v3 =	vld [tilespmem:s12+$0x8360];
	[tilespmem:s10+$0x6360] =	vst v8;
	v8 =	vmax.f32 v2, $0.0e+00  }
0x19a: {  	v2 =	vld [tilespmem:s12+$0x8370];
	[tilespmem:s10+$0x6370] =	vst v8;
	s10 =	smov.u32 s12  }
0x19b: {  	v8 =	vld [tilespmem:s10+$0x6300]  }
0x19c: {  	v13 =	vld [tilespmem:s10+$0x6310]  }
.Ltmp8:
0x19d: {  	v12 =	vld [tilespmem:s10+$0x6320];
	(pc) =	sbr.rel @p0 .LBB2_19-.Ltmp8, $4  }
0x19e: {  	v11 =	vld [tilespmem:s10+$0x6330]  }
0x19f: {  	v10 =	vld [tilespmem:s10+$0x6340]  }
0x1a0: {  	v14 =	vadd.f32 v15, v8;
	v9 =	vld [tilespmem:s10+$0x6350]  }
0x1a1: {  	s11 =	sadd.s32 $0x200, s11;
	v13 =	vadd.f32 v16, v13;
	v8 =	vld [tilespmem:s10+$0x6360]  }
0x1a2: {  	v14 =	vmax.f32 v14, $0.0e+00;
	v7 =	vadd.f32 v7, v12;
	v12 =	vld [tilespmem:s10+$0x6370]  }
0x1a3: {  	[tilespmem:s10+$0x6300] =	vst v14;
	v13 =	vmax.f32 v13, $0.0e+00;
	v6 =	vadd.f32 v6, v11  }
0x1a4: {  	[tilespmem:s10+$0x6310] =	vst v13;
	v7 =	vmax.f32 v7, $0.0e+00;
	v5 =	vadd.f32 v5, v10  }
0x1a5: {  	[tilespmem:s10+$0x6320] =	vst v7;
	v6 =	vmax.f32 v6, $0.0e+00;
	v4 =	vadd.f32 v4, v9  }
0x1a6: {  	[tilespmem:s10+$0x6330] =	vst v6;
	v5 =	vmax.f32 v5, $0.0e+00;
	v3 =	vadd.f32 v3, v8  }
0x1a7: {  	[tilespmem:s10+$0x6340] =	vst v5;
	v4 =	vmax.f32 v4, $0.0e+00;
	v2 =	vadd.f32 v2, v12  }
0x1a8: {  	[tilespmem:s10+$0x6350] =	vst v4;
	v3 =	vmax.f32 v3, $0.0e+00  }
0x1a9: {  	[tilespmem:s10+$0x6360] =	vst v3;
	v2 =	vmax.f32 v2, $0.0e+00  }
0x1aa: {  	s9 =	sadd.s32 s9, s18;
	s23 =	simm.s32 $0x0;
	[tilespmem:s10+$0x6370] =	vst v2  }
0x1ab: {  	[tilespmem:s31], [sflag:$0x4] =	stream.linear.gather [hbm4b:s9+s23], $0x1000, $0x38;
	[tilespmem:$0x1F680] =	vst v63  }
0x1ac: {  	_ =	swait.ge [sflag:s26], $0x1000  }
0x1ad: {  	[sflag:s26] =	ssyncset.done $0x0  }
0x1ae: {  	s9 =	simm.s32 $0x0;
	[sflag:s26] =	ssyncadd.s32 $0xFFFFF000  }
0x1af: {  	v8 =	vld [tilespmem:s9+$0x8300]  }
0x1b0: {  	v13 =	vld [tilespmem:s9+$0x8310]  }
0x1b1: {  	v7 =	vld [tilespmem:s9+$0x8320]  }
0x1b2: {  	v6 =	vld [tilespmem:s9+$0x8330]  }
0x1b3: {  	v5 =	vld [tilespmem:s9+$0x8340]  }
0x1b4: {  	v4 =	vld [tilespmem:s9+$0x8350]  }
0x1b5: {  	v3 =	vld [tilespmem:s9+$0x8360]  }
0x1b6: {  	v2 =	vld [tilespmem:s9+$0x8370]  }
0x1b7: {  	v14 =	vld [tilespmem:s9+$0x7300]  }
0x1b8: {  	v15 =	vld [tilespmem:s9+$0x7310]  }
0x1b9: {  	v12 =	vld [tilespmem:s9+$0x7320]  }
0x1ba: {  	v11 =	vld [tilespmem:s9+$0x7330]  }
0x1bb: {  	v10 =	vld [tilespmem:s9+$0x7340]  }
0x1bc: {  	v9 =	vld [tilespmem:s9+$0x7350];
	v14 =	vadd.f32 v8, v14  }
0x1bd: {  	s10 =	simm.s32 $0x200;
	v13 =	vadd.f32 v13, v15;
	v8 =	vld [tilespmem:s9+$0x7360]  }
.LBB2_21:
0x1be: {  	s11 =	sshra.s32 s10, $0x2;
	p0 =	sne.s32 s10, $0x3E00;
	v14 =	vmax.f32 v14, $0.0e+00;
	v7 =	vadd.f32 v7, v12;
	v12 =	vld [tilespmem:s9+$0x7370]  }
0x1bf: {  	v15 =	vld [tilespmem:s11+$0x8300];
	[tilespmem:s9+$0x7300] =	vst v14;
	v13 =	vmax.f32 v13, $0.0e+00;
	v6 =	vadd.f32 v6, v11  }
0x1c0: {  	v16 =	vld [tilespmem:s11+$0x8310];
	[tilespmem:s9+$0x7310] =	vst v13;
	v11 =	vmax.f32 v7, $0.0e+00;
	v5 =	vadd.f32 v5, v10  }
0x1c1: {  	v7 =	vld [tilespmem:s11+$0x8320];
	[tilespmem:s9+$0x7320] =	vst v11;
	v10 =	vmax.f32 v6, $0.0e+00;
	v4 =	vadd.f32 v4, v9  }
0x1c2: {  	v6 =	vld [tilespmem:s11+$0x8330];
	[tilespmem:s9+$0x7330] =	vst v10;
	v9 =	vmax.f32 v5, $0.0e+00;
	v3 =	vadd.f32 v3, v8  }
0x1c3: {  	v5 =	vld [tilespmem:s11+$0x8340];
	[tilespmem:s9+$0x7340] =	vst v9;
	v8 =	vmax.f32 v4, $0.0e+00;
	v2 =	vadd.f32 v2, v12  }
0x1c4: {  	v4 =	vld [tilespmem:s11+$0x8350];
	[tilespmem:s9+$0x7350] =	vst v8;
	v8 =	vmax.f32 v3, $0.0e+00  }
0x1c5: {  	v3 =	vld [tilespmem:s11+$0x8360];
	[tilespmem:s9+$0x7360] =	vst v8;
	v8 =	vmax.f32 v2, $0.0e+00  }
0x1c6: {  	v2 =	vld [tilespmem:s11+$0x8370];
	[tilespmem:s9+$0x7370] =	vst v8;
	s9 =	smov.u32 s11  }
0x1c7: {  	v8 =	vld [tilespmem:s9+$0x7300]  }
0x1c8: {  	v13 =	vld [tilespmem:s9+$0x7310]  }
.Ltmp9:
0x1c9: {  	v12 =	vld [tilespmem:s9+$0x7320];
	(pc) =	sbr.rel @p0 .LBB2_21-.Ltmp9, $4  }
0x1ca: {  	v11 =	vld [tilespmem:s9+$0x7330]  }
0x1cb: {  	v10 =	vld [tilespmem:s9+$0x7340]  }
0x1cc: {  	v14 =	vadd.f32 v15, v8;
	v9 =	vld [tilespmem:s9+$0x7350]  }
0x1cd: {  	s10 =	sadd.s32 $0x200, s10;
	v13 =	vadd.f32 v16, v13;
	v8 =	vld [tilespmem:s9+$0x7360]  }
0x1ce: {  	v14 =	vmax.f32 v14, $0.0e+00;
	v7 =	vadd.f32 v7, v12;
	v63 =	vld [tilespmem:s9+$0x7370]  }
0x1cf: {  	[tilespmem:s9+$0x7300] =	vst v14;
	v13 =	vmax.f32 v13, $0.0e+00;
	v6 =	vadd.f32 v6, v11  }
0x1d0: {  	[tilespmem:s9+$0x7310] =	vst v13;
	v7 =	vmax.f32 v7, $0.0e+00;
	v5 =	vadd.f32 v5, v10  }
0x1d1: {  	[tilespmem:s9+$0x7320] =	vst v7;
	v6 =	vmax.f32 v6, $0.0e+00;
	v4 =	vadd.f32 v4, v9  }
0x1d2: {  	[tilespmem:s9+$0x7330] =	vst v6;
	v5 =	vmax.f32 v5, $0.0e+00;
	v3 =	vadd.f32 v3, v8  }
0x1d3: {  	[tilespmem:s9+$0x7340] =	vst v5;
	v4 =	vmax.f32 v4, $0.0e+00;
	v2 =	vadd.f32 v2, v63  }
0x1d4: {  	[tilespmem:s9+$0x7350] =	vst v4;
	v3 =	vmax.f32 v3, $0.0e+00  }
0x1d5: {  	[tilespmem:s9+$0x7360] =	vst v3;
	v2 =	vmax.f32 v2, $0.0e+00  }
0x1d6: {  	[tilespmem:s9+$0x7370] =	vst v2  }
0x1d7: {  	[spmem:s1] =	stream.indirect.scatter.add.f32 [tilespmem:s21], [sflag:$0x3], $0x80, s19, s30, $0xb8;
	[tilespmem:$0x1F680] =	vst v63  }
0x1d8: {  	v2 =	vld [tilespmem:$0x180];
	_ =	sdelay $0x7  }
0x1d9: {  	[tilespmem:v2+s3+$0x0] =	vst.idx.add.f32.msk $0xffff, v1  }
0x1da: {  	v2 =	vld [tilespmem:$0x190];
	_ =	sdelay $0x7  }
0x1db: {  	[tilespmem:v2+s3+$0x0] =	vst.idx.add.f32.msk $0xffff, v1  }
0x1dc: {  	v2 =	vld [tilespmem:$0x1A0];
	_ =	sdelay $0x7  }
0x1dd: {  	[tilespmem:v2+s3+$0x0] =	vst.idx.add.f32.msk $0xffff, v1  }
0x1de: {  	v2 =	vld [tilespmem:$0x1B0];
	_ =	sdelay $0x7  }
0x1df: {  	[tilespmem:v2+s3+$0x0] =	vst.idx.add.f32.msk $0xffff, v1  }
0x1e0: {  	v2 =	vld [tilespmem:$0x1C0];
	_ =	sdelay $0x7  }
0x1e1: {  	[tilespmem:v2+s3+$0x0] =	vst.idx.add.f32.msk $0xffff, v1  }
0x1e2: {  	v2 =	vld [tilespmem:$0x1D0];
	_ =	sdelay $0x7  }
0x1e3: {  	[tilespmem:v2+s3+$0x0] =	vst.idx.add.f32.msk $0xffff, v1  }
0x1e4: {  	v2 =	vld [tilespmem:$0x1E0];
	_ =	sdelay $0x7  }
0x1e5: {  	[tilespmem:v2+s3+$0x0] =	vst.idx.add.f32.msk $0xffff, v1  }
0x1e6: {  	v2 =	vld [tilespmem:$0x1F0];
	_ =	sdelay $0x1  }
0x1e7: {  	s22 =	sadd.s32 $0x1, s22  }
0x1e8: {  	p0 =	sne.s32 s22, $0x4F  }
.Ltmp10:
0x1e9: {  	_ = 	snop;
	(pc) =	sbr.rel @p0 .LBB2_6-.Ltmp10, $2  }
0x1ea: {  	_ =	sdelay $0x2  }
0x1eb: {  	[tilespmem:v2+s3+$0x0] =	vst.idx.add.f32.msk $0xffff, v1  }
0x1ec: {  	s9 =	simm.s32 $0x2  }
0x1ed: {  	_ =	swait.ge [sflag:s9], $0x4000  }
0x1ee: {  	[sflag:s9] =	ssyncset.done $0x0  }
0x1ef: {  	s11 =	simm.s32 $0x3;
	[sflag:s9] =	ssyncadd.s32 $0xFFFFC000  }
0x1f0: {  	_ =	swait.ge [sflag:s11], $0x4000  }
0x1f1: {  	[sflag:s11] =	ssyncset.done $0x0  }
0x1f2: {  	[sflag:s11] =	ssyncadd.s32 $0xFFFFC000  }
0x1f3: {  	[bflag:$0x0] =	sbarrier.arrive $0xFFFF  }
0x1f4: {  	[tilespmem:s25], [sflag:$0x4] =	stream.linear.gather [spmem:s7], $0x4000, $0x38;
	[tilespmem:$0x1F680] =	vst v63  }
0x1f5: {  	_ =	swait.ge [sflag:s26], $0x4000  }
0x1f6: {  	[sflag:s26] =	ssyncset.done $0x0  }
0x1f7: {  	s12 =	rddreg [dreg:$0x9];
	[sflag:s26] =	ssyncadd.s32 $0xFFFFC000  }
0x1f8: {  	[hbm4b:s12+s2] =	stream.linear.scatter [tilespmem:s25], [sflag:$0x4], $0x4000, $0x38;
	[tilespmem:$0x1F680] =	vst v63  }
0x1f9: {  	_ =	swait.ge [sflag:s26], $0x4000  }
0x1fa: {  	[sflag:s26] =	ssyncset.done $0x0  }
0x1fb: {  	s12 =	rddreg [dreg:$0x5];
	[sflag:s26] =	ssyncadd.s32 $0xFFFFC000  }
0x1fc: {  	[tilespmem:s25], [sflag:$0x4] =	stream.linear.gather [spmem:s12], $0x4000, $0x38;
	[tilespmem:$0x1F680] =	vst v63  }
0x1fd: {  	_ =	swait.ge [sflag:s26], $0x4000  }
0x1fe: {  	[sflag:s26] =	ssyncset.done $0x0  }
0x1ff: {  	s23 =	rddreg [dreg:$0xa];
	[sflag:s26] =	ssyncadd.s32 $0xFFFFC000  }
0x200: {  	[hbm4b:s23+s2] =	stream.linear.scatter [tilespmem:s25], [sflag:$0x4], $0x4000, $0x38;
	[tilespmem:$0x1F680] =	vst v63  }
0x201: {  	_ =	swait.ge [sflag:s26], $0x4000  }
0x202: {  	[sflag:s26] =	ssyncset.done $0x0  }
0x203: {  	s9 =	rddreg [dreg:$0x6];
	[sflag:s26] =	ssyncadd.s32 $0xFFFFC000  }
0x204: {  	[tilespmem:s25], [sflag:$0x4] =	stream.linear.gather [spmem:s9], $0x4000, $0x38;
	[tilespmem:$0x1F680] =	vst v63  }
0x205: {  	_ =	swait.ge [sflag:s26], $0x4000  }
0x206: {  	[sflag:s26] =	ssyncset.done $0x0  }
0x207: {  	s10 =	rddreg [dreg:$0xb];
	[sflag:s26] =	ssyncadd.s32 $0xFFFFC000  }
0x208: {  	[hbm4b:s10+s2] =	stream.linear.scatter [tilespmem:s25], [sflag:$0x4], $0x4000, $0x38;
	[tilespmem:$0x1F680] =	vst v63  }
0x209: {  	_ =	swait.ge [sflag:s26], $0x4000  }
0x20a: {  	[sflag:s26] =	ssyncset.done $0x0  }
0x20b: {  	s11 =	rddreg [dreg:$0x7];
	[sflag:s26] =	ssyncadd.s32 $0xFFFFC000  }
0x20c: {  	[tilespmem:s25], [sflag:$0x4] =	stream.linear.gather [spmem:s11], $0x4000, $0x38;
	[tilespmem:$0x1F680] =	vst v63  }
0x20d: {  	_ =	swait.ge [sflag:s26], $0x4000  }
0x20e: {  	[sflag:s26] =	ssyncset.done $0x0  }
0x20f: {  	s23 =	rddreg [dreg:$0xc];
	[sflag:s26] =	ssyncadd.s32 $0xFFFFC000  }
0x210: {  	[hbm4b:s23+s2] =	stream.linear.scatter [tilespmem:s25], [sflag:$0x4], $0x4000, $0x38;
	[tilespmem:$0x1F680] =	vst v63  }
0x211: {  	_ =	swait.ge [sflag:s26], $0x4000  }
0x212: {  	[sflag:s26] =	ssyncset.done $0x0  }
0x213: {  	s9 =	rddreg [dreg:$0x8];
	[sflag:s26] =	ssyncadd.s32 $0xFFFFC000  }
0x214: {  	[tilespmem:s25], [sflag:$0x4] =	stream.linear.gather [spmem:s9], $0x3C00, $0x38;
	[tilespmem:$0x1F680] =	vst v63  }
0x215: {  	_ =	swait.ge [sflag:s26], $0x3C00  }
0x216: {  	[sflag:s26] =	ssyncset.done $0x0  }
0x217: {  	s10 =	rddreg [dreg:$0xd];
	[sflag:s26] =	ssyncadd.s32 $0xFFFFC400  }
0x218: {  	[hbm4b:s10+s2] =	stream.linear.scatter [tilespmem:s25], [sflag:$0x4], $0x3C00, $0x38;
	[tilespmem:$0x1F680] =	vst v63  }
0x219: {  	_ =	swait.ge [sflag:s26], $0x3C00  }
0x21a: {  	[sflag:s26] =	ssyncset.done $0x0  }
0x21b: {  	s11 =	rddreg [dreg:$0xe];
	[sflag:s26] =	ssyncadd.s32 $0xFFFFC400  }
0x21c: {  	[hbm4b:s11+s2] =	stream.linear.scatter [tilespmem:s3], [sflag:$0x4], $0x2780, $0x38;
	[tilespmem:$0x1F680] =	vst v63  }
0x21d: {  	_ =	swait.ge [sflag:s26], $0x2780  }
0x21e: {  	s24 =	sadd.s32 $0x1, s24;
	s23 =	rddreg [dreg:$0xf]  }
0x21f: {  	p0 =	sne.s32 s24, s23  }
.Ltmp11:
0x220: {  	_ = 	snop;
	(pc) =	sbr.rel @p0 .LBB2_1-.Ltmp11, $3  }
0x221: {  	_ =	sdelay $0x1  }
0x222: {  	[sflag:s26] =	ssyncset.done $0x0  }
0x223: {  	s22 =	smov.u32 s7;
	[sflag:s26] =	ssyncadd.s32 $0xFFFFD880  }
0x224: {  	_ =	sfence.sel $0x180000  }
0x225: {  	[bflag:$0x0] =	sbarrier.arrive $0xFFFF  }
0x226: {  	_ =	strace $0x90000047  }
0x227: {  	s0 =	stileid.u32;
	[bflag:$0x2] =	sbarrier.arrive $0xFFFF  }
0x228: {  	p0 =	sne.s32 s0, $0x0;
	s0 =	rddreg [dreg:$0x4]  }
0x229: {  	s0 =	sadd.s32 @!p0 $0x100000, s0  }
0x22a: {  	[sflag:s0] =	ssyncadd.tile.s32 @!p0 $0x1;
	_ =	shalt  }
.Lfunc_end2:
_tile_overlayer_lowered:
.L_overlay_start_2:
0x22b: {  	(tag) =	ssettag $0x2  }
0x22c: {  	s0 =	rddreg [dreg:$0x0];
	s2 =	stileid.u32  }
0x22d: {  	s1 =	rddreg [dreg:$0x1];
	p0 =	sne.s32 s2, $0x0  }
0x22e: {  	s3 =	rddreg [dreg:$0x2];
	[bflag:$0x3] =	sbarrier.arrive $0xFFFF;
	s2 =	simm.s32 @!p0 $0x1C04  }
0x22f: {  	[timem:s3], [sflag:s2] =	dma.local @!p0 [hbm:s0], s1  }
0x230: {  	s0 =	simm.s32 @!p0 $0x4  }
0x231: {  	_ =	swait.ge @!p0 [sflag:s0], s1  }
0x232: {  	s1 =	ssub.s32 @!p0 $0x0, s1;
	[sflag:s0] =	ssyncset.done @!p0 $0x0  }
0x233: {  	[sflag:s0] =	ssyncadd.s32 @!p0 s1  }
0x234: {  	[bflag:$0x3] =	sbarrier.arrive $0xFFFF  }
0x235: {  	_ =	shalt  }

</sc_bundles>
